<compile_context>
chip_gen: v7x
topology: tpu7x:2x2x1
jax: 0.10.2.dev20260603
libtpu: 0.0.44.dev20260713+nightly
codegen_flags: <defaults>
</compile_context>

<pallas_src>
import functools

import jax
import jax.numpy as jnp
from jax import lax
from jax.experimental import pallas as pl
from jax.experimental.pallas import tpu as pltpu
from jax.experimental.pallas import tpu_sc as plsc

VOCAB = 100000
D = 128
NQ = 64
ROW_BLK = 2000
OUT_BLK = 4096

NW = 32
CHUNK = 128
FIRE = 2


def _tanh_layer_kernel(emb_ref, w1_ref, b1_ref, h_ref):
    h_ref[...] = jnp.tanh(
        jnp.dot(emb_ref[...], w1_ref[...], preferred_element_type=jnp.float32,
                precision=lax.Precision.DEFAULT)
        + b1_ref[...]
    )


def _tanh_layer(emb, W1, b1):
    grid = VOCAB // ROW_BLK
    return pl.pallas_call(
        _tanh_layer_kernel,
        grid=(grid,),
        in_specs=[
            pl.BlockSpec((ROW_BLK, D), lambda i: (i, 0)),
            pl.BlockSpec((D, D), lambda i: (0, 0)),
            pl.BlockSpec((1, D), lambda i: (0, 0)),
        ],
        out_specs=pl.BlockSpec((ROW_BLK, D), lambda i: (i, 0)),
        out_shape=jax.ShapeDtypeStruct((VOCAB, D), jnp.float32),
    )(emb, W1, b1.reshape(1, D))


def _head_kernel(g_ref, w2_ref, b2_ref, o_ref):
    l_blk = o_ref.shape[0]
    for l in range(l_blk):
        acc = lax.dot_general(
            w2_ref[...], g_ref[:, l, :],
            (((0,), (1,)), ((), ())),
            preferred_element_type=jnp.float32,
            precision=lax.Precision.DEFAULT,
        )
        o_ref[l] = acc + b2_ref[...]


def _head(g, W2, b2, B, L):
    L_BLK = 8
    B_BLK = 1024
    g3 = g.reshape(B, L, D)
    return pl.pallas_call(
        _head_kernel,
        grid=(L // L_BLK, B // B_BLK),
        in_specs=[
            pl.BlockSpec((B_BLK, L_BLK, D), lambda i, j: (j, i, 0)),
            pl.BlockSpec((D, NQ), lambda i, j: (0, 0)),
            pl.BlockSpec((NQ, 1), lambda i, j: (0, 0)),
        ],
        out_specs=pl.BlockSpec((L_BLK, NQ, B_BLK), lambda i, j: (i, 0, j)),
        out_shape=jax.ShapeDtypeStruct((L, NQ, B), jnp.float32),
    )(g3, W2, b2.reshape(NQ, 1))


def _head_lmajor_kernel(g_ref, w2_ref, b2_ref, o_ref):
    l_blk = o_ref.shape[0]
    for l in range(l_blk):
        acc = lax.dot_general(
            w2_ref[...], g_ref[l],
            (((0,), (1,)), ((), ())),
            preferred_element_type=jnp.float32,
            precision=lax.Precision.DEFAULT,
        )
        o_ref[l] = acc + b2_ref[...]


def _head_chunk_kernel(t_ref, g_ref, w2_ref, b2_ref, o_ref):
    del t_ref
    _head_lmajor_kernel(g_ref, w2_ref, b2_ref, o_ref)


def _head_chunk(t_in, g, W2, b2, B, L, l0, lc):
    L_BLK = 8
    B_BLK = 1024
    g3 = g.reshape(lc, B, D)
    grid = (lc // L_BLK, B // B_BLK)
    out_spec = pl.BlockSpec(
        (L_BLK, NQ, B_BLK), lambda i, j: (l0 // L_BLK + i, 0, j))
    out_shape = jax.ShapeDtypeStruct((L, NQ, B), jnp.float32)
    g_spec = pl.BlockSpec((L_BLK, B_BLK, D), lambda i, j: (i, j, 0))
    w_spec = pl.BlockSpec((D, NQ), lambda i, j: (0, 0))
    b_spec = pl.BlockSpec((NQ, 1), lambda i, j: (0, 0))
    if t_in is None:
        return pl.pallas_call(
            _head_lmajor_kernel,
            grid=grid,
            in_specs=[g_spec, w_spec, b_spec],
            out_specs=out_spec,
            out_shape=out_shape,
        )(g3, W2, b2.reshape(NQ, 1))
    return pl.pallas_call(
        _head_chunk_kernel,
        grid=grid,
        in_specs=[
            pl.BlockSpec(memory_space=pl.ANY),
            g_spec, w_spec, b_spec,
        ],
        out_specs=out_spec,
        out_shape=out_shape,
        input_output_aliases={0: 0},
    )(t_in, g3, W2, b2.reshape(NQ, 1))


def _make_sc_gather(n_tokens):
    per_w = n_tokens // NW
    n_steps = per_w // (FIRE * CHUNK)
    idx_rows = per_w // CHUNK

    mesh = plsc.VectorSubcoreMesh(core_axis_name="c", subcore_axis_name="s")
    info = plsc.get_sparse_core_info()
    nc = info.num_cores

    step_rows = FIRE * CHUNK
    assert n_steps % 2 == 0 and n_steps >= 4

    @functools.partial(
        pl.kernel,
        out_type=jax.ShapeDtypeStruct((n_tokens, D), jnp.float32),
        mesh=mesh,
        scratch_types=[
            pltpu.VMEM((idx_rows, CHUNK), jnp.int32),
            pltpu.VMEM((2, step_rows, D), jnp.float32),
            pltpu.SemaphoreType.DMA,
            pltpu.SemaphoreType.DMA,
            pltpu.SemaphoreType.DMA,
        ],
    )
    def gather_kernel(table_hbm, idx_hbm, out_hbm, idx_v, rows_v, sem_g,
                      sem_w0, sem_w1):
        wid = lax.axis_index("s") * nc + lax.axis_index("c")
        base = wid * per_w
        sem_w = (sem_w0, sem_w1)
        pltpu.sync_copy(idx_hbm.at[pl.ds(wid * idx_rows, idx_rows)], idx_v)

        def fire_and_wait(step, b):
            copies = []
            for f in range(FIRE):
                copies.append(
                    pltpu.async_copy(
                        table_hbm.at[idx_v.at[step * FIRE + f]],
                        rows_v.at[b].at[pl.ds(f * CHUNK, CHUNK)],
                        sem_g,
                    )
                )
            for c in copies:
                c.wait()

        def writeback(step, b):
            pltpu.async_copy(
                rows_v.at[b],
                out_hbm.at[pl.ds(base + step * step_rows, step_rows)],
                sem_w[b],
            )

        def drain(b):
            pltpu.make_async_copy(
                rows_v.at[b],
                out_hbm.at[pl.ds(base, step_rows)],
                sem_w[b],
            ).wait()

        for b in (0, 1):
            fire_and_wait(b, b)
            writeback(b, b)

        def step2(g2, carry):
            for b in (0, 1):
                step = g2 * 2 + b
                drain(b)
                fire_and_wait(step, b)
                writeback(step, b)
            return carry

        lax.fori_loop(1, n_steps // 2, step2, 0)
        drain(0)
        drain(1)

    return gather_kernel


N_CHUNKS = 5


def kernel(tok, emb, W1, b1, W2, b2):
    B, L = tok.shape
    table = _tanh_layer(emb, W1, b1)
    lc = L // N_CHUNKS
    if L % N_CHUNKS == 0 and lc % 8 == 0 and (B * lc) % (NW * FIRE * CHUNK) == 0:
        sc_gather = _make_sc_gather(B * lc)
        t = None
        for i in range(N_CHUNKS):
            idx = tok[:, i * lc:(i + 1) * lc].T.reshape(-1, CHUNK)
            idx = idx.astype(jnp.int32)
            g = sc_gather(table, idx)
            t = _head_chunk(t, g, W2, b2, B, L, i * lc, lc)
    else:
        n_tokens = B * L
        idx2d = tok.reshape(n_tokens // CHUNK, CHUNK).astype(jnp.int32)
        g = _make_sc_gather(n_tokens)(table, idx2d)
        t = _head(g, W2, b2, B, L)
    return jnp.transpose(t, (2, 0, 1))

# --- scband reference (transcript-rebuilt; emitter-appended) ---
"""Pipeline reference for scband-law-v3-visible-only-policy-v1-70007966925193 (READ-ONLY COPY).

The authoritative reference and input builder live on the scoring server;
editing this copy changes nothing except your own understanding.
"""

import jax, jax.numpy as jnp
import numpy as np

VOCAB = 100000
D = 128
NQ = 64

def setup_inputs(seed: int = 0) -> dict:
    key = jax.random.key(seed)
    ks = jax.random.split(key, 6)
    tok = jax.random.randint(ks[0], (4096, 200), 0, VOCAB)
    emb = jax.random.normal(ks[1], (VOCAB, D), dtype=jnp.float32) * 0.02
    W1 = jax.random.normal(ks[2], (D, D), dtype=jnp.float32) * (1.0 / np.sqrt(D))
    b1 = jnp.zeros((D,), dtype=jnp.float32)
    W2 = jax.random.normal(ks[3], (D, NQ), dtype=jnp.float32) * (1.0 / np.sqrt(D))
    b2 = jnp.zeros((NQ,), dtype=jnp.float32)
    return {"tok": tok, "emb": emb, "W1": W1, "b1": b1, "W2": W2, "b2": b2}

def reference(tok, emb, W1, b1, W2, b2):
    # logits_query: x = Embedding(tok); query_head = Linear -> Tanh -> Linear
    x = jnp.take(emb, tok, axis=0)            # [B, L, D] embedding gather
    h = jnp.tanh(x @ W1 + b1)                 # Linear(d_embed, d_embed) + Tanh
    logits = h @ W2 + b2                      # Linear(d_embed, n_queries)
    return logits

if __name__ == "__main__":
    import jax
    _d = setup_inputs()
    print(jax.jit(kernel)(*tuple(_d.values())))

</pallas_src>

<mosaic_0001>
#map = affine_map<(d0, d1) -> (0, 0)>
module attributes {stable_mosaic.version = 14 : i64} {
  func.func @gather_kernel(%arg0: i32, %arg1: i32, %arg2: memref<100000x128xf32, #tpu.memory_space<hbm>>, %arg3: memref<1280x128xi32, #tpu.memory_space<hbm>>, %arg4: memref<163840x128xf32, #tpu.memory_space<hbm>>, %arg5: memref<40x128xi32, #tpu.memory_space<vmem>>, %arg6: memref<2x256x128xf32, #tpu.memory_space<vmem>>, %arg7: memref<!tpu.dma_semaphore, #tpu.memory_space<semaphore_mem>>, %arg8: memref<!tpu.dma_semaphore, #tpu.memory_space<semaphore_mem>>, %arg9: memref<!tpu.dma_semaphore, #tpu.memory_space<semaphore_mem>>) attributes {dimension_semantics = [#tpu.dimension_semantics<core_parallel>, #tpu.dimension_semantics<subcore_parallel>], iteration_bounds = array<i64: 2, 16>, scalar_prefetch = 0 : i64, scratch_operands = 5 : i64, tpu.core_type = #tpu.core_type<sc_vector_subcore>, window_params = [{transform_indices = #map}, {transform_indices = #map}, {transform_indices = #map}]} {
    %mul3A = arith.constant 2 : i32
    %mul3A_0 = arith.muli %arg1, %mul3A : i32
    %add3A = arith.addi %mul3A_0, %arg0 : i32
    %mul3A_1 = arith.constant 5120 : i32
    %mul3A_2 = arith.muli %add3A, %mul3A_1 : i32
    %mul3A_3 = arith.constant 40 : i32
    %mul3A_4 = arith.muli %add3A, %mul3A_3 : i32
    "tpu.region"() ({
      %run_scoped3A = tpu.sem_alloc : memref<!tpu.dma_semaphore, #tpu.memory_space<semaphore_mem>>
      %dma_start3A_184 = arith.constant 0 : i32
      %dma_start3A_185 = tpu.memref_slice %arg3[%mul3A_4, %dma_start3A_184] : memref<1280x128xi32, #tpu.memory_space<hbm>> -> memref<40x128xi32, #tpu.memory_space<hbm>>
      %dma_start3A_186 = arith.constant 0 : i32
      %dma_start3A_187 = tpu.memref_slice %arg3[%mul3A_4, %dma_start3A_186] : memref<1280x128xi32, #tpu.memory_space<hbm>> -> memref<40x128xi32, #tpu.memory_space<hbm>>
      tpu.enqueue_dma source(%dma_start3A_187 : memref<40x128xi32, #tpu.memory_space<hbm>>) target(%arg5 : memref<40x128xi32, #tpu.memory_space<vmem>>) target_semaphore(%run_scoped3A : memref<!tpu.dma_semaphore, #tpu.memory_space<semaphore_mem>>)
      %dma_wait3A_188 = arith.constant 0 : i32
      %dma_wait3A_189 = tpu.memref_slice %arg3[%mul3A_4, %dma_wait3A_188] : memref<1280x128xi32, #tpu.memory_space<hbm>> -> memref<40x128xi32, #tpu.memory_space<hbm>>
      %dma_wait3A_190 = arith.constant 0 : i32
      %dma_wait3A_191 = tpu.memref_slice %arg3[%mul3A_4, %dma_wait3A_190] : memref<1280x128xi32, #tpu.memory_space<hbm>> -> memref<40x128xi32, #tpu.memory_space<hbm>>
      tpu.wait_dma2 semaphore(%run_scoped3A : memref<!tpu.dma_semaphore, #tpu.memory_space<semaphore_mem>>) src(%dma_wait3A_191 : memref<40x128xi32, #tpu.memory_space<hbm>>) dst(%arg5 : memref<40x128xi32, #tpu.memory_space<vmem>>)
      tpu.yield
    }) : () -> ()
    %dma_start3A = arith.constant 0 : i32
    %dma_start3A_5 = arith.constant 0 : i32
    %dma_start3A_6 = arith.constant 0 : i32
    %dma_start3A_7 = arith.constant 0 : i32
    %dma_start3A_8 = tpu.memref_slice %arg6[%dma_start3A_5, %dma_start3A_6, %dma_start3A_7] : memref<2x256x128xf32, #tpu.memory_space<vmem>> -> memref<1x256x128xf32, #tpu.memory_space<vmem>>
    %dma_start3A_9 = tpu.memref_squeeze %dma_start3A_8 : memref<1x256x128xf32, #tpu.memory_space<vmem>> -> memref<256x128xf32, #tpu.memory_space<vmem>>
    %dma_start3A_10 = arith.constant 0 : i32
    %dma_start3A_11 = arith.constant 0 : i32
    %dma_start3A_12 = tpu.memref_slice %dma_start3A_9[%dma_start3A_10, %dma_start3A_11] : memref<256x128xf32, #tpu.memory_space<vmem>> -> memref<128x128xf32, #tpu.memory_space<vmem>>
    %dma_start3A_13 = arith.constant 0 : i32
    %dma_start3A_14 = tpu.memref_slice %arg5[%dma_start3A, %dma_start3A_13] : memref<40x128xi32, #tpu.memory_space<vmem>> -> memref<1x128xi32, #tpu.memory_space<vmem>>
    %dma_start3A_15 = tpu.memref_squeeze %dma_start3A_14 : memref<1x128xi32, #tpu.memory_space<vmem>> -> memref<128xi32, #tpu.memory_space<vmem>>
    %dma_start3A_16 = arith.constant 0 : i32
    %dma_start3A_17 = arith.constant 0 : i32
    %dma_start3A_18 = tpu.memref_slice %arg2[%dma_start3A_16, %dma_start3A_17] : memref<100000x128xf32, #tpu.memory_space<hbm>> -> memref<100000x128xf32, #tpu.memory_space<hbm>>
    tpu.enqueue_indirect_dma source(%dma_start3A_18 : memref<100000x128xf32, #tpu.memory_space<hbm>>) target(%dma_start3A_12 : memref<128x128xf32, #tpu.memory_space<vmem>>) offsets(%dma_start3A_15 : memref<128xi32, #tpu.memory_space<vmem>>) semaphore(%arg7 : memref<!tpu.dma_semaphore, #tpu.memory_space<semaphore_mem>>)
    %dma_start3A_19 = arith.constant 1 : i32
    %dma_start3A_20 = arith.constant 0 : i32
    %dma_start3A_21 = arith.constant 0 : i32
    %dma_start3A_22 = arith.constant 0 : i32
    %dma_start3A_23 = tpu.memref_slice %arg6[%dma_start3A_20, %dma_start3A_21, %dma_start3A_22] : memref<2x256x128xf32, #tpu.memory_space<vmem>> -> memref<1x256x128xf32, #tpu.memory_space<vmem>>
    %dma_start3A_24 = tpu.memref_squeeze %dma_start3A_23 : memref<1x256x128xf32, #tpu.memory_space<vmem>> -> memref<256x128xf32, #tpu.memory_space<vmem>>
    %dma_start3A_25 = arith.constant 128 : i32
    %dma_start3A_26 = arith.constant 0 : i32
    %dma_start3A_27 = tpu.memref_slice %dma_start3A_24[%dma_start3A_25, %dma_start3A_26] : memref<256x128xf32, #tpu.memory_space<vmem>> -> memref<128x128xf32, #tpu.memory_space<vmem>>
    %dma_start3A_28 = arith.constant 0 : i32
    %dma_start3A_29 = tpu.memref_slice %arg5[%dma_start3A_19, %dma_start3A_28] : memref<40x128xi32, #tpu.memory_space<vmem>> -> memref<1x128xi32, #tpu.memory_space<vmem>>
    %dma_start3A_30 = tpu.memref_squeeze %dma_start3A_29 : memref<1x128xi32, #tpu.memory_space<vmem>> -> memref<128xi32, #tpu.memory_space<vmem>>
    %dma_start3A_31 = arith.constant 0 : i32
    %dma_start3A_32 = arith.constant 0 : i32
    %dma_start3A_33 = tpu.memref_slice %arg2[%dma_start3A_31, %dma_start3A_32] : memref<100000x128xf32, #tpu.memory_space<hbm>> -> memref<100000x128xf32, #tpu.memory_space<hbm>>
    tpu.enqueue_indirect_dma source(%dma_start3A_33 : memref<100000x128xf32, #tpu.memory_space<hbm>>) target(%dma_start3A_27 : memref<128x128xf32, #tpu.memory_space<vmem>>) offsets(%dma_start3A_30 : memref<128xi32, #tpu.memory_space<vmem>>) semaphore(%arg7 : memref<!tpu.dma_semaphore, #tpu.memory_space<semaphore_mem>>)
    %dma_wait3A = arith.constant 0 : i32
    %dma_wait3A_34 = arith.constant 0 : i32
    %dma_wait3A_35 = arith.constant 0 : i32
    %dma_wait3A_36 = arith.constant 0 : i32
    %dma_wait3A_37 = tpu.memref_slice %arg6[%dma_wait3A_34, %dma_wait3A_35, %dma_wait3A_36] : memref<2x256x128xf32, #tpu.memory_space<vmem>> -> memref<1x256x128xf32, #tpu.memory_space<vmem>>
    %dma_wait3A_38 = tpu.memref_squeeze %dma_wait3A_37 : memref<1x256x128xf32, #tpu.memory_space<vmem>> -> memref<256x128xf32, #tpu.memory_space<vmem>>
    %dma_wait3A_39 = arith.constant 0 : i32
    %dma_wait3A_40 = arith.constant 0 : i32
    %dma_wait3A_41 = tpu.memref_slice %dma_wait3A_38[%dma_wait3A_39, %dma_wait3A_40] : memref<256x128xf32, #tpu.memory_space<vmem>> -> memref<128x128xf32, #tpu.memory_space<vmem>>
    %dma_wait3A_42 = arith.constant 0 : i32
    %dma_wait3A_43 = tpu.memref_slice %arg5[%dma_wait3A, %dma_wait3A_42] : memref<40x128xi32, #tpu.memory_space<vmem>> -> memref<1x128xi32, #tpu.memory_space<vmem>>
    %dma_wait3A_44 = tpu.memref_squeeze %dma_wait3A_43 : memref<1x128xi32, #tpu.memory_space<vmem>> -> memref<128xi32, #tpu.memory_space<vmem>>
    %dma_wait3A_45 = arith.constant 0 : i32
    %dma_wait3A_46 = arith.constant 0 : i32
    %dma_wait3A_47 = tpu.memref_slice %arg2[%dma_wait3A_45, %dma_wait3A_46] : memref<100000x128xf32, #tpu.memory_space<hbm>> -> memref<100000x128xf32, #tpu.memory_space<hbm>>
    tpu.wait_indirect_dma semaphore(%arg7 : memref<!tpu.dma_semaphore, #tpu.memory_space<semaphore_mem>>) src(%dma_wait3A_47 : memref<100000x128xf32, #tpu.memory_space<hbm>>) dst(%dma_wait3A_41 : memref<128x128xf32, #tpu.memory_space<vmem>>)
    %dma_wait3A_48 = arith.constant 1 : i32
    %dma_wait3A_49 = arith.constant 0 : i32
    %dma_wait3A_50 = arith.constant 0 : i32
    %dma_wait3A_51 = arith.constant 0 : i32
    %dma_wait3A_52 = tpu.memref_slice %arg6[%dma_wait3A_49, %dma_wait3A_50, %dma_wait3A_51] : memref<2x256x128xf32, #tpu.memory_space<vmem>> -> memref<1x256x128xf32, #tpu.memory_space<vmem>>
    %dma_wait3A_53 = tpu.memref_squeeze %dma_wait3A_52 : memref<1x256x128xf32, #tpu.memory_space<vmem>> -> memref<256x128xf32, #tpu.memory_space<vmem>>
    %dma_wait3A_54 = arith.constant 128 : i32
    %dma_wait3A_55 = arith.constant 0 : i32
    %dma_wait3A_56 = tpu.memref_slice %dma_wait3A_53[%dma_wait3A_54, %dma_wait3A_55] : memref<256x128xf32, #tpu.memory_space<vmem>> -> memref<128x128xf32, #tpu.memory_space<vmem>>
    %dma_wait3A_57 = arith.constant 0 : i32
    %dma_wait3A_58 = tpu.memref_slice %arg5[%dma_wait3A_48, %dma_wait3A_57] : memref<40x128xi32, #tpu.memory_space<vmem>> -> memref<1x128xi32, #tpu.memory_space<vmem>>
    %dma_wait3A_59 = tpu.memref_squeeze %dma_wait3A_58 : memref<1x128xi32, #tpu.memory_space<vmem>> -> memref<128xi32, #tpu.memory_space<vmem>>
    %dma_wait3A_60 = arith.constant 0 : i32
    %dma_wait3A_61 = arith.constant 0 : i32
    %dma_wait3A_62 = tpu.memref_slice %arg2[%dma_wait3A_60, %dma_wait3A_61] : memref<100000x128xf32, #tpu.memory_space<hbm>> -> memref<100000x128xf32, #tpu.memory_space<hbm>>
    tpu.wait_indirect_dma semaphore(%arg7 : memref<!tpu.dma_semaphore, #tpu.memory_space<semaphore_mem>>) src(%dma_wait3A_62 : memref<100000x128xf32, #tpu.memory_space<hbm>>) dst(%dma_wait3A_56 : memref<128x128xf32, #tpu.memory_space<vmem>>)
    %add3A_63 = arith.constant 0 : i32
    %add3A_64 = arith.addi %mul3A_2, %add3A_63 : i32
    %dma_start3A_65 = arith.constant 0 : i32
    %dma_start3A_66 = arith.constant 0 : i32
    %dma_start3A_67 = arith.constant 0 : i32
    %dma_start3A_68 = tpu.memref_slice %arg6[%dma_start3A_65, %dma_start3A_66, %dma_start3A_67] : memref<2x256x128xf32, #tpu.memory_space<vmem>> -> memref<1x256x128xf32, #tpu.memory_space<vmem>>
    %dma_start3A_69 = tpu.memref_squeeze %dma_start3A_68 : memref<1x256x128xf32, #tpu.memory_space<vmem>> -> memref<256x128xf32, #tpu.memory_space<vmem>>
    %dma_start3A_70 = arith.constant 0 : i32
    %dma_start3A_71 = tpu.memref_slice %arg4[%add3A_64, %dma_start3A_70] : memref<163840x128xf32, #tpu.memory_space<hbm>> -> memref<256x128xf32, #tpu.memory_space<hbm>>
    %dma_start3A_72 = arith.constant 0 : i32
    %dma_start3A_73 = tpu.memref_slice %arg4[%add3A_64, %dma_start3A_72] : memref<163840x128xf32, #tpu.memory_space<hbm>> -> memref<256x128xf32, #tpu.memory_space<hbm>>
    %dma_start3A_74 = arith.constant 0 : i32
    %dma_start3A_75 = arith.constant 0 : i32
    %dma_start3A_76 = tpu.memref_slice %arg6[%dma_start3A_65, %dma_start3A_74, %dma_start3A_75] : memref<2x256x128xf32, #tpu.memory_space<vmem>> -> memref<1x256x128xf32, #tpu.memory_space<vmem>>
    %dma_start3A_77 = tpu.memref_squeeze %dma_start3A_76 : memref<1x256x128xf32, #tpu.memory_space<vmem>> -> memref<256x128xf32, #tpu.memory_space<vmem>>
    tpu.enqueue_dma source(%dma_start3A_77 : memref<256x128xf32, #tpu.memory_space<vmem>>) target(%dma_start3A_73 : memref<256x128xf32, #tpu.memory_space<hbm>>) target_semaphore(%arg8 : memref<!tpu.dma_semaphore, #tpu.memory_space<semaphore_mem>>)
    %dma_start3A_78 = arith.constant 2 : i32
    %dma_start3A_79 = arith.constant 1 : i32
    %dma_start3A_80 = arith.constant 0 : i32
    %dma_start3A_81 = arith.constant 0 : i32
    %dma_start3A_82 = tpu.memref_slice %arg6[%dma_start3A_79, %dma_start3A_80, %dma_start3A_81] : memref<2x256x128xf32, #tpu.memory_space<vmem>> -> memref<1x256x128xf32, #tpu.memory_space<vmem>>
    %dma_start3A_83 = tpu.memref_squeeze %dma_start3A_82 : memref<1x256x128xf32, #tpu.memory_space<vmem>> -> memref<256x128xf32, #tpu.memory_space<vmem>>
    %dma_start3A_84 = arith.constant 0 : i32
    %dma_start3A_85 = arith.constant 0 : i32
    %dma_start3A_86 = tpu.memref_slice %dma_start3A_83[%dma_start3A_84, %dma_start3A_85] : memref<256x128xf32, #tpu.memory_space<vmem>> -> memref<128x128xf32, #tpu.memory_space<vmem>>
    %dma_start3A_87 = arith.constant 0 : i32
    %dma_start3A_88 = tpu.memref_slice %arg5[%dma_start3A_78, %dma_start3A_87] : memref<40x128xi32, #tpu.memory_space<vmem>> -> memref<1x128xi32, #tpu.memory_space<vmem>>
    %dma_start3A_89 = tpu.memref_squeeze %dma_start3A_88 : memref<1x128xi32, #tpu.memory_space<vmem>> -> memref<128xi32, #tpu.memory_space<vmem>>
    %dma_start3A_90 = arith.constant 0 : i32
    %dma_start3A_91 = arith.constant 0 : i32
    %dma_start3A_92 = tpu.memref_slice %arg2[%dma_start3A_90, %dma_start3A_91] : memref<100000x128xf32, #tpu.memory_space<hbm>> -> memref<100000x128xf32, #tpu.memory_space<hbm>>
    tpu.enqueue_indirect_dma source(%dma_start3A_92 : memref<100000x128xf32, #tpu.memory_space<hbm>>) target(%dma_start3A_86 : memref<128x128xf32, #tpu.memory_space<vmem>>) offsets(%dma_start3A_89 : memref<128xi32, #tpu.memory_space<vmem>>) semaphore(%arg7 : memref<!tpu.dma_semaphore, #tpu.memory_space<semaphore_mem>>)
    %dma_start3A_93 = arith.constant 3 : i32
    %dma_start3A_94 = arith.constant 1 : i32
    %dma_start3A_95 = arith.constant 0 : i32
    %dma_start3A_96 = arith.constant 0 : i32
    %dma_start3A_97 = tpu.memref_slice %arg6[%dma_start3A_94, %dma_start3A_95, %dma_start3A_96] : memref<2x256x128xf32, #tpu.memory_space<vmem>> -> memref<1x256x128xf32, #tpu.memory_space<vmem>>
    %dma_start3A_98 = tpu.memref_squeeze %dma_start3A_97 : memref<1x256x128xf32, #tpu.memory_space<vmem>> -> memref<256x128xf32, #tpu.memory_space<vmem>>
    %dma_start3A_99 = arith.constant 128 : i32
    %dma_start3A_100 = arith.constant 0 : i32
    %dma_start3A_101 = tpu.memref_slice %dma_start3A_98[%dma_start3A_99, %dma_start3A_100] : memref<256x128xf32, #tpu.memory_space<vmem>> -> memref<128x128xf32, #tpu.memory_space<vmem>>
    %dma_start3A_102 = arith.constant 0 : i32
    %dma_start3A_103 = tpu.memref_slice %arg5[%dma_start3A_93, %dma_start3A_102] : memref<40x128xi32, #tpu.memory_space<vmem>> -> memref<1x128xi32, #tpu.memory_space<vmem>>
    %dma_start3A_104 = tpu.memref_squeeze %dma_start3A_103 : memref<1x128xi32, #tpu.memory_space<vmem>> -> memref<128xi32, #tpu.memory_space<vmem>>
    %dma_start3A_105 = arith.constant 0 : i32
    %dma_start3A_106 = arith.constant 0 : i32
    %dma_start3A_107 = tpu.memref_slice %arg2[%dma_start3A_105, %dma_start3A_106] : memref<100000x128xf32, #tpu.memory_space<hbm>> -> memref<100000x128xf32, #tpu.memory_space<hbm>>
    tpu.enqueue_indirect_dma source(%dma_start3A_107 : memref<100000x128xf32, #tpu.memory_space<hbm>>) target(%dma_start3A_101 : memref<128x128xf32, #tpu.memory_space<vmem>>) offsets(%dma_start3A_104 : memref<128xi32, #tpu.memory_space<vmem>>) semaphore(%arg7 : memref<!tpu.dma_semaphore, #tpu.memory_space<semaphore_mem>>)
    %dma_wait3A_108 = arith.constant 2 : i32
    %dma_wait3A_109 = arith.constant 1 : i32
    %dma_wait3A_110 = arith.constant 0 : i32
    %dma_wait3A_111 = arith.constant 0 : i32
    %dma_wait3A_112 = tpu.memref_slice %arg6[%dma_wait3A_109, %dma_wait3A_110, %dma_wait3A_111] : memref<2x256x128xf32, #tpu.memory_space<vmem>> -> memref<1x256x128xf32, #tpu.memory_space<vmem>>
    %dma_wait3A_113 = tpu.memref_squeeze %dma_wait3A_112 : memref<1x256x128xf32, #tpu.memory_space<vmem>> -> memref<256x128xf32, #tpu.memory_space<vmem>>
    %dma_wait3A_114 = arith.constant 0 : i32
    %dma_wait3A_115 = arith.constant 0 : i32
    %dma_wait3A_116 = tpu.memref_slice %dma_wait3A_113[%dma_wait3A_114, %dma_wait3A_115] : memref<256x128xf32, #tpu.memory_space<vmem>> -> memref<128x128xf32, #tpu.memory_space<vmem>>
    %dma_wait3A_117 = arith.constant 0 : i32
    %dma_wait3A_118 = tpu.memref_slice %arg5[%dma_wait3A_108, %dma_wait3A_117] : memref<40x128xi32, #tpu.memory_space<vmem>> -> memref<1x128xi32, #tpu.memory_space<vmem>>
    %dma_wait3A_119 = tpu.memref_squeeze %dma_wait3A_118 : memref<1x128xi32, #tpu.memory_space<vmem>> -> memref<128xi32, #tpu.memory_space<vmem>>
    %dma_wait3A_120 = arith.constant 0 : i32
    %dma_wait3A_121 = arith.constant 0 : i32
    %dma_wait3A_122 = tpu.memref_slice %arg2[%dma_wait3A_120, %dma_wait3A_121] : memref<100000x128xf32, #tpu.memory_space<hbm>> -> memref<100000x128xf32, #tpu.memory_space<hbm>>
    tpu.wait_indirect_dma semaphore(%arg7 : memref<!tpu.dma_semaphore, #tpu.memory_space<semaphore_mem>>) src(%dma_wait3A_122 : memref<100000x128xf32, #tpu.memory_space<hbm>>) dst(%dma_wait3A_116 : memref<128x128xf32, #tpu.memory_space<vmem>>)
    %dma_wait3A_123 = arith.constant 3 : i32
    %dma_wait3A_124 = arith.constant 1 : i32
    %dma_wait3A_125 = arith.constant 0 : i32
    %dma_wait3A_126 = arith.constant 0 : i32
    %dma_wait3A_127 = tpu.memref_slice %arg6[%dma_wait3A_124, %dma_wait3A_125, %dma_wait3A_126] : memref<2x256x128xf32, #tpu.memory_space<vmem>> -> memref<1x256x128xf32, #tpu.memory_space<vmem>>
    %dma_wait3A_128 = tpu.memref_squeeze %dma_wait3A_127 : memref<1x256x128xf32, #tpu.memory_space<vmem>> -> memref<256x128xf32, #tpu.memory_space<vmem>>
    %dma_wait3A_129 = arith.constant 128 : i32
    %dma_wait3A_130 = arith.constant 0 : i32
    %dma_wait3A_131 = tpu.memref_slice %dma_wait3A_128[%dma_wait3A_129, %dma_wait3A_130] : memref<256x128xf32, #tpu.memory_space<vmem>> -> memref<128x128xf32, #tpu.memory_space<vmem>>
    %dma_wait3A_132 = arith.constant 0 : i32
    %dma_wait3A_133 = tpu.memref_slice %arg5[%dma_wait3A_123, %dma_wait3A_132] : memref<40x128xi32, #tpu.memory_space<vmem>> -> memref<1x128xi32, #tpu.memory_space<vmem>>
    %dma_wait3A_134 = tpu.memref_squeeze %dma_wait3A_133 : memref<1x128xi32, #tpu.memory_space<vmem>> -> memref<128xi32, #tpu.memory_space<vmem>>
    %dma_wait3A_135 = arith.constant 0 : i32
    %dma_wait3A_136 = arith.constant 0 : i32
    %dma_wait3A_137 = tpu.memref_slice %arg2[%dma_wait3A_135, %dma_wait3A_136] : memref<100000x128xf32, #tpu.memory_space<hbm>> -> memref<100000x128xf32, #tpu.memory_space<hbm>>
    tpu.wait_indirect_dma semaphore(%arg7 : memref<!tpu.dma_semaphore, #tpu.memory_space<semaphore_mem>>) src(%dma_wait3A_137 : memref<100000x128xf32, #tpu.memory_space<hbm>>) dst(%dma_wait3A_131 : memref<128x128xf32, #tpu.memory_space<vmem>>)
    %add3A_138 = arith.constant 256 : i32
    %add3A_139 = arith.addi %mul3A_2, %add3A_138 : i32
    %dma_start3A_140 = arith.constant 1 : i32
    %dma_start3A_141 = arith.constant 0 : i32
    %dma_start3A_142 = arith.constant 0 : i32
    %dma_start3A_143 = tpu.memref_slice %arg6[%dma_start3A_140, %dma_start3A_141, %dma_start3A_142] : memref<2x256x128xf32, #tpu.memory_space<vmem>> -> memref<1x256x128xf32, #tpu.memory_space<vmem>>
    %dma_start3A_144 = tpu.memref_squeeze %dma_start3A_143 : memref<1x256x128xf32, #tpu.memory_space<vmem>> -> memref<256x128xf32, #tpu.memory_space<vmem>>
    %dma_start3A_145 = arith.constant 0 : i32
    %dma_start3A_146 = tpu.memref_slice %arg4[%add3A_139, %dma_start3A_145] : memref<163840x128xf32, #tpu.memory_space<hbm>> -> memref<256x128xf32, #tpu.memory_space<hbm>>
    %dma_start3A_147 = arith.constant 0 : i32
    %dma_start3A_148 = tpu.memref_slice %arg4[%add3A_139, %dma_start3A_147] : memref<163840x128xf32, #tpu.memory_space<hbm>> -> memref<256x128xf32, #tpu.memory_space<hbm>>
    %dma_start3A_149 = arith.constant 0 : i32
    %dma_start3A_150 = arith.constant 0 : i32
    %dma_start3A_151 = tpu.memref_slice %arg6[%dma_start3A_140, %dma_start3A_149, %dma_start3A_150] : memref<2x256x128xf32, #tpu.memory_space<vmem>> -> memref<1x256x128xf32, #tpu.memory_space<vmem>>
    %dma_start3A_152 = tpu.memref_squeeze %dma_start3A_151 : memref<1x256x128xf32, #tpu.memory_space<vmem>> -> memref<256x128xf32, #tpu.memory_space<vmem>>
    tpu.enqueue_dma source(%dma_start3A_152 : memref<256x128xf32, #tpu.memory_space<vmem>>) target(%dma_start3A_148 : memref<256x128xf32, #tpu.memory_space<hbm>>) target_semaphore(%arg9 : memref<!tpu.dma_semaphore, #tpu.memory_space<semaphore_mem>>)
    %scan3A = arith.constant 0 : i32
    %scan3A_153 = arith.constant 1 : i32
    %scan3A_154 = arith.constant 9 : i32
    %scan3A_155 = arith.addi %scan3A_153, %scan3A_154 : i32
    %scan3A_156 = arith.constant 1 : i32
    scf.for %scan3A_184 = %scan3A_153 to %scan3A_155 step %scan3A_156  : i32 {
      %mul3A_185 = arith.constant 2 : i32
      %mul3A_186 = arith.muli %scan3A_184, %mul3A_185 : i32
      %add3A_187 = arith.constant 0 : i32
      %add3A_188 = arith.addi %mul3A_186, %add3A_187 : i32
      %dma_wait3A_189 = arith.constant 0 : i32
      %dma_wait3A_190 = arith.constant 0 : i32
      %dma_wait3A_191 = arith.constant 0 : i32
      %dma_wait3A_192 = tpu.memref_slice %arg6[%dma_wait3A_189, %dma_wait3A_190, %dma_wait3A_191] : memref<2x256x128xf32, #tpu.memory_space<vmem>> -> memref<1x256x128xf32, #tpu.memory_space<vmem>>
      %dma_wait3A_193 = tpu.memref_squeeze %dma_wait3A_192 : memref<1x256x128xf32, #tpu.memory_space<vmem>> -> memref<256x128xf32, #tpu.memory_space<vmem>>
      %dma_wait3A_194 = arith.constant 0 : i32
      %dma_wait3A_195 = tpu.memref_slice %arg4[%mul3A_2, %dma_wait3A_194] : memref<163840x128xf32, #tpu.memory_space<hbm>> -> memref<256x128xf32, #tpu.memory_space<hbm>>
      %dma_wait3A_196 = arith.constant 0 : i32
      %dma_wait3A_197 = tpu.memref_slice %arg4[%mul3A_2, %dma_wait3A_196] : memref<163840x128xf32, #tpu.memory_space<hbm>> -> memref<256x128xf32, #tpu.memory_space<hbm>>
      %dma_wait3A_198 = arith.constant 0 : i32
      %dma_wait3A_199 = arith.constant 0 : i32
      %dma_wait3A_200 = tpu.memref_slice %arg6[%dma_wait3A_189, %dma_wait3A_198, %dma_wait3A_199] : memref<2x256x128xf32, #tpu.memory_space<vmem>> -> memref<1x256x128xf32, #tpu.memory_space<vmem>>
      %dma_wait3A_201 = tpu.memref_squeeze %dma_wait3A_200 : memref<1x256x128xf32, #tpu.memory_space<vmem>> -> memref<256x128xf32, #tpu.memory_space<vmem>>
      tpu.wait_dma2 semaphore(%arg8 : memref<!tpu.dma_semaphore, #tpu.memory_space<semaphore_mem>>) src(%dma_wait3A_201 : memref<256x128xf32, #tpu.memory_space<vmem>>) dst(%dma_wait3A_197 : memref<256x128xf32, #tpu.memory_space<hbm>>)
      %mul3A_202 = arith.constant 2 : i32
      %mul3A_203 = arith.muli %add3A_188, %mul3A_202 : i32
      %add3A_204 = arith.constant 0 : i32
      %add3A_205 = arith.addi %mul3A_203, %add3A_204 : i32
      %dma_start3A_206 = arith.constant 0 : i32
      %dma_start3A_207 = arith.constant 0 : i32
      %dma_start3A_208 = arith.constant 0 : i32
      %dma_start3A_209 = tpu.memref_slice %arg6[%dma_start3A_206, %dma_start3A_207, %dma_start3A_208] : memref<2x256x128xf32, #tpu.memory_space<vmem>> -> memref<1x256x128xf32, #tpu.memory_space<vmem>>
      %dma_start3A_210 = tpu.memref_squeeze %dma_start3A_209 : memref<1x256x128xf32, #tpu.memory_space<vmem>> -> memref<256x128xf32, #tpu.memory_space<vmem>>
      %dma_start3A_211 = arith.constant 0 : i32
      %dma_start3A_212 = arith.constant 0 : i32
      %dma_start3A_213 = tpu.memref_slice %dma_start3A_210[%dma_start3A_211, %dma_start3A_212] : memref<256x128xf32, #tpu.memory_space<vmem>> -> memref<128x128xf32, #tpu.memory_space<vmem>>
      %dma_start3A_214 = arith.constant 0 : i32
      %dma_start3A_215 = tpu.memref_slice %arg5[%add3A_205, %dma_start3A_214] : memref<40x128xi32, #tpu.memory_space<vmem>> -> memref<1x128xi32, #tpu.memory_space<vmem>>
      %dma_start3A_216 = tpu.memref_squeeze %dma_start3A_215 : memref<1x128xi32, #tpu.memory_space<vmem>> -> memref<128xi32, #tpu.memory_space<vmem>>
      %dma_start3A_217 = arith.constant 0 : i32
      %dma_start3A_218 = arith.constant 0 : i32
      %dma_start3A_219 = tpu.memref_slice %arg2[%dma_start3A_217, %dma_start3A_218] : memref<100000x128xf32, #tpu.memory_space<hbm>> -> memref<100000x128xf32, #tpu.memory_space<hbm>>
      tpu.enqueue_indirect_dma source(%dma_start3A_219 : memref<100000x128xf32, #tpu.memory_space<hbm>>) target(%dma_start3A_213 : memref<128x128xf32, #tpu.memory_space<vmem>>) offsets(%dma_start3A_216 : memref<128xi32, #tpu.memory_space<vmem>>) semaphore(%arg7 : memref<!tpu.dma_semaphore, #tpu.memory_space<semaphore_mem>>)
      %mul3A_220 = arith.constant 2 : i32
      %mul3A_221 = arith.muli %add3A_188, %mul3A_220 : i32
      %add3A_222 = arith.constant 1 : i32
      %add3A_223 = arith.addi %mul3A_221, %add3A_222 : i32
      %dma_start3A_224 = arith.constant 0 : i32
      %dma_start3A_225 = arith.constant 0 : i32
      %dma_start3A_226 = arith.constant 0 : i32
      %dma_start3A_227 = tpu.memref_slice %arg6[%dma_start3A_224, %dma_start3A_225, %dma_start3A_226] : memref<2x256x128xf32, #tpu.memory_space<vmem>> -> memref<1x256x128xf32, #tpu.memory_space<vmem>>
      %dma_start3A_228 = tpu.memref_squeeze %dma_start3A_227 : memref<1x256x128xf32, #tpu.memory_space<vmem>> -> memref<256x128xf32, #tpu.memory_space<vmem>>
      %dma_start3A_229 = arith.constant 128 : i32
      %dma_start3A_230 = arith.constant 0 : i32
      %dma_start3A_231 = tpu.memref_slice %dma_start3A_228[%dma_start3A_229, %dma_start3A_230] : memref<256x128xf32, #tpu.memory_space<vmem>> -> memref<128x128xf32, #tpu.memory_space<vmem>>
      %dma_start3A_232 = arith.constant 0 : i32
      %dma_start3A_233 = tpu.memref_slice %arg5[%add3A_223, %dma_start3A_232] : memref<40x128xi32, #tpu.memory_space<vmem>> -> memref<1x128xi32, #tpu.memory_space<vmem>>
      %dma_start3A_234 = tpu.memref_squeeze %dma_start3A_233 : memref<1x128xi32, #tpu.memory_space<vmem>> -> memref<128xi32, #tpu.memory_space<vmem>>
      %dma_start3A_235 = arith.constant 0 : i32
      %dma_start3A_236 = arith.constant 0 : i32
      %dma_start3A_237 = tpu.memref_slice %arg2[%dma_start3A_235, %dma_start3A_236] : memref<100000x128xf32, #tpu.memory_space<hbm>> -> memref<100000x128xf32, #tpu.memory_space<hbm>>
      tpu.enqueue_indirect_dma source(%dma_start3A_237 : memref<100000x128xf32, #tpu.memory_space<hbm>>) target(%dma_start3A_231 : memref<128x128xf32, #tpu.memory_space<vmem>>) offsets(%dma_start3A_234 : memref<128xi32, #tpu.memory_space<vmem>>) semaphore(%arg7 : memref<!tpu.dma_semaphore, #tpu.memory_space<semaphore_mem>>)
      %dma_wait3A_238 = arith.constant 0 : i32
      %dma_wait3A_239 = arith.constant 0 : i32
      %dma_wait3A_240 = arith.constant 0 : i32
      %dma_wait3A_241 = tpu.memref_slice %arg6[%dma_wait3A_238, %dma_wait3A_239, %dma_wait3A_240] : memref<2x256x128xf32, #tpu.memory_space<vmem>> -> memref<1x256x128xf32, #tpu.memory_space<vmem>>
      %dma_wait3A_242 = tpu.memref_squeeze %dma_wait3A_241 : memref<1x256x128xf32, #tpu.memory_space<vmem>> -> memref<256x128xf32, #tpu.memory_space<vmem>>
      %dma_wait3A_243 = arith.constant 0 : i32
      %dma_wait3A_244 = arith.constant 0 : i32
      %dma_wait3A_245 = tpu.memref_slice %dma_wait3A_242[%dma_wait3A_243, %dma_wait3A_244] : memref<256x128xf32, #tpu.memory_space<vmem>> -> memref<128x128xf32, #tpu.memory_space<vmem>>
      %dma_wait3A_246 = arith.constant 0 : i32
      %dma_wait3A_247 = tpu.memref_slice %arg5[%add3A_205, %dma_wait3A_246] : memref<40x128xi32, #tpu.memory_space<vmem>> -> memref<1x128xi32, #tpu.memory_space<vmem>>
      %dma_wait3A_248 = tpu.memref_squeeze %dma_wait3A_247 : memref<1x128xi32, #tpu.memory_space<vmem>> -> memref<128xi32, #tpu.memory_space<vmem>>
      %dma_wait3A_249 = arith.constant 0 : i32
      %dma_wait3A_250 = arith.constant 0 : i32
      %dma_wait3A_251 = tpu.memref_slice %arg2[%dma_wait3A_249, %dma_wait3A_250] : memref<100000x128xf32, #tpu.memory_space<hbm>> -> memref<100000x128xf32, #tpu.memory_space<hbm>>
      tpu.wait_indirect_dma semaphore(%arg7 : memref<!tpu.dma_semaphore, #tpu.memory_space<semaphore_mem>>) src(%dma_wait3A_251 : memref<100000x128xf32, #tpu.memory_space<hbm>>) dst(%dma_wait3A_245 : memref<128x128xf32, #tpu.memory_space<vmem>>)
      %dma_wait3A_252 = arith.constant 0 : i32
      %dma_wait3A_253 = arith.constant 0 : i32
      %dma_wait3A_254 = arith.constant 0 : i32
      %dma_wait3A_255 = tpu.memref_slice %arg6[%dma_wait3A_252, %dma_wait3A_253, %dma_wait3A_254] : memref<2x256x128xf32, #tpu.memory_space<vmem>> -> memref<1x256x128xf32, #tpu.memory_space<vmem>>
      %dma_wait3A_256 = tpu.memref_squeeze %dma_wait3A_255 : memref<1x256x128xf32, #tpu.memory_space<vmem>> -> memref<256x128xf32, #tpu.memory_space<vmem>>
      %dma_wait3A_257 = arith.constant 128 : i32
      %dma_wait3A_258 = arith.constant 0 : i32
      %dma_wait3A_259 = tpu.memref_slice %dma_wait3A_256[%dma_wait3A_257, %dma_wait3A_258] : memref<256x128xf32, #tpu.memory_space<vmem>> -> memref<128x128xf32, #tpu.memory_space<vmem>>
      %dma_wait3A_260 = arith.constant 0 : i32
      %dma_wait3A_261 = tpu.memref_slice %arg5[%add3A_223, %dma_wait3A_260] : memref<40x128xi32, #tpu.memory_space<vmem>> -> memref<1x128xi32, #tpu.memory_space<vmem>>
      %dma_wait3A_262 = tpu.memref_squeeze %dma_wait3A_261 : memref<1x128xi32, #tpu.memory_space<vmem>> -> memref<128xi32, #tpu.memory_space<vmem>>
      %dma_wait3A_263 = arith.constant 0 : i32
      %dma_wait3A_264 = arith.constant 0 : i32
      %dma_wait3A_265 = tpu.memref_slice %arg2[%dma_wait3A_263, %dma_wait3A_264] : memref<100000x128xf32, #tpu.memory_space<hbm>> -> memref<100000x128xf32, #tpu.memory_space<hbm>>
      tpu.wait_indirect_dma semaphore(%arg7 : memref<!tpu.dma_semaphore, #tpu.memory_space<semaphore_mem>>) src(%dma_wait3A_265 : memref<100000x128xf32, #tpu.memory_space<hbm>>) dst(%dma_wait3A_259 : memref<128x128xf32, #tpu.memory_space<vmem>>)
      %mul3A_266 = arith.constant 256 : i32
      %mul3A_267 = arith.muli %add3A_188, %mul3A_266 : i32
      %add3A_268 = arith.addi %mul3A_2, %mul3A_267 : i32
      %dma_start3A_269 = arith.constant 0 : i32
      %dma_start3A_270 = arith.constant 0 : i32
      %dma_start3A_271 = arith.constant 0 : i32
      %dma_start3A_272 = tpu.memref_slice %arg6[%dma_start3A_269, %dma_start3A_270, %dma_start3A_271] : memref<2x256x128xf32, #tpu.memory_space<vmem>> -> memref<1x256x128xf32, #tpu.memory_space<vmem>>
      %dma_start3A_273 = tpu.memref_squeeze %dma_start3A_272 : memref<1x256x128xf32, #tpu.memory_space<vmem>> -> memref<256x128xf32, #tpu.memory_space<vmem>>
      %dma_start3A_274 = arith.constant 0 : i32
      %dma_start3A_275 = tpu.memref_slice %arg4[%add3A_268, %dma_start3A_274] : memref<163840x128xf32, #tpu.memory_space<hbm>> -> memref<256x128xf32, #tpu.memory_space<hbm>>
      %dma_start3A_276 = arith.constant 0 : i32
      %dma_start3A_277 = tpu.memref_slice %arg4[%add3A_268, %dma_start3A_276] : memref<163840x128xf32, #tpu.memory_space<hbm>> -> memref<256x128xf32, #tpu.memory_space<hbm>>
      %dma_start3A_278 = arith.constant 0 : i32
      %dma_start3A_279 = arith.constant 0 : i32
      %dma_start3A_280 = tpu.memref_slice %arg6[%dma_start3A_269, %dma_start3A_278, %dma_start3A_279] : memref<2x256x128xf32, #tpu.memory_space<vmem>> -> memref<1x256x128xf32, #tpu.memory_space<vmem>>
      %dma_start3A_281 = tpu.memref_squeeze %dma_start3A_280 : memref<1x256x128xf32, #tpu.memory_space<vmem>> -> memref<256x128xf32, #tpu.memory_space<vmem>>
      tpu.enqueue_dma source(%dma_start3A_281 : memref<256x128xf32, #tpu.memory_space<vmem>>) target(%dma_start3A_277 : memref<256x128xf32, #tpu.memory_space<hbm>>) target_semaphore(%arg8 : memref<!tpu.dma_semaphore, #tpu.memory_space<semaphore_mem>>)
      %mul3A_282 = arith.constant 2 : i32
      %mul3A_283 = arith.muli %scan3A_184, %mul3A_282 : i32
      %add3A_284 = arith.constant 1 : i32
      %add3A_285 = arith.addi %mul3A_283, %add3A_284 : i32
      %dma_wait3A_286 = arith.constant 1 : i32
      %dma_wait3A_287 = arith.constant 0 : i32
      %dma_wait3A_288 = arith.constant 0 : i32
      %dma_wait3A_289 = tpu.memref_slice %arg6[%dma_wait3A_286, %dma_wait3A_287, %dma_wait3A_288] : memref<2x256x128xf32, #tpu.memory_space<vmem>> -> memref<1x256x128xf32, #tpu.memory_space<vmem>>
      %dma_wait3A_290 = tpu.memref_squeeze %dma_wait3A_289 : memref<1x256x128xf32, #tpu.memory_space<vmem>> -> memref<256x128xf32, #tpu.memory_space<vmem>>
      %dma_wait3A_291 = arith.constant 0 : i32
      %dma_wait3A_292 = tpu.memref_slice %arg4[%mul3A_2, %dma_wait3A_291] : memref<163840x128xf32, #tpu.memory_space<hbm>> -> memref<256x128xf32, #tpu.memory_space<hbm>>
      %dma_wait3A_293 = arith.constant 0 : i32
      %dma_wait3A_294 = tpu.memref_slice %arg4[%mul3A_2, %dma_wait3A_293] : memref<163840x128xf32, #tpu.memory_space<hbm>> -> memref<256x128xf32, #tpu.memory_space<hbm>>
      %dma_wait3A_295 = arith.constant 0 : i32
      %dma_wait3A_296 = arith.constant 0 : i32
      %dma_wait3A_297 = tpu.memref_slice %arg6[%dma_wait3A_286, %dma_wait3A_295, %dma_wait3A_296] : memref<2x256x128xf32, #tpu.memory_space<vmem>> -> memref<1x256x128xf32, #tpu.memory_space<vmem>>
      %dma_wait3A_298 = tpu.memref_squeeze %dma_wait3A_297 : memref<1x256x128xf32, #tpu.memory_space<vmem>> -> memref<256x128xf32, #tpu.memory_space<vmem>>
      tpu.wait_dma2 semaphore(%arg9 : memref<!tpu.dma_semaphore, #tpu.memory_space<semaphore_mem>>) src(%dma_wait3A_298 : memref<256x128xf32, #tpu.memory_space<vmem>>) dst(%dma_wait3A_294 : memref<256x128xf32, #tpu.memory_space<hbm>>)
      %mul3A_299 = arith.constant 2 : i32
      %mul3A_300 = arith.muli %add3A_285, %mul3A_299 : i32
      %add3A_301 = arith.constant 0 : i32
      %add3A_302 = arith.addi %mul3A_300, %add3A_301 : i32
      %dma_start3A_303 = arith.constant 1 : i32
      %dma_start3A_304 = arith.constant 0 : i32
      %dma_start3A_305 = arith.constant 0 : i32
      %dma_start3A_306 = tpu.memref_slice %arg6[%dma_start3A_303, %dma_start3A_304, %dma_start3A_305] : memref<2x256x128xf32, #tpu.memory_space<vmem>> -> memref<1x256x128xf32, #tpu.memory_space<vmem>>
      %dma_start3A_307 = tpu.memref_squeeze %dma_start3A_306 : memref<1x256x128xf32, #tpu.memory_space<vmem>> -> memref<256x128xf32, #tpu.memory_space<vmem>>
      %dma_start3A_308 = arith.constant 0 : i32
      %dma_start3A_309 = arith.constant 0 : i32
      %dma_start3A_310 = tpu.memref_slice %dma_start3A_307[%dma_start3A_308, %dma_start3A_309] : memref<256x128xf32, #tpu.memory_space<vmem>> -> memref<128x128xf32, #tpu.memory_space<vmem>>
      %dma_start3A_311 = arith.constant 0 : i32
      %dma_start3A_312 = tpu.memref_slice %arg5[%add3A_302, %dma_start3A_311] : memref<40x128xi32, #tpu.memory_space<vmem>> -> memref<1x128xi32, #tpu.memory_space<vmem>>
      %dma_start3A_313 = tpu.memref_squeeze %dma_start3A_312 : memref<1x128xi32, #tpu.memory_space<vmem>> -> memref<128xi32, #tpu.memory_space<vmem>>
      %dma_start3A_314 = arith.constant 0 : i32
      %dma_start3A_315 = arith.constant 0 : i32
      %dma_start3A_316 = tpu.memref_slice %arg2[%dma_start3A_314, %dma_start3A_315] : memref<100000x128xf32, #tpu.memory_space<hbm>> -> memref<100000x128xf32, #tpu.memory_space<hbm>>
      tpu.enqueue_indirect_dma source(%dma_start3A_316 : memref<100000x128xf32, #tpu.memory_space<hbm>>) target(%dma_start3A_310 : memref<128x128xf32, #tpu.memory_space<vmem>>) offsets(%dma_start3A_313 : memref<128xi32, #tpu.memory_space<vmem>>) semaphore(%arg7 : memref<!tpu.dma_semaphore, #tpu.memory_space<semaphore_mem>>)
      %mul3A_317 = arith.constant 2 : i32
      %mul3A_318 = arith.muli %add3A_285, %mul3A_317 : i32
      %add3A_319 = arith.constant 1 : i32
      %add3A_320 = arith.addi %mul3A_318, %add3A_319 : i32
      %dma_start3A_321 = arith.constant 1 : i32
      %dma_start3A_322 = arith.constant 0 : i32
      %dma_start3A_323 = arith.constant 0 : i32
      %dma_start3A_324 = tpu.memref_slice %arg6[%dma_start3A_321, %dma_start3A_322, %dma_start3A_323] : memref<2x256x128xf32, #tpu.memory_space<vmem>> -> memref<1x256x128xf32, #tpu.memory_space<vmem>>
      %dma_start3A_325 = tpu.memref_squeeze %dma_start3A_324 : memref<1x256x128xf32, #tpu.memory_space<vmem>> -> memref<256x128xf32, #tpu.memory_space<vmem>>
      %dma_start3A_326 = arith.constant 128 : i32
      %dma_start3A_327 = arith.constant 0 : i32
      %dma_start3A_328 = tpu.memref_slice %dma_start3A_325[%dma_start3A_326, %dma_start3A_327] : memref<256x128xf32, #tpu.memory_space<vmem>> -> memref<128x128xf32, #tpu.memory_space<vmem>>
      %dma_start3A_329 = arith.constant 0 : i32
      %dma_start3A_330 = tpu.memref_slice %arg5[%add3A_320, %dma_start3A_329] : memref<40x128xi32, #tpu.memory_space<vmem>> -> memref<1x128xi32, #tpu.memory_space<vmem>>
      %dma_start3A_331 = tpu.memref_squeeze %dma_start3A_330 : memref<1x128xi32, #tpu.memory_space<vmem>> -> memref<128xi32, #tpu.memory_space<vmem>>
      %dma_start3A_332 = arith.constant 0 : i32
      %dma_start3A_333 = arith.constant 0 : i32
      %dma_start3A_334 = tpu.memref_slice %arg2[%dma_start3A_332, %dma_start3A_333] : memref<100000x128xf32, #tpu.memory_space<hbm>> -> memref<100000x128xf32, #tpu.memory_space<hbm>>
      tpu.enqueue_indirect_dma source(%dma_start3A_334 : memref<100000x128xf32, #tpu.memory_space<hbm>>) target(%dma_start3A_328 : memref<128x128xf32, #tpu.memory_space<vmem>>) offsets(%dma_start3A_331 : memref<128xi32, #tpu.memory_space<vmem>>) semaphore(%arg7 : memref<!tpu.dma_semaphore, #tpu.memory_space<semaphore_mem>>)
      %dma_wait3A_335 = arith.constant 1 : i32
      %dma_wait3A_336 = arith.constant 0 : i32
      %dma_wait3A_337 = arith.constant 0 : i32
      %dma_wait3A_338 = tpu.memref_slice %arg6[%dma_wait3A_335, %dma_wait3A_336, %dma_wait3A_337] : memref<2x256x128xf32, #tpu.memory_space<vmem>> -> memref<1x256x128xf32, #tpu.memory_space<vmem>>
      %dma_wait3A_339 = tpu.memref_squeeze %dma_wait3A_338 : memref<1x256x128xf32, #tpu.memory_space<vmem>> -> memref<256x128xf32, #tpu.memory_space<vmem>>
      %dma_wait3A_340 = arith.constant 0 : i32
      %dma_wait3A_341 = arith.constant 0 : i32
      %dma_wait3A_342 = tpu.memref_slice %dma_wait3A_339[%dma_wait3A_340, %dma_wait3A_341] : memref<256x128xf32, #tpu.memory_space<vmem>> -> memref<128x128xf32, #tpu.memory_space<vmem>>
      %dma_wait3A_343 = arith.constant 0 : i32
      %dma_wait3A_344 = tpu.memref_slice %arg5[%add3A_302, %dma_wait3A_343] : memref<40x128xi32, #tpu.memory_space<vmem>> -> memref<1x128xi32, #tpu.memory_space<vmem>>
      %dma_wait3A_345 = tpu.memref_squeeze %dma_wait3A_344 : memref<1x128xi32, #tpu.memory_space<vmem>> -> memref<128xi32, #tpu.memory_space<vmem>>
      %dma_wait3A_346 = arith.constant 0 : i32
      %dma_wait3A_347 = arith.constant 0 : i32
      %dma_wait3A_348 = tpu.memref_slice %arg2[%dma_wait3A_346, %dma_wait3A_347] : memref<100000x128xf32, #tpu.memory_space<hbm>> -> memref<100000x128xf32, #tpu.memory_space<hbm>>
      tpu.wait_indirect_dma semaphore(%arg7 : memref<!tpu.dma_semaphore, #tpu.memory_space<semaphore_mem>>) src(%dma_wait3A_348 : memref<100000x128xf32, #tpu.memory_space<hbm>>) dst(%dma_wait3A_342 : memref<128x128xf32, #tpu.memory_space<vmem>>)
      %dma_wait3A_349 = arith.constant 1 : i32
      %dma_wait3A_350 = arith.constant 0 : i32
      %dma_wait3A_351 = arith.constant 0 : i32
      %dma_wait3A_352 = tpu.memref_slice %arg6[%dma_wait3A_349, %dma_wait3A_350, %dma_wait3A_351] : memref<2x256x128xf32, #tpu.memory_space<vmem>> -> memref<1x256x128xf32, #tpu.memory_space<vmem>>
      %dma_wait3A_353 = tpu.memref_squeeze %dma_wait3A_352 : memref<1x256x128xf32, #tpu.memory_space<vmem>> -> memref<256x128xf32, #tpu.memory_space<vmem>>
      %dma_wait3A_354 = arith.constant 128 : i32
      %dma_wait3A_355 = arith.constant 0 : i32
      %dma_wait3A_356 = tpu.memref_slice %dma_wait3A_353[%dma_wait3A_354, %dma_wait3A_355] : memref<256x128xf32, #tpu.memory_space<vmem>> -> memref<128x128xf32, #tpu.memory_space<vmem>>
      %dma_wait3A_357 = arith.constant 0 : i32
      %dma_wait3A_358 = tpu.memref_slice %arg5[%add3A_320, %dma_wait3A_357] : memref<40x128xi32, #tpu.memory_space<vmem>> -> memref<1x128xi32, #tpu.memory_space<vmem>>
      %dma_wait3A_359 = tpu.memref_squeeze %dma_wait3A_358 : memref<1x128xi32, #tpu.memory_space<vmem>> -> memref<128xi32, #tpu.memory_space<vmem>>
      %dma_wait3A_360 = arith.constant 0 : i32
      %dma_wait3A_361 = arith.constant 0 : i32
      %dma_wait3A_362 = tpu.memref_slice %arg2[%dma_wait3A_360, %dma_wait3A_361] : memref<100000x128xf32, #tpu.memory_space<hbm>> -> memref<100000x128xf32, #tpu.memory_space<hbm>>
      tpu.wait_indirect_dma semaphore(%arg7 : memref<!tpu.dma_semaphore, #tpu.memory_space<semaphore_mem>>) src(%dma_wait3A_362 : memref<100000x128xf32, #tpu.memory_space<hbm>>) dst(%dma_wait3A_356 : memref<128x128xf32, #tpu.memory_space<vmem>>)
      %mul3A_363 = arith.constant 256 : i32
      %mul3A_364 = arith.muli %add3A_285, %mul3A_363 : i32
      %add3A_365 = arith.addi %mul3A_2, %mul3A_364 : i32
      %dma_start3A_366 = arith.constant 1 : i32
      %dma_start3A_367 = arith.constant 0 : i32
      %dma_start3A_368 = arith.constant 0 : i32
      %dma_start3A_369 = tpu.memref_slice %arg6[%dma_start3A_366, %dma_start3A_367, %dma_start3A_368] : memref<2x256x128xf32, #tpu.memory_space<vmem>> -> memref<1x256x128xf32, #tpu.memory_space<vmem>>
      %dma_start3A_370 = tpu.memref_squeeze %dma_start3A_369 : memref<1x256x128xf32, #tpu.memory_space<vmem>> -> memref<256x128xf32, #tpu.memory_space<vmem>>
      %dma_start3A_371 = arith.constant 0 : i32
      %dma_start3A_372 = tpu.memref_slice %arg4[%add3A_365, %dma_start3A_371] : memref<163840x128xf32, #tpu.memory_space<hbm>> -> memref<256x128xf32, #tpu.memory_space<hbm>>
      %dma_start3A_373 = arith.constant 0 : i32
      %dma_start3A_374 = tpu.memref_slice %arg4[%add3A_365, %dma_start3A_373] : memref<163840x128xf32, #tpu.memory_space<hbm>> -> memref<256x128xf32, #tpu.memory_space<hbm>>
      %dma_start3A_375 = arith.constant 0 : i32
      %dma_start3A_376 = arith.constant 0 : i32
      %dma_start3A_377 = tpu.memref_slice %arg6[%dma_start3A_366, %dma_start3A_375, %dma_start3A_376] : memref<2x256x128xf32, #tpu.memory_space<vmem>> -> memref<1x256x128xf32, #tpu.memory_space<vmem>>
      %dma_start3A_378 = tpu.memref_squeeze %dma_start3A_377 : memref<1x256x128xf32, #tpu.memory_space<vmem>> -> memref<256x128xf32, #tpu.memory_space<vmem>>
      tpu.enqueue_dma source(%dma_start3A_378 : memref<256x128xf32, #tpu.memory_space<vmem>>) target(%dma_start3A_374 : memref<256x128xf32, #tpu.memory_space<hbm>>) target_semaphore(%arg9 : memref<!tpu.dma_semaphore, #tpu.memory_space<semaphore_mem>>)
    }
    %scan3A_157 = arith.constant 9 : i32
    %dma_wait3A_158 = arith.constant 0 : i32
    %dma_wait3A_159 = arith.constant 0 : i32
    %dma_wait3A_160 = arith.constant 0 : i32
    %dma_wait3A_161 = tpu.memref_slice %arg6[%dma_wait3A_158, %dma_wait3A_159, %dma_wait3A_160] : memref<2x256x128xf32, #tpu.memory_space<vmem>> -> memref<1x256x128xf32, #tpu.memory_space<vmem>>
    %dma_wait3A_162 = tpu.memref_squeeze %dma_wait3A_161 : memref<1x256x128xf32, #tpu.memory_space<vmem>> -> memref<256x128xf32, #tpu.memory_space<vmem>>
    %dma_wait3A_163 = arith.constant 0 : i32
    %dma_wait3A_164 = tpu.memref_slice %arg4[%mul3A_2, %dma_wait3A_163] : memref<163840x128xf32, #tpu.memory_space<hbm>> -> memref<256x128xf32, #tpu.memory_space<hbm>>
    %dma_wait3A_165 = arith.constant 0 : i32
    %dma_wait3A_166 = tpu.memref_slice %arg4[%mul3A_2, %dma_wait3A_165] : memref<163840x128xf32, #tpu.memory_space<hbm>> -> memref<256x128xf32, #tpu.memory_space<hbm>>
    %dma_wait3A_167 = arith.constant 0 : i32
    %dma_wait3A_168 = arith.constant 0 : i32
    %dma_wait3A_169 = tpu.memref_slice %arg6[%dma_wait3A_158, %dma_wait3A_167, %dma_wait3A_168] : memref<2x256x128xf32, #tpu.memory_space<vmem>> -> memref<1x256x128xf32, #tpu.memory_space<vmem>>
    %dma_wait3A_170 = tpu.memref_squeeze %dma_wait3A_169 : memref<1x256x128xf32, #tpu.memory_space<vmem>> -> memref<256x128xf32, #tpu.memory_space<vmem>>
    tpu.wait_dma2 semaphore(%arg8 : memref<!tpu.dma_semaphore, #tpu.memory_space<semaphore_mem>>) src(%dma_wait3A_170 : memref<256x128xf32, #tpu.memory_space<vmem>>) dst(%dma_wait3A_166 : memref<256x128xf32, #tpu.memory_space<hbm>>)
    %dma_wait3A_171 = arith.constant 1 : i32
    %dma_wait3A_172 = arith.constant 0 : i32
    %dma_wait3A_173 = arith.constant 0 : i32
    %dma_wait3A_174 = tpu.memref_slice %arg6[%dma_wait3A_171, %dma_wait3A_172, %dma_wait3A_173] : memref<2x256x128xf32, #tpu.memory_space<vmem>> -> memref<1x256x128xf32, #tpu.memory_space<vmem>>
    %dma_wait3A_175 = tpu.memref_squeeze %dma_wait3A_174 : memref<1x256x128xf32, #tpu.memory_space<vmem>> -> memref<256x128xf32, #tpu.memory_space<vmem>>
    %dma_wait3A_176 = arith.constant 0 : i32
    %dma_wait3A_177 = tpu.memref_slice %arg4[%mul3A_2, %dma_wait3A_176] : memref<163840x128xf32, #tpu.memory_space<hbm>> -> memref<256x128xf32, #tpu.memory_space<hbm>>
    %dma_wait3A_178 = arith.constant 0 : i32
    %dma_wait3A_179 = tpu.memref_slice %arg4[%mul3A_2, %dma_wait3A_178] : memref<163840x128xf32, #tpu.memory_space<hbm>> -> memref<256x128xf32, #tpu.memory_space<hbm>>
    %dma_wait3A_180 = arith.constant 0 : i32
    %dma_wait3A_181 = arith.constant 0 : i32
    %dma_wait3A_182 = tpu.memref_slice %arg6[%dma_wait3A_171, %dma_wait3A_180, %dma_wait3A_181] : memref<2x256x128xf32, #tpu.memory_space<vmem>> -> memref<1x256x128xf32, #tpu.memory_space<vmem>>
    %dma_wait3A_183 = tpu.memref_squeeze %dma_wait3A_182 : memref<1x256x128xf32, #tpu.memory_space<vmem>> -> memref<256x128xf32, #tpu.memory_space<vmem>>
    tpu.wait_dma2 semaphore(%arg9 : memref<!tpu.dma_semaphore, #tpu.memory_space<semaphore_mem>>) src(%dma_wait3A_183 : memref<256x128xf32, #tpu.memory_space<vmem>>) dst(%dma_wait3A_179 : memref<256x128xf32, #tpu.memory_space<hbm>>)
    return
  }
}

#map = affine_map<(d0, d1) -> (0, 0)>
module attributes {stable_mosaic.version = 14 : i64} {
  func.func @gather_kernel(%arg0: i32, %arg1: i32, %arg2: memref<100000x128xf32, #tpu.memory_space<hbm>>, %arg3: memref<1280x128xi32, #tpu.memory_space<hbm>>, %arg4: memref<163840x128xf32, #tpu.memory_space<hbm>>, %arg5: memref<40x128xi32, #tpu.memory_space<vmem>>, %arg6: memref<2x256x128xf32, #tpu.memory_space<vmem>>, %arg7: memref<!tpu.dma_semaphore, #tpu.memory_space<semaphore_mem>>, %arg8: memref<!tpu.dma_semaphore, #tpu.memory_space<semaphore_mem>>, %arg9: memref<!tpu.dma_semaphore, #tpu.memory_space<semaphore_mem>>) attributes {dimension_semantics = [#tpu.dimension_semantics<core_parallel>, #tpu.dimension_semantics<subcore_parallel>], iteration_bounds = array<i64: 2, 16>, scalar_prefetch = 0 : i64, scratch_operands = 5 : i64, tpu.core_type = #tpu.core_type<sc_vector_subcore>, window_params = [{transform_indices = #map}, {transform_indices = #map}, {transform_indices = #map}]} {
    %mul3A = arith.constant 2 : i32
    %mul3A_0 = arith.muli %arg1, %mul3A : i32
    %add3A = arith.addi %mul3A_0, %arg0 : i32
    %mul3A_1 = arith.constant 5120 : i32
    %mul3A_2 = arith.muli %add3A, %mul3A_1 : i32
    %mul3A_3 = arith.constant 40 : i32
    %mul3A_4 = arith.muli %add3A, %mul3A_3 : i32
    "tpu.region"() ({
      %run_scoped3A = tpu.sem_alloc : memref<!tpu.dma_semaphore, #tpu.memory_space<semaphore_mem>>
      %dma_start3A_184 = arith.constant 0 : i32
      %dma_start3A_185 = tpu.memref_slice %arg3[%mul3A_4, %dma_start3A_184] : memref<1280x128xi32, #tpu.memory_space<hbm>> -> memref<40x128xi32, #tpu.memory_space<hbm>>
      %dma_start3A_186 = arith.constant 0 : i32
      %dma_start3A_187 = tpu.memref_slice %arg3[%mul3A_4, %dma_start3A_186] : memref<1280x128xi32, #tpu.memory_space<hbm>> -> memref<40x128xi32, #tpu.memory_space<hbm>>
      tpu.enqueue_dma source(%dma_start3A_187 : memref<40x128xi32, #tpu.memory_space<hbm>>) target(%arg5 : memref<40x128xi32, #tpu.memory_space<vmem>>) target_semaphore(%run_scoped3A : memref<!tpu.dma_semaphore, #tpu.memory_space<semaphore_mem>>)
      %dma_wait3A_188 = arith.constant 0 : i32
      %dma_wait3A_189 = tpu.memref_slice %arg3[%mul3A_4, %dma_wait3A_188] : memref<1280x128xi32, #tpu.memory_space<hbm>> -> memref<40x128xi32, #tpu.memory_space<hbm>>
      %dma_wait3A_190 = arith.constant 0 : i32
      %dma_wait3A_191 = tpu.memref_slice %arg3[%mul3A_4, %dma_wait3A_190] : memref<1280x128xi32, #tpu.memory_space<hbm>> -> memref<40x128xi32, #tpu.memory_space<hbm>>
      tpu.wait_dma2 semaphore(%run_scoped3A : memref<!tpu.dma_semaphore, #tpu.memory_space<semaphore_mem>>) src(%dma_wait3A_191 : memref<40x128xi32, #tpu.memory_space<hbm>>) dst(%arg5 : memref<40x128xi32, #tpu.memory_space<vmem>>)
      tpu.yield
    }) : () -> ()
    %dma_start3A = arith.constant 0 : i32
    %dma_start3A_5 = arith.constant 0 : i32
    %dma_start3A_6 = arith.constant 0 : i32
    %dma_start3A_7 = arith.constant 0 : i32
    %dma_start3A_8 = tpu.memref_slice %arg6[%dma_start3A_5, %dma_start3A_6, %dma_start3A_7] : memref<2x256x128xf32, #tpu.memory_space<vmem>> -> memref<1x256x128xf32, #tpu.memory_space<vmem>>
    %dma_start3A_9 = tpu.memref_squeeze %dma_start3A_8 : memref<1x256x128xf32, #tpu.memory_space<vmem>> -> memref<256x128xf32, #tpu.memory_space<vmem>>
    %dma_start3A_10 = arith.constant 0 : i32
    %dma_start3A_11 = arith.constant 0 : i32
    %dma_start3A_12 = tpu.memref_slice %dma_start3A_9[%dma_start3A_10, %dma_start3A_11] : memref<256x128xf32, #tpu.memory_space<vmem>> -> memref<128x128xf32, #tpu.memory_space<vmem>>
    %dma_start3A_13 = arith.constant 0 : i32
    %dma_start3A_14 = tpu.memref_slice %arg5[%dma_start3A, %dma_start3A_13] : memref<40x128xi32, #tpu.memory_space<vmem>> -> memref<1x128xi32, #tpu.memory_space<vmem>>
    %dma_start3A_15 = tpu.memref_squeeze %dma_start3A_14 : memref<1x128xi32, #tpu.memory_space<vmem>> -> memref<128xi32, #tpu.memory_space<vmem>>
    %dma_start3A_16 = arith.constant 0 : i32
    %dma_start3A_17 = arith.constant 0 : i32
    %dma_start3A_18 = tpu.memref_slice %arg2[%dma_start3A_16, %dma_start3A_17] : memref<100000x128xf32, #tpu.memory_space<hbm>> -> memref<100000x128xf32, #tpu.memory_space<hbm>>
    tpu.enqueue_indirect_dma source(%dma_start3A_18 : memref<100000x128xf32, #tpu.memory_space<hbm>>) target(%dma_start3A_12 : memref<128x128xf32, #tpu.memory_space<vmem>>) offsets(%dma_start3A_15 : memref<128xi32, #tpu.memory_space<vmem>>) semaphore(%arg7 : memref<!tpu.dma_semaphore, #tpu.memory_space<semaphore_mem>>)
    %dma_start3A_19 = arith.constant 1 : i32
    %dma_start3A_20 = arith.constant 0 : i32
    %dma_start3A_21 = arith.constant 0 : i32
    %dma_start3A_22 = arith.constant 0 : i32
    %dma_start3A_23 = tpu.memref_slice %arg6[%dma_start3A_20, %dma_start3A_21, %dma_start3A_22] : memref<2x256x128xf32, #tpu.memory_space<vmem>> -> memref<1x256x128xf32, #tpu.memory_space<vmem>>
    %dma_start3A_24 = tpu.memref_squeeze %dma_start3A_23 : memref<1x256x128xf32, #tpu.memory_space<vmem>> -> memref<256x128xf32, #tpu.memory_space<vmem>>
    %dma_start3A_25 = arith.constant 128 : i32
    %dma_start3A_26 = arith.constant 0 : i32
    %dma_start3A_27 = tpu.memref_slice %dma_start3A_24[%dma_start3A_25, %dma_start3A_26] : memref<256x128xf32, #tpu.memory_space<vmem>> -> memref<128x128xf32, #tpu.memory_space<vmem>>
    %dma_start3A_28 = arith.constant 0 : i32
    %dma_start3A_29 = tpu.memref_slice %arg5[%dma_start3A_19, %dma_start3A_28] : memref<40x128xi32, #tpu.memory_space<vmem>> -> memref<1x128xi32, #tpu.memory_space<vmem>>
    %dma_start3A_30 = tpu.memref_squeeze %dma_start3A_29 : memref<1x128xi32, #tpu.memory_space<vmem>> -> memref<128xi32, #tpu.memory_space<vmem>>
    %dma_start3A_31 = arith.constant 0 : i32
    %dma_start3A_32 = arith.constant 0 : i32
    %dma_start3A_33 = tpu.memref_slice %arg2[%dma_start3A_31, %dma_start3A_32] : memref<100000x128xf32, #tpu.memory_space<hbm>> -> memref<100000x128xf32, #tpu.memory_space<hbm>>
    tpu.enqueue_indirect_dma source(%dma_start3A_33 : memref<100000x128xf32, #tpu.memory_space<hbm>>) target(%dma_start3A_27 : memref<128x128xf32, #tpu.memory_space<vmem>>) offsets(%dma_start3A_30 : memref<128xi32, #tpu.memory_space<vmem>>) semaphore(%arg7 : memref<!tpu.dma_semaphore, #tpu.memory_space<semaphore_mem>>)
    %dma_wait3A = arith.constant 0 : i32
    %dma_wait3A_34 = arith.constant 0 : i32
    %dma_wait3A_35 = arith.constant 0 : i32
    %dma_wait3A_36 = arith.constant 0 : i32
    %dma_wait3A_37 = tpu.memref_slice %arg6[%dma_wait3A_34, %dma_wait3A_35, %dma_wait3A_36] : memref<2x256x128xf32, #tpu.memory_space<vmem>> -> memref<1x256x128xf32, #tpu.memory_space<vmem>>
    %dma_wait3A_38 = tpu.memref_squeeze %dma_wait3A_37 : memref<1x256x128xf32, #tpu.memory_space<vmem>> -> memref<256x128xf32, #tpu.memory_space<vmem>>
    %dma_wait3A_39 = arith.constant 0 : i32
    %dma_wait3A_40 = arith.constant 0 : i32
    %dma_wait3A_41 = tpu.memref_slice %dma_wait3A_38[%dma_wait3A_39, %dma_wait3A_40] : memref<256x128xf32, #tpu.memory_space<vmem>> -> memref<128x128xf32, #tpu.memory_space<vmem>>
    %dma_wait3A_42 = arith.constant 0 : i32
    %dma_wait3A_43 = tpu.memref_slice %arg5[%dma_wait3A, %dma_wait3A_42] : memref<40x128xi32, #tpu.memory_space<vmem>> -> memref<1x128xi32, #tpu.memory_space<vmem>>
    %dma_wait3A_44 = tpu.memref_squeeze %dma_wait3A_43 : memref<1x128xi32, #tpu.memory_space<vmem>> -> memref<128xi32, #tpu.memory_space<vmem>>
    %dma_wait3A_45 = arith.constant 0 : i32
    %dma_wait3A_46 = arith.constant 0 : i32
    %dma_wait3A_47 = tpu.memref_slice %arg2[%dma_wait3A_45, %dma_wait3A_46] : memref<100000x128xf32, #tpu.memory_space<hbm>> -> memref<100000x128xf32, #tpu.memory_space<hbm>>
    tpu.wait_indirect_dma semaphore(%arg7 : memref<!tpu.dma_semaphore, #tpu.memory_space<semaphore_mem>>) src(%dma_wait3A_47 : memref<100000x128xf32, #tpu.memory_space<hbm>>) dst(%dma_wait3A_41 : memref<128x128xf32, #tpu.memory_space<vmem>>)
    %dma_wait3A_48 = arith.constant 1 : i32
    %dma_wait3A_49 = arith.constant 0 : i32
    %dma_wait3A_50 = arith.constant 0 : i32
    %dma_wait3A_51 = arith.constant 0 : i32
    %dma_wait3A_52 = tpu.memref_slice %arg6[%dma_wait3A_49, %dma_wait3A_50, %dma_wait3A_51] : memref<2x256x128xf32, #tpu.memory_space<vmem>> -> memref<1x256x128xf32, #tpu.memory_space<vmem>>
    %dma_wait3A_53 = tpu.memref_squeeze %dma_wait3A_52 : memref<1x256x128xf32, #tpu.memory_space<vmem>> -> memref<256x128xf32, #tpu.memory_space<vmem>>
    %dma_wait3A_54 = arith.constant 128 : i32
    %dma_wait3A_55 = arith.constant 0 : i32
    %dma_wait3A_56 = tpu.memref_slice %dma_wait3A_53[%dma_wait3A_54, %dma_wait3A_55] : memref<256x128xf32, #tpu.memory_space<vmem>> -> memref<128x128xf32, #tpu.memory_space<vmem>>
    %dma_wait3A_57 = arith.constant 0 : i32
    %dma_wait3A_58 = tpu.memref_slice %arg5[%dma_wait3A_48, %dma_wait3A_57] : memref<40x128xi32, #tpu.memory_space<vmem>> -> memref<1x128xi32, #tpu.memory_space<vmem>>
    %dma_wait3A_59 = tpu.memref_squeeze %dma_wait3A_58 : memref<1x128xi32, #tpu.memory_space<vmem>> -> memref<128xi32, #tpu.memory_space<vmem>>
    %dma_wait3A_60 = arith.constant 0 : i32
    %dma_wait3A_61 = arith.constant 0 : i32
    %dma_wait3A_62 = tpu.memref_slice %arg2[%dma_wait3A_60, %dma_wait3A_61] : memref<100000x128xf32, #tpu.memory_space<hbm>> -> memref<100000x128xf32, #tpu.memory_space<hbm>>
    tpu.wait_indirect_dma semaphore(%arg7 : memref<!tpu.dma_semaphore, #tpu.memory_space<semaphore_mem>>) src(%dma_wait3A_62 : memref<100000x128xf32, #tpu.memory_space<hbm>>) dst(%dma_wait3A_56 : memref<128x128xf32, #tpu.memory_space<vmem>>)
    %add3A_63 = arith.constant 0 : i32
    %add3A_64 = arith.addi %mul3A_2, %add3A_63 : i32
    %dma_start3A_65 = arith.constant 0 : i32
    %dma_start3A_66 = arith.constant 0 : i32
    %dma_start3A_67 = arith.constant 0 : i32
    %dma_start3A_68 = tpu.memref_slice %arg6[%dma_start3A_65, %dma_start3A_66, %dma_start3A_67] : memref<2x256x128xf32, #tpu.memory_space<vmem>> -> memref<1x256x128xf32, #tpu.memory_space<vmem>>
    %dma_start3A_69 = tpu.memref_squeeze %dma_start3A_68 : memref<1x256x128xf32, #tpu.memory_space<vmem>> -> memref<256x128xf32, #tpu.memory_space<vmem>>
    %dma_start3A_70 = arith.constant 0 : i32
    %dma_start3A_71 = tpu.memref_slice %arg4[%add3A_64, %dma_start3A_70] : memref<163840x128xf32, #tpu.memory_space<hbm>> -> memref<256x128xf32, #tpu.memory_space<hbm>>
    %dma_start3A_72 = arith.constant 0 : i32
    %dma_start3A_73 = tpu.memref_slice %arg4[%add3A_64, %dma_start3A_72] : memref<163840x128xf32, #tpu.memory_space<hbm>> -> memref<256x128xf32, #tpu.memory_space<hbm>>
    %dma_start3A_74 = arith.constant 0 : i32
    %dma_start3A_75 = arith.constant 0 : i32
    %dma_start3A_76 = tpu.memref_slice %arg6[%dma_start3A_65, %dma_start3A_74, %dma_start3A_75] : memref<2x256x128xf32, #tpu.memory_space<vmem>> -> memref<1x256x128xf32, #tpu.memory_space<vmem>>
    %dma_start3A_77 = tpu.memref_squeeze %dma_start3A_76 : memref<1x256x128xf32, #tpu.memory_space<vmem>> -> memref<256x128xf32, #tpu.memory_space<vmem>>
    tpu.enqueue_dma source(%dma_start3A_77 : memref<256x128xf32, #tpu.memory_space<vmem>>) target(%dma_start3A_73 : memref<256x128xf32, #tpu.memory_space<hbm>>) target_semaphore(%arg8 : memref<!tpu.dma_semaphore, #tpu.memory_space<semaphore_mem>>)
    %dma_start3A_78 = arith.constant 2 : i32
    %dma_start3A_79 = arith.constant 1 : i32
    %dma_start3A_80 = arith.constant 0 : i32
    %dma_start3A_81 = arith.constant 0 : i32
    %dma_start3A_82 = tpu.memref_slice %arg6[%dma_start3A_79, %dma_start3A_80, %dma_start3A_81] : memref<2x256x128xf32, #tpu.memory_space<vmem>> -> memref<1x256x128xf32, #tpu.memory_space<vmem>>
    %dma_start3A_83 = tpu.memref_squeeze %dma_start3A_82 : memref<1x256x128xf32, #tpu.memory_space<vmem>> -> memref<256x128xf32, #tpu.memory_space<vmem>>
    %dma_start3A_84 = arith.constant 0 : i32
    %dma_start3A_85 = arith.constant 0 : i32
    %dma_start3A_86 = tpu.memref_slice %dma_start3A_83[%dma_start3A_84, %dma_start3A_85] : memref<256x128xf32, #tpu.memory_space<vmem>> -> memref<128x128xf32, #tpu.memory_space<vmem>>
    %dma_start3A_87 = arith.constant 0 : i32
    %dma_start3A_88 = tpu.memref_slice %arg5[%dma_start3A_78, %dma_start3A_87] : memref<40x128xi32, #tpu.memory_space<vmem>> -> memref<1x128xi32, #tpu.memory_space<vmem>>
    %dma_start3A_89 = tpu.memref_squeeze %dma_start3A_88 : memref<1x128xi32, #tpu.memory_space<vmem>> -> memref<128xi32, #tpu.memory_space<vmem>>
    %dma_start3A_90 = arith.constant 0 : i32
    %dma_start3A_91 = arith.constant 0 : i32
    %dma_start3A_92 = tpu.memref_slice %arg2[%dma_start3A_90, %dma_start3A_91] : memref<100000x128xf32, #tpu.memory_space<hbm>> -> memref<100000x128xf32, #tpu.memory_space<hbm>>
    tpu.enqueue_indirect_dma source(%dma_start3A_92 : memref<100000x128xf32, #tpu.memory_space<hbm>>) target(%dma_start3A_86 : memref<128x128xf32, #tpu.memory_space<vmem>>) offsets(%dma_start3A_89 : memref<128xi32, #tpu.memory_space<vmem>>) semaphore(%arg7 : memref<!tpu.dma_semaphore, #tpu.memory_space<semaphore_mem>>)
    %dma_start3A_93 = arith.constant 3 : i32
    %dma_start3A_94 = arith.constant 1 : i32
    %dma_start3A_95 = arith.constant 0 : i32
    %dma_start3A_96 = arith.constant 0 : i32
    %dma_start3A_97 = tpu.memref_slice %arg6[%dma_start3A_94, %dma_start3A_95, %dma_start3A_96] : memref<2x256x128xf32, #tpu.memory_space<vmem>> -> memref<1x256x128xf32, #tpu.memory_space<vmem>>
    %dma_start3A_98 = tpu.memref_squeeze %dma_start3A_97 : memref<1x256x128xf32, #tpu.memory_space<vmem>> -> memref<256x128xf32, #tpu.memory_space<vmem>>
    %dma_start3A_99 = arith.constant 128 : i32
    %dma_start3A_100 = arith.constant 0 : i32
    %dma_start3A_101 = tpu.memref_slice %dma_start3A_98[%dma_start3A_99, %dma_start3A_100] : memref<256x128xf32, #tpu.memory_space<vmem>> -> memref<128x128xf32, #tpu.memory_space<vmem>>
    %dma_start3A_102 = arith.constant 0 : i32
    %dma_start3A_103 = tpu.memref_slice %arg5[%dma_start3A_93, %dma_start3A_102] : memref<40x128xi32, #tpu.memory_space<vmem>> -> memref<1x128xi32, #tpu.memory_space<vmem>>
    %dma_start3A_104 = tpu.memref_squeeze %dma_start3A_103 : memref<1x128xi32, #tpu.memory_space<vmem>> -> memref<128xi32, #tpu.memory_space<vmem>>
    %dma_start3A_105 = arith.constant 0 : i32
    %dma_start3A_106 = arith.constant 0 : i32
    %dma_start3A_107 = tpu.memref_slice %arg2[%dma_start3A_105, %dma_start3A_106] : memref<100000x128xf32, #tpu.memory_space<hbm>> -> memref<100000x128xf32, #tpu.memory_space<hbm>>
    tpu.enqueue_indirect_dma source(%dma_start3A_107 : memref<100000x128xf32, #tpu.memory_space<hbm>>) target(%dma_start3A_101 : memref<128x128xf32, #tpu.memory_space<vmem>>) offsets(%dma_start3A_104 : memref<128xi32, #tpu.memory_space<vmem>>) semaphore(%arg7 : memref<!tpu.dma_semaphore, #tpu.memory_space<semaphore_mem>>)
    %dma_wait3A_108 = arith.constant 2 : i32
    %dma_wait3A_109 = arith.constant 1 : i32
    %dma_wait3A_110 = arith.constant 0 : i32
    %dma_wait3A_111 = arith.constant 0 : i32
    %dma_wait3A_112 = tpu.memref_slice %arg6[%dma_wait3A_109, %dma_wait3A_110, %dma_wait3A_111] : memref<2x256x128xf32, #tpu.memory_space<vmem>> -> memref<1x256x128xf32, #tpu.memory_space<vmem>>
    %dma_wait3A_113 = tpu.memref_squeeze %dma_wait3A_112 : memref<1x256x128xf32, #tpu.memory_space<vmem>> -> memref<256x128xf32, #tpu.memory_space<vmem>>
    %dma_wait3A_114 = arith.constant 0 : i32
    %dma_wait3A_115 = arith.constant 0 : i32
    %dma_wait3A_116 = tpu.memref_slice %dma_wait3A_113[%dma_wait3A_114, %dma_wait3A_115] : memref<256x128xf32, #tpu.memory_space<vmem>> -> memref<128x128xf32, #tpu.memory_space<vmem>>
    %dma_wait3A_117 = arith.constant 0 : i32
    %dma_wait3A_118 = tpu.memref_slice %arg5[%dma_wait3A_108, %dma_wait3A_117] : memref<40x128xi32, #tpu.memory_space<vmem>> -> memref<1x128xi32, #tpu.memory_space<vmem>>
    %dma_wait3A_119 = tpu.memref_squeeze %dma_wait3A_118 : memref<1x128xi32, #tpu.memory_space<vmem>> -> memref<128xi32, #tpu.memory_space<vmem>>
    %dma_wait3A_120 = arith.constant 0 : i32
    %dma_wait3A_121 = arith.constant 0 : i32
    %dma_wait3A_122 = tpu.memref_slice %arg2[%dma_wait3A_120, %dma_wait3A_121] : memref<100000x128xf32, #tpu.memory_space<hbm>> -> memref<100000x128xf32, #tpu.memory_space<hbm>>
    tpu.wait_indirect_dma semaphore(%arg7 : memref<!tpu.dma_semaphore, #tpu.memory_space<semaphore_mem>>) src(%dma_wait3A_122 : memref<100000x128xf32, #tpu.memory_space<hbm>>) dst(%dma_wait3A_116 : memref<128x128xf32, #tpu.memory_space<vmem>>)
    %dma_wait3A_123 = arith.constant 3 : i32
    %dma_wait3A_124 = arith.constant 1 : i32
    %dma_wait3A_125 = arith.constant 0 : i32
    %dma_wait3A_126 = arith.constant 0 : i32
    %dma_wait3A_127 = tpu.memref_slice %arg6[%dma_wait3A_124, %dma_wait3A_125, %dma_wait3A_126] : memref<2x256x128xf32, #tpu.memory_space<vmem>> -> memref<1x256x128xf32, #tpu.memory_space<vmem>>
    %dma_wait3A_128 = tpu.memref_squeeze %dma_wait3A_127 : memref<1x256x128xf32, #tpu.memory_space<vmem>> -> memref<256x128xf32, #tpu.memory_space<vmem>>
    %dma_wait3A_129 = arith.constant 128 : i32
    %dma_wait3A_130 = arith.constant 0 : i32
    %dma_wait3A_131 = tpu.memref_slice %dma_wait3A_128[%dma_wait3A_129, %dma_wait3A_130] : memref<256x128xf32, #tpu.memory_space<vmem>> -> memref<128x128xf32, #tpu.memory_space<vmem>>
    %dma_wait3A_132 = arith.constant 0 : i32
    %dma_wait3A_133 = tpu.memref_slice %arg5[%dma_wait3A_123, %dma_wait3A_132] : memref<40x128xi32, #tpu.memory_space<vmem>> -> memref<1x128xi32, #tpu.memory_space<vmem>>
    %dma_wait3A_134 = tpu.memref_squeeze %dma_wait3A_133 : memref<1x128xi32, #tpu.memory_space<vmem>> -> memref<128xi32, #tpu.memory_space<vmem>>
    %dma_wait3A_135 = arith.constant 0 : i32
    %dma_wait3A_136 = arith.constant 0 : i32
    %dma_wait3A_137 = tpu.memref_slice %arg2[%dma_wait3A_135, %dma_wait3A_136] : memref<100000x128xf32, #tpu.memory_space<hbm>> -> memref<100000x128xf32, #tpu.memory_space<hbm>>
    tpu.wait_indirect_dma semaphore(%arg7 : memref<!tpu.dma_semaphore, #tpu.memory_space<semaphore_mem>>) src(%dma_wait3A_137 : memref<100000x128xf32, #tpu.memory_space<hbm>>) dst(%dma_wait3A_131 : memref<128x128xf32, #tpu.memory_space<vmem>>)
    %add3A_138 = arith.constant 256 : i32
    %add3A_139 = arith.addi %mul3A_2, %add3A_138 : i32
    %dma_start3A_140 = arith.constant 1 : i32
    %dma_start3A_141 = arith.constant 0 : i32
    %dma_start3A_142 = arith.constant 0 : i32
    %dma_start3A_143 = tpu.memref_slice %arg6[%dma_start3A_140, %dma_start3A_141, %dma_start3A_142] : memref<2x256x128xf32, #tpu.memory_space<vmem>> -> memref<1x256x128xf32, #tpu.memory_space<vmem>>
    %dma_start3A_144 = tpu.memref_squeeze %dma_start3A_143 : memref<1x256x128xf32, #tpu.memory_space<vmem>> -> memref<256x128xf32, #tpu.memory_space<vmem>>
    %dma_start3A_145 = arith.constant 0 : i32
    %dma_start3A_146 = tpu.memref_slice %arg4[%add3A_139, %dma_start3A_145] : memref<163840x128xf32, #tpu.memory_space<hbm>> -> memref<256x128xf32, #tpu.memory_space<hbm>>
    %dma_start3A_147 = arith.constant 0 : i32
    %dma_start3A_148 = tpu.memref_slice %arg4[%add3A_139, %dma_start3A_147] : memref<163840x128xf32, #tpu.memory_space<hbm>> -> memref<256x128xf32, #tpu.memory_space<hbm>>
    %dma_start3A_149 = arith.constant 0 : i32
    %dma_start3A_150 = arith.constant 0 : i32
    %dma_start3A_151 = tpu.memref_slice %arg6[%dma_start3A_140, %dma_start3A_149, %dma_start3A_150] : memref<2x256x128xf32, #tpu.memory_space<vmem>> -> memref<1x256x128xf32, #tpu.memory_space<vmem>>
    %dma_start3A_152 = tpu.memref_squeeze %dma_start3A_151 : memref<1x256x128xf32, #tpu.memory_space<vmem>> -> memref<256x128xf32, #tpu.memory_space<vmem>>
    tpu.enqueue_dma source(%dma_start3A_152 : memref<256x128xf32, #tpu.memory_space<vmem>>) target(%dma_start3A_148 : memref<256x128xf32, #tpu.memory_space<hbm>>) target_semaphore(%arg9 : memref<!tpu.dma_semaphore, #tpu.memory_space<semaphore_mem>>)
    %scan3A = arith.constant 0 : i32
    %scan3A_153 = arith.constant 1 : i32
    %scan3A_154 = arith.constant 9 : i32
    %scan3A_155 = arith.addi %scan3A_153, %scan3A_154 : i32
    %scan3A_156 = arith.constant 1 : i32
    scf.for %scan3A_184 = %scan3A_153 to %scan3A_155 step %scan3A_156  : i32 {
      %mul3A_185 = arith.constant 2 : i32
      %mul3A_186 = arith.muli %scan3A_184, %mul3A_185 : i32
      %add3A_187 = arith.constant 0 : i32
      %add3A_188 = arith.addi %mul3A_186, %add3A_187 : i32
      %dma_wait3A_189 = arith.constant 0 : i32
      %dma_wait3A_190 = arith.constant 0 : i32
      %dma_wait3A_191 = arith.constant 0 : i32
      %dma_wait3A_192 = tpu.memref_slice %arg6[%dma_wait3A_189, %dma_wait3A_190, %dma_wait3A_191] : memref<2x256x128xf32, #tpu.memory_space<vmem>> -> memref<1x256x128xf32, #tpu.memory_space<vmem>>
      %dma_wait3A_193 = tpu.memref_squeeze %dma_wait3A_192 : memref<1x256x128xf32, #tpu.memory_space<vmem>> -> memref<256x128xf32, #tpu.memory_space<vmem>>
      %dma_wait3A_194 = arith.constant 0 : i32
      %dma_wait3A_195 = tpu.memref_slice %arg4[%mul3A_2, %dma_wait3A_194] : memref<163840x128xf32, #tpu.memory_space<hbm>> -> memref<256x128xf32, #tpu.memory_space<hbm>>
      %dma_wait3A_196 = arith.constant 0 : i32
      %dma_wait3A_197 = tpu.memref_slice %arg4[%mul3A_2, %dma_wait3A_196] : memref<163840x128xf32, #tpu.memory_space<hbm>> -> memref<256x128xf32, #tpu.memory_space<hbm>>
      %dma_wait3A_198 = arith.constant 0 : i32
      %dma_wait3A_199 = arith.constant 0 : i32
      %dma_wait3A_200 = tpu.memref_slice %arg6[%dma_wait3A_189, %dma_wait3A_198, %dma_wait3A_199] : memref<2x256x128xf32, #tpu.memory_space<vmem>> -> memref<1x256x128xf32, #tpu.memory_space<vmem>>
      %dma_wait3A_201 = tpu.memref_squeeze %dma_wait3A_200 : memref<1x256x128xf32, #tpu.memory_space<vmem>> -> memref<256x128xf32, #tpu.memory_space<vmem>>
      tpu.wait_dma2 semaphore(%arg8 : memref<!tpu.dma_semaphore, #tpu.memory_space<semaphore_mem>>) src(%dma_wait3A_201 : memref<256x128xf32, #tpu.memory_space<vmem>>) dst(%dma_wait3A_197 : memref<256x128xf32, #tpu.memory_space<hbm>>)
      %mul3A_202 = arith.constant 2 : i32
      %mul3A_203 = arith.muli %add3A_188, %mul3A_202 : i32
      %add3A_204 = arith.constant 0 : i32
      %add3A_205 = arith.addi %mul3A_203, %add3A_204 : i32
      %dma_start3A_206 = arith.constant 0 : i32
      %dma_start3A_207 = arith.constant 0 : i32
      %dma_start3A_208 = arith.constant 0 : i32
      %dma_start3A_209 = tpu.memref_slice %arg6[%dma_start3A_206, %dma_start3A_207, %dma_start3A_208] : memref<2x256x128xf32, #tpu.memory_space<vmem>> -> memref<1x256x128xf32, #tpu.memory_space<vmem>>
      %dma_start3A_210 = tpu.memref_squeeze %dma_start3A_209 : memref<1x256x128xf32, #tpu.memory_space<vmem>> -> memref<256x128xf32, #tpu.memory_space<vmem>>
      %dma_start3A_211 = arith.constant 0 : i32
      %dma_start3A_212 = arith.constant 0 : i32
      %dma_start3A_213 = tpu.memref_slice %dma_start3A_210[%dma_start3A_211, %dma_start3A_212] : memref<256x128xf32, #tpu.memory_space<vmem>> -> memref<128x128xf32, #tpu.memory_space<vmem>>
      %dma_start3A_214 = arith.constant 0 : i32
      %dma_start3A_215 = tpu.memref_slice %arg5[%add3A_205, %dma_start3A_214] : memref<40x128xi32, #tpu.memory_space<vmem>> -> memref<1x128xi32, #tpu.memory_space<vmem>>
      %dma_start3A_216 = tpu.memref_squeeze %dma_start3A_215 : memref<1x128xi32, #tpu.memory_space<vmem>> -> memref<128xi32, #tpu.memory_space<vmem>>
      %dma_start3A_217 = arith.constant 0 : i32
      %dma_start3A_218 = arith.constant 0 : i32
      %dma_start3A_219 = tpu.memref_slice %arg2[%dma_start3A_217, %dma_start3A_218] : memref<100000x128xf32, #tpu.memory_space<hbm>> -> memref<100000x128xf32, #tpu.memory_space<hbm>>
      tpu.enqueue_indirect_dma source(%dma_start3A_219 : memref<100000x128xf32, #tpu.memory_space<hbm>>) target(%dma_start3A_213 : memref<128x128xf32, #tpu.memory_space<vmem>>) offsets(%dma_start3A_216 : memref<128xi32, #tpu.memory_space<vmem>>) semaphore(%arg7 : memref<!tpu.dma_semaphore, #tpu.memory_space<semaphore_mem>>)
      %mul3A_220 = arith.constant 2 : i32
      %mul3A_221 = arith.muli %add3A_188, %mul3A_220 : i32
      %add3A_222 = arith.constant 1 : i32
      %add3A_223 = arith.addi %mul3A_221, %add3A_222 : i32
      %dma_start3A_224 = arith.constant 0 : i32
      %dma_start3A_225 = arith.constant 0 : i32
      %dma_start3A_226 = arith.constant 0 : i32
      %dma_start3A_227 = tpu.memref_slice %arg6[%dma_start3A_224, %dma_start3A_225, %dma_start3A_226] : memref<2x256x128xf32, #tpu.memory_space<vmem>> -> memref<1x256x128xf32, #tpu.memory_space<vmem>>
      %dma_start3A_228 = tpu.memref_squeeze %dma_start3A_227 : memref<1x256x128xf32, #tpu.memory_space<vmem>> -> memref<256x128xf32, #tpu.memory_space<vmem>>
      %dma_start3A_229 = arith.constant 128 : i32
      %dma_start3A_230 = arith.constant 0 : i32
      %dma_start3A_231 = tpu.memref_slice %dma_start3A_228[%dma_start3A_229, %dma_start3A_230] : memref<256x128xf32, #tpu.memory_space<vmem>> -> memref<128x128xf32, #tpu.memory_space<vmem>>
      %dma_start3A_232 = arith.constant 0 : i32
      %dma_start3A_233 = tpu.memref_slice %arg5[%add3A_223, %dma_start3A_232] : memref<40x128xi32, #tpu.memory_space<vmem>> -> memref<1x128xi32, #tpu.memory_space<vmem>>
      %dma_start3A_234 = tpu.memref_squeeze %dma_start3A_233 : memref<1x128xi32, #tpu.memory_space<vmem>> -> memref<128xi32, #tpu.memory_space<vmem>>
      %dma_start3A_235 = arith.constant 0 : i32
      %dma_start3A_236 = arith.constant 0 : i32
      %dma_start3A_237 = tpu.memref_slice %arg2[%dma_start3A_235, %dma_start3A_236] : memref<100000x128xf32, #tpu.memory_space<hbm>> -> memref<100000x128xf32, #tpu.memory_space<hbm>>
      tpu.enqueue_indirect_dma source(%dma_start3A_237 : memref<100000x128xf32, #tpu.memory_space<hbm>>) target(%dma_start3A_231 : memref<128x128xf32, #tpu.memory_space<vmem>>) offsets(%dma_start3A_234 : memref<128xi32, #tpu.memory_space<vmem>>) semaphore(%arg7 : memref<!tpu.dma_semaphore, #tpu.memory_space<semaphore_mem>>)
      %dma_wait3A_238 = arith.constant 0 : i32
      %dma_wait3A_239 = arith.constant 0 : i32
      %dma_wait3A_240 = arith.constant 0 : i32
      %dma_wait3A_241 = tpu.memref_slice %arg6[%dma_wait3A_238, %dma_wait3A_239, %dma_wait3A_240] : memref<2x256x128xf32, #tpu.memory_space<vmem>> -> memref<1x256x128xf32, #tpu.memory_space<vmem>>
      %dma_wait3A_242 = tpu.memref_squeeze %dma_wait3A_241 : memref<1x256x128xf32, #tpu.memory_space<vmem>> -> memref<256x128xf32, #tpu.memory_space<vmem>>
      %dma_wait3A_243 = arith.constant 0 : i32
      %dma_wait3A_244 = arith.constant 0 : i32
      %dma_wait3A_245 = tpu.memref_slice %dma_wait3A_242[%dma_wait3A_243, %dma_wait3A_244] : memref<256x128xf32, #tpu.memory_space<vmem>> -> memref<128x128xf32, #tpu.memory_space<vmem>>
      %dma_wait3A_246 = arith.constant 0 : i32
      %dma_wait3A_247 = tpu.memref_slice %arg5[%add3A_205, %dma_wait3A_246] : memref<40x128xi32, #tpu.memory_space<vmem>> -> memref<1x128xi32, #tpu.memory_space<vmem>>
      %dma_wait3A_248 = tpu.memref_squeeze %dma_wait3A_247 : memref<1x128xi32, #tpu.memory_space<vmem>> -> memref<128xi32, #tpu.memory_space<vmem>>
      %dma_wait3A_249 = arith.constant 0 : i32
      %dma_wait3A_250 = arith.constant 0 : i32
      %dma_wait3A_251 = tpu.memref_slice %arg2[%dma_wait3A_249, %dma_wait3A_250] : memref<100000x128xf32, #tpu.memory_space<hbm>> -> memref<100000x128xf32, #tpu.memory_space<hbm>>
      tpu.wait_indirect_dma semaphore(%arg7 : memref<!tpu.dma_semaphore, #tpu.memory_space<semaphore_mem>>) src(%dma_wait3A_251 : memref<100000x128xf32, #tpu.memory_space<hbm>>) dst(%dma_wait3A_245 : memref<128x128xf32, #tpu.memory_space<vmem>>)
      %dma_wait3A_252 = arith.constant 0 : i32
      %dma_wait3A_253 = arith.constant 0 : i32
      %dma_wait3A_254 = arith.constant 0 : i32
      %dma_wait3A_255 = tpu.memref_slice %arg6[%dma_wait3A_252, %dma_wait3A_253, %dma_wait3A_254] : memref<2x256x128xf32, #tpu.memory_space<vmem>> -> memref<1x256x128xf32, #tpu.memory_space<vmem>>
      %dma_wait3A_256 = tpu.memref_squeeze %dma_wait3A_255 : memref<1x256x128xf32, #tpu.memory_space<vmem>> -> memref<256x128xf32, #tpu.memory_space<vmem>>
      %dma_wait3A_257 = arith.constant 128 : i32
      %dma_wait3A_258 = arith.constant 0 : i32
      %dma_wait3A_259 = tpu.memref_slice %dma_wait3A_256[%dma_wait3A_257, %dma_wait3A_258] : memref<256x128xf32, #tpu.memory_space<vmem>> -> memref<128x128xf32, #tpu.memory_space<vmem>>
      %dma_wait3A_260 = arith.constant 0 : i32
      %dma_wait3A_261 = tpu.memref_slice %arg5[%add3A_223, %dma_wait3A_260] : memref<40x128xi32, #tpu.memory_space<vmem>> -> memref<1x128xi32, #tpu.memory_space<vmem>>
      %dma_wait3A_262 = tpu.memref_squeeze %dma_wait3A_261 : memref<1x128xi32, #tpu.memory_space<vmem>> -> memref<128xi32, #tpu.memory_space<vmem>>
      %dma_wait3A_263 = arith.constant 0 : i32
      %dma_wait3A_264 = arith.constant 0 : i32
      %dma_wait3A_265 = tpu.memref_slice %arg2[%dma_wait3A_263, %dma_wait3A_264] : memref<100000x128xf32, #tpu.memory_space<hbm>> -> memref<100000x128xf32, #tpu.memory_space<hbm>>
      tpu.wait_indirect_dma semaphore(%arg7 : memref<!tpu.dma_semaphore, #tpu.memory_space<semaphore_mem>>) src(%dma_wait3A_265 : memref<100000x128xf32, #tpu.memory_space<hbm>>) dst(%dma_wait3A_259 : memref<128x128xf32, #tpu.memory_space<vmem>>)
      %mul3A_266 = arith.constant 256 : i32
      %mul3A_267 = arith.muli %add3A_188, %mul3A_266 : i32
      %add3A_268 = arith.addi %mul3A_2, %mul3A_267 : i32
      %dma_start3A_269 = arith.constant 0 : i32
      %dma_start3A_270 = arith.constant 0 : i32
      %dma_start3A_271 = arith.constant 0 : i32
      %dma_start3A_272 = tpu.memref_slice %arg6[%dma_start3A_269, %dma_start3A_270, %dma_start3A_271] : memref<2x256x128xf32, #tpu.memory_space<vmem>> -> memref<1x256x128xf32, #tpu.memory_space<vmem>>
      %dma_start3A_273 = tpu.memref_squeeze %dma_start3A_272 : memref<1x256x128xf32, #tpu.memory_space<vmem>> -> memref<256x128xf32, #tpu.memory_space<vmem>>
      %dma_start3A_274 = arith.constant 0 : i32
      %dma_start3A_275 = tpu.memref_slice %arg4[%add3A_268, %dma_start3A_274] : memref<163840x128xf32, #tpu.memory_space<hbm>> -> memref<256x128xf32, #tpu.memory_space<hbm>>
      %dma_start3A_276 = arith.constant 0 : i32
      %dma_start3A_277 = tpu.memref_slice %arg4[%add3A_268, %dma_start3A_276] : memref<163840x128xf32, #tpu.memory_space<hbm>> -> memref<256x128xf32, #tpu.memory_space<hbm>>
      %dma_start3A_278 = arith.constant 0 : i32
      %dma_start3A_279 = arith.constant 0 : i32
      %dma_start3A_280 = tpu.memref_slice %arg6[%dma_start3A_269, %dma_start3A_278, %dma_start3A_279] : memref<2x256x128xf32, #tpu.memory_space<vmem>> -> memref<1x256x128xf32, #tpu.memory_space<vmem>>
      %dma_start3A_281 = tpu.memref_squeeze %dma_start3A_280 : memref<1x256x128xf32, #tpu.memory_space<vmem>> -> memref<256x128xf32, #tpu.memory_space<vmem>>
      tpu.enqueue_dma source(%dma_start3A_281 : memref<256x128xf32, #tpu.memory_space<vmem>>) target(%dma_start3A_277 : memref<256x128xf32, #tpu.memory_space<hbm>>) target_semaphore(%arg8 : memref<!tpu.dma_semaphore, #tpu.memory_space<semaphore_mem>>)
      %mul3A_282 = arith.constant 2 : i32
      %mul3A_283 = arith.muli %scan3A_184, %mul3A_282 : i32
      %add3A_284 = arith.constant 1 : i32
      %add3A_285 = arith.addi %mul3A_283, %add3A_284 : i32
      %dma_wait3A_286 = arith.constant 1 : i32
      %dma_wait3A_287 = arith.constant 0 : i32
      %dma_wait3A_288 = arith.constant 0 : i32
      %dma_wait3A_289 = tpu.memref_slice %arg6[%dma_wait3A_286, %dma_wait3A_287, %dma_wait3A_288] : memref<2x256x128xf32, #tpu.memory_space<vmem>> -> memref<1x256x128xf32, #tpu.memory_space<vmem>>
      %dma_wait3A_290 = tpu.memref_squeeze %dma_wait3A_289 : memref<1x256x128xf32, #tpu.memory_space<vmem>> -> memref<256x128xf32, #tpu.memory_space<vmem>>
      %dma_wait3A_291 = arith.constant 0 : i32
      %dma_wait3A_292 = tpu.memref_slice %arg4[%mul3A_2, %dma_wait3A_291] : memref<163840x128xf32, #tpu.memory_space<hbm>> -> memref<256x128xf32, #tpu.memory_space<hbm>>
      %dma_wait3A_293 = arith.constant 0 : i32
      %dma_wait3A_294 = tpu.memref_slice %arg4[%mul3A_2, %dma_wait3A_293] : memref<163840x128xf32, #tpu.memory_space<hbm>> -> memref<256x128xf32, #tpu.memory_space<hbm>>
      %dma_wait3A_295 = arith.constant 0 : i32
      %dma_wait3A_296 = arith.constant 0 : i32
      %dma_wait3A_297 = tpu.memref_slice %arg6[%dma_wait3A_286, %dma_wait3A_295, %dma_wait3A_296] : memref<2x256x128xf32, #tpu.memory_space<vmem>> -> memref<1x256x128xf32, #tpu.memory_space<vmem>>
      %dma_wait3A_298 = tpu.memref_squeeze %dma_wait3A_297 : memref<1x256x128xf32, #tpu.memory_space<vmem>> -> memref<256x128xf32, #tpu.memory_space<vmem>>
      tpu.wait_dma2 semaphore(%arg9 : memref<!tpu.dma_semaphore, #tpu.memory_space<semaphore_mem>>) src(%dma_wait3A_298 : memref<256x128xf32, #tpu.memory_space<vmem>>) dst(%dma_wait3A_294 : memref<256x128xf32, #tpu.memory_space<hbm>>)
      %mul3A_299 = arith.constant 2 : i32
      %mul3A_300 = arith.muli %add3A_285, %mul3A_299 : i32
      %add3A_301 = arith.constant 0 : i32
      %add3A_302 = arith.addi %mul3A_300, %add3A_301 : i32
      %dma_start3A_303 = arith.constant 1 : i32
      %dma_start3A_304 = arith.constant 0 : i32
      %dma_start3A_305 = arith.constant 0 : i32
      %dma_start3A_306 = tpu.memref_slice %arg6[%dma_start3A_303, %dma_start3A_304, %dma_start3A_305] : memref<2x256x128xf32, #tpu.memory_space<vmem>> -> memref<1x256x128xf32, #tpu.memory_space<vmem>>
      %dma_start3A_307 = tpu.memref_squeeze %dma_start3A_306 : memref<1x256x128xf32, #tpu.memory_space<vmem>> -> memref<256x128xf32, #tpu.memory_space<vmem>>
      %dma_start3A_308 = arith.constant 0 : i32
      %dma_start3A_309 = arith.constant 0 : i32
      %dma_start3A_310 = tpu.memref_slice %dma_start3A_307[%dma_start3A_308, %dma_start3A_309] : memref<256x128xf32, #tpu.memory_space<vmem>> -> memref<128x128xf32, #tpu.memory_space<vmem>>
      %dma_start3A_311 = arith.constant 0 : i32
      %dma_start3A_312 = tpu.memref_slice %arg5[%add3A_302, %dma_start3A_311] : memref<40x128xi32, #tpu.memory_space<vmem>> -> memref<1x128xi32, #tpu.memory_space<vmem>>
      %dma_start3A_313 = tpu.memref_squeeze %dma_start3A_312 : memref<1x128xi32, #tpu.memory_space<vmem>> -> memref<128xi32, #tpu.memory_space<vmem>>
      %dma_start3A_314 = arith.constant 0 : i32
      %dma_start3A_315 = arith.constant 0 : i32
      %dma_start3A_316 = tpu.memref_slice %arg2[%dma_start3A_314, %dma_start3A_315] : memref<100000x128xf32, #tpu.memory_space<hbm>> -> memref<100000x128xf32, #tpu.memory_space<hbm>>
      tpu.enqueue_indirect_dma source(%dma_start3A_316 : memref<100000x128xf32, #tpu.memory_space<hbm>>) target(%dma_start3A_310 : memref<128x128xf32, #tpu.memory_space<vmem>>) offsets(%dma_start3A_313 : memref<128xi32, #tpu.memory_space<vmem>>) semaphore(%arg7 : memref<!tpu.dma_semaphore, #tpu.memory_space<semaphore_mem>>)
      %mul3A_317 = arith.constant 2 : i32
      %mul3A_318 = arith.muli %add3A_285, %mul3A_317 : i32
      %add3A_319 = arith.constant 1 : i32
      %add3A_320 = arith.addi %mul3A_318, %add3A_319 : i32
      %dma_start3A_321 = arith.constant 1 : i32
      %dma_start3A_322 = arith.constant 0 : i32
      %dma_start3A_323 = arith.constant 0 : i32
      %dma_start3A_324 = tpu.memref_slice %arg6[%dma_start3A_321, %dma_start3A_322, %dma_start3A_323] : memref<2x256x128xf32, #tpu.memory_space<vmem>> -> memref<1x256x128xf32, #tpu.memory_space<vmem>>
      %dma_start3A_325 = tpu.memref_squeeze %dma_start3A_324 : memref<1x256x128xf32, #tpu.memory_space<vmem>> -> memref<256x128xf32, #tpu.memory_space<vmem>>
      %dma_start3A_326 = arith.constant 128 : i32
      %dma_start3A_327 = arith.constant 0 : i32
      %dma_start3A_328 = tpu.memref_slice %dma_start3A_325[%dma_start3A_326, %dma_start3A_327] : memref<256x128xf32, #tpu.memory_space<vmem>> -> memref<128x128xf32, #tpu.memory_space<vmem>>
      %dma_start3A_329 = arith.constant 0 : i32
      %dma_start3A_330 = tpu.memref_slice %arg5[%add3A_320, %dma_start3A_329] : memref<40x128xi32, #tpu.memory_space<vmem>> -> memref<1x128xi32, #tpu.memory_space<vmem>>
      %dma_start3A_331 = tpu.memref_squeeze %dma_start3A_330 : memref<1x128xi32, #tpu.memory_space<vmem>> -> memref<128xi32, #tpu.memory_space<vmem>>
      %dma_start3A_332 = arith.constant 0 : i32
      %dma_start3A_333 = arith.constant 0 : i32
      %dma_start3A_334 = tpu.memref_slice %arg2[%dma_start3A_332, %dma_start3A_333] : memref<100000x128xf32, #tpu.memory_space<hbm>> -> memref<100000x128xf32, #tpu.memory_space<hbm>>
      tpu.enqueue_indirect_dma source(%dma_start3A_334 : memref<100000x128xf32, #tpu.memory_space<hbm>>) target(%dma_start3A_328 : memref<128x128xf32, #tpu.memory_space<vmem>>) offsets(%dma_start3A_331 : memref<128xi32, #tpu.memory_space<vmem>>) semaphore(%arg7 : memref<!tpu.dma_semaphore, #tpu.memory_space<semaphore_mem>>)
      %dma_wait3A_335 = arith.constant 1 : i32
      %dma_wait3A_336 = arith.constant 0 : i32
      %dma_wait3A_337 = arith.constant 0 : i32
      %dma_wait3A_338 = tpu.memref_slice %arg6[%dma_wait3A_335, %dma_wait3A_336, %dma_wait3A_337] : memref<2x256x128xf32, #tpu.memory_space<vmem>> -> memref<1x256x128xf32, #tpu.memory_space<vmem>>
      %dma_wait3A_339 = tpu.memref_squeeze %dma_wait3A_338 : memref<1x256x128xf32, #tpu.memory_space<vmem>> -> memref<256x128xf32, #tpu.memory_space<vmem>>
      %dma_wait3A_340 = arith.constant 0 : i32
      %dma_wait3A_341 = arith.constant 0 : i32
      %dma_wait3A_342 = tpu.memref_slice %dma_wait3A_339[%dma_wait3A_340, %dma_wait3A_341] : memref<256x128xf32, #tpu.memory_space<vmem>> -> memref<128x128xf32, #tpu.memory_space<vmem>>
      %dma_wait3A_343 = arith.constant 0 : i32
      %dma_wait3A_344 = tpu.memref_slice %arg5[%add3A_302, %dma_wait3A_343] : memref<40x128xi32, #tpu.memory_space<vmem>> -> memref<1x128xi32, #tpu.memory_space<vmem>>
      %dma_wait3A_345 = tpu.memref_squeeze %dma_wait3A_344 : memref<1x128xi32, #tpu.memory_space<vmem>> -> memref<128xi32, #tpu.memory_space<vmem>>
      %dma_wait3A_346 = arith.constant 0 : i32
      %dma_wait3A_347 = arith.constant 0 : i32
      %dma_wait3A_348 = tpu.memref_slice %arg2[%dma_wait3A_346, %dma_wait3A_347] : memref<100000x128xf32, #tpu.memory_space<hbm>> -> memref<100000x128xf32, #tpu.memory_space<hbm>>
      tpu.wait_indirect_dma semaphore(%arg7 : memref<!tpu.dma_semaphore, #tpu.memory_space<semaphore_mem>>) src(%dma_wait3A_348 : memref<100000x128xf32, #tpu.memory_space<hbm>>) dst(%dma_wait3A_342 : memref<128x128xf32, #tpu.memory_space<vmem>>)
      %dma_wait3A_349 = arith.constant 1 : i32
      %dma_wait3A_350 = arith.constant 0 : i32
      %dma_wait3A_351 = arith.constant 0 : i32
      %dma_wait3A_352 = tpu.memref_slice %arg6[%dma_wait3A_349, %dma_wait3A_350, %dma_wait3A_351] : memref<2x256x128xf32, #tpu.memory_space<vmem>> -> memref<1x256x128xf32, #tpu.memory_space<vmem>>
      %dma_wait3A_353 = tpu.memref_squeeze %dma_wait3A_352 : memref<1x256x128xf32, #tpu.memory_space<vmem>> -> memref<256x128xf32, #tpu.memory_space<vmem>>
      %dma_wait3A_354 = arith.constant 128 : i32
      %dma_wait3A_355 = arith.constant 0 : i32
      %dma_wait3A_356 = tpu.memref_slice %dma_wait3A_353[%dma_wait3A_354, %dma_wait3A_355] : memref<256x128xf32, #tpu.memory_space<vmem>> -> memref<128x128xf32, #tpu.memory_space<vmem>>
      %dma_wait3A_357 = arith.constant 0 : i32
      %dma_wait3A_358 = tpu.memref_slice %arg5[%add3A_320, %dma_wait3A_357] : memref<40x128xi32, #tpu.memory_space<vmem>> -> memref<1x128xi32, #tpu.memory_space<vmem>>
      %dma_wait3A_359 = tpu.memref_squeeze %dma_wait3A_358 : memref<1x128xi32, #tpu.memory_space<vmem>> -> memref<128xi32, #tpu.memory_space<vmem>>
      %dma_wait3A_360 = arith.constant 0 : i32
      %dma_wait3A_361 = arith.constant 0 : i32
      %dma_wait3A_362 = tpu.memref_slice %arg2[%dma_wait3A_360, %dma_wait3A_361] : memref<100000x128xf32, #tpu.memory_space<hbm>> -> memref<100000x128xf32, #tpu.memory_space<hbm>>
      tpu.wait_indirect_dma semaphore(%arg7 : memref<!tpu.dma_semaphore, #tpu.memory_space<semaphore_mem>>) src(%dma_wait3A_362 : memref<100000x128xf32, #tpu.memory_space<hbm>>) dst(%dma_wait3A_356 : memref<128x128xf32, #tpu.memory_space<vmem>>)
      %mul3A_363 = arith.constant 256 : i32
      %mul3A_364 = arith.muli %add3A_285, %mul3A_363 : i32
      %add3A_365 = arith.addi %mul3A_2, %mul3A_364 : i32
      %dma_start3A_366 = arith.constant 1 : i32
      %dma_start3A_367 = arith.constant 0 : i32
      %dma_start3A_368 = arith.constant 0 : i32
      %dma_start3A_369 = tpu.memref_slice %arg6[%dma_start3A_366, %dma_start3A_367, %dma_start3A_368] : memref<2x256x128xf32, #tpu.memory_space<vmem>> -> memref<1x256x128xf32, #tpu.memory_space<vmem>>
      %dma_start3A_370 = tpu.memref_squeeze %dma_start3A_369 : memref<1x256x128xf32, #tpu.memory_space<vmem>> -> memref<256x128xf32, #tpu.memory_space<vmem>>
      %dma_start3A_371 = arith.constant 0 : i32
      %dma_start3A_372 = tpu.memref_slice %arg4[%add3A_365, %dma_start3A_371] : memref<163840x128xf32, #tpu.memory_space<hbm>> -> memref<256x128xf32, #tpu.memory_space<hbm>>
      %dma_start3A_373 = arith.constant 0 : i32
      %dma_start3A_374 = tpu.memref_slice %arg4[%add3A_365, %dma_start3A_373] : memref<163840x128xf32, #tpu.memory_space<hbm>> -> memref<256x128xf32, #tpu.memory_space<hbm>>
      %dma_start3A_375 = arith.constant 0 : i32
      %dma_start3A_376 = arith.constant 0 : i32
      %dma_start3A_377 = tpu.memref_slice %arg6[%dma_start3A_366, %dma_start3A_375, %dma_start3A_376] : memref<2x256x128xf32, #tpu.memory_space<vmem>> -> memref<1x256x128xf32, #tpu.memory_space<vmem>>
      %dma_start3A_378 = tpu.memref_squeeze %dma_start3A_377 : memref<1x256x128xf32, #tpu.memory_space<vmem>> -> memref<256x128xf32, #tpu.memory_space<vmem>>
      tpu.enqueue_dma source(%dma_start3A_378 : memref<256x128xf32, #tpu.memory_space<vmem>>) target(%dma_start3A_374 : memref<256x128xf32, #tpu.memory_space<hbm>>) target_semaphore(%arg9 : memref<!tpu.dma_semaphore, #tpu.memory_space<semaphore_mem>>)
    }
    %scan3A_157 = arith.constant 9 : i32
    %dma_wait3A_158 = arith.constant 0 : i32
    %dma_wait3A_159 = arith.constant 0 : i32
    %dma_wait3A_160 = arith.constant 0 : i32
    %dma_wait3A_161 = tpu.memref_slice %arg6[%dma_wait3A_158, %dma_wait3A_159, %dma_wait3A_160] : memref<2x256x128xf32, #tpu.memory_space<vmem>> -> memref<1x256x128xf32, #tpu.memory_space<vmem>>
    %dma_wait3A_162 = tpu.memref_squeeze %dma_wait3A_161 : memref<1x256x128xf32, #tpu.memory_space<vmem>> -> memref<256x128xf32, #tpu.memory_space<vmem>>
    %dma_wait3A_163 = arith.constant 0 : i32
    %dma_wait3A_164 = tpu.memref_slice %arg4[%mul3A_2, %dma_wait3A_163] : memref<163840x128xf32, #tpu.memory_space<hbm>> -> memref<256x128xf32, #tpu.memory_space<hbm>>
    %dma_wait3A_165 = arith.constant 0 : i32
    %dma_wait3A_166 = tpu.memref_slice %arg4[%mul3A_2, %dma_wait3A_165] : memref<163840x128xf32, #tpu.memory_space<hbm>> -> memref<256x128xf32, #tpu.memory_space<hbm>>
    %dma_wait3A_167 = arith.constant 0 : i32
    %dma_wait3A_168 = arith.constant 0 : i32
    %dma_wait3A_169 = tpu.memref_slice %arg6[%dma_wait3A_158, %dma_wait3A_167, %dma_wait3A_168] : memref<2x256x128xf32, #tpu.memory_space<vmem>> -> memref<1x256x128xf32, #tpu.memory_space<vmem>>
    %dma_wait3A_170 = tpu.memref_squeeze %dma_wait3A_169 : memref<1x256x128xf32, #tpu.memory_space<vmem>> -> memref<256x128xf32, #tpu.memory_space<vmem>>
    tpu.wait_dma2 semaphore(%arg8 : memref<!tpu.dma_semaphore, #tpu.memory_space<semaphore_mem>>) src(%dma_wait3A_170 : memref<256x128xf32, #tpu.memory_space<vmem>>) dst(%dma_wait3A_166 : memref<256x128xf32, #tpu.memory_space<hbm>>)
    %dma_wait3A_171 = arith.constant 1 : i32
    %dma_wait3A_172 = arith.constant 0 : i32
    %dma_wait3A_173 = arith.constant 0 : i32
    %dma_wait3A_174 = tpu.memref_slice %arg6[%dma_wait3A_171, %dma_wait3A_172, %dma_wait3A_173] : memref<2x256x128xf32, #tpu.memory_space<vmem>> -> memref<1x256x128xf32, #tpu.memory_space<vmem>>
    %dma_wait3A_175 = tpu.memref_squeeze %dma_wait3A_174 : memref<1x256x128xf32, #tpu.memory_space<vmem>> -> memref<256x128xf32, #tpu.memory_space<vmem>>
    %dma_wait3A_176 = arith.constant 0 : i32
    %dma_wait3A_177 = tpu.memref_slice %arg4[%mul3A_2, %dma_wait3A_176] : memref<163840x128xf32, #tpu.memory_space<hbm>> -> memref<256x128xf32, #tpu.memory_space<hbm>>
    %dma_wait3A_178 = arith.constant 0 : i32
    %dma_wait3A_179 = tpu.memref_slice %arg4[%mul3A_2, %dma_wait3A_178] : memref<163840x128xf32, #tpu.memory_space<hbm>> -> memref<256x128xf32, #tpu.memory_space<hbm>>
    %dma_wait3A_180 = arith.constant 0 : i32
    %dma_wait3A_181 = arith.constant 0 : i32
    %dma_wait3A_182 = tpu.memref_slice %arg6[%dma_wait3A_171, %dma_wait3A_180, %dma_wait3A_181] : memref<2x256x128xf32, #tpu.memory_space<vmem>> -> memref<1x256x128xf32, #tpu.memory_space<vmem>>
    %dma_wait3A_183 = tpu.memref_squeeze %dma_wait3A_182 : memref<1x256x128xf32, #tpu.memory_space<vmem>> -> memref<256x128xf32, #tpu.memory_space<vmem>>
    tpu.wait_dma2 semaphore(%arg9 : memref<!tpu.dma_semaphore, #tpu.memory_space<semaphore_mem>>) src(%dma_wait3A_183 : memref<256x128xf32, #tpu.memory_space<vmem>>) dst(%dma_wait3A_179 : memref<256x128xf32, #tpu.memory_space<hbm>>)
    return
  }
}

#map = affine_map<(d0, d1) -> (0, 0)>
module attributes {stable_mosaic.version = 14 : i64} {
  func.func @gather_kernel(%arg0: i32, %arg1: i32, %arg2: memref<100000x128xf32, #tpu.memory_space<hbm>>, %arg3: memref<1280x128xi32, #tpu.memory_space<hbm>>, %arg4: memref<163840x128xf32, #tpu.memory_space<hbm>>, %arg5: memref<40x128xi32, #tpu.memory_space<vmem>>, %arg6: memref<2x256x128xf32, #tpu.memory_space<vmem>>, %arg7: memref<!tpu.dma_semaphore, #tpu.memory_space<semaphore_mem>>, %arg8: memref<!tpu.dma_semaphore, #tpu.memory_space<semaphore_mem>>, %arg9: memref<!tpu.dma_semaphore, #tpu.memory_space<semaphore_mem>>) attributes {dimension_semantics = [#tpu.dimension_semantics<core_parallel>, #tpu.dimension_semantics<subcore_parallel>], iteration_bounds = array<i64: 2, 16>, scalar_prefetch = 0 : i64, scratch_operands = 5 : i64, tpu.core_type = #tpu.core_type<sc_vector_subcore>, window_params = [{transform_indices = #map}, {transform_indices = #map}, {transform_indices = #map}]} {
    %mul3A = arith.constant 2 : i32
    %mul3A_0 = arith.muli %arg1, %mul3A : i32
    %add3A = arith.addi %mul3A_0, %arg0 : i32
    %mul3A_1 = arith.constant 5120 : i32
    %mul3A_2 = arith.muli %add3A, %mul3A_1 : i32
    %mul3A_3 = arith.constant 40 : i32
    %mul3A_4 = arith.muli %add3A, %mul3A_3 : i32
    "tpu.region"() ({
      %run_scoped3A = tpu.sem_alloc : memref<!tpu.dma_semaphore, #tpu.memory_space<semaphore_mem>>
      %dma_start3A_184 = arith.constant 0 : i32
      %dma_start3A_185 = tpu.memref_slice %arg3[%mul3A_4, %dma_start3A_184] : memref<1280x128xi32, #tpu.memory_space<hbm>> -> memref<40x128xi32, #tpu.memory_space<hbm>>
      %dma_start3A_186 = arith.constant 0 : i32
      %dma_start3A_187 = tpu.memref_slice %arg3[%mul3A_4, %dma_start3A_186] : memref<1280x128xi32, #tpu.memory_space<hbm>> -> memref<40x128xi32, #tpu.memory_space<hbm>>
      tpu.enqueue_dma source(%dma_start3A_187 : memref<40x128xi32, #tpu.memory_space<hbm>>) target(%arg5 : memref<40x128xi32, #tpu.memory_space<vmem>>) target_semaphore(%run_scoped3A : memref<!tpu.dma_semaphore, #tpu.memory_space<semaphore_mem>>)
      %dma_wait3A_188 = arith.constant 0 : i32
      %dma_wait3A_189 = tpu.memref_slice %arg3[%mul3A_4, %dma_wait3A_188] : memref<1280x128xi32, #tpu.memory_space<hbm>> -> memref<40x128xi32, #tpu.memory_space<hbm>>
      %dma_wait3A_190 = arith.constant 0 : i32
      %dma_wait3A_191 = tpu.memref_slice %arg3[%mul3A_4, %dma_wait3A_190] : memref<1280x128xi32, #tpu.memory_space<hbm>> -> memref<40x128xi32, #tpu.memory_space<hbm>>
      tpu.wait_dma2 semaphore(%run_scoped3A : memref<!tpu.dma_semaphore, #tpu.memory_space<semaphore_mem>>) src(%dma_wait3A_191 : memref<40x128xi32, #tpu.memory_space<hbm>>) dst(%arg5 : memref<40x128xi32, #tpu.memory_space<vmem>>)
      tpu.yield
    }) : () -> ()
    %dma_start3A = arith.constant 0 : i32
    %dma_start3A_5 = arith.constant 0 : i32
    %dma_start3A_6 = arith.constant 0 : i32
    %dma_start3A_7 = arith.constant 0 : i32
    %dma_start3A_8 = tpu.memref_slice %arg6[%dma_start3A_5, %dma_start3A_6, %dma_start3A_7] : memref<2x256x128xf32, #tpu.memory_space<vmem>> -> memref<1x256x128xf32, #tpu.memory_space<vmem>>
    %dma_start3A_9 = tpu.memref_squeeze %dma_start3A_8 : memref<1x256x128xf32, #tpu.memory_space<vmem>> -> memref<256x128xf32, #tpu.memory_space<vmem>>
    %dma_start3A_10 = arith.constant 0 : i32
    %dma_start3A_11 = arith.constant 0 : i32
    %dma_start3A_12 = tpu.memref_slice %dma_start3A_9[%dma_start3A_10, %dma_start3A_11] : memref<256x128xf32, #tpu.memory_space<vmem>> -> memref<128x128xf32, #tpu.memory_space<vmem>>
    %dma_start3A_13 = arith.constant 0 : i32
    %dma_start3A_14 = tpu.memref_slice %arg5[%dma_start3A, %dma_start3A_13] : memref<40x128xi32, #tpu.memory_space<vmem>> -> memref<1x128xi32, #tpu.memory_space<vmem>>
    %dma_start3A_15 = tpu.memref_squeeze %dma_start3A_14 : memref<1x128xi32, #tpu.memory_space<vmem>> -> memref<128xi32, #tpu.memory_space<vmem>>
    %dma_start3A_16 = arith.constant 0 : i32
    %dma_start3A_17 = arith.constant 0 : i32
    %dma_start3A_18 = tpu.memref_slice %arg2[%dma_start3A_16, %dma_start3A_17] : memref<100000x128xf32, #tpu.memory_space<hbm>> -> memref<100000x128xf32, #tpu.memory_space<hbm>>
    tpu.enqueue_indirect_dma source(%dma_start3A_18 : memref<100000x128xf32, #tpu.memory_space<hbm>>) target(%dma_start3A_12 : memref<128x128xf32, #tpu.memory_space<vmem>>) offsets(%dma_start3A_15 : memref<128xi32, #tpu.memory_space<vmem>>) semaphore(%arg7 : memref<!tpu.dma_semaphore, #tpu.memory_space<semaphore_mem>>)
    %dma_start3A_19 = arith.constant 1 : i32
    %dma_start3A_20 = arith.constant 0 : i32
    %dma_start3A_21 = arith.constant 0 : i32
    %dma_start3A_22 = arith.constant 0 : i32
    %dma_start3A_23 = tpu.memref_slice %arg6[%dma_start3A_20, %dma_start3A_21, %dma_start3A_22] : memref<2x256x128xf32, #tpu.memory_space<vmem>> -> memref<1x256x128xf32, #tpu.memory_space<vmem>>
    %dma_start3A_24 = tpu.memref_squeeze %dma_start3A_23 : memref<1x256x128xf32, #tpu.memory_space<vmem>> -> memref<256x128xf32, #tpu.memory_space<vmem>>
    %dma_start3A_25 = arith.constant 128 : i32
    %dma_start3A_26 = arith.constant 0 : i32
    %dma_start3A_27 = tpu.memref_slice %dma_start3A_24[%dma_start3A_25, %dma_start3A_26] : memref<256x128xf32, #tpu.memory_space<vmem>> -> memref<128x128xf32, #tpu.memory_space<vmem>>
    %dma_start3A_28 = arith.constant 0 : i32
    %dma_start3A_29 = tpu.memref_slice %arg5[%dma_start3A_19, %dma_start3A_28] : memref<40x128xi32, #tpu.memory_space<vmem>> -> memref<1x128xi32, #tpu.memory_space<vmem>>
    %dma_start3A_30 = tpu.memref_squeeze %dma_start3A_29 : memref<1x128xi32, #tpu.memory_space<vmem>> -> memref<128xi32, #tpu.memory_space<vmem>>
    %dma_start3A_31 = arith.constant 0 : i32
    %dma_start3A_32 = arith.constant 0 : i32
    %dma_start3A_33 = tpu.memref_slice %arg2[%dma_start3A_31, %dma_start3A_32] : memref<100000x128xf32, #tpu.memory_space<hbm>> -> memref<100000x128xf32, #tpu.memory_space<hbm>>
    tpu.enqueue_indirect_dma source(%dma_start3A_33 : memref<100000x128xf32, #tpu.memory_space<hbm>>) target(%dma_start3A_27 : memref<128x128xf32, #tpu.memory_space<vmem>>) offsets(%dma_start3A_30 : memref<128xi32, #tpu.memory_space<vmem>>) semaphore(%arg7 : memref<!tpu.dma_semaphore, #tpu.memory_space<semaphore_mem>>)
    %dma_wait3A = arith.constant 0 : i32
    %dma_wait3A_34 = arith.constant 0 : i32
    %dma_wait3A_35 = arith.constant 0 : i32
    %dma_wait3A_36 = arith.constant 0 : i32
    %dma_wait3A_37 = tpu.memref_slice %arg6[%dma_wait3A_34, %dma_wait3A_35, %dma_wait3A_36] : memref<2x256x128xf32, #tpu.memory_space<vmem>> -> memref<1x256x128xf32, #tpu.memory_space<vmem>>
    %dma_wait3A_38 = tpu.memref_squeeze %dma_wait3A_37 : memref<1x256x128xf32, #tpu.memory_space<vmem>> -> memref<256x128xf32, #tpu.memory_space<vmem>>
    %dma_wait3A_39 = arith.constant 0 : i32
    %dma_wait3A_40 = arith.constant 0 : i32
    %dma_wait3A_41 = tpu.memref_slice %dma_wait3A_38[%dma_wait3A_39, %dma_wait3A_40] : memref<256x128xf32, #tpu.memory_space<vmem>> -> memref<128x128xf32, #tpu.memory_space<vmem>>
    %dma_wait3A_42 = arith.constant 0 : i32
    %dma_wait3A_43 = tpu.memref_slice %arg5[%dma_wait3A, %dma_wait3A_42] : memref<40x128xi32, #tpu.memory_space<vmem>> -> memref<1x128xi32, #tpu.memory_space<vmem>>
    %dma_wait3A_44 = tpu.memref_squeeze %dma_wait3A_43 : memref<1x128xi32, #tpu.memory_space<vmem>> -> memref<128xi32, #tpu.memory_space<vmem>>
    %dma_wait3A_45 = arith.constant 0 : i32
    %dma_wait3A_46 = arith.constant 0 : i32
    %dma_wait3A_47 = tpu.memref_slice %arg2[%dma_wait3A_45, %dma_wait3A_46] : memref<100000x128xf32, #tpu.memory_space<hbm>> -> memref<100000x128xf32, #tpu.memory_space<hbm>>
    tpu.wait_indirect_dma semaphore(%arg7 : memref<!tpu.dma_semaphore, #tpu.memory_space<semaphore_mem>>) src(%dma_wait3A_47 : memref<100000x128xf32, #tpu.memory_space<hbm>>) dst(%dma_wait3A_41 : memref<128x128xf32, #tpu.memory_space<vmem>>)
    %dma_wait3A_48 = arith.constant 1 : i32
    %dma_wait3A_49 = arith.constant 0 : i32
    %dma_wait3A_50 = arith.constant 0 : i32
    %dma_wait3A_51 = arith.constant 0 : i32
    %dma_wait3A_52 = tpu.memref_slice %arg6[%dma_wait3A_49, %dma_wait3A_50, %dma_wait3A_51] : memref<2x256x128xf32, #tpu.memory_space<vmem>> -> memref<1x256x128xf32, #tpu.memory_space<vmem>>
    %dma_wait3A_53 = tpu.memref_squeeze %dma_wait3A_52 : memref<1x256x128xf32, #tpu.memory_space<vmem>> -> memref<256x128xf32, #tpu.memory_space<vmem>>
    %dma_wait3A_54 = arith.constant 128 : i32
    %dma_wait3A_55 = arith.constant 0 : i32
    %dma_wait3A_56 = tpu.memref_slice %dma_wait3A_53[%dma_wait3A_54, %dma_wait3A_55] : memref<256x128xf32, #tpu.memory_space<vmem>> -> memref<128x128xf32, #tpu.memory_space<vmem>>
    %dma_wait3A_57 = arith.constant 0 : i32
    %dma_wait3A_58 = tpu.memref_slice %arg5[%dma_wait3A_48, %dma_wait3A_57] : memref<40x128xi32, #tpu.memory_space<vmem>> -> memref<1x128xi32, #tpu.memory_space<vmem>>
    %dma_wait3A_59 = tpu.memref_squeeze %dma_wait3A_58 : memref<1x128xi32, #tpu.memory_space<vmem>> -> memref<128xi32, #tpu.memory_space<vmem>>
    %dma_wait3A_60 = arith.constant 0 : i32
    %dma_wait3A_61 = arith.constant 0 : i32
    %dma_wait3A_62 = tpu.memref_slice %arg2[%dma_wait3A_60, %dma_wait3A_61] : memref<100000x128xf32, #tpu.memory_space<hbm>> -> memref<100000x128xf32, #tpu.memory_space<hbm>>
    tpu.wait_indirect_dma semaphore(%arg7 : memref<!tpu.dma_semaphore, #tpu.memory_space<semaphore_mem>>) src(%dma_wait3A_62 : memref<100000x128xf32, #tpu.memory_space<hbm>>) dst(%dma_wait3A_56 : memref<128x128xf32, #tpu.memory_space<vmem>>)
    %add3A_63 = arith.constant 0 : i32
    %add3A_64 = arith.addi %mul3A_2, %add3A_63 : i32
    %dma_start3A_65 = arith.constant 0 : i32
    %dma_start3A_66 = arith.constant 0 : i32
    %dma_start3A_67 = arith.constant 0 : i32
    %dma_start3A_68 = tpu.memref_slice %arg6[%dma_start3A_65, %dma_start3A_66, %dma_start3A_67] : memref<2x256x128xf32, #tpu.memory_space<vmem>> -> memref<1x256x128xf32, #tpu.memory_space<vmem>>
    %dma_start3A_69 = tpu.memref_squeeze %dma_start3A_68 : memref<1x256x128xf32, #tpu.memory_space<vmem>> -> memref<256x128xf32, #tpu.memory_space<vmem>>
    %dma_start3A_70 = arith.constant 0 : i32
    %dma_start3A_71 = tpu.memref_slice %arg4[%add3A_64, %dma_start3A_70] : memref<163840x128xf32, #tpu.memory_space<hbm>> -> memref<256x128xf32, #tpu.memory_space<hbm>>
    %dma_start3A_72 = arith.constant 0 : i32
    %dma_start3A_73 = tpu.memref_slice %arg4[%add3A_64, %dma_start3A_72] : memref<163840x128xf32, #tpu.memory_space<hbm>> -> memref<256x128xf32, #tpu.memory_space<hbm>>
    %dma_start3A_74 = arith.constant 0 : i32
    %dma_start3A_75 = arith.constant 0 : i32
    %dma_start3A_76 = tpu.memref_slice %arg6[%dma_start3A_65, %dma_start3A_74, %dma_start3A_75] : memref<2x256x128xf32, #tpu.memory_space<vmem>> -> memref<1x256x128xf32, #tpu.memory_space<vmem>>
    %dma_start3A_77 = tpu.memref_squeeze %dma_start3A_76 : memref<1x256x128xf32, #tpu.memory_space<vmem>> -> memref<256x128xf32, #tpu.memory_space<vmem>>
    tpu.enqueue_dma source(%dma_start3A_77 : memref<256x128xf32, #tpu.memory_space<vmem>>) target(%dma_start3A_73 : memref<256x128xf32, #tpu.memory_space<hbm>>) target_semaphore(%arg8 : memref<!tpu.dma_semaphore, #tpu.memory_space<semaphore_mem>>)
    %dma_start3A_78 = arith.constant 2 : i32
    %dma_start3A_79 = arith.constant 1 : i32
    %dma_start3A_80 = arith.constant 0 : i32
    %dma_start3A_81 = arith.constant 0 : i32
    %dma_start3A_82 = tpu.memref_slice %arg6[%dma_start3A_79, %dma_start3A_80, %dma_start3A_81] : memref<2x256x128xf32, #tpu.memory_space<vmem>> -> memref<1x256x128xf32, #tpu.memory_space<vmem>>
    %dma_start3A_83 = tpu.memref_squeeze %dma_start3A_82 : memref<1x256x128xf32, #tpu.memory_space<vmem>> -> memref<256x128xf32, #tpu.memory_space<vmem>>
    %dma_start3A_84 = arith.constant 0 : i32
    %dma_start3A_85 = arith.constant 0 : i32
    %dma_start3A_86 = tpu.memref_slice %dma_start3A_83[%dma_start3A_84, %dma_start3A_85] : memref<256x128xf32, #tpu.memory_space<vmem>> -> memref<128x128xf32, #tpu.memory_space<vmem>>
    %dma_start3A_87 = arith.constant 0 : i32
    %dma_start3A_88 = tpu.memref_slice %arg5[%dma_start3A_78, %dma_start3A_87] : memref<40x128xi32, #tpu.memory_space<vmem>> -> memref<1x128xi32, #tpu.memory_space<vmem>>
    %dma_start3A_89 = tpu.memref_squeeze %dma_start3A_88 : memref<1x128xi32, #tpu.memory_space<vmem>> -> memref<128xi32, #tpu.memory_space<vmem>>
    %dma_start3A_90 = arith.constant 0 : i32
    %dma_start3A_91 = arith.constant 0 : i32
    %dma_start3A_92 = tpu.memref_slice %arg2[%dma_start3A_90, %dma_start3A_91] : memref<100000x128xf32, #tpu.memory_space<hbm>> -> memref<100000x128xf32, #tpu.memory_space<hbm>>
    tpu.enqueue_indirect_dma source(%dma_start3A_92 : memref<100000x128xf32, #tpu.memory_space<hbm>>) target(%dma_start3A_86 : memref<128x128xf32, #tpu.memory_space<vmem>>) offsets(%dma_start3A_89 : memref<128xi32, #tpu.memory_space<vmem>>) semaphore(%arg7 : memref<!tpu.dma_semaphore, #tpu.memory_space<semaphore_mem>>)
    %dma_start3A_93 = arith.constant 3 : i32
    %dma_start3A_94 = arith.constant 1 : i32
    %dma_start3A_95 = arith.constant 0 : i32
    %dma_start3A_96 = arith.constant 0 : i32
    %dma_start3A_97 = tpu.memref_slice %arg6[%dma_start3A_94, %dma_start3A_95, %dma_start3A_96] : memref<2x256x128xf32, #tpu.memory_space<vmem>> -> memref<1x256x128xf32, #tpu.memory_space<vmem>>
    %dma_start3A_98 = tpu.memref_squeeze %dma_start3A_97 : memref<1x256x128xf32, #tpu.memory_space<vmem>> -> memref<256x128xf32, #tpu.memory_space<vmem>>
    %dma_start3A_99 = arith.constant 128 : i32
    %dma_start3A_100 = arith.constant 0 : i32
    %dma_start3A_101 = tpu.memref_slice %dma_start3A_98[%dma_start3A_99, %dma_start3A_100] : memref<256x128xf32, #tpu.memory_space<vmem>> -> memref<128x128xf32, #tpu.memory_space<vmem>>
    %dma_start3A_102 = arith.constant 0 : i32
    %dma_start3A_103 = tpu.memref_slice %arg5[%dma_start3A_93, %dma_start3A_102] : memref<40x128xi32, #tpu.memory_space<vmem>> -> memref<1x128xi32, #tpu.memory_space<vmem>>
    %dma_start3A_104 = tpu.memref_squeeze %dma_start3A_103 : memref<1x128xi32, #tpu.memory_space<vmem>> -> memref<128xi32, #tpu.memory_space<vmem>>
    %dma_start3A_105 = arith.constant 0 : i32
    %dma_start3A_106 = arith.constant 0 : i32
    %dma_start3A_107 = tpu.memref_slice %arg2[%dma_start3A_105, %dma_start3A_106] : memref<100000x128xf32, #tpu.memory_space<hbm>> -> memref<100000x128xf32, #tpu.memory_space<hbm>>
    tpu.enqueue_indirect_dma source(%dma_start3A_107 : memref<100000x128xf32, #tpu.memory_space<hbm>>) target(%dma_start3A_101 : memref<128x128xf32, #tpu.memory_space<vmem>>) offsets(%dma_start3A_104 : memref<128xi32, #tpu.memory_space<vmem>>) semaphore(%arg7 : memref<!tpu.dma_semaphore, #tpu.memory_space<semaphore_mem>>)
    %dma_wait3A_108 = arith.constant 2 : i32
    %dma_wait3A_109 = arith.constant 1 : i32
    %dma_wait3A_110 = arith.constant 0 : i32
    %dma_wait3A_111 = arith.constant 0 : i32
    %dma_wait3A_112 = tpu.memref_slice %arg6[%dma_wait3A_109, %dma_wait3A_110, %dma_wait3A_111] : memref<2x256x128xf32, #tpu.memory_space<vmem>> -> memref<1x256x128xf32, #tpu.memory_space<vmem>>
    %dma_wait3A_113 = tpu.memref_squeeze %dma_wait3A_112 : memref<1x256x128xf32, #tpu.memory_space<vmem>> -> memref<256x128xf32, #tpu.memory_space<vmem>>
    %dma_wait3A_114 = arith.constant 0 : i32
    %dma_wait3A_115 = arith.constant 0 : i32
    %dma_wait3A_116 = tpu.memref_slice %dma_wait3A_113[%dma_wait3A_114, %dma_wait3A_115] : memref<256x128xf32, #tpu.memory_space<vmem>> -> memref<128x128xf32, #tpu.memory_space<vmem>>
    %dma_wait3A_117 = arith.constant 0 : i32
    %dma_wait3A_118 = tpu.memref_slice %arg5[%dma_wait3A_108, %dma_wait3A_117] : memref<40x128xi32, #tpu.memory_space<vmem>> -> memref<1x128xi32, #tpu.memory_space<vmem>>
    %dma_wait3A_119 = tpu.memref_squeeze %dma_wait3A_118 : memref<1x128xi32, #tpu.memory_space<vmem>> -> memref<128xi32, #tpu.memory_space<vmem>>
    %dma_wait3A_120 = arith.constant 0 : i32
    %dma_wait3A_121 = arith.constant 0 : i32
    %dma_wait3A_122 = tpu.memref_slice %arg2[%dma_wait3A_120, %dma_wait3A_121] : memref<100000x128xf32, #tpu.memory_space<hbm>> -> memref<100000x128xf32, #tpu.memory_space<hbm>>
    tpu.wait_indirect_dma semaphore(%arg7 : memref<!tpu.dma_semaphore, #tpu.memory_space<semaphore_mem>>) src(%dma_wait3A_122 : memref<100000x128xf32, #tpu.memory_space<hbm>>) dst(%dma_wait3A_116 : memref<128x128xf32, #tpu.memory_space<vmem>>)
    %dma_wait3A_123 = arith.constant 3 : i32
    %dma_wait3A_124 = arith.constant 1 : i32
    %dma_wait3A_125 = arith.constant 0 : i32
    %dma_wait3A_126 = arith.constant 0 : i32
    %dma_wait3A_127 = tpu.memref_slice %arg6[%dma_wait3A_124, %dma_wait3A_125, %dma_wait3A_126] : memref<2x256x128xf32, #tpu.memory_space<vmem>> -> memref<1x256x128xf32, #tpu.memory_space<vmem>>
    %dma_wait3A_128 = tpu.memref_squeeze %dma_wait3A_127 : memref<1x256x128xf32, #tpu.memory_space<vmem>> -> memref<256x128xf32, #tpu.memory_space<vmem>>
    %dma_wait3A_129 = arith.constant 128 : i32
    %dma_wait3A_130 = arith.constant 0 : i32
    %dma_wait3A_131 = tpu.memref_slice %dma_wait3A_128[%dma_wait3A_129, %dma_wait3A_130] : memref<256x128xf32, #tpu.memory_space<vmem>> -> memref<128x128xf32, #tpu.memory_space<vmem>>
    %dma_wait3A_132 = arith.constant 0 : i32
    %dma_wait3A_133 = tpu.memref_slice %arg5[%dma_wait3A_123, %dma_wait3A_132] : memref<40x128xi32, #tpu.memory_space<vmem>> -> memref<1x128xi32, #tpu.memory_space<vmem>>
    %dma_wait3A_134 = tpu.memref_squeeze %dma_wait3A_133 : memref<1x128xi32, #tpu.memory_space<vmem>> -> memref<128xi32, #tpu.memory_space<vmem>>
    %dma_wait3A_135 = arith.constant 0 : i32
    %dma_wait3A_136 = arith.constant 0 : i32
    %dma_wait3A_137 = tpu.memref_slice %arg2[%dma_wait3A_135, %dma_wait3A_136] : memref<100000x128xf32, #tpu.memory_space<hbm>> -> memref<100000x128xf32, #tpu.memory_space<hbm>>
    tpu.wait_indirect_dma semaphore(%arg7 : memref<!tpu.dma_semaphore, #tpu.memory_space<semaphore_mem>>) src(%dma_wait3A_137 : memref<100000x128xf32, #tpu.memory_space<hbm>>) dst(%dma_wait3A_131 : memref<128x128xf32, #tpu.memory_space<vmem>>)
    %add3A_138 = arith.constant 256 : i32
    %add3A_139 = arith.addi %mul3A_2, %add3A_138 : i32
    %dma_start3A_140 = arith.constant 1 : i32
    %dma_start3A_141 = arith.constant 0 : i32
    %dma_start3A_142 = arith.constant 0 : i32
    %dma_start3A_143 = tpu.memref_slice %arg6[%dma_start3A_140, %dma_start3A_141, %dma_start3A_142] : memref<2x256x128xf32, #tpu.memory_space<vmem>> -> memref<1x256x128xf32, #tpu.memory_space<vmem>>
    %dma_start3A_144 = tpu.memref_squeeze %dma_start3A_143 : memref<1x256x128xf32, #tpu.memory_space<vmem>> -> memref<256x128xf32, #tpu.memory_space<vmem>>
    %dma_start3A_145 = arith.constant 0 : i32
    %dma_start3A_146 = tpu.memref_slice %arg4[%add3A_139, %dma_start3A_145] : memref<163840x128xf32, #tpu.memory_space<hbm>> -> memref<256x128xf32, #tpu.memory_space<hbm>>
    %dma_start3A_147 = arith.constant 0 : i32
    %dma_start3A_148 = tpu.memref_slice %arg4[%add3A_139, %dma_start3A_147] : memref<163840x128xf32, #tpu.memory_space<hbm>> -> memref<256x128xf32, #tpu.memory_space<hbm>>
    %dma_start3A_149 = arith.constant 0 : i32
    %dma_start3A_150 = arith.constant 0 : i32
    %dma_start3A_151 = tpu.memref_slice %arg6[%dma_start3A_140, %dma_start3A_149, %dma_start3A_150] : memref<2x256x128xf32, #tpu.memory_space<vmem>> -> memref<1x256x128xf32, #tpu.memory_space<vmem>>
    %dma_start3A_152 = tpu.memref_squeeze %dma_start3A_151 : memref<1x256x128xf32, #tpu.memory_space<vmem>> -> memref<256x128xf32, #tpu.memory_space<vmem>>
    tpu.enqueue_dma source(%dma_start3A_152 : memref<256x128xf32, #tpu.memory_space<vmem>>) target(%dma_start3A_148 : memref<256x128xf32, #tpu.memory_space<hbm>>) target_semaphore(%arg9 : memref<!tpu.dma_semaphore, #tpu.memory_space<semaphore_mem>>)
    %scan3A = arith.constant 0 : i32
    %scan3A_153 = arith.constant 1 : i32
    %scan3A_154 = arith.constant 9 : i32
    %scan3A_155 = arith.addi %scan3A_153, %scan3A_154 : i32
    %scan3A_156 = arith.constant 1 : i32
    scf.for %scan3A_184 = %scan3A_153 to %scan3A_155 step %scan3A_156  : i32 {
      %mul3A_185 = arith.constant 2 : i32
      %mul3A_186 = arith.muli %scan3A_184, %mul3A_185 : i32
      %add3A_187 = arith.constant 0 : i32
      %add3A_188 = arith.addi %mul3A_186, %add3A_187 : i32
      %dma_wait3A_189 = arith.constant 0 : i32
      %dma_wait3A_190 = arith.constant 0 : i32
      %dma_wait3A_191 = arith.constant 0 : i32
      %dma_wait3A_192 = tpu.memref_slice %arg6[%dma_wait3A_189, %dma_wait3A_190, %dma_wait3A_191] : memref<2x256x128xf32, #tpu.memory_space<vmem>> -> memref<1x256x128xf32, #tpu.memory_space<vmem>>
      %dma_wait3A_193 = tpu.memref_squeeze %dma_wait3A_192 : memref<1x256x128xf32, #tpu.memory_space<vmem>> -> memref<256x128xf32, #tpu.memory_space<vmem>>
      %dma_wait3A_194 = arith.constant 0 : i32
      %dma_wait3A_195 = tpu.memref_slice %arg4[%mul3A_2, %dma_wait3A_194] : memref<163840x128xf32, #tpu.memory_space<hbm>> -> memref<256x128xf32, #tpu.memory_space<hbm>>
      %dma_wait3A_196 = arith.constant 0 : i32
      %dma_wait3A_197 = tpu.memref_slice %arg4[%mul3A_2, %dma_wait3A_196] : memref<163840x128xf32, #tpu.memory_space<hbm>> -> memref<256x128xf32, #tpu.memory_space<hbm>>
      %dma_wait3A_198 = arith.constant 0 : i32
      %dma_wait3A_199 = arith.constant 0 : i32
      %dma_wait3A_200 = tpu.memref_slice %arg6[%dma_wait3A_189, %dma_wait3A_198, %dma_wait3A_199] : memref<2x256x128xf32, #tpu.memory_space<vmem>> -> memref<1x256x128xf32, #tpu.memory_space<vmem>>
      %dma_wait3A_201 = tpu.memref_squeeze %dma_wait3A_200 : memref<1x256x128xf32, #tpu.memory_space<vmem>> -> memref<256x128xf32, #tpu.memory_space<vmem>>
      tpu.wait_dma2 semaphore(%arg8 : memref<!tpu.dma_semaphore, #tpu.memory_space<semaphore_mem>>) src(%dma_wait3A_201 : memref<256x128xf32, #tpu.memory_space<vmem>>) dst(%dma_wait3A_197 : memref<256x128xf32, #tpu.memory_space<hbm>>)
      %mul3A_202 = arith.constant 2 : i32
      %mul3A_203 = arith.muli %add3A_188, %mul3A_202 : i32
      %add3A_204 = arith.constant 0 : i32
      %add3A_205 = arith.addi %mul3A_203, %add3A_204 : i32
      %dma_start3A_206 = arith.constant 0 : i32
      %dma_start3A_207 = arith.constant 0 : i32
      %dma_start3A_208 = arith.constant 0 : i32
      %dma_start3A_209 = tpu.memref_slice %arg6[%dma_start3A_206, %dma_start3A_207, %dma_start3A_208] : memref<2x256x128xf32, #tpu.memory_space<vmem>> -> memref<1x256x128xf32, #tpu.memory_space<vmem>>
      %dma_start3A_210 = tpu.memref_squeeze %dma_start3A_209 : memref<1x256x128xf32, #tpu.memory_space<vmem>> -> memref<256x128xf32, #tpu.memory_space<vmem>>
      %dma_start3A_211 = arith.constant 0 : i32
      %dma_start3A_212 = arith.constant 0 : i32
      %dma_start3A_213 = tpu.memref_slice %dma_start3A_210[%dma_start3A_211, %dma_start3A_212] : memref<256x128xf32, #tpu.memory_space<vmem>> -> memref<128x128xf32, #tpu.memory_space<vmem>>
      %dma_start3A_214 = arith.constant 0 : i32
      %dma_start3A_215 = tpu.memref_slice %arg5[%add3A_205, %dma_start3A_214] : memref<40x128xi32, #tpu.memory_space<vmem>> -> memref<1x128xi32, #tpu.memory_space<vmem>>
      %dma_start3A_216 = tpu.memref_squeeze %dma_start3A_215 : memref<1x128xi32, #tpu.memory_space<vmem>> -> memref<128xi32, #tpu.memory_space<vmem>>
      %dma_start3A_217 = arith.constant 0 : i32
      %dma_start3A_218 = arith.constant 0 : i32
      %dma_start3A_219 = tpu.memref_slice %arg2[%dma_start3A_217, %dma_start3A_218] : memref<100000x128xf32, #tpu.memory_space<hbm>> -> memref<100000x128xf32, #tpu.memory_space<hbm>>
      tpu.enqueue_indirect_dma source(%dma_start3A_219 : memref<100000x128xf32, #tpu.memory_space<hbm>>) target(%dma_start3A_213 : memref<128x128xf32, #tpu.memory_space<vmem>>) offsets(%dma_start3A_216 : memref<128xi32, #tpu.memory_space<vmem>>) semaphore(%arg7 : memref<!tpu.dma_semaphore, #tpu.memory_space<semaphore_mem>>)
      %mul3A_220 = arith.constant 2 : i32
      %mul3A_221 = arith.muli %add3A_188, %mul3A_220 : i32
      %add3A_222 = arith.constant 1 : i32
      %add3A_223 = arith.addi %mul3A_221, %add3A_222 : i32
      %dma_start3A_224 = arith.constant 0 : i32
      %dma_start3A_225 = arith.constant 0 : i32
      %dma_start3A_226 = arith.constant 0 : i32
      %dma_start3A_227 = tpu.memref_slice %arg6[%dma_start3A_224, %dma_start3A_225, %dma_start3A_226] : memref<2x256x128xf32, #tpu.memory_space<vmem>> -> memref<1x256x128xf32, #tpu.memory_space<vmem>>
      %dma_start3A_228 = tpu.memref_squeeze %dma_start3A_227 : memref<1x256x128xf32, #tpu.memory_space<vmem>> -> memref<256x128xf32, #tpu.memory_space<vmem>>
      %dma_start3A_229 = arith.constant 128 : i32
      %dma_start3A_230 = arith.constant 0 : i32
      %dma_start3A_231 = tpu.memref_slice %dma_start3A_228[%dma_start3A_229, %dma_start3A_230] : memref<256x128xf32, #tpu.memory_space<vmem>> -> memref<128x128xf32, #tpu.memory_space<vmem>>
      %dma_start3A_232 = arith.constant 0 : i32
      %dma_start3A_233 = tpu.memref_slice %arg5[%add3A_223, %dma_start3A_232] : memref<40x128xi32, #tpu.memory_space<vmem>> -> memref<1x128xi32, #tpu.memory_space<vmem>>
      %dma_start3A_234 = tpu.memref_squeeze %dma_start3A_233 : memref<1x128xi32, #tpu.memory_space<vmem>> -> memref<128xi32, #tpu.memory_space<vmem>>
      %dma_start3A_235 = arith.constant 0 : i32
      %dma_start3A_236 = arith.constant 0 : i32
      %dma_start3A_237 = tpu.memref_slice %arg2[%dma_start3A_235, %dma_start3A_236] : memref<100000x128xf32, #tpu.memory_space<hbm>> -> memref<100000x128xf32, #tpu.memory_space<hbm>>
      tpu.enqueue_indirect_dma source(%dma_start3A_237 : memref<100000x128xf32, #tpu.memory_space<hbm>>) target(%dma_start3A_231 : memref<128x128xf32, #tpu.memory_space<vmem>>) offsets(%dma_start3A_234 : memref<128xi32, #tpu.memory_space<vmem>>) semaphore(%arg7 : memref<!tpu.dma_semaphore, #tpu.memory_space<semaphore_mem>>)
      %dma_wait3A_238 = arith.constant 0 : i32
      %dma_wait3A_239 = arith.constant 0 : i32
      %dma_wait3A_240 = arith.constant 0 : i32
      %dma_wait3A_241 = tpu.memref_slice %arg6[%dma_wait3A_238, %dma_wait3A_239, %dma_wait3A_240] : memref<2x256x128xf32, #tpu.memory_space<vmem>> -> memref<1x256x128xf32, #tpu.memory_space<vmem>>
      %dma_wait3A_242 = tpu.memref_squeeze %dma_wait3A_241 : memref<1x256x128xf32, #tpu.memory_space<vmem>> -> memref<256x128xf32, #tpu.memory_space<vmem>>
      %dma_wait3A_243 = arith.constant 0 : i32
      %dma_wait3A_244 = arith.constant 0 : i32
      %dma_wait3A_245 = tpu.memref_slice %dma_wait3A_242[%dma_wait3A_243, %dma_wait3A_244] : memref<256x128xf32, #tpu.memory_space<vmem>> -> memref<128x128xf32, #tpu.memory_space<vmem>>
      %dma_wait3A_246 = arith.constant 0 : i32
      %dma_wait3A_247 = tpu.memref_slice %arg5[%add3A_205, %dma_wait3A_246] : memref<40x128xi32, #tpu.memory_space<vmem>> -> memref<1x128xi32, #tpu.memory_space<vmem>>
      %dma_wait3A_248 = tpu.memref_squeeze %dma_wait3A_247 : memref<1x128xi32, #tpu.memory_space<vmem>> -> memref<128xi32, #tpu.memory_space<vmem>>
      %dma_wait3A_249 = arith.constant 0 : i32
      %dma_wait3A_250 = arith.constant 0 : i32
      %dma_wait3A_251 = tpu.memref_slice %arg2[%dma_wait3A_249, %dma_wait3A_250] : memref<100000x128xf32, #tpu.memory_space<hbm>> -> memref<100000x128xf32, #tpu.memory_space<hbm>>
      tpu.wait_indirect_dma semaphore(%arg7 : memref<!tpu.dma_semaphore, #tpu.memory_space<semaphore_mem>>) src(%dma_wait3A_251 : memref<100000x128xf32, #tpu.memory_space<hbm>>) dst(%dma_wait3A_245 : memref<128x128xf32, #tpu.memory_space<vmem>>)
      %dma_wait3A_252 = arith.constant 0 : i32
      %dma_wait3A_253 = arith.constant 0 : i32
      %dma_wait3A_254 = arith.constant 0 : i32
      %dma_wait3A_255 = tpu.memref_slice %arg6[%dma_wait3A_252, %dma_wait3A_253, %dma_wait3A_254] : memref<2x256x128xf32, #tpu.memory_space<vmem>> -> memref<1x256x128xf32, #tpu.memory_space<vmem>>
      %dma_wait3A_256 = tpu.memref_squeeze %dma_wait3A_255 : memref<1x256x128xf32, #tpu.memory_space<vmem>> -> memref<256x128xf32, #tpu.memory_space<vmem>>
      %dma_wait3A_257 = arith.constant 128 : i32
      %dma_wait3A_258 = arith.constant 0 : i32
      %dma_wait3A_259 = tpu.memref_slice %dma_wait3A_256[%dma_wait3A_257, %dma_wait3A_258] : memref<256x128xf32, #tpu.memory_space<vmem>> -> memref<128x128xf32, #tpu.memory_space<vmem>>
      %dma_wait3A_260 = arith.constant 0 : i32
      %dma_wait3A_261 = tpu.memref_slice %arg5[%add3A_223, %dma_wait3A_260] : memref<40x128xi32, #tpu.memory_space<vmem>> -> memref<1x128xi32, #tpu.memory_space<vmem>>
      %dma_wait3A_262 = tpu.memref_squeeze %dma_wait3A_261 : memref<1x128xi32, #tpu.memory_space<vmem>> -> memref<128xi32, #tpu.memory_space<vmem>>
      %dma_wait3A_263 = arith.constant 0 : i32
      %dma_wait3A_264 = arith.constant 0 : i32
      %dma_wait3A_265 = tpu.memref_slice %arg2[%dma_wait3A_263, %dma_wait3A_264] : memref<100000x128xf32, #tpu.memory_space<hbm>> -> memref<100000x128xf32, #tpu.memory_space<hbm>>
      tpu.wait_indirect_dma semaphore(%arg7 : memref<!tpu.dma_semaphore, #tpu.memory_space<semaphore_mem>>) src(%dma_wait3A_265 : memref<100000x128xf32, #tpu.memory_space<hbm>>) dst(%dma_wait3A_259 : memref<128x128xf32, #tpu.memory_space<vmem>>)
      %mul3A_266 = arith.constant 256 : i32
      %mul3A_267 = arith.muli %add3A_188, %mul3A_266 : i32
      %add3A_268 = arith.addi %mul3A_2, %mul3A_267 : i32
      %dma_start3A_269 = arith.constant 0 : i32
      %dma_start3A_270 = arith.constant 0 : i32
      %dma_start3A_271 = arith.constant 0 : i32
      %dma_start3A_272 = tpu.memref_slice %arg6[%dma_start3A_269, %dma_start3A_270, %dma_start3A_271] : memref<2x256x128xf32, #tpu.memory_space<vmem>> -> memref<1x256x128xf32, #tpu.memory_space<vmem>>
      %dma_start3A_273 = tpu.memref_squeeze %dma_start3A_272 : memref<1x256x128xf32, #tpu.memory_space<vmem>> -> memref<256x128xf32, #tpu.memory_space<vmem>>
      %dma_start3A_274 = arith.constant 0 : i32
      %dma_start3A_275 = tpu.memref_slice %arg4[%add3A_268, %dma_start3A_274] : memref<163840x128xf32, #tpu.memory_space<hbm>> -> memref<256x128xf32, #tpu.memory_space<hbm>>
      %dma_start3A_276 = arith.constant 0 : i32
      %dma_start3A_277 = tpu.memref_slice %arg4[%add3A_268, %dma_start3A_276] : memref<163840x128xf32, #tpu.memory_space<hbm>> -> memref<256x128xf32, #tpu.memory_space<hbm>>
      %dma_start3A_278 = arith.constant 0 : i32
      %dma_start3A_279 = arith.constant 0 : i32
      %dma_start3A_280 = tpu.memref_slice %arg6[%dma_start3A_269, %dma_start3A_278, %dma_start3A_279] : memref<2x256x128xf32, #tpu.memory_space<vmem>> -> memref<1x256x128xf32, #tpu.memory_space<vmem>>
      %dma_start3A_281 = tpu.memref_squeeze %dma_start3A_280 : memref<1x256x128xf32, #tpu.memory_space<vmem>> -> memref<256x128xf32, #tpu.memory_space<vmem>>
      tpu.enqueue_dma source(%dma_start3A_281 : memref<256x128xf32, #tpu.memory_space<vmem>>) target(%dma_start3A_277 : memref<256x128xf32, #tpu.memory_space<hbm>>) target_semaphore(%arg8 : memref<!tpu.dma_semaphore, #tpu.memory_space<semaphore_mem>>)
      %mul3A_282 = arith.constant 2 : i32
      %mul3A_283 = arith.muli %scan3A_184, %mul3A_282 : i32
      %add3A_284 = arith.constant 1 : i32
      %add3A_285 = arith.addi %mul3A_283, %add3A_284 : i32
      %dma_wait3A_286 = arith.constant 1 : i32
      %dma_wait3A_287 = arith.constant 0 : i32
      %dma_wait3A_288 = arith.constant 0 : i32
      %dma_wait3A_289 = tpu.memref_slice %arg6[%dma_wait3A_286, %dma_wait3A_287, %dma_wait3A_288] : memref<2x256x128xf32, #tpu.memory_space<vmem>> -> memref<1x256x128xf32, #tpu.memory_space<vmem>>
      %dma_wait3A_290 = tpu.memref_squeeze %dma_wait3A_289 : memref<1x256x128xf32, #tpu.memory_space<vmem>> -> memref<256x128xf32, #tpu.memory_space<vmem>>
      %dma_wait3A_291 = arith.constant 0 : i32
      %dma_wait3A_292 = tpu.memref_slice %arg4[%mul3A_2, %dma_wait3A_291] : memref<163840x128xf32, #tpu.memory_space<hbm>> -> memref<256x128xf32, #tpu.memory_space<hbm>>
      %dma_wait3A_293 = arith.constant 0 : i32
      %dma_wait3A_294 = tpu.memref_slice %arg4[%mul3A_2, %dma_wait3A_293] : memref<163840x128xf32, #tpu.memory_space<hbm>> -> memref<256x128xf32, #tpu.memory_space<hbm>>
      %dma_wait3A_295 = arith.constant 0 : i32
      %dma_wait3A_296 = arith.constant 0 : i32
      %dma_wait3A_297 = tpu.memref_slice %arg6[%dma_wait3A_286, %dma_wait3A_295, %dma_wait3A_296] : memref<2x256x128xf32, #tpu.memory_space<vmem>> -> memref<1x256x128xf32, #tpu.memory_space<vmem>>
      %dma_wait3A_298 = tpu.memref_squeeze %dma_wait3A_297 : memref<1x256x128xf32, #tpu.memory_space<vmem>> -> memref<256x128xf32, #tpu.memory_space<vmem>>
      tpu.wait_dma2 semaphore(%arg9 : memref<!tpu.dma_semaphore, #tpu.memory_space<semaphore_mem>>) src(%dma_wait3A_298 : memref<256x128xf32, #tpu.memory_space<vmem>>) dst(%dma_wait3A_294 : memref<256x128xf32, #tpu.memory_space<hbm>>)
      %mul3A_299 = arith.constant 2 : i32
      %mul3A_300 = arith.muli %add3A_285, %mul3A_299 : i32
      %add3A_301 = arith.constant 0 : i32
      %add3A_302 = arith.addi %mul3A_300, %add3A_301 : i32
      %dma_start3A_303 = arith.constant 1 : i32
      %dma_start3A_304 = arith.constant 0 : i32
      %dma_start3A_305 = arith.constant 0 : i32
      %dma_start3A_306 = tpu.memref_slice %arg6[%dma_start3A_303, %dma_start3A_304, %dma_start3A_305] : memref<2x256x128xf32, #tpu.memory_space<vmem>> -> memref<1x256x128xf32, #tpu.memory_space<vmem>>
      %dma_start3A_307 = tpu.memref_squeeze %dma_start3A_306 : memref<1x256x128xf32, #tpu.memory_space<vmem>> -> memref<256x128xf32, #tpu.memory_space<vmem>>
      %dma_start3A_308 = arith.constant 0 : i32
      %dma_start3A_309 = arith.constant 0 : i32
      %dma_start3A_310 = tpu.memref_slice %dma_start3A_307[%dma_start3A_308, %dma_start3A_309] : memref<256x128xf32, #tpu.memory_space<vmem>> -> memref<128x128xf32, #tpu.memory_space<vmem>>
      %dma_start3A_311 = arith.constant 0 : i32
      %dma_start3A_312 = tpu.memref_slice %arg5[%add3A_302, %dma_start3A_311] : memref<40x128xi32, #tpu.memory_space<vmem>> -> memref<1x128xi32, #tpu.memory_space<vmem>>
      %dma_start3A_313 = tpu.memref_squeeze %dma_start3A_312 : memref<1x128xi32, #tpu.memory_space<vmem>> -> memref<128xi32, #tpu.memory_space<vmem>>
      %dma_start3A_314 = arith.constant 0 : i32
      %dma_start3A_315 = arith.constant 0 : i32
      %dma_start3A_316 = tpu.memref_slice %arg2[%dma_start3A_314, %dma_start3A_315] : memref<100000x128xf32, #tpu.memory_space<hbm>> -> memref<100000x128xf32, #tpu.memory_space<hbm>>
      tpu.enqueue_indirect_dma source(%dma_start3A_316 : memref<100000x128xf32, #tpu.memory_space<hbm>>) target(%dma_start3A_310 : memref<128x128xf32, #tpu.memory_space<vmem>>) offsets(%dma_start3A_313 : memref<128xi32, #tpu.memory_space<vmem>>) semaphore(%arg7 : memref<!tpu.dma_semaphore, #tpu.memory_space<semaphore_mem>>)
      %mul3A_317 = arith.constant 2 : i32
      %mul3A_318 = arith.muli %add3A_285, %mul3A_317 : i32
      %add3A_319 = arith.constant 1 : i32
      %add3A_320 = arith.addi %mul3A_318, %add3A_319 : i32
      %dma_start3A_321 = arith.constant 1 : i32
      %dma_start3A_322 = arith.constant 0 : i32
      %dma_start3A_323 = arith.constant 0 : i32
      %dma_start3A_324 = tpu.memref_slice %arg6[%dma_start3A_321, %dma_start3A_322, %dma_start3A_323] : memref<2x256x128xf32, #tpu.memory_space<vmem>> -> memref<1x256x128xf32, #tpu.memory_space<vmem>>
      %dma_start3A_325 = tpu.memref_squeeze %dma_start3A_324 : memref<1x256x128xf32, #tpu.memory_space<vmem>> -> memref<256x128xf32, #tpu.memory_space<vmem>>
      %dma_start3A_326 = arith.constant 128 : i32
      %dma_start3A_327 = arith.constant 0 : i32
      %dma_start3A_328 = tpu.memref_slice %dma_start3A_325[%dma_start3A_326, %dma_start3A_327] : memref<256x128xf32, #tpu.memory_space<vmem>> -> memref<128x128xf32, #tpu.memory_space<vmem>>
      %dma_start3A_329 = arith.constant 0 : i32
      %dma_start3A_330 = tpu.memref_slice %arg5[%add3A_320, %dma_start3A_329] : memref<40x128xi32, #tpu.memory_space<vmem>> -> memref<1x128xi32, #tpu.memory_space<vmem>>
      %dma_start3A_331 = tpu.memref_squeeze %dma_start3A_330 : memref<1x128xi32, #tpu.memory_space<vmem>> -> memref<128xi32, #tpu.memory_space<vmem>>
      %dma_start3A_332 = arith.constant 0 : i32
      %dma_start3A_333 = arith.constant 0 : i32
      %dma_start3A_334 = tpu.memref_slice %arg2[%dma_start3A_332, %dma_start3A_333] : memref<100000x128xf32, #tpu.memory_space<hbm>> -> memref<100000x128xf32, #tpu.memory_space<hbm>>
      tpu.enqueue_indirect_dma source(%dma_start3A_334 : memref<100000x128xf32, #tpu.memory_space<hbm>>) target(%dma_start3A_328 : memref<128x128xf32, #tpu.memory_space<vmem>>) offsets(%dma_start3A_331 : memref<128xi32, #tpu.memory_space<vmem>>) semaphore(%arg7 : memref<!tpu.dma_semaphore, #tpu.memory_space<semaphore_mem>>)
      %dma_wait3A_335 = arith.constant 1 : i32
      %dma_wait3A_336 = arith.constant 0 : i32
      %dma_wait3A_337 = arith.constant 0 : i32
      %dma_wait3A_338 = tpu.memref_slice %arg6[%dma_wait3A_335, %dma_wait3A_336, %dma_wait3A_337] : memref<2x256x128xf32, #tpu.memory_space<vmem>> -> memref<1x256x128xf32, #tpu.memory_space<vmem>>
      %dma_wait3A_339 = tpu.memref_squeeze %dma_wait3A_338 : memref<1x256x128xf32, #tpu.memory_space<vmem>> -> memref<256x128xf32, #tpu.memory_space<vmem>>
      %dma_wait3A_340 = arith.constant 0 : i32
      %dma_wait3A_341 = arith.constant 0 : i32
      %dma_wait3A_342 = tpu.memref_slice %dma_wait3A_339[%dma_wait3A_340, %dma_wait3A_341] : memref<256x128xf32, #tpu.memory_space<vmem>> -> memref<128x128xf32, #tpu.memory_space<vmem>>
      %dma_wait3A_343 = arith.constant 0 : i32
      %dma_wait3A_344 = tpu.memref_slice %arg5[%add3A_302, %dma_wait3A_343] : memref<40x128xi32, #tpu.memory_space<vmem>> -> memref<1x128xi32, #tpu.memory_space<vmem>>
      %dma_wait3A_345 = tpu.memref_squeeze %dma_wait3A_344 : memref<1x128xi32, #tpu.memory_space<vmem>> -> memref<128xi32, #tpu.memory_space<vmem>>
      %dma_wait3A_346 = arith.constant 0 : i32
      %dma_wait3A_347 = arith.constant 0 : i32
      %dma_wait3A_348 = tpu.memref_slice %arg2[%dma_wait3A_346, %dma_wait3A_347] : memref<100000x128xf32, #tpu.memory_space<hbm>> -> memref<100000x128xf32, #tpu.memory_space<hbm>>
      tpu.wait_indirect_dma semaphore(%arg7 : memref<!tpu.dma_semaphore, #tpu.memory_space<semaphore_mem>>) src(%dma_wait3A_348 : memref<100000x128xf32, #tpu.memory_space<hbm>>) dst(%dma_wait3A_342 : memref<128x128xf32, #tpu.memory_space<vmem>>)
      %dma_wait3A_349 = arith.constant 1 : i32
      %dma_wait3A_350 = arith.constant 0 : i32
      %dma_wait3A_351 = arith.constant 0 : i32
      %dma_wait3A_352 = tpu.memref_slice %arg6[%dma_wait3A_349, %dma_wait3A_350, %dma_wait3A_351] : memref<2x256x128xf32, #tpu.memory_space<vmem>> -> memref<1x256x128xf32, #tpu.memory_space<vmem>>
      %dma_wait3A_353 = tpu.memref_squeeze %dma_wait3A_352 : memref<1x256x128xf32, #tpu.memory_space<vmem>> -> memref<256x128xf32, #tpu.memory_space<vmem>>
      %dma_wait3A_354 = arith.constant 128 : i32
      %dma_wait3A_355 = arith.constant 0 : i32
      %dma_wait3A_356 = tpu.memref_slice %dma_wait3A_353[%dma_wait3A_354, %dma_wait3A_355] : memref<256x128xf32, #tpu.memory_space<vmem>> -> memref<128x128xf32, #tpu.memory_space<vmem>>
      %dma_wait3A_357 = arith.constant 0 : i32
      %dma_wait3A_358 = tpu.memref_slice %arg5[%add3A_320, %dma_wait3A_357] : memref<40x128xi32, #tpu.memory_space<vmem>> -> memref<1x128xi32, #tpu.memory_space<vmem>>
      %dma_wait3A_359 = tpu.memref_squeeze %dma_wait3A_358 : memref<1x128xi32, #tpu.memory_space<vmem>> -> memref<128xi32, #tpu.memory_space<vmem>>
      %dma_wait3A_360 = arith.constant 0 : i32
      %dma_wait3A_361 = arith.constant 0 : i32
      %dma_wait3A_362 = tpu.memref_slice %arg2[%dma_wait3A_360, %dma_wait3A_361] : memref<100000x128xf32, #tpu.memory_space<hbm>> -> memref<100000x128xf32, #tpu.memory_space<hbm>>
      tpu.wait_indirect_dma semaphore(%arg7 : memref<!tpu.dma_semaphore, #tpu.memory_space<semaphore_mem>>) src(%dma_wait3A_362 : memref<100000x128xf32, #tpu.memory_space<hbm>>) dst(%dma_wait3A_356 : memref<128x128xf32, #tpu.memory_space<vmem>>)
      %mul3A_363 = arith.constant 256 : i32
      %mul3A_364 = arith.muli %add3A_285, %mul3A_363 : i32
      %add3A_365 = arith.addi %mul3A_2, %mul3A_364 : i32
      %dma_start3A_366 = arith.constant 1 : i32
      %dma_start3A_367 = arith.constant 0 : i32
      %dma_start3A_368 = arith.constant 0 : i32
      %dma_start3A_369 = tpu.memref_slice %arg6[%dma_start3A_366, %dma_start3A_367, %dma_start3A_368] : memref<2x256x128xf32, #tpu.memory_space<vmem>> -> memref<1x256x128xf32, #tpu.memory_space<vmem>>
      %dma_start3A_370 = tpu.memref_squeeze %dma_start3A_369 : memref<1x256x128xf32, #tpu.memory_space<vmem>> -> memref<256x128xf32, #tpu.memory_space<vmem>>
      %dma_start3A_371 = arith.constant 0 : i32
      %dma_start3A_372 = tpu.memref_slice %arg4[%add3A_365, %dma_start3A_371] : memref<163840x128xf32, #tpu.memory_space<hbm>> -> memref<256x128xf32, #tpu.memory_space<hbm>>
      %dma_start3A_373 = arith.constant 0 : i32
      %dma_start3A_374 = tpu.memref_slice %arg4[%add3A_365, %dma_start3A_373] : memref<163840x128xf32, #tpu.memory_space<hbm>> -> memref<256x128xf32, #tpu.memory_space<hbm>>
      %dma_start3A_375 = arith.constant 0 : i32
      %dma_start3A_376 = arith.constant 0 : i32
      %dma_start3A_377 = tpu.memref_slice %arg6[%dma_start3A_366, %dma_start3A_375, %dma_start3A_376] : memref<2x256x128xf32, #tpu.memory_space<vmem>> -> memref<1x256x128xf32, #tpu.memory_space<vmem>>
      %dma_start3A_378 = tpu.memref_squeeze %dma_start3A_377 : memref<1x256x128xf32, #tpu.memory_space<vmem>> -> memref<256x128xf32, #tpu.memory_space<vmem>>
      tpu.enqueue_dma source(%dma_start3A_378 : memref<256x128xf32, #tpu.memory_space<vmem>>) target(%dma_start3A_374 : memref<256x128xf32, #tpu.memory_space<hbm>>) target_semaphore(%arg9 : memref<!tpu.dma_semaphore, #tpu.memory_space<semaphore_mem>>)
    }
    %scan3A_157 = arith.constant 9 : i32
    %dma_wait3A_158 = arith.constant 0 : i32
    %dma_wait3A_159 = arith.constant 0 : i32
    %dma_wait3A_160 = arith.constant 0 : i32
    %dma_wait3A_161 = tpu.memref_slice %arg6[%dma_wait3A_158, %dma_wait3A_159, %dma_wait3A_160] : memref<2x256x128xf32, #tpu.memory_space<vmem>> -> memref<1x256x128xf32, #tpu.memory_space<vmem>>
    %dma_wait3A_162 = tpu.memref_squeeze %dma_wait3A_161 : memref<1x256x128xf32, #tpu.memory_space<vmem>> -> memref<256x128xf32, #tpu.memory_space<vmem>>
    %dma_wait3A_163 = arith.constant 0 : i32
    %dma_wait3A_164 = tpu.memref_slice %arg4[%mul3A_2, %dma_wait3A_163] : memref<163840x128xf32, #tpu.memory_space<hbm>> -> memref<256x128xf32, #tpu.memory_space<hbm>>
    %dma_wait3A_165 = arith.constant 0 : i32
    %dma_wait3A_166 = tpu.memref_slice %arg4[%mul3A_2, %dma_wait3A_165] : memref<163840x128xf32, #tpu.memory_space<hbm>> -> memref<256x128xf32, #tpu.memory_space<hbm>>
    %dma_wait3A_167 = arith.constant 0 : i32
    %dma_wait3A_168 = arith.constant 0 : i32
    %dma_wait3A_169 = tpu.memref_slice %arg6[%dma_wait3A_158, %dma_wait3A_167, %dma_wait3A_168] : memref<2x256x128xf32, #tpu.memory_space<vmem>> -> memref<1x256x128xf32, #tpu.memory_space<vmem>>
    %dma_wait3A_170 = tpu.memref_squeeze %dma_wait3A_169 : memref<1x256x128xf32, #tpu.memory_space<vmem>> -> memref<256x128xf32, #tpu.memory_space<vmem>>
    tpu.wait_dma2 semaphore(%arg8 : memref<!tpu.dma_semaphore, #tpu.memory_space<semaphore_mem>>) src(%dma_wait3A_170 : memref<256x128xf32, #tpu.memory_space<vmem>>) dst(%dma_wait3A_166 : memref<256x128xf32, #tpu.memory_space<hbm>>)
    %dma_wait3A_171 = arith.constant 1 : i32
    %dma_wait3A_172 = arith.constant 0 : i32
    %dma_wait3A_173 = arith.constant 0 : i32
    %dma_wait3A_174 = tpu.memref_slice %arg6[%dma_wait3A_171, %dma_wait3A_172, %dma_wait3A_173] : memref<2x256x128xf32, #tpu.memory_space<vmem>> -> memref<1x256x128xf32, #tpu.memory_space<vmem>>
    %dma_wait3A_175 = tpu.memref_squeeze %dma_wait3A_174 : memref<1x256x128xf32, #tpu.memory_space<vmem>> -> memref<256x128xf32, #tpu.memory_space<vmem>>
    %dma_wait3A_176 = arith.constant 0 : i32
    %dma_wait3A_177 = tpu.memref_slice %arg4[%mul3A_2, %dma_wait3A_176] : memref<163840x128xf32, #tpu.memory_space<hbm>> -> memref<256x128xf32, #tpu.memory_space<hbm>>
    %dma_wait3A_178 = arith.constant 0 : i32
    %dma_wait3A_179 = tpu.memref_slice %arg4[%mul3A_2, %dma_wait3A_178] : memref<163840x128xf32, #tpu.memory_space<hbm>> -> memref<256x128xf32, #tpu.memory_space<hbm>>
    %dma_wait3A_180 = arith.constant 0 : i32
    %dma_wait3A_181 = arith.constant 0 : i32
    %dma_wait3A_182 = tpu.memref_slice %arg6[%dma_wait3A_171, %dma_wait3A_180, %dma_wait3A_181] : memref<2x256x128xf32, #tpu.memory_space<vmem>> -> memref<1x256x128xf32, #tpu.memory_space<vmem>>
    %dma_wait3A_183 = tpu.memref_squeeze %dma_wait3A_182 : memref<1x256x128xf32, #tpu.memory_space<vmem>> -> memref<256x128xf32, #tpu.memory_space<vmem>>
    tpu.wait_dma2 semaphore(%arg9 : memref<!tpu.dma_semaphore, #tpu.memory_space<semaphore_mem>>) src(%dma_wait3A_183 : memref<256x128xf32, #tpu.memory_space<vmem>>) dst(%dma_wait3A_179 : memref<256x128xf32, #tpu.memory_space<hbm>>)
    return
  }
}

#map = affine_map<(d0, d1) -> (0, 0)>
module attributes {stable_mosaic.version = 14 : i64} {
  func.func @gather_kernel(%arg0: i32, %arg1: i32, %arg2: memref<100000x128xf32, #tpu.memory_space<hbm>>, %arg3: memref<1280x128xi32, #tpu.memory_space<hbm>>, %arg4: memref<163840x128xf32, #tpu.memory_space<hbm>>, %arg5: memref<40x128xi32, #tpu.memory_space<vmem>>, %arg6: memref<2x256x128xf32, #tpu.memory_space<vmem>>, %arg7: memref<!tpu.dma_semaphore, #tpu.memory_space<semaphore_mem>>, %arg8: memref<!tpu.dma_semaphore, #tpu.memory_space<semaphore_mem>>, %arg9: memref<!tpu.dma_semaphore, #tpu.memory_space<semaphore_mem>>) attributes {dimension_semantics = [#tpu.dimension_semantics<core_parallel>, #tpu.dimension_semantics<subcore_parallel>], iteration_bounds = array<i64: 2, 16>, scalar_prefetch = 0 : i64, scratch_operands = 5 : i64, tpu.core_type = #tpu.core_type<sc_vector_subcore>, window_params = [{transform_indices = #map}, {transform_indices = #map}, {transform_indices = #map}]} {
    %mul3A = arith.constant 2 : i32
    %mul3A_0 = arith.muli %arg1, %mul3A : i32
    %add3A = arith.addi %mul3A_0, %arg0 : i32
    %mul3A_1 = arith.constant 5120 : i32
    %mul3A_2 = arith.muli %add3A, %mul3A_1 : i32
    %mul3A_3 = arith.constant 40 : i32
    %mul3A_4 = arith.muli %add3A, %mul3A_3 : i32
    "tpu.region"() ({
      %run_scoped3A = tpu.sem_alloc : memref<!tpu.dma_semaphore, #tpu.memory_space<semaphore_mem>>
      %dma_start3A_184 = arith.constant 0 : i32
      %dma_start3A_185 = tpu.memref_slice %arg3[%mul3A_4, %dma_start3A_184] : memref<1280x128xi32, #tpu.memory_space<hbm>> -> memref<40x128xi32, #tpu.memory_space<hbm>>
      %dma_start3A_186 = arith.constant 0 : i32
      %dma_start3A_187 = tpu.memref_slice %arg3[%mul3A_4, %dma_start3A_186] : memref<1280x128xi32, #tpu.memory_space<hbm>> -> memref<40x128xi32, #tpu.memory_space<hbm>>
      tpu.enqueue_dma source(%dma_start3A_187 : memref<40x128xi32, #tpu.memory_space<hbm>>) target(%arg5 : memref<40x128xi32, #tpu.memory_space<vmem>>) target_semaphore(%run_scoped3A : memref<!tpu.dma_semaphore, #tpu.memory_space<semaphore_mem>>)
      %dma_wait3A_188 = arith.constant 0 : i32
      %dma_wait3A_189 = tpu.memref_slice %arg3[%mul3A_4, %dma_wait3A_188] : memref<1280x128xi32, #tpu.memory_space<hbm>> -> memref<40x128xi32, #tpu.memory_space<hbm>>
      %dma_wait3A_190 = arith.constant 0 : i32
      %dma_wait3A_191 = tpu.memref_slice %arg3[%mul3A_4, %dma_wait3A_190] : memref<1280x128xi32, #tpu.memory_space<hbm>> -> memref<40x128xi32, #tpu.memory_space<hbm>>
      tpu.wait_dma2 semaphore(%run_scoped3A : memref<!tpu.dma_semaphore, #tpu.memory_space<semaphore_mem>>) src(%dma_wait3A_191 : memref<40x128xi32, #tpu.memory_space<hbm>>) dst(%arg5 : memref<40x128xi32, #tpu.memory_space<vmem>>)
      tpu.yield
    }) : () -> ()
    %dma_start3A = arith.constant 0 : i32
    %dma_start3A_5 = arith.constant 0 : i32
    %dma_start3A_6 = arith.constant 0 : i32
    %dma_start3A_7 = arith.constant 0 : i32
    %dma_start3A_8 = tpu.memref_slice %arg6[%dma_start3A_5, %dma_start3A_6, %dma_start3A_7] : memref<2x256x128xf32, #tpu.memory_space<vmem>> -> memref<1x256x128xf32, #tpu.memory_space<vmem>>
    %dma_start3A_9 = tpu.memref_squeeze %dma_start3A_8 : memref<1x256x128xf32, #tpu.memory_space<vmem>> -> memref<256x128xf32, #tpu.memory_space<vmem>>
    %dma_start3A_10 = arith.constant 0 : i32
    %dma_start3A_11 = arith.constant 0 : i32
    %dma_start3A_12 = tpu.memref_slice %dma_start3A_9[%dma_start3A_10, %dma_start3A_11] : memref<256x128xf32, #tpu.memory_space<vmem>> -> memref<128x128xf32, #tpu.memory_space<vmem>>
    %dma_start3A_13 = arith.constant 0 : i32
    %dma_start3A_14 = tpu.memref_slice %arg5[%dma_start3A, %dma_start3A_13] : memref<40x128xi32, #tpu.memory_space<vmem>> -> memref<1x128xi32, #tpu.memory_space<vmem>>
    %dma_start3A_15 = tpu.memref_squeeze %dma_start3A_14 : memref<1x128xi32, #tpu.memory_space<vmem>> -> memref<128xi32, #tpu.memory_space<vmem>>
    %dma_start3A_16 = arith.constant 0 : i32
    %dma_start3A_17 = arith.constant 0 : i32
    %dma_start3A_18 = tpu.memref_slice %arg2[%dma_start3A_16, %dma_start3A_17] : memref<100000x128xf32, #tpu.memory_space<hbm>> -> memref<100000x128xf32, #tpu.memory_space<hbm>>
    tpu.enqueue_indirect_dma source(%dma_start3A_18 : memref<100000x128xf32, #tpu.memory_space<hbm>>) target(%dma_start3A_12 : memref<128x128xf32, #tpu.memory_space<vmem>>) offsets(%dma_start3A_15 : memref<128xi32, #tpu.memory_space<vmem>>) semaphore(%arg7 : memref<!tpu.dma_semaphore, #tpu.memory_space<semaphore_mem>>)
    %dma_start3A_19 = arith.constant 1 : i32
    %dma_start3A_20 = arith.constant 0 : i32
    %dma_start3A_21 = arith.constant 0 : i32
    %dma_start3A_22 = arith.constant 0 : i32
    %dma_start3A_23 = tpu.memref_slice %arg6[%dma_start3A_20, %dma_start3A_21, %dma_start3A_22] : memref<2x256x128xf32, #tpu.memory_space<vmem>> -> memref<1x256x128xf32, #tpu.memory_space<vmem>>
    %dma_start3A_24 = tpu.memref_squeeze %dma_start3A_23 : memref<1x256x128xf32, #tpu.memory_space<vmem>> -> memref<256x128xf32, #tpu.memory_space<vmem>>
    %dma_start3A_25 = arith.constant 128 : i32
    %dma_start3A_26 = arith.constant 0 : i32
    %dma_start3A_27 = tpu.memref_slice %dma_start3A_24[%dma_start3A_25, %dma_start3A_26] : memref<256x128xf32, #tpu.memory_space<vmem>> -> memref<128x128xf32, #tpu.memory_space<vmem>>
    %dma_start3A_28 = arith.constant 0 : i32
    %dma_start3A_29 = tpu.memref_slice %arg5[%dma_start3A_19, %dma_start3A_28] : memref<40x128xi32, #tpu.memory_space<vmem>> -> memref<1x128xi32, #tpu.memory_space<vmem>>
    %dma_start3A_30 = tpu.memref_squeeze %dma_start3A_29 : memref<1x128xi32, #tpu.memory_space<vmem>> -> memref<128xi32, #tpu.memory_space<vmem>>
    %dma_start3A_31 = arith.constant 0 : i32
    %dma_start3A_32 = arith.constant 0 : i32
    %dma_start3A_33 = tpu.memref_slice %arg2[%dma_start3A_31, %dma_start3A_32] : memref<100000x128xf32, #tpu.memory_space<hbm>> -> memref<100000x128xf32, #tpu.memory_space<hbm>>
    tpu.enqueue_indirect_dma source(%dma_start3A_33 : memref<100000x128xf32, #tpu.memory_space<hbm>>) target(%dma_start3A_27 : memref<128x128xf32, #tpu.memory_space<vmem>>) offsets(%dma_start3A_30 : memref<128xi32, #tpu.memory_space<vmem>>) semaphore(%arg7 : memref<!tpu.dma_semaphore, #tpu.memory_space<semaphore_mem>>)
    %dma_wait3A = arith.constant 0 : i32
    %dma_wait3A_34 = arith.constant 0 : i32
    %dma_wait3A_35 = arith.constant 0 : i32
    %dma_wait3A_36 = arith.constant 0 : i32
    %dma_wait3A_37 = tpu.memref_slice %arg6[%dma_wait3A_34, %dma_wait3A_35, %dma_wait3A_36] : memref<2x256x128xf32, #tpu.memory_space<vmem>> -> memref<1x256x128xf32, #tpu.memory_space<vmem>>
    %dma_wait3A_38 = tpu.memref_squeeze %dma_wait3A_37 : memref<1x256x128xf32, #tpu.memory_space<vmem>> -> memref<256x128xf32, #tpu.memory_space<vmem>>
    %dma_wait3A_39 = arith.constant 0 : i32
    %dma_wait3A_40 = arith.constant 0 : i32
    %dma_wait3A_41 = tpu.memref_slice %dma_wait3A_38[%dma_wait3A_39, %dma_wait3A_40] : memref<256x128xf32, #tpu.memory_space<vmem>> -> memref<128x128xf32, #tpu.memory_space<vmem>>
    %dma_wait3A_42 = arith.constant 0 : i32
    %dma_wait3A_43 = tpu.memref_slice %arg5[%dma_wait3A, %dma_wait3A_42] : memref<40x128xi32, #tpu.memory_space<vmem>> -> memref<1x128xi32, #tpu.memory_space<vmem>>
    %dma_wait3A_44 = tpu.memref_squeeze %dma_wait3A_43 : memref<1x128xi32, #tpu.memory_space<vmem>> -> memref<128xi32, #tpu.memory_space<vmem>>
    %dma_wait3A_45 = arith.constant 0 : i32
    %dma_wait3A_46 = arith.constant 0 : i32
    %dma_wait3A_47 = tpu.memref_slice %arg2[%dma_wait3A_45, %dma_wait3A_46] : memref<100000x128xf32, #tpu.memory_space<hbm>> -> memref<100000x128xf32, #tpu.memory_space<hbm>>
    tpu.wait_indirect_dma semaphore(%arg7 : memref<!tpu.dma_semaphore, #tpu.memory_space<semaphore_mem>>) src(%dma_wait3A_47 : memref<100000x128xf32, #tpu.memory_space<hbm>>) dst(%dma_wait3A_41 : memref<128x128xf32, #tpu.memory_space<vmem>>)
    %dma_wait3A_48 = arith.constant 1 : i32
    %dma_wait3A_49 = arith.constant 0 : i32
    %dma_wait3A_50 = arith.constant 0 : i32
    %dma_wait3A_51 = arith.constant 0 : i32
    %dma_wait3A_52 = tpu.memref_slice %arg6[%dma_wait3A_49, %dma_wait3A_50, %dma_wait3A_51] : memref<2x256x128xf32, #tpu.memory_space<vmem>> -> memref<1x256x128xf32, #tpu.memory_space<vmem>>
    %dma_wait3A_53 = tpu.memref_squeeze %dma_wait3A_52 : memref<1x256x128xf32, #tpu.memory_space<vmem>> -> memref<256x128xf32, #tpu.memory_space<vmem>>
    %dma_wait3A_54 = arith.constant 128 : i32
    %dma_wait3A_55 = arith.constant 0 : i32
    %dma_wait3A_56 = tpu.memref_slice %dma_wait3A_53[%dma_wait3A_54, %dma_wait3A_55] : memref<256x128xf32, #tpu.memory_space<vmem>> -> memref<128x128xf32, #tpu.memory_space<vmem>>
    %dma_wait3A_57 = arith.constant 0 : i32
    %dma_wait3A_58 = tpu.memref_slice %arg5[%dma_wait3A_48, %dma_wait3A_57] : memref<40x128xi32, #tpu.memory_space<vmem>> -> memref<1x128xi32, #tpu.memory_space<vmem>>
    %dma_wait3A_59 = tpu.memref_squeeze %dma_wait3A_58 : memref<1x128xi32, #tpu.memory_space<vmem>> -> memref<128xi32, #tpu.memory_space<vmem>>
    %dma_wait3A_60 = arith.constant 0 : i32
    %dma_wait3A_61 = arith.constant 0 : i32
    %dma_wait3A_62 = tpu.memref_slice %arg2[%dma_wait3A_60, %dma_wait3A_61] : memref<100000x128xf32, #tpu.memory_space<hbm>> -> memref<100000x128xf32, #tpu.memory_space<hbm>>
    tpu.wait_indirect_dma semaphore(%arg7 : memref<!tpu.dma_semaphore, #tpu.memory_space<semaphore_mem>>) src(%dma_wait3A_62 : memref<100000x128xf32, #tpu.memory_space<hbm>>) dst(%dma_wait3A_56 : memref<128x128xf32, #tpu.memory_space<vmem>>)
    %add3A_63 = arith.constant 0 : i32
    %add3A_64 = arith.addi %mul3A_2, %add3A_63 : i32
    %dma_start3A_65 = arith.constant 0 : i32
    %dma_start3A_66 = arith.constant 0 : i32
    %dma_start3A_67 = arith.constant 0 : i32
    %dma_start3A_68 = tpu.memref_slice %arg6[%dma_start3A_65, %dma_start3A_66, %dma_start3A_67] : memref<2x256x128xf32, #tpu.memory_space<vmem>> -> memref<1x256x128xf32, #tpu.memory_space<vmem>>
    %dma_start3A_69 = tpu.memref_squeeze %dma_start3A_68 : memref<1x256x128xf32, #tpu.memory_space<vmem>> -> memref<256x128xf32, #tpu.memory_space<vmem>>
    %dma_start3A_70 = arith.constant 0 : i32
    %dma_start3A_71 = tpu.memref_slice %arg4[%add3A_64, %dma_start3A_70] : memref<163840x128xf32, #tpu.memory_space<hbm>> -> memref<256x128xf32, #tpu.memory_space<hbm>>
    %dma_start3A_72 = arith.constant 0 : i32
    %dma_start3A_73 = tpu.memref_slice %arg4[%add3A_64, %dma_start3A_72] : memref<163840x128xf32, #tpu.memory_space<hbm>> -> memref<256x128xf32, #tpu.memory_space<hbm>>
    %dma_start3A_74 = arith.constant 0 : i32
    %dma_start3A_75 = arith.constant 0 : i32
    %dma_start3A_76 = tpu.memref_slice %arg6[%dma_start3A_65, %dma_start3A_74, %dma_start3A_75] : memref<2x256x128xf32, #tpu.memory_space<vmem>> -> memref<1x256x128xf32, #tpu.memory_space<vmem>>
    %dma_start3A_77 = tpu.memref_squeeze %dma_start3A_76 : memref<1x256x128xf32, #tpu.memory_space<vmem>> -> memref<256x128xf32, #tpu.memory_space<vmem>>
    tpu.enqueue_dma source(%dma_start3A_77 : memref<256x128xf32, #tpu.memory_space<vmem>>) target(%dma_start3A_73 : memref<256x128xf32, #tpu.memory_space<hbm>>) target_semaphore(%arg8 : memref<!tpu.dma_semaphore, #tpu.memory_space<semaphore_mem>>)
    %dma_start3A_78 = arith.constant 2 : i32
    %dma_start3A_79 = arith.constant 1 : i32
    %dma_start3A_80 = arith.constant 0 : i32
    %dma_start3A_81 = arith.constant 0 : i32
    %dma_start3A_82 = tpu.memref_slice %arg6[%dma_start3A_79, %dma_start3A_80, %dma_start3A_81] : memref<2x256x128xf32, #tpu.memory_space<vmem>> -> memref<1x256x128xf32, #tpu.memory_space<vmem>>
    %dma_start3A_83 = tpu.memref_squeeze %dma_start3A_82 : memref<1x256x128xf32, #tpu.memory_space<vmem>> -> memref<256x128xf32, #tpu.memory_space<vmem>>
    %dma_start3A_84 = arith.constant 0 : i32
    %dma_start3A_85 = arith.constant 0 : i32
    %dma_start3A_86 = tpu.memref_slice %dma_start3A_83[%dma_start3A_84, %dma_start3A_85] : memref<256x128xf32, #tpu.memory_space<vmem>> -> memref<128x128xf32, #tpu.memory_space<vmem>>
    %dma_start3A_87 = arith.constant 0 : i32
    %dma_start3A_88 = tpu.memref_slice %arg5[%dma_start3A_78, %dma_start3A_87] : memref<40x128xi32, #tpu.memory_space<vmem>> -> memref<1x128xi32, #tpu.memory_space<vmem>>
    %dma_start3A_89 = tpu.memref_squeeze %dma_start3A_88 : memref<1x128xi32, #tpu.memory_space<vmem>> -> memref<128xi32, #tpu.memory_space<vmem>>
    %dma_start3A_90 = arith.constant 0 : i32
    %dma_start3A_91 = arith.constant 0 : i32
    %dma_start3A_92 = tpu.memref_slice %arg2[%dma_start3A_90, %dma_start3A_91] : memref<100000x128xf32, #tpu.memory_space<hbm>> -> memref<100000x128xf32, #tpu.memory_space<hbm>>
    tpu.enqueue_indirect_dma source(%dma_start3A_92 : memref<100000x128xf32, #tpu.memory_space<hbm>>) target(%dma_start3A_86 : memref<128x128xf32, #tpu.memory_space<vmem>>) offsets(%dma_start3A_89 : memref<128xi32, #tpu.memory_space<vmem>>) semaphore(%arg7 : memref<!tpu.dma_semaphore, #tpu.memory_space<semaphore_mem>>)
    %dma_start3A_93 = arith.constant 3 : i32
    %dma_start3A_94 = arith.constant 1 : i32
    %dma_start3A_95 = arith.constant 0 : i32
    %dma_start3A_96 = arith.constant 0 : i32
    %dma_start3A_97 = tpu.memref_slice %arg6[%dma_start3A_94, %dma_start3A_95, %dma_start3A_96] : memref<2x256x128xf32, #tpu.memory_space<vmem>> -> memref<1x256x128xf32, #tpu.memory_space<vmem>>
    %dma_start3A_98 = tpu.memref_squeeze %dma_start3A_97 : memref<1x256x128xf32, #tpu.memory_space<vmem>> -> memref<256x128xf32, #tpu.memory_space<vmem>>
    %dma_start3A_99 = arith.constant 128 : i32
    %dma_start3A_100 = arith.constant 0 : i32
    %dma_start3A_101 = tpu.memref_slice %dma_start3A_98[%dma_start3A_99, %dma_start3A_100] : memref<256x128xf32, #tpu.memory_space<vmem>> -> memref<128x128xf32, #tpu.memory_space<vmem>>
    %dma_start3A_102 = arith.constant 0 : i32
    %dma_start3A_103 = tpu.memref_slice %arg5[%dma_start3A_93, %dma_start3A_102] : memref<40x128xi32, #tpu.memory_space<vmem>> -> memref<1x128xi32, #tpu.memory_space<vmem>>
    %dma_start3A_104 = tpu.memref_squeeze %dma_start3A_103 : memref<1x128xi32, #tpu.memory_space<vmem>> -> memref<128xi32, #tpu.memory_space<vmem>>
    %dma_start3A_105 = arith.constant 0 : i32
    %dma_start3A_106 = arith.constant 0 : i32
    %dma_start3A_107 = tpu.memref_slice %arg2[%dma_start3A_105, %dma_start3A_106] : memref<100000x128xf32, #tpu.memory_space<hbm>> -> memref<100000x128xf32, #tpu.memory_space<hbm>>
    tpu.enqueue_indirect_dma source(%dma_start3A_107 : memref<100000x128xf32, #tpu.memory_space<hbm>>) target(%dma_start3A_101 : memref<128x128xf32, #tpu.memory_space<vmem>>) offsets(%dma_start3A_104 : memref<128xi32, #tpu.memory_space<vmem>>) semaphore(%arg7 : memref<!tpu.dma_semaphore, #tpu.memory_space<semaphore_mem>>)
    %dma_wait3A_108 = arith.constant 2 : i32
    %dma_wait3A_109 = arith.constant 1 : i32
    %dma_wait3A_110 = arith.constant 0 : i32
    %dma_wait3A_111 = arith.constant 0 : i32
    %dma_wait3A_112 = tpu.memref_slice %arg6[%dma_wait3A_109, %dma_wait3A_110, %dma_wait3A_111] : memref<2x256x128xf32, #tpu.memory_space<vmem>> -> memref<1x256x128xf32, #tpu.memory_space<vmem>>
    %dma_wait3A_113 = tpu.memref_squeeze %dma_wait3A_112 : memref<1x256x128xf32, #tpu.memory_space<vmem>> -> memref<256x128xf32, #tpu.memory_space<vmem>>
    %dma_wait3A_114 = arith.constant 0 : i32
    %dma_wait3A_115 = arith.constant 0 : i32
    %dma_wait3A_116 = tpu.memref_slice %dma_wait3A_113[%dma_wait3A_114, %dma_wait3A_115] : memref<256x128xf32, #tpu.memory_space<vmem>> -> memref<128x128xf32, #tpu.memory_space<vmem>>
    %dma_wait3A_117 = arith.constant 0 : i32
    %dma_wait3A_118 = tpu.memref_slice %arg5[%dma_wait3A_108, %dma_wait3A_117] : memref<40x128xi32, #tpu.memory_space<vmem>> -> memref<1x128xi32, #tpu.memory_space<vmem>>
    %dma_wait3A_119 = tpu.memref_squeeze %dma_wait3A_118 : memref<1x128xi32, #tpu.memory_space<vmem>> -> memref<128xi32, #tpu.memory_space<vmem>>
    %dma_wait3A_120 = arith.constant 0 : i32
    %dma_wait3A_121 = arith.constant 0 : i32
    %dma_wait3A_122 = tpu.memref_slice %arg2[%dma_wait3A_120, %dma_wait3A_121] : memref<100000x128xf32, #tpu.memory_space<hbm>> -> memref<100000x128xf32, #tpu.memory_space<hbm>>
    tpu.wait_indirect_dma semaphore(%arg7 : memref<!tpu.dma_semaphore, #tpu.memory_space<semaphore_mem>>) src(%dma_wait3A_122 : memref<100000x128xf32, #tpu.memory_space<hbm>>) dst(%dma_wait3A_116 : memref<128x128xf32, #tpu.memory_space<vmem>>)
    %dma_wait3A_123 = arith.constant 3 : i32
    %dma_wait3A_124 = arith.constant 1 : i32
    %dma_wait3A_125 = arith.constant 0 : i32
    %dma_wait3A_126 = arith.constant 0 : i32
    %dma_wait3A_127 = tpu.memref_slice %arg6[%dma_wait3A_124, %dma_wait3A_125, %dma_wait3A_126] : memref<2x256x128xf32, #tpu.memory_space<vmem>> -> memref<1x256x128xf32, #tpu.memory_space<vmem>>
    %dma_wait3A_128 = tpu.memref_squeeze %dma_wait3A_127 : memref<1x256x128xf32, #tpu.memory_space<vmem>> -> memref<256x128xf32, #tpu.memory_space<vmem>>
    %dma_wait3A_129 = arith.constant 128 : i32
    %dma_wait3A_130 = arith.constant 0 : i32
    %dma_wait3A_131 = tpu.memref_slice %dma_wait3A_128[%dma_wait3A_129, %dma_wait3A_130] : memref<256x128xf32, #tpu.memory_space<vmem>> -> memref<128x128xf32, #tpu.memory_space<vmem>>
    %dma_wait3A_132 = arith.constant 0 : i32
    %dma_wait3A_133 = tpu.memref_slice %arg5[%dma_wait3A_123, %dma_wait3A_132] : memref<40x128xi32, #tpu.memory_space<vmem>> -> memref<1x128xi32, #tpu.memory_space<vmem>>
    %dma_wait3A_134 = tpu.memref_squeeze %dma_wait3A_133 : memref<1x128xi32, #tpu.memory_space<vmem>> -> memref<128xi32, #tpu.memory_space<vmem>>
    %dma_wait3A_135 = arith.constant 0 : i32
    %dma_wait3A_136 = arith.constant 0 : i32
    %dma_wait3A_137 = tpu.memref_slice %arg2[%dma_wait3A_135, %dma_wait3A_136] : memref<100000x128xf32, #tpu.memory_space<hbm>> -> memref<100000x128xf32, #tpu.memory_space<hbm>>
    tpu.wait_indirect_dma semaphore(%arg7 : memref<!tpu.dma_semaphore, #tpu.memory_space<semaphore_mem>>) src(%dma_wait3A_137 : memref<100000x128xf32, #tpu.memory_space<hbm>>) dst(%dma_wait3A_131 : memref<128x128xf32, #tpu.memory_space<vmem>>)
    %add3A_138 = arith.constant 256 : i32
    %add3A_139 = arith.addi %mul3A_2, %add3A_138 : i32
    %dma_start3A_140 = arith.constant 1 : i32
    %dma_start3A_141 = arith.constant 0 : i32
    %dma_start3A_142 = arith.constant 0 : i32
    %dma_start3A_143 = tpu.memref_slice %arg6[%dma_start3A_140, %dma_start3A_141, %dma_start3A_142] : memref<2x256x128xf32, #tpu.memory_space<vmem>> -> memref<1x256x128xf32, #tpu.memory_space<vmem>>
    %dma_start3A_144 = tpu.memref_squeeze %dma_start3A_143 : memref<1x256x128xf32, #tpu.memory_space<vmem>> -> memref<256x128xf32, #tpu.memory_space<vmem>>
    %dma_start3A_145 = arith.constant 0 : i32
    %dma_start3A_146 = tpu.memref_slice %arg4[%add3A_139, %dma_start3A_145] : memref<163840x128xf32, #tpu.memory_space<hbm>> -> memref<256x128xf32, #tpu.memory_space<hbm>>
    %dma_start3A_147 = arith.constant 0 : i32
    %dma_start3A_148 = tpu.memref_slice %arg4[%add3A_139, %dma_start3A_147] : memref<163840x128xf32, #tpu.memory_space<hbm>> -> memref<256x128xf32, #tpu.memory_space<hbm>>
    %dma_start3A_149 = arith.constant 0 : i32
    %dma_start3A_150 = arith.constant 0 : i32
    %dma_start3A_151 = tpu.memref_slice %arg6[%dma_start3A_140, %dma_start3A_149, %dma_start3A_150] : memref<2x256x128xf32, #tpu.memory_space<vmem>> -> memref<1x256x128xf32, #tpu.memory_space<vmem>>
    %dma_start3A_152 = tpu.memref_squeeze %dma_start3A_151 : memref<1x256x128xf32, #tpu.memory_space<vmem>> -> memref<256x128xf32, #tpu.memory_space<vmem>>
    tpu.enqueue_dma source(%dma_start3A_152 : memref<256x128xf32, #tpu.memory_space<vmem>>) target(%dma_start3A_148 : memref<256x128xf32, #tpu.memory_space<hbm>>) target_semaphore(%arg9 : memref<!tpu.dma_semaphore, #tpu.memory_space<semaphore_mem>>)
    %scan3A = arith.constant 0 : i32
    %scan3A_153 = arith.constant 1 : i32
    %scan3A_154 = arith.constant 9 : i32
    %scan3A_155 = arith.addi %scan3A_153, %scan3A_154 : i32
    %scan3A_156 = arith.constant 1 : i32
    scf.for %scan3A_184 = %scan3A_153 to %scan3A_155 step %scan3A_156  : i32 {
      %mul3A_185 = arith.constant 2 : i32
      %mul3A_186 = arith.muli %scan3A_184, %mul3A_185 : i32
      %add3A_187 = arith.constant 0 : i32
      %add3A_188 = arith.addi %mul3A_186, %add3A_187 : i32
      %dma_wait3A_189 = arith.constant 0 : i32
      %dma_wait3A_190 = arith.constant 0 : i32
      %dma_wait3A_191 = arith.constant 0 : i32
      %dma_wait3A_192 = tpu.memref_slice %arg6[%dma_wait3A_189, %dma_wait3A_190, %dma_wait3A_191] : memref<2x256x128xf32, #tpu.memory_space<vmem>> -> memref<1x256x128xf32, #tpu.memory_space<vmem>>
      %dma_wait3A_193 = tpu.memref_squeeze %dma_wait3A_192 : memref<1x256x128xf32, #tpu.memory_space<vmem>> -> memref<256x128xf32, #tpu.memory_space<vmem>>
      %dma_wait3A_194 = arith.constant 0 : i32
      %dma_wait3A_195 = tpu.memref_slice %arg4[%mul3A_2, %dma_wait3A_194] : memref<163840x128xf32, #tpu.memory_space<hbm>> -> memref<256x128xf32, #tpu.memory_space<hbm>>
      %dma_wait3A_196 = arith.constant 0 : i32
      %dma_wait3A_197 = tpu.memref_slice %arg4[%mul3A_2, %dma_wait3A_196] : memref<163840x128xf32, #tpu.memory_space<hbm>> -> memref<256x128xf32, #tpu.memory_space<hbm>>
      %dma_wait3A_198 = arith.constant 0 : i32
      %dma_wait3A_199 = arith.constant 0 : i32
      %dma_wait3A_200 = tpu.memref_slice %arg6[%dma_wait3A_189, %dma_wait3A_198, %dma_wait3A_199] : memref<2x256x128xf32, #tpu.memory_space<vmem>> -> memref<1x256x128xf32, #tpu.memory_space<vmem>>
      %dma_wait3A_201 = tpu.memref_squeeze %dma_wait3A_200 : memref<1x256x128xf32, #tpu.memory_space<vmem>> -> memref<256x128xf32, #tpu.memory_space<vmem>>
      tpu.wait_dma2 semaphore(%arg8 : memref<!tpu.dma_semaphore, #tpu.memory_space<semaphore_mem>>) src(%dma_wait3A_201 : memref<256x128xf32, #tpu.memory_space<vmem>>) dst(%dma_wait3A_197 : memref<256x128xf32, #tpu.memory_space<hbm>>)
      %mul3A_202 = arith.constant 2 : i32
      %mul3A_203 = arith.muli %add3A_188, %mul3A_202 : i32
      %add3A_204 = arith.constant 0 : i32
      %add3A_205 = arith.addi %mul3A_203, %add3A_204 : i32
      %dma_start3A_206 = arith.constant 0 : i32
      %dma_start3A_207 = arith.constant 0 : i32
      %dma_start3A_208 = arith.constant 0 : i32
      %dma_start3A_209 = tpu.memref_slice %arg6[%dma_start3A_206, %dma_start3A_207, %dma_start3A_208] : memref<2x256x128xf32, #tpu.memory_space<vmem>> -> memref<1x256x128xf32, #tpu.memory_space<vmem>>
      %dma_start3A_210 = tpu.memref_squeeze %dma_start3A_209 : memref<1x256x128xf32, #tpu.memory_space<vmem>> -> memref<256x128xf32, #tpu.memory_space<vmem>>
      %dma_start3A_211 = arith.constant 0 : i32
      %dma_start3A_212 = arith.constant 0 : i32
      %dma_start3A_213 = tpu.memref_slice %dma_start3A_210[%dma_start3A_211, %dma_start3A_212] : memref<256x128xf32, #tpu.memory_space<vmem>> -> memref<128x128xf32, #tpu.memory_space<vmem>>
      %dma_start3A_214 = arith.constant 0 : i32
      %dma_start3A_215 = tpu.memref_slice %arg5[%add3A_205, %dma_start3A_214] : memref<40x128xi32, #tpu.memory_space<vmem>> -> memref<1x128xi32, #tpu.memory_space<vmem>>
      %dma_start3A_216 = tpu.memref_squeeze %dma_start3A_215 : memref<1x128xi32, #tpu.memory_space<vmem>> -> memref<128xi32, #tpu.memory_space<vmem>>
      %dma_start3A_217 = arith.constant 0 : i32
      %dma_start3A_218 = arith.constant 0 : i32
      %dma_start3A_219 = tpu.memref_slice %arg2[%dma_start3A_217, %dma_start3A_218] : memref<100000x128xf32, #tpu.memory_space<hbm>> -> memref<100000x128xf32, #tpu.memory_space<hbm>>
      tpu.enqueue_indirect_dma source(%dma_start3A_219 : memref<100000x128xf32, #tpu.memory_space<hbm>>) target(%dma_start3A_213 : memref<128x128xf32, #tpu.memory_space<vmem>>) offsets(%dma_start3A_216 : memref<128xi32, #tpu.memory_space<vmem>>) semaphore(%arg7 : memref<!tpu.dma_semaphore, #tpu.memory_space<semaphore_mem>>)
      %mul3A_220 = arith.constant 2 : i32
      %mul3A_221 = arith.muli %add3A_188, %mul3A_220 : i32
      %add3A_222 = arith.constant 1 : i32
      %add3A_223 = arith.addi %mul3A_221, %add3A_222 : i32
      %dma_start3A_224 = arith.constant 0 : i32
      %dma_start3A_225 = arith.constant 0 : i32
      %dma_start3A_226 = arith.constant 0 : i32
      %dma_start3A_227 = tpu.memref_slice %arg6[%dma_start3A_224, %dma_start3A_225, %dma_start3A_226] : memref<2x256x128xf32, #tpu.memory_space<vmem>> -> memref<1x256x128xf32, #tpu.memory_space<vmem>>
      %dma_start3A_228 = tpu.memref_squeeze %dma_start3A_227 : memref<1x256x128xf32, #tpu.memory_space<vmem>> -> memref<256x128xf32, #tpu.memory_space<vmem>>
      %dma_start3A_229 = arith.constant 128 : i32
      %dma_start3A_230 = arith.constant 0 : i32
      %dma_start3A_231 = tpu.memref_slice %dma_start3A_228[%dma_start3A_229, %dma_start3A_230] : memref<256x128xf32, #tpu.memory_space<vmem>> -> memref<128x128xf32, #tpu.memory_space<vmem>>
      %dma_start3A_232 = arith.constant 0 : i32
      %dma_start3A_233 = tpu.memref_slice %arg5[%add3A_223, %dma_start3A_232] : memref<40x128xi32, #tpu.memory_space<vmem>> -> memref<1x128xi32, #tpu.memory_space<vmem>>
      %dma_start3A_234 = tpu.memref_squeeze %dma_start3A_233 : memref<1x128xi32, #tpu.memory_space<vmem>> -> memref<128xi32, #tpu.memory_space<vmem>>
      %dma_start3A_235 = arith.constant 0 : i32
      %dma_start3A_236 = arith.constant 0 : i32
      %dma_start3A_237 = tpu.memref_slice %arg2[%dma_start3A_235, %dma_start3A_236] : memref<100000x128xf32, #tpu.memory_space<hbm>> -> memref<100000x128xf32, #tpu.memory_space<hbm>>
      tpu.enqueue_indirect_dma source(%dma_start3A_237 : memref<100000x128xf32, #tpu.memory_space<hbm>>) target(%dma_start3A_231 : memref<128x128xf32, #tpu.memory_space<vmem>>) offsets(%dma_start3A_234 : memref<128xi32, #tpu.memory_space<vmem>>) semaphore(%arg7 : memref<!tpu.dma_semaphore, #tpu.memory_space<semaphore_mem>>)
      %dma_wait3A_238 = arith.constant 0 : i32
      %dma_wait3A_239 = arith.constant 0 : i32
      %dma_wait3A_240 = arith.constant 0 : i32
      %dma_wait3A_241 = tpu.memref_slice %arg6[%dma_wait3A_238, %dma_wait3A_239, %dma_wait3A_240] : memref<2x256x128xf32, #tpu.memory_space<vmem>> -> memref<1x256x128xf32, #tpu.memory_space<vmem>>
      %dma_wait3A_242 = tpu.memref_squeeze %dma_wait3A_241 : memref<1x256x128xf32, #tpu.memory_space<vmem>> -> memref<256x128xf32, #tpu.memory_space<vmem>>
      %dma_wait3A_243 = arith.constant 0 : i32
      %dma_wait3A_244 = arith.constant 0 : i32
      %dma_wait3A_245 = tpu.memref_slice %dma_wait3A_242[%dma_wait3A_243, %dma_wait3A_244] : memref<256x128xf32, #tpu.memory_space<vmem>> -> memref<128x128xf32, #tpu.memory_space<vmem>>
      %dma_wait3A_246 = arith.constant 0 : i32
      %dma_wait3A_247 = tpu.memref_slice %arg5[%add3A_205, %dma_wait3A_246] : memref<40x128xi32, #tpu.memory_space<vmem>> -> memref<1x128xi32, #tpu.memory_space<vmem>>
      %dma_wait3A_248 = tpu.memref_squeeze %dma_wait3A_247 : memref<1x128xi32, #tpu.memory_space<vmem>> -> memref<128xi32, #tpu.memory_space<vmem>>
      %dma_wait3A_249 = arith.constant 0 : i32
      %dma_wait3A_250 = arith.constant 0 : i32
      %dma_wait3A_251 = tpu.memref_slice %arg2[%dma_wait3A_249, %dma_wait3A_250] : memref<100000x128xf32, #tpu.memory_space<hbm>> -> memref<100000x128xf32, #tpu.memory_space<hbm>>
      tpu.wait_indirect_dma semaphore(%arg7 : memref<!tpu.dma_semaphore, #tpu.memory_space<semaphore_mem>>) src(%dma_wait3A_251 : memref<100000x128xf32, #tpu.memory_space<hbm>>) dst(%dma_wait3A_245 : memref<128x128xf32, #tpu.memory_space<vmem>>)
      %dma_wait3A_252 = arith.constant 0 : i32
      %dma_wait3A_253 = arith.constant 0 : i32
      %dma_wait3A_254 = arith.constant 0 : i32
      %dma_wait3A_255 = tpu.memref_slice %arg6[%dma_wait3A_252, %dma_wait3A_253, %dma_wait3A_254] : memref<2x256x128xf32, #tpu.memory_space<vmem>> -> memref<1x256x128xf32, #tpu.memory_space<vmem>>
      %dma_wait3A_256 = tpu.memref_squeeze %dma_wait3A_255 : memref<1x256x128xf32, #tpu.memory_space<vmem>> -> memref<256x128xf32, #tpu.memory_space<vmem>>
      %dma_wait3A_257 = arith.constant 128 : i32
      %dma_wait3A_258 = arith.constant 0 : i32
      %dma_wait3A_259 = tpu.memref_slice %dma_wait3A_256[%dma_wait3A_257, %dma_wait3A_258] : memref<256x128xf32, #tpu.memory_space<vmem>> -> memref<128x128xf32, #tpu.memory_space<vmem>>
      %dma_wait3A_260 = arith.constant 0 : i32
      %dma_wait3A_261 = tpu.memref_slice %arg5[%add3A_223, %dma_wait3A_260] : memref<40x128xi32, #tpu.memory_space<vmem>> -> memref<1x128xi32, #tpu.memory_space<vmem>>
      %dma_wait3A_262 = tpu.memref_squeeze %dma_wait3A_261 : memref<1x128xi32, #tpu.memory_space<vmem>> -> memref<128xi32, #tpu.memory_space<vmem>>
      %dma_wait3A_263 = arith.constant 0 : i32
      %dma_wait3A_264 = arith.constant 0 : i32
      %dma_wait3A_265 = tpu.memref_slice %arg2[%dma_wait3A_263, %dma_wait3A_264] : memref<100000x128xf32, #tpu.memory_space<hbm>> -> memref<100000x128xf32, #tpu.memory_space<hbm>>
      tpu.wait_indirect_dma semaphore(%arg7 : memref<!tpu.dma_semaphore, #tpu.memory_space<semaphore_mem>>) src(%dma_wait3A_265 : memref<100000x128xf32, #tpu.memory_space<hbm>>) dst(%dma_wait3A_259 : memref<128x128xf32, #tpu.memory_space<vmem>>)
      %mul3A_266 = arith.constant 256 : i32
      %mul3A_267 = arith.muli %add3A_188, %mul3A_266 : i32
      %add3A_268 = arith.addi %mul3A_2, %mul3A_267 : i32
      %dma_start3A_269 = arith.constant 0 : i32
      %dma_start3A_270 = arith.constant 0 : i32
      %dma_start3A_271 = arith.constant 0 : i32
      %dma_start3A_272 = tpu.memref_slice %arg6[%dma_start3A_269, %dma_start3A_270, %dma_start3A_271] : memref<2x256x128xf32, #tpu.memory_space<vmem>> -> memref<1x256x128xf32, #tpu.memory_space<vmem>>
      %dma_start3A_273 = tpu.memref_squeeze %dma_start3A_272 : memref<1x256x128xf32, #tpu.memory_space<vmem>> -> memref<256x128xf32, #tpu.memory_space<vmem>>
      %dma_start3A_274 = arith.constant 0 : i32
      %dma_start3A_275 = tpu.memref_slice %arg4[%add3A_268, %dma_start3A_274] : memref<163840x128xf32, #tpu.memory_space<hbm>> -> memref<256x128xf32, #tpu.memory_space<hbm>>
      %dma_start3A_276 = arith.constant 0 : i32
      %dma_start3A_277 = tpu.memref_slice %arg4[%add3A_268, %dma_start3A_276] : memref<163840x128xf32, #tpu.memory_space<hbm>> -> memref<256x128xf32, #tpu.memory_space<hbm>>
      %dma_start3A_278 = arith.constant 0 : i32
      %dma_start3A_279 = arith.constant 0 : i32
      %dma_start3A_280 = tpu.memref_slice %arg6[%dma_start3A_269, %dma_start3A_278, %dma_start3A_279] : memref<2x256x128xf32, #tpu.memory_space<vmem>> -> memref<1x256x128xf32, #tpu.memory_space<vmem>>
      %dma_start3A_281 = tpu.memref_squeeze %dma_start3A_280 : memref<1x256x128xf32, #tpu.memory_space<vmem>> -> memref<256x128xf32, #tpu.memory_space<vmem>>
      tpu.enqueue_dma source(%dma_start3A_281 : memref<256x128xf32, #tpu.memory_space<vmem>>) target(%dma_start3A_277 : memref<256x128xf32, #tpu.memory_space<hbm>>) target_semaphore(%arg8 : memref<!tpu.dma_semaphore, #tpu.memory_space<semaphore_mem>>)
      %mul3A_282 = arith.constant 2 : i32
      %mul3A_283 = arith.muli %scan3A_184, %mul3A_282 : i32
      %add3A_284 = arith.constant 1 : i32
      %add3A_285 = arith.addi %mul3A_283, %add3A_284 : i32
      %dma_wait3A_286 = arith.constant 1 : i32
      %dma_wait3A_287 = arith.constant 0 : i32
      %dma_wait3A_288 = arith.constant 0 : i32
      %dma_wait3A_289 = tpu.memref_slice %arg6[%dma_wait3A_286, %dma_wait3A_287, %dma_wait3A_288] : memref<2x256x128xf32, #tpu.memory_space<vmem>> -> memref<1x256x128xf32, #tpu.memory_space<vmem>>
      %dma_wait3A_290 = tpu.memref_squeeze %dma_wait3A_289 : memref<1x256x128xf32, #tpu.memory_space<vmem>> -> memref<256x128xf32, #tpu.memory_space<vmem>>
      %dma_wait3A_291 = arith.constant 0 : i32
      %dma_wait3A_292 = tpu.memref_slice %arg4[%mul3A_2, %dma_wait3A_291] : memref<163840x128xf32, #tpu.memory_space<hbm>> -> memref<256x128xf32, #tpu.memory_space<hbm>>
      %dma_wait3A_293 = arith.constant 0 : i32
      %dma_wait3A_294 = tpu.memref_slice %arg4[%mul3A_2, %dma_wait3A_293] : memref<163840x128xf32, #tpu.memory_space<hbm>> -> memref<256x128xf32, #tpu.memory_space<hbm>>
      %dma_wait3A_295 = arith.constant 0 : i32
      %dma_wait3A_296 = arith.constant 0 : i32
      %dma_wait3A_297 = tpu.memref_slice %arg6[%dma_wait3A_286, %dma_wait3A_295, %dma_wait3A_296] : memref<2x256x128xf32, #tpu.memory_space<vmem>> -> memref<1x256x128xf32, #tpu.memory_space<vmem>>
      %dma_wait3A_298 = tpu.memref_squeeze %dma_wait3A_297 : memref<1x256x128xf32, #tpu.memory_space<vmem>> -> memref<256x128xf32, #tpu.memory_space<vmem>>
      tpu.wait_dma2 semaphore(%arg9 : memref<!tpu.dma_semaphore, #tpu.memory_space<semaphore_mem>>) src(%dma_wait3A_298 : memref<256x128xf32, #tpu.memory_space<vmem>>) dst(%dma_wait3A_294 : memref<256x128xf32, #tpu.memory_space<hbm>>)
      %mul3A_299 = arith.constant 2 : i32
      %mul3A_300 = arith.muli %add3A_285, %mul3A_299 : i32
      %add3A_301 = arith.constant 0 : i32
      %add3A_302 = arith.addi %mul3A_300, %add3A_301 : i32
      %dma_start3A_303 = arith.constant 1 : i32
      %dma_start3A_304 = arith.constant 0 : i32
      %dma_start3A_305 = arith.constant 0 : i32
      %dma_start3A_306 = tpu.memref_slice %arg6[%dma_start3A_303, %dma_start3A_304, %dma_start3A_305] : memref<2x256x128xf32, #tpu.memory_space<vmem>> -> memref<1x256x128xf32, #tpu.memory_space<vmem>>
      %dma_start3A_307 = tpu.memref_squeeze %dma_start3A_306 : memref<1x256x128xf32, #tpu.memory_space<vmem>> -> memref<256x128xf32, #tpu.memory_space<vmem>>
      %dma_start3A_308 = arith.constant 0 : i32
      %dma_start3A_309 = arith.constant 0 : i32
      %dma_start3A_310 = tpu.memref_slice %dma_start3A_307[%dma_start3A_308, %dma_start3A_309] : memref<256x128xf32, #tpu.memory_space<vmem>> -> memref<128x128xf32, #tpu.memory_space<vmem>>
      %dma_start3A_311 = arith.constant 0 : i32
      %dma_start3A_312 = tpu.memref_slice %arg5[%add3A_302, %dma_start3A_311] : memref<40x128xi32, #tpu.memory_space<vmem>> -> memref<1x128xi32, #tpu.memory_space<vmem>>
      %dma_start3A_313 = tpu.memref_squeeze %dma_start3A_312 : memref<1x128xi32, #tpu.memory_space<vmem>> -> memref<128xi32, #tpu.memory_space<vmem>>
      %dma_start3A_314 = arith.constant 0 : i32
      %dma_start3A_315 = arith.constant 0 : i32
      %dma_start3A_316 = tpu.memref_slice %arg2[%dma_start3A_314, %dma_start3A_315] : memref<100000x128xf32, #tpu.memory_space<hbm>> -> memref<100000x128xf32, #tpu.memory_space<hbm>>
      tpu.enqueue_indirect_dma source(%dma_start3A_316 : memref<100000x128xf32, #tpu.memory_space<hbm>>) target(%dma_start3A_310 : memref<128x128xf32, #tpu.memory_space<vmem>>) offsets(%dma_start3A_313 : memref<128xi32, #tpu.memory_space<vmem>>) semaphore(%arg7 : memref<!tpu.dma_semaphore, #tpu.memory_space<semaphore_mem>>)
      %mul3A_317 = arith.constant 2 : i32
      %mul3A_318 = arith.muli %add3A_285, %mul3A_317 : i32
      %add3A_319 = arith.constant 1 : i32
      %add3A_320 = arith.addi %mul3A_318, %add3A_319 : i32
      %dma_start3A_321 = arith.constant 1 : i32
      %dma_start3A_322 = arith.constant 0 : i32
      %dma_start3A_323 = arith.constant 0 : i32
      %dma_start3A_324 = tpu.memref_slice %arg6[%dma_start3A_321, %dma_start3A_322, %dma_start3A_323] : memref<2x256x128xf32, #tpu.memory_space<vmem>> -> memref<1x256x128xf32, #tpu.memory_space<vmem>>
      %dma_start3A_325 = tpu.memref_squeeze %dma_start3A_324 : memref<1x256x128xf32, #tpu.memory_space<vmem>> -> memref<256x128xf32, #tpu.memory_space<vmem>>
      %dma_start3A_326 = arith.constant 128 : i32
      %dma_start3A_327 = arith.constant 0 : i32
      %dma_start3A_328 = tpu.memref_slice %dma_start3A_325[%dma_start3A_326, %dma_start3A_327] : memref<256x128xf32, #tpu.memory_space<vmem>> -> memref<128x128xf32, #tpu.memory_space<vmem>>
      %dma_start3A_329 = arith.constant 0 : i32
      %dma_start3A_330 = tpu.memref_slice %arg5[%add3A_320, %dma_start3A_329] : memref<40x128xi32, #tpu.memory_space<vmem>> -> memref<1x128xi32, #tpu.memory_space<vmem>>
      %dma_start3A_331 = tpu.memref_squeeze %dma_start3A_330 : memref<1x128xi32, #tpu.memory_space<vmem>> -> memref<128xi32, #tpu.memory_space<vmem>>
      %dma_start3A_332 = arith.constant 0 : i32
      %dma_start3A_333 = arith.constant 0 : i32
      %dma_start3A_334 = tpu.memref_slice %arg2[%dma_start3A_332, %dma_start3A_333] : memref<100000x128xf32, #tpu.memory_space<hbm>> -> memref<100000x128xf32, #tpu.memory_space<hbm>>
      tpu.enqueue_indirect_dma source(%dma_start3A_334 : memref<100000x128xf32, #tpu.memory_space<hbm>>) target(%dma_start3A_328 : memref<128x128xf32, #tpu.memory_space<vmem>>) offsets(%dma_start3A_331 : memref<128xi32, #tpu.memory_space<vmem>>) semaphore(%arg7 : memref<!tpu.dma_semaphore, #tpu.memory_space<semaphore_mem>>)
      %dma_wait3A_335 = arith.constant 1 : i32
      %dma_wait3A_336 = arith.constant 0 : i32
      %dma_wait3A_337 = arith.constant 0 : i32
      %dma_wait3A_338 = tpu.memref_slice %arg6[%dma_wait3A_335, %dma_wait3A_336, %dma_wait3A_337] : memref<2x256x128xf32, #tpu.memory_space<vmem>> -> memref<1x256x128xf32, #tpu.memory_space<vmem>>
      %dma_wait3A_339 = tpu.memref_squeeze %dma_wait3A_338 : memref<1x256x128xf32, #tpu.memory_space<vmem>> -> memref<256x128xf32, #tpu.memory_space<vmem>>
      %dma_wait3A_340 = arith.constant 0 : i32
      %dma_wait3A_341 = arith.constant 0 : i32
      %dma_wait3A_342 = tpu.memref_slice %dma_wait3A_339[%dma_wait3A_340, %dma_wait3A_341] : memref<256x128xf32, #tpu.memory_space<vmem>> -> memref<128x128xf32, #tpu.memory_space<vmem>>
      %dma_wait3A_343 = arith.constant 0 : i32
      %dma_wait3A_344 = tpu.memref_slice %arg5[%add3A_302, %dma_wait3A_343] : memref<40x128xi32, #tpu.memory_space<vmem>> -> memref<1x128xi32, #tpu.memory_space<vmem>>
      %dma_wait3A_345 = tpu.memref_squeeze %dma_wait3A_344 : memref<1x128xi32, #tpu.memory_space<vmem>> -> memref<128xi32, #tpu.memory_space<vmem>>
      %dma_wait3A_346 = arith.constant 0 : i32
      %dma_wait3A_347 = arith.constant 0 : i32
      %dma_wait3A_348 = tpu.memref_slice %arg2[%dma_wait3A_346, %dma_wait3A_347] : memref<100000x128xf32, #tpu.memory_space<hbm>> -> memref<100000x128xf32, #tpu.memory_space<hbm>>
      tpu.wait_indirect_dma semaphore(%arg7 : memref<!tpu.dma_semaphore, #tpu.memory_space<semaphore_mem>>) src(%dma_wait3A_348 : memref<100000x128xf32, #tpu.memory_space<hbm>>) dst(%dma_wait3A_342 : memref<128x128xf32, #tpu.memory_space<vmem>>)
      %dma_wait3A_349 = arith.constant 1 : i32
      %dma_wait3A_350 = arith.constant 0 : i32
      %dma_wait3A_351 = arith.constant 0 : i32
      %dma_wait3A_352 = tpu.memref_slice %arg6[%dma_wait3A_349, %dma_wait3A_350, %dma_wait3A_351] : memref<2x256x128xf32, #tpu.memory_space<vmem>> -> memref<1x256x128xf32, #tpu.memory_space<vmem>>
      %dma_wait3A_353 = tpu.memref_squeeze %dma_wait3A_352 : memref<1x256x128xf32, #tpu.memory_space<vmem>> -> memref<256x128xf32, #tpu.memory_space<vmem>>
      %dma_wait3A_354 = arith.constant 128 : i32
      %dma_wait3A_355 = arith.constant 0 : i32
      %dma_wait3A_356 = tpu.memref_slice %dma_wait3A_353[%dma_wait3A_354, %dma_wait3A_355] : memref<256x128xf32, #tpu.memory_space<vmem>> -> memref<128x128xf32, #tpu.memory_space<vmem>>
      %dma_wait3A_357 = arith.constant 0 : i32
      %dma_wait3A_358 = tpu.memref_slice %arg5[%add3A_320, %dma_wait3A_357] : memref<40x128xi32, #tpu.memory_space<vmem>> -> memref<1x128xi32, #tpu.memory_space<vmem>>
      %dma_wait3A_359 = tpu.memref_squeeze %dma_wait3A_358 : memref<1x128xi32, #tpu.memory_space<vmem>> -> memref<128xi32, #tpu.memory_space<vmem>>
      %dma_wait3A_360 = arith.constant 0 : i32
      %dma_wait3A_361 = arith.constant 0 : i32
      %dma_wait3A_362 = tpu.memref_slice %arg2[%dma_wait3A_360, %dma_wait3A_361] : memref<100000x128xf32, #tpu.memory_space<hbm>> -> memref<100000x128xf32, #tpu.memory_space<hbm>>
      tpu.wait_indirect_dma semaphore(%arg7 : memref<!tpu.dma_semaphore, #tpu.memory_space<semaphore_mem>>) src(%dma_wait3A_362 : memref<100000x128xf32, #tpu.memory_space<hbm>>) dst(%dma_wait3A_356 : memref<128x128xf32, #tpu.memory_space<vmem>>)
      %mul3A_363 = arith.constant 256 : i32
      %mul3A_364 = arith.muli %add3A_285, %mul3A_363 : i32
      %add3A_365 = arith.addi %mul3A_2, %mul3A_364 : i32
      %dma_start3A_366 = arith.constant 1 : i32
      %dma_start3A_367 = arith.constant 0 : i32
      %dma_start3A_368 = arith.constant 0 : i32
      %dma_start3A_369 = tpu.memref_slice %arg6[%dma_start3A_366, %dma_start3A_367, %dma_start3A_368] : memref<2x256x128xf32, #tpu.memory_space<vmem>> -> memref<1x256x128xf32, #tpu.memory_space<vmem>>
      %dma_start3A_370 = tpu.memref_squeeze %dma_start3A_369 : memref<1x256x128xf32, #tpu.memory_space<vmem>> -> memref<256x128xf32, #tpu.memory_space<vmem>>
      %dma_start3A_371 = arith.constant 0 : i32
      %dma_start3A_372 = tpu.memref_slice %arg4[%add3A_365, %dma_start3A_371] : memref<163840x128xf32, #tpu.memory_space<hbm>> -> memref<256x128xf32, #tpu.memory_space<hbm>>
      %dma_start3A_373 = arith.constant 0 : i32
      %dma_start3A_374 = tpu.memref_slice %arg4[%add3A_365, %dma_start3A_373] : memref<163840x128xf32, #tpu.memory_space<hbm>> -> memref<256x128xf32, #tpu.memory_space<hbm>>
      %dma_start3A_375 = arith.constant 0 : i32
      %dma_start3A_376 = arith.constant 0 : i32
      %dma_start3A_377 = tpu.memref_slice %arg6[%dma_start3A_366, %dma_start3A_375, %dma_start3A_376] : memref<2x256x128xf32, #tpu.memory_space<vmem>> -> memref<1x256x128xf32, #tpu.memory_space<vmem>>
      %dma_start3A_378 = tpu.memref_squeeze %dma_start3A_377 : memref<1x256x128xf32, #tpu.memory_space<vmem>> -> memref<256x128xf32, #tpu.memory_space<vmem>>
      tpu.enqueue_dma source(%dma_start3A_378 : memref<256x128xf32, #tpu.memory_space<vmem>>) target(%dma_start3A_374 : memref<256x128xf32, #tpu.memory_space<hbm>>) target_semaphore(%arg9 : memref<!tpu.dma_semaphore, #tpu.memory_space<semaphore_mem>>)
    }
    %scan3A_157 = arith.constant 9 : i32
    %dma_wait3A_158 = arith.constant 0 : i32
    %dma_wait3A_159 = arith.constant 0 : i32
    %dma_wait3A_160 = arith.constant 0 : i32
    %dma_wait3A_161 = tpu.memref_slice %arg6[%dma_wait3A_158, %dma_wait3A_159, %dma_wait3A_160] : memref<2x256x128xf32, #tpu.memory_space<vmem>> -> memref<1x256x128xf32, #tpu.memory_space<vmem>>
    %dma_wait3A_162 = tpu.memref_squeeze %dma_wait3A_161 : memref<1x256x128xf32, #tpu.memory_space<vmem>> -> memref<256x128xf32, #tpu.memory_space<vmem>>
    %dma_wait3A_163 = arith.constant 0 : i32
    %dma_wait3A_164 = tpu.memref_slice %arg4[%mul3A_2, %dma_wait3A_163] : memref<163840x128xf32, #tpu.memory_space<hbm>> -> memref<256x128xf32, #tpu.memory_space<hbm>>
    %dma_wait3A_165 = arith.constant 0 : i32
    %dma_wait3A_166 = tpu.memref_slice %arg4[%mul3A_2, %dma_wait3A_165] : memref<163840x128xf32, #tpu.memory_space<hbm>> -> memref<256x128xf32, #tpu.memory_space<hbm>>
    %dma_wait3A_167 = arith.constant 0 : i32
    %dma_wait3A_168 = arith.constant 0 : i32
    %dma_wait3A_169 = tpu.memref_slice %arg6[%dma_wait3A_158, %dma_wait3A_167, %dma_wait3A_168] : memref<2x256x128xf32, #tpu.memory_space<vmem>> -> memref<1x256x128xf32, #tpu.memory_space<vmem>>
    %dma_wait3A_170 = tpu.memref_squeeze %dma_wait3A_169 : memref<1x256x128xf32, #tpu.memory_space<vmem>> -> memref<256x128xf32, #tpu.memory_space<vmem>>
    tpu.wait_dma2 semaphore(%arg8 : memref<!tpu.dma_semaphore, #tpu.memory_space<semaphore_mem>>) src(%dma_wait3A_170 : memref<256x128xf32, #tpu.memory_space<vmem>>) dst(%dma_wait3A_166 : memref<256x128xf32, #tpu.memory_space<hbm>>)
    %dma_wait3A_171 = arith.constant 1 : i32
    %dma_wait3A_172 = arith.constant 0 : i32
    %dma_wait3A_173 = arith.constant 0 : i32
    %dma_wait3A_174 = tpu.memref_slice %arg6[%dma_wait3A_171, %dma_wait3A_172, %dma_wait3A_173] : memref<2x256x128xf32, #tpu.memory_space<vmem>> -> memref<1x256x128xf32, #tpu.memory_space<vmem>>
    %dma_wait3A_175 = tpu.memref_squeeze %dma_wait3A_174 : memref<1x256x128xf32, #tpu.memory_space<vmem>> -> memref<256x128xf32, #tpu.memory_space<vmem>>
    %dma_wait3A_176 = arith.constant 0 : i32
    %dma_wait3A_177 = tpu.memref_slice %arg4[%mul3A_2, %dma_wait3A_176] : memref<163840x128xf32, #tpu.memory_space<hbm>> -> memref<256x128xf32, #tpu.memory_space<hbm>>
    %dma_wait3A_178 = arith.constant 0 : i32
    %dma_wait3A_179 = tpu.memref_slice %arg4[%mul3A_2, %dma_wait3A_178] : memref<163840x128xf32, #tpu.memory_space<hbm>> -> memref<256x128xf32, #tpu.memory_space<hbm>>
    %dma_wait3A_180 = arith.constant 0 : i32
    %dma_wait3A_181 = arith.constant 0 : i32
    %dma_wait3A_182 = tpu.memref_slice %arg6[%dma_wait3A_171, %dma_wait3A_180, %dma_wait3A_181] : memref<2x256x128xf32, #tpu.memory_space<vmem>> -> memref<1x256x128xf32, #tpu.memory_space<vmem>>
    %dma_wait3A_183 = tpu.memref_squeeze %dma_wait3A_182 : memref<1x256x128xf32, #tpu.memory_space<vmem>> -> memref<256x128xf32, #tpu.memory_space<vmem>>
    tpu.wait_dma2 semaphore(%arg9 : memref<!tpu.dma_semaphore, #tpu.memory_space<semaphore_mem>>) src(%dma_wait3A_183 : memref<256x128xf32, #tpu.memory_space<vmem>>) dst(%dma_wait3A_179 : memref<256x128xf32, #tpu.memory_space<hbm>>)
    return
  }
}

#map = affine_map<(d0, d1) -> (0, 0)>
module attributes {stable_mosaic.version = 14 : i64} {
  func.func @gather_kernel(%arg0: i32, %arg1: i32, %arg2: memref<100000x128xf32, #tpu.memory_space<hbm>>, %arg3: memref<1280x128xi32, #tpu.memory_space<hbm>>, %arg4: memref<163840x128xf32, #tpu.memory_space<hbm>>, %arg5: memref<40x128xi32, #tpu.memory_space<vmem>>, %arg6: memref<2x256x128xf32, #tpu.memory_space<vmem>>, %arg7: memref<!tpu.dma_semaphore, #tpu.memory_space<semaphore_mem>>, %arg8: memref<!tpu.dma_semaphore, #tpu.memory_space<semaphore_mem>>, %arg9: memref<!tpu.dma_semaphore, #tpu.memory_space<semaphore_mem>>) attributes {dimension_semantics = [#tpu.dimension_semantics<core_parallel>, #tpu.dimension_semantics<subcore_parallel>], iteration_bounds = array<i64: 2, 16>, scalar_prefetch = 0 : i64, scratch_operands = 5 : i64, tpu.core_type = #tpu.core_type<sc_vector_subcore>, window_params = [{transform_indices = #map}, {transform_indices = #map}, {transform_indices = #map}]} {
    %mul3A = arith.constant 2 : i32
    %mul3A_0 = arith.muli %arg1, %mul3A : i32
    %add3A = arith.addi %mul3A_0, %arg0 : i32
    %mul3A_1 = arith.constant 5120 : i32
    %mul3A_2 = arith.muli %add3A, %mul3A_1 : i32
    %mul3A_3 = arith.constant 40 : i32
    %mul3A_4 = arith.muli %add3A, %mul3A_3 : i32
    "tpu.region"() ({
      %run_scoped3A = tpu.sem_alloc : memref<!tpu.dma_semaphore, #tpu.memory_space<semaphore_mem>>
      %dma_start3A_184 = arith.constant 0 : i32
      %dma_start3A_185 = tpu.memref_slice %arg3[%mul3A_4, %dma_start3A_184] : memref<1280x128xi32, #tpu.memory_space<hbm>> -> memref<40x128xi32, #tpu.memory_space<hbm>>
      %dma_start3A_186 = arith.constant 0 : i32
      %dma_start3A_187 = tpu.memref_slice %arg3[%mul3A_4, %dma_start3A_186] : memref<1280x128xi32, #tpu.memory_space<hbm>> -> memref<40x128xi32, #tpu.memory_space<hbm>>
      tpu.enqueue_dma source(%dma_start3A_187 : memref<40x128xi32, #tpu.memory_space<hbm>>) target(%arg5 : memref<40x128xi32, #tpu.memory_space<vmem>>) target_semaphore(%run_scoped3A : memref<!tpu.dma_semaphore, #tpu.memory_space<semaphore_mem>>)
      %dma_wait3A_188 = arith.constant 0 : i32
      %dma_wait3A_189 = tpu.memref_slice %arg3[%mul3A_4, %dma_wait3A_188] : memref<1280x128xi32, #tpu.memory_space<hbm>> -> memref<40x128xi32, #tpu.memory_space<hbm>>
      %dma_wait3A_190 = arith.constant 0 : i32
      %dma_wait3A_191 = tpu.memref_slice %arg3[%mul3A_4, %dma_wait3A_190] : memref<1280x128xi32, #tpu.memory_space<hbm>> -> memref<40x128xi32, #tpu.memory_space<hbm>>
      tpu.wait_dma2 semaphore(%run_scoped3A : memref<!tpu.dma_semaphore, #tpu.memory_space<semaphore_mem>>) src(%dma_wait3A_191 : memref<40x128xi32, #tpu.memory_space<hbm>>) dst(%arg5 : memref<40x128xi32, #tpu.memory_space<vmem>>)
      tpu.yield
    }) : () -> ()
    %dma_start3A = arith.constant 0 : i32
    %dma_start3A_5 = arith.constant 0 : i32
    %dma_start3A_6 = arith.constant 0 : i32
    %dma_start3A_7 = arith.constant 0 : i32
    %dma_start3A_8 = tpu.memref_slice %arg6[%dma_start3A_5, %dma_start3A_6, %dma_start3A_7] : memref<2x256x128xf32, #tpu.memory_space<vmem>> -> memref<1x256x128xf32, #tpu.memory_space<vmem>>
    %dma_start3A_9 = tpu.memref_squeeze %dma_start3A_8 : memref<1x256x128xf32, #tpu.memory_space<vmem>> -> memref<256x128xf32, #tpu.memory_space<vmem>>
    %dma_start3A_10 = arith.constant 0 : i32
    %dma_start3A_11 = arith.constant 0 : i32
    %dma_start3A_12 = tpu.memref_slice %dma_start3A_9[%dma_start3A_10, %dma_start3A_11] : memref<256x128xf32, #tpu.memory_space<vmem>> -> memref<128x128xf32, #tpu.memory_space<vmem>>
    %dma_start3A_13 = arith.constant 0 : i32
    %dma_start3A_14 = tpu.memref_slice %arg5[%dma_start3A, %dma_start3A_13] : memref<40x128xi32, #tpu.memory_space<vmem>> -> memref<1x128xi32, #tpu.memory_space<vmem>>
    %dma_start3A_15 = tpu.memref_squeeze %dma_start3A_14 : memref<1x128xi32, #tpu.memory_space<vmem>> -> memref<128xi32, #tpu.memory_space<vmem>>
    %dma_start3A_16 = arith.constant 0 : i32
    %dma_start3A_17 = arith.constant 0 : i32
    %dma_start3A_18 = tpu.memref_slice %arg2[%dma_start3A_16, %dma_start3A_17] : memref<100000x128xf32, #tpu.memory_space<hbm>> -> memref<100000x128xf32, #tpu.memory_space<hbm>>
    tpu.enqueue_indirect_dma source(%dma_start3A_18 : memref<100000x128xf32, #tpu.memory_space<hbm>>) target(%dma_start3A_12 : memref<128x128xf32, #tpu.memory_space<vmem>>) offsets(%dma_start3A_15 : memref<128xi32, #tpu.memory_space<vmem>>) semaphore(%arg7 : memref<!tpu.dma_semaphore, #tpu.memory_space<semaphore_mem>>)
    %dma_start3A_19 = arith.constant 1 : i32
    %dma_start3A_20 = arith.constant 0 : i32
    %dma_start3A_21 = arith.constant 0 : i32
    %dma_start3A_22 = arith.constant 0 : i32
    %dma_start3A_23 = tpu.memref_slice %arg6[%dma_start3A_20, %dma_start3A_21, %dma_start3A_22] : memref<2x256x128xf32, #tpu.memory_space<vmem>> -> memref<1x256x128xf32, #tpu.memory_space<vmem>>
    %dma_start3A_24 = tpu.memref_squeeze %dma_start3A_23 : memref<1x256x128xf32, #tpu.memory_space<vmem>> -> memref<256x128xf32, #tpu.memory_space<vmem>>
    %dma_start3A_25 = arith.constant 128 : i32
    %dma_start3A_26 = arith.constant 0 : i32
    %dma_start3A_27 = tpu.memref_slice %dma_start3A_24[%dma_start3A_25, %dma_start3A_26] : memref<256x128xf32, #tpu.memory_space<vmem>> -> memref<128x128xf32, #tpu.memory_space<vmem>>
    %dma_start3A_28 = arith.constant 0 : i32
    %dma_start3A_29 = tpu.memref_slice %arg5[%dma_start3A_19, %dma_start3A_28] : memref<40x128xi32, #tpu.memory_space<vmem>> -> memref<1x128xi32, #tpu.memory_space<vmem>>
    %dma_start3A_30 = tpu.memref_squeeze %dma_start3A_29 : memref<1x128xi32, #tpu.memory_space<vmem>> -> memref<128xi32, #tpu.memory_space<vmem>>
    %dma_start3A_31 = arith.constant 0 : i32
    %dma_start3A_32 = arith.constant 0 : i32
    %dma_start3A_33 = tpu.memref_slice %arg2[%dma_start3A_31, %dma_start3A_32] : memref<100000x128xf32, #tpu.memory_space<hbm>> -> memref<100000x128xf32, #tpu.memory_space<hbm>>
    tpu.enqueue_indirect_dma source(%dma_start3A_33 : memref<100000x128xf32, #tpu.memory_space<hbm>>) target(%dma_start3A_27 : memref<128x128xf32, #tpu.memory_space<vmem>>) offsets(%dma_start3A_30 : memref<128xi32, #tpu.memory_space<vmem>>) semaphore(%arg7 : memref<!tpu.dma_semaphore, #tpu.memory_space<semaphore_mem>>)
    %dma_wait3A = arith.constant 0 : i32
    %dma_wait3A_34 = arith.constant 0 : i32
    %dma_wait3A_35 = arith.constant 0 : i32
    %dma_wait3A_36 = arith.constant 0 : i32
    %dma_wait3A_37 = tpu.memref_slice %arg6[%dma_wait3A_34, %dma_wait3A_35, %dma_wait3A_36] : memref<2x256x128xf32, #tpu.memory_space<vmem>> -> memref<1x256x128xf32, #tpu.memory_space<vmem>>
    %dma_wait3A_38 = tpu.memref_squeeze %dma_wait3A_37 : memref<1x256x128xf32, #tpu.memory_space<vmem>> -> memref<256x128xf32, #tpu.memory_space<vmem>>
    %dma_wait3A_39 = arith.constant 0 : i32
    %dma_wait3A_40 = arith.constant 0 : i32
    %dma_wait3A_41 = tpu.memref_slice %dma_wait3A_38[%dma_wait3A_39, %dma_wait3A_40] : memref<256x128xf32, #tpu.memory_space<vmem>> -> memref<128x128xf32, #tpu.memory_space<vmem>>
    %dma_wait3A_42 = arith.constant 0 : i32
    %dma_wait3A_43 = tpu.memref_slice %arg5[%dma_wait3A, %dma_wait3A_42] : memref<40x128xi32, #tpu.memory_space<vmem>> -> memref<1x128xi32, #tpu.memory_space<vmem>>
    %dma_wait3A_44 = tpu.memref_squeeze %dma_wait3A_43 : memref<1x128xi32, #tpu.memory_space<vmem>> -> memref<128xi32, #tpu.memory_space<vmem>>
    %dma_wait3A_45 = arith.constant 0 : i32
    %dma_wait3A_46 = arith.constant 0 : i32
    %dma_wait3A_47 = tpu.memref_slice %arg2[%dma_wait3A_45, %dma_wait3A_46] : memref<100000x128xf32, #tpu.memory_space<hbm>> -> memref<100000x128xf32, #tpu.memory_space<hbm>>
    tpu.wait_indirect_dma semaphore(%arg7 : memref<!tpu.dma_semaphore, #tpu.memory_space<semaphore_mem>>) src(%dma_wait3A_47 : memref<100000x128xf32, #tpu.memory_space<hbm>>) dst(%dma_wait3A_41 : memref<128x128xf32, #tpu.memory_space<vmem>>)
    %dma_wait3A_48 = arith.constant 1 : i32
    %dma_wait3A_49 = arith.constant 0 : i32
    %dma_wait3A_50 = arith.constant 0 : i32
    %dma_wait3A_51 = arith.constant 0 : i32
    %dma_wait3A_52 = tpu.memref_slice %arg6[%dma_wait3A_49, %dma_wait3A_50, %dma_wait3A_51] : memref<2x256x128xf32, #tpu.memory_space<vmem>> -> memref<1x256x128xf32, #tpu.memory_space<vmem>>
    %dma_wait3A_53 = tpu.memref_squeeze %dma_wait3A_52 : memref<1x256x128xf32, #tpu.memory_space<vmem>> -> memref<256x128xf32, #tpu.memory_space<vmem>>
    %dma_wait3A_54 = arith.constant 128 : i32
    %dma_wait3A_55 = arith.constant 0 : i32
    %dma_wait3A_56 = tpu.memref_slice %dma_wait3A_53[%dma_wait3A_54, %dma_wait3A_55] : memref<256x128xf32, #tpu.memory_space<vmem>> -> memref<128x128xf32, #tpu.memory_space<vmem>>
    %dma_wait3A_57 = arith.constant 0 : i32
    %dma_wait3A_58 = tpu.memref_slice %arg5[%dma_wait3A_48, %dma_wait3A_57] : memref<40x128xi32, #tpu.memory_space<vmem>> -> memref<1x128xi32, #tpu.memory_space<vmem>>
    %dma_wait3A_59 = tpu.memref_squeeze %dma_wait3A_58 : memref<1x128xi32, #tpu.memory_space<vmem>> -> memref<128xi32, #tpu.memory_space<vmem>>
    %dma_wait3A_60 = arith.constant 0 : i32
    %dma_wait3A_61 = arith.constant 0 : i32
    %dma_wait3A_62 = tpu.memref_slice %arg2[%dma_wait3A_60, %dma_wait3A_61] : memref<100000x128xf32, #tpu.memory_space<hbm>> -> memref<100000x128xf32, #tpu.memory_space<hbm>>
    tpu.wait_indirect_dma semaphore(%arg7 : memref<!tpu.dma_semaphore, #tpu.memory_space<semaphore_mem>>) src(%dma_wait3A_62 : memref<100000x128xf32, #tpu.memory_space<hbm>>) dst(%dma_wait3A_56 : memref<128x128xf32, #tpu.memory_space<vmem>>)
    %add3A_63 = arith.constant 0 : i32
    %add3A_64 = arith.addi %mul3A_2, %add3A_63 : i32
    %dma_start3A_65 = arith.constant 0 : i32
    %dma_start3A_66 = arith.constant 0 : i32
    %dma_start3A_67 = arith.constant 0 : i32
    %dma_start3A_68 = tpu.memref_slice %arg6[%dma_start3A_65, %dma_start3A_66, %dma_start3A_67] : memref<2x256x128xf32, #tpu.memory_space<vmem>> -> memref<1x256x128xf32, #tpu.memory_space<vmem>>
    %dma_start3A_69 = tpu.memref_squeeze %dma_start3A_68 : memref<1x256x128xf32, #tpu.memory_space<vmem>> -> memref<256x128xf32, #tpu.memory_space<vmem>>
    %dma_start3A_70 = arith.constant 0 : i32
    %dma_start3A_71 = tpu.memref_slice %arg4[%add3A_64, %dma_start3A_70] : memref<163840x128xf32, #tpu.memory_space<hbm>> -> memref<256x128xf32, #tpu.memory_space<hbm>>
    %dma_start3A_72 = arith.constant 0 : i32
    %dma_start3A_73 = tpu.memref_slice %arg4[%add3A_64, %dma_start3A_72] : memref<163840x128xf32, #tpu.memory_space<hbm>> -> memref<256x128xf32, #tpu.memory_space<hbm>>
    %dma_start3A_74 = arith.constant 0 : i32
    %dma_start3A_75 = arith.constant 0 : i32
    %dma_start3A_76 = tpu.memref_slice %arg6[%dma_start3A_65, %dma_start3A_74, %dma_start3A_75] : memref<2x256x128xf32, #tpu.memory_space<vmem>> -> memref<1x256x128xf32, #tpu.memory_space<vmem>>
    %dma_start3A_77 = tpu.memref_squeeze %dma_start3A_76 : memref<1x256x128xf32, #tpu.memory_space<vmem>> -> memref<256x128xf32, #tpu.memory_space<vmem>>
    tpu.enqueue_dma source(%dma_start3A_77 : memref<256x128xf32, #tpu.memory_space<vmem>>) target(%dma_start3A_73 : memref<256x128xf32, #tpu.memory_space<hbm>>) target_semaphore(%arg8 : memref<!tpu.dma_semaphore, #tpu.memory_space<semaphore_mem>>)
    %dma_start3A_78 = arith.constant 2 : i32
    %dma_start3A_79 = arith.constant 1 : i32
    %dma_start3A_80 = arith.constant 0 : i32
    %dma_start3A_81 = arith.constant 0 : i32
    %dma_start3A_82 = tpu.memref_slice %arg6[%dma_start3A_79, %dma_start3A_80, %dma_start3A_81] : memref<2x256x128xf32, #tpu.memory_space<vmem>> -> memref<1x256x128xf32, #tpu.memory_space<vmem>>
    %dma_start3A_83 = tpu.memref_squeeze %dma_start3A_82 : memref<1x256x128xf32, #tpu.memory_space<vmem>> -> memref<256x128xf32, #tpu.memory_space<vmem>>
    %dma_start3A_84 = arith.constant 0 : i32
    %dma_start3A_85 = arith.constant 0 : i32
    %dma_start3A_86 = tpu.memref_slice %dma_start3A_83[%dma_start3A_84, %dma_start3A_85] : memref<256x128xf32, #tpu.memory_space<vmem>> -> memref<128x128xf32, #tpu.memory_space<vmem>>
    %dma_start3A_87 = arith.constant 0 : i32
    %dma_start3A_88 = tpu.memref_slice %arg5[%dma_start3A_78, %dma_start3A_87] : memref<40x128xi32, #tpu.memory_space<vmem>> -> memref<1x128xi32, #tpu.memory_space<vmem>>
    %dma_start3A_89 = tpu.memref_squeeze %dma_start3A_88 : memref<1x128xi32, #tpu.memory_space<vmem>> -> memref<128xi32, #tpu.memory_space<vmem>>
    %dma_start3A_90 = arith.constant 0 : i32
    %dma_start3A_91 = arith.constant 0 : i32
    %dma_start3A_92 = tpu.memref_slice %arg2[%dma_start3A_90, %dma_start3A_91] : memref<100000x128xf32, #tpu.memory_space<hbm>> -> memref<100000x128xf32, #tpu.memory_space<hbm>>
    tpu.enqueue_indirect_dma source(%dma_start3A_92 : memref<100000x128xf32, #tpu.memory_space<hbm>>) target(%dma_start3A_86 : memref<128x128xf32, #tpu.memory_space<vmem>>) offsets(%dma_start3A_89 : memref<128xi32, #tpu.memory_space<vmem>>) semaphore(%arg7 : memref<!tpu.dma_semaphore, #tpu.memory_space<semaphore_mem>>)
    %dma_start3A_93 = arith.constant 3 : i32
    %dma_start3A_94 = arith.constant 1 : i32
    %dma_start3A_95 = arith.constant 0 : i32
    %dma_start3A_96 = arith.constant 0 : i32
    %dma_start3A_97 = tpu.memref_slice %arg6[%dma_start3A_94, %dma_start3A_95, %dma_start3A_96] : memref<2x256x128xf32, #tpu.memory_space<vmem>> -> memref<1x256x128xf32, #tpu.memory_space<vmem>>
    %dma_start3A_98 = tpu.memref_squeeze %dma_start3A_97 : memref<1x256x128xf32, #tpu.memory_space<vmem>> -> memref<256x128xf32, #tpu.memory_space<vmem>>
    %dma_start3A_99 = arith.constant 128 : i32
    %dma_start3A_100 = arith.constant 0 : i32
    %dma_start3A_101 = tpu.memref_slice %dma_start3A_98[%dma_start3A_99, %dma_start3A_100] : memref<256x128xf32, #tpu.memory_space<vmem>> -> memref<128x128xf32, #tpu.memory_space<vmem>>
    %dma_start3A_102 = arith.constant 0 : i32
    %dma_start3A_103 = tpu.memref_slice %arg5[%dma_start3A_93, %dma_start3A_102] : memref<40x128xi32, #tpu.memory_space<vmem>> -> memref<1x128xi32, #tpu.memory_space<vmem>>
    %dma_start3A_104 = tpu.memref_squeeze %dma_start3A_103 : memref<1x128xi32, #tpu.memory_space<vmem>> -> memref<128xi32, #tpu.memory_space<vmem>>
    %dma_start3A_105 = arith.constant 0 : i32
    %dma_start3A_106 = arith.constant 0 : i32
    %dma_start3A_107 = tpu.memref_slice %arg2[%dma_start3A_105, %dma_start3A_106] : memref<100000x128xf32, #tpu.memory_space<hbm>> -> memref<100000x128xf32, #tpu.memory_space<hbm>>
    tpu.enqueue_indirect_dma source(%dma_start3A_107 : memref<100000x128xf32, #tpu.memory_space<hbm>>) target(%dma_start3A_101 : memref<128x128xf32, #tpu.memory_space<vmem>>) offsets(%dma_start3A_104 : memref<128xi32, #tpu.memory_space<vmem>>) semaphore(%arg7 : memref<!tpu.dma_semaphore, #tpu.memory_space<semaphore_mem>>)
    %dma_wait3A_108 = arith.constant 2 : i32
    %dma_wait3A_109 = arith.constant 1 : i32
    %dma_wait3A_110 = arith.constant 0 : i32
    %dma_wait3A_111 = arith.constant 0 : i32
    %dma_wait3A_112 = tpu.memref_slice %arg6[%dma_wait3A_109, %dma_wait3A_110, %dma_wait3A_111] : memref<2x256x128xf32, #tpu.memory_space<vmem>> -> memref<1x256x128xf32, #tpu.memory_space<vmem>>
    %dma_wait3A_113 = tpu.memref_squeeze %dma_wait3A_112 : memref<1x256x128xf32, #tpu.memory_space<vmem>> -> memref<256x128xf32, #tpu.memory_space<vmem>>
    %dma_wait3A_114 = arith.constant 0 : i32
    %dma_wait3A_115 = arith.constant 0 : i32
    %dma_wait3A_116 = tpu.memref_slice %dma_wait3A_113[%dma_wait3A_114, %dma_wait3A_115] : memref<256x128xf32, #tpu.memory_space<vmem>> -> memref<128x128xf32, #tpu.memory_space<vmem>>
    %dma_wait3A_117 = arith.constant 0 : i32
    %dma_wait3A_118 = tpu.memref_slice %arg5[%dma_wait3A_108, %dma_wait3A_117] : memref<40x128xi32, #tpu.memory_space<vmem>> -> memref<1x128xi32, #tpu.memory_space<vmem>>
    %dma_wait3A_119 = tpu.memref_squeeze %dma_wait3A_118 : memref<1x128xi32, #tpu.memory_space<vmem>> -> memref<128xi32, #tpu.memory_space<vmem>>
    %dma_wait3A_120 = arith.constant 0 : i32
    %dma_wait3A_121 = arith.constant 0 : i32
    %dma_wait3A_122 = tpu.memref_slice %arg2[%dma_wait3A_120, %dma_wait3A_121] : memref<100000x128xf32, #tpu.memory_space<hbm>> -> memref<100000x128xf32, #tpu.memory_space<hbm>>
    tpu.wait_indirect_dma semaphore(%arg7 : memref<!tpu.dma_semaphore, #tpu.memory_space<semaphore_mem>>) src(%dma_wait3A_122 : memref<100000x128xf32, #tpu.memory_space<hbm>>) dst(%dma_wait3A_116 : memref<128x128xf32, #tpu.memory_space<vmem>>)
    %dma_wait3A_123 = arith.constant 3 : i32
    %dma_wait3A_124 = arith.constant 1 : i32
    %dma_wait3A_125 = arith.constant 0 : i32
    %dma_wait3A_126 = arith.constant 0 : i32
    %dma_wait3A_127 = tpu.memref_slice %arg6[%dma_wait3A_124, %dma_wait3A_125, %dma_wait3A_126] : memref<2x256x128xf32, #tpu.memory_space<vmem>> -> memref<1x256x128xf32, #tpu.memory_space<vmem>>
    %dma_wait3A_128 = tpu.memref_squeeze %dma_wait3A_127 : memref<1x256x128xf32, #tpu.memory_space<vmem>> -> memref<256x128xf32, #tpu.memory_space<vmem>>
    %dma_wait3A_129 = arith.constant 128 : i32
    %dma_wait3A_130 = arith.constant 0 : i32
    %dma_wait3A_131 = tpu.memref_slice %dma_wait3A_128[%dma_wait3A_129, %dma_wait3A_130] : memref<256x128xf32, #tpu.memory_space<vmem>> -> memref<128x128xf32, #tpu.memory_space<vmem>>
    %dma_wait3A_132 = arith.constant 0 : i32
    %dma_wait3A_133 = tpu.memref_slice %arg5[%dma_wait3A_123, %dma_wait3A_132] : memref<40x128xi32, #tpu.memory_space<vmem>> -> memref<1x128xi32, #tpu.memory_space<vmem>>
    %dma_wait3A_134 = tpu.memref_squeeze %dma_wait3A_133 : memref<1x128xi32, #tpu.memory_space<vmem>> -> memref<128xi32, #tpu.memory_space<vmem>>
    %dma_wait3A_135 = arith.constant 0 : i32
    %dma_wait3A_136 = arith.constant 0 : i32
    %dma_wait3A_137 = tpu.memref_slice %arg2[%dma_wait3A_135, %dma_wait3A_136] : memref<100000x128xf32, #tpu.memory_space<hbm>> -> memref<100000x128xf32, #tpu.memory_space<hbm>>
    tpu.wait_indirect_dma semaphore(%arg7 : memref<!tpu.dma_semaphore, #tpu.memory_space<semaphore_mem>>) src(%dma_wait3A_137 : memref<100000x128xf32, #tpu.memory_space<hbm>>) dst(%dma_wait3A_131 : memref<128x128xf32, #tpu.memory_space<vmem>>)
    %add3A_138 = arith.constant 256 : i32
    %add3A_139 = arith.addi %mul3A_2, %add3A_138 : i32
    %dma_start3A_140 = arith.constant 1 : i32
    %dma_start3A_141 = arith.constant 0 : i32
    %dma_start3A_142 = arith.constant 0 : i32
    %dma_start3A_143 = tpu.memref_slice %arg6[%dma_start3A_140, %dma_start3A_141, %dma_start3A_142] : memref<2x256x128xf32, #tpu.memory_space<vmem>> -> memref<1x256x128xf32, #tpu.memory_space<vmem>>
    %dma_start3A_144 = tpu.memref_squeeze %dma_start3A_143 : memref<1x256x128xf32, #tpu.memory_space<vmem>> -> memref<256x128xf32, #tpu.memory_space<vmem>>
    %dma_start3A_145 = arith.constant 0 : i32
    %dma_start3A_146 = tpu.memref_slice %arg4[%add3A_139, %dma_start3A_145] : memref<163840x128xf32, #tpu.memory_space<hbm>> -> memref<256x128xf32, #tpu.memory_space<hbm>>
    %dma_start3A_147 = arith.constant 0 : i32
    %dma_start3A_148 = tpu.memref_slice %arg4[%add3A_139, %dma_start3A_147] : memref<163840x128xf32, #tpu.memory_space<hbm>> -> memref<256x128xf32, #tpu.memory_space<hbm>>
    %dma_start3A_149 = arith.constant 0 : i32
    %dma_start3A_150 = arith.constant 0 : i32
    %dma_start3A_151 = tpu.memref_slice %arg6[%dma_start3A_140, %dma_start3A_149, %dma_start3A_150] : memref<2x256x128xf32, #tpu.memory_space<vmem>> -> memref<1x256x128xf32, #tpu.memory_space<vmem>>
    %dma_start3A_152 = tpu.memref_squeeze %dma_start3A_151 : memref<1x256x128xf32, #tpu.memory_space<vmem>> -> memref<256x128xf32, #tpu.memory_space<vmem>>
    tpu.enqueue_dma source(%dma_start3A_152 : memref<256x128xf32, #tpu.memory_space<vmem>>) target(%dma_start3A_148 : memref<256x128xf32, #tpu.memory_space<hbm>>) target_semaphore(%arg9 : memref<!tpu.dma_semaphore, #tpu.memory_space<semaphore_mem>>)
    %scan3A = arith.constant 0 : i32
    %scan3A_153 = arith.constant 1 : i32
    %scan3A_154 = arith.constant 9 : i32
    %scan3A_155 = arith.addi %scan3A_153, %scan3A_154 : i32
    %scan3A_156 = arith.constant 1 : i32
    scf.for %scan3A_184 = %scan3A_153 to %scan3A_155 step %scan3A_156  : i32 {
      %mul3A_185 = arith.constant 2 : i32
      %mul3A_186 = arith.muli %scan3A_184, %mul3A_185 : i32
      %add3A_187 = arith.constant 0 : i32
      %add3A_188 = arith.addi %mul3A_186, %add3A_187 : i32
      %dma_wait3A_189 = arith.constant 0 : i32
      %dma_wait3A_190 = arith.constant 0 : i32
      %dma_wait3A_191 = arith.constant 0 : i32
      %dma_wait3A_192 = tpu.memref_slice %arg6[%dma_wait3A_189, %dma_wait3A_190, %dma_wait3A_191] : memref<2x256x128xf32, #tpu.memory_space<vmem>> -> memref<1x256x128xf32, #tpu.memory_space<vmem>>
      %dma_wait3A_193 = tpu.memref_squeeze %dma_wait3A_192 : memref<1x256x128xf32, #tpu.memory_space<vmem>> -> memref<256x128xf32, #tpu.memory_space<vmem>>
      %dma_wait3A_194 = arith.constant 0 : i32
      %dma_wait3A_195 = tpu.memref_slice %arg4[%mul3A_2, %dma_wait3A_194] : memref<163840x128xf32, #tpu.memory_space<hbm>> -> memref<256x128xf32, #tpu.memory_space<hbm>>
      %dma_wait3A_196 = arith.constant 0 : i32
      %dma_wait3A_197 = tpu.memref_slice %arg4[%mul3A_2, %dma_wait3A_196] : memref<163840x128xf32, #tpu.memory_space<hbm>> -> memref<256x128xf32, #tpu.memory_space<hbm>>
      %dma_wait3A_198 = arith.constant 0 : i32
      %dma_wait3A_199 = arith.constant 0 : i32
      %dma_wait3A_200 = tpu.memref_slice %arg6[%dma_wait3A_189, %dma_wait3A_198, %dma_wait3A_199] : memref<2x256x128xf32, #tpu.memory_space<vmem>> -> memref<1x256x128xf32, #tpu.memory_space<vmem>>
      %dma_wait3A_201 = tpu.memref_squeeze %dma_wait3A_200 : memref<1x256x128xf32, #tpu.memory_space<vmem>> -> memref<256x128xf32, #tpu.memory_space<vmem>>
      tpu.wait_dma2 semaphore(%arg8 : memref<!tpu.dma_semaphore, #tpu.memory_space<semaphore_mem>>) src(%dma_wait3A_201 : memref<256x128xf32, #tpu.memory_space<vmem>>) dst(%dma_wait3A_197 : memref<256x128xf32, #tpu.memory_space<hbm>>)
      %mul3A_202 = arith.constant 2 : i32
      %mul3A_203 = arith.muli %add3A_188, %mul3A_202 : i32
      %add3A_204 = arith.constant 0 : i32
      %add3A_205 = arith.addi %mul3A_203, %add3A_204 : i32
      %dma_start3A_206 = arith.constant 0 : i32
      %dma_start3A_207 = arith.constant 0 : i32
      %dma_start3A_208 = arith.constant 0 : i32
      %dma_start3A_209 = tpu.memref_slice %arg6[%dma_start3A_206, %dma_start3A_207, %dma_start3A_208] : memref<2x256x128xf32, #tpu.memory_space<vmem>> -> memref<1x256x128xf32, #tpu.memory_space<vmem>>
      %dma_start3A_210 = tpu.memref_squeeze %dma_start3A_209 : memref<1x256x128xf32, #tpu.memory_space<vmem>> -> memref<256x128xf32, #tpu.memory_space<vmem>>
      %dma_start3A_211 = arith.constant 0 : i32
      %dma_start3A_212 = arith.constant 0 : i32
      %dma_start3A_213 = tpu.memref_slice %dma_start3A_210[%dma_start3A_211, %dma_start3A_212] : memref<256x128xf32, #tpu.memory_space<vmem>> -> memref<128x128xf32, #tpu.memory_space<vmem>>
      %dma_start3A_214 = arith.constant 0 : i32
      %dma_start3A_215 = tpu.memref_slice %arg5[%add3A_205, %dma_start3A_214] : memref<40x128xi32, #tpu.memory_space<vmem>> -> memref<1x128xi32, #tpu.memory_space<vmem>>
      %dma_start3A_216 = tpu.memref_squeeze %dma_start3A_215 : memref<1x128xi32, #tpu.memory_space<vmem>> -> memref<128xi32, #tpu.memory_space<vmem>>
      %dma_start3A_217 = arith.constant 0 : i32
      %dma_start3A_218 = arith.constant 0 : i32
      %dma_start3A_219 = tpu.memref_slice %arg2[%dma_start3A_217, %dma_start3A_218] : memref<100000x128xf32, #tpu.memory_space<hbm>> -> memref<100000x128xf32, #tpu.memory_space<hbm>>
      tpu.enqueue_indirect_dma source(%dma_start3A_219 : memref<100000x128xf32, #tpu.memory_space<hbm>>) target(%dma_start3A_213 : memref<128x128xf32, #tpu.memory_space<vmem>>) offsets(%dma_start3A_216 : memref<128xi32, #tpu.memory_space<vmem>>) semaphore(%arg7 : memref<!tpu.dma_semaphore, #tpu.memory_space<semaphore_mem>>)
      %mul3A_220 = arith.constant 2 : i32
      %mul3A_221 = arith.muli %add3A_188, %mul3A_220 : i32
      %add3A_222 = arith.constant 1 : i32
      %add3A_223 = arith.addi %mul3A_221, %add3A_222 : i32
      %dma_start3A_224 = arith.constant 0 : i32
      %dma_start3A_225 = arith.constant 0 : i32
      %dma_start3A_226 = arith.constant 0 : i32
      %dma_start3A_227 = tpu.memref_slice %arg6[%dma_start3A_224, %dma_start3A_225, %dma_start3A_226] : memref<2x256x128xf32, #tpu.memory_space<vmem>> -> memref<1x256x128xf32, #tpu.memory_space<vmem>>
      %dma_start3A_228 = tpu.memref_squeeze %dma_start3A_227 : memref<1x256x128xf32, #tpu.memory_space<vmem>> -> memref<256x128xf32, #tpu.memory_space<vmem>>
      %dma_start3A_229 = arith.constant 128 : i32
      %dma_start3A_230 = arith.constant 0 : i32
      %dma_start3A_231 = tpu.memref_slice %dma_start3A_228[%dma_start3A_229, %dma_start3A_230] : memref<256x128xf32, #tpu.memory_space<vmem>> -> memref<128x128xf32, #tpu.memory_space<vmem>>
      %dma_start3A_232 = arith.constant 0 : i32
      %dma_start3A_233 = tpu.memref_slice %arg5[%add3A_223, %dma_start3A_232] : memref<40x128xi32, #tpu.memory_space<vmem>> -> memref<1x128xi32, #tpu.memory_space<vmem>>
      %dma_start3A_234 = tpu.memref_squeeze %dma_start3A_233 : memref<1x128xi32, #tpu.memory_space<vmem>> -> memref<128xi32, #tpu.memory_space<vmem>>
      %dma_start3A_235 = arith.constant 0 : i32
      %dma_start3A_236 = arith.constant 0 : i32
      %dma_start3A_237 = tpu.memref_slice %arg2[%dma_start3A_235, %dma_start3A_236] : memref<100000x128xf32, #tpu.memory_space<hbm>> -> memref<100000x128xf32, #tpu.memory_space<hbm>>
      tpu.enqueue_indirect_dma source(%dma_start3A_237 : memref<100000x128xf32, #tpu.memory_space<hbm>>) target(%dma_start3A_231 : memref<128x128xf32, #tpu.memory_space<vmem>>) offsets(%dma_start3A_234 : memref<128xi32, #tpu.memory_space<vmem>>) semaphore(%arg7 : memref<!tpu.dma_semaphore, #tpu.memory_space<semaphore_mem>>)
      %dma_wait3A_238 = arith.constant 0 : i32
      %dma_wait3A_239 = arith.constant 0 : i32
      %dma_wait3A_240 = arith.constant 0 : i32
      %dma_wait3A_241 = tpu.memref_slice %arg6[%dma_wait3A_238, %dma_wait3A_239, %dma_wait3A_240] : memref<2x256x128xf32, #tpu.memory_space<vmem>> -> memref<1x256x128xf32, #tpu.memory_space<vmem>>
      %dma_wait3A_242 = tpu.memref_squeeze %dma_wait3A_241 : memref<1x256x128xf32, #tpu.memory_space<vmem>> -> memref<256x128xf32, #tpu.memory_space<vmem>>
      %dma_wait3A_243 = arith.constant 0 : i32
      %dma_wait3A_244 = arith.constant 0 : i32
      %dma_wait3A_245 = tpu.memref_slice %dma_wait3A_242[%dma_wait3A_243, %dma_wait3A_244] : memref<256x128xf32, #tpu.memory_space<vmem>> -> memref<128x128xf32, #tpu.memory_space<vmem>>
      %dma_wait3A_246 = arith.constant 0 : i32
      %dma_wait3A_247 = tpu.memref_slice %arg5[%add3A_205, %dma_wait3A_246] : memref<40x128xi32, #tpu.memory_space<vmem>> -> memref<1x128xi32, #tpu.memory_space<vmem>>
      %dma_wait3A_248 = tpu.memref_squeeze %dma_wait3A_247 : memref<1x128xi32, #tpu.memory_space<vmem>> -> memref<128xi32, #tpu.memory_space<vmem>>
      %dma_wait3A_249 = arith.constant 0 : i32
      %dma_wait3A_250 = arith.constant 0 : i32
      %dma_wait3A_251 = tpu.memref_slice %arg2[%dma_wait3A_249, %dma_wait3A_250] : memref<100000x128xf32, #tpu.memory_space<hbm>> -> memref<100000x128xf32, #tpu.memory_space<hbm>>
      tpu.wait_indirect_dma semaphore(%arg7 : memref<!tpu.dma_semaphore, #tpu.memory_space<semaphore_mem>>) src(%dma_wait3A_251 : memref<100000x128xf32, #tpu.memory_space<hbm>>) dst(%dma_wait3A_245 : memref<128x128xf32, #tpu.memory_space<vmem>>)
      %dma_wait3A_252 = arith.constant 0 : i32
      %dma_wait3A_253 = arith.constant 0 : i32
      %dma_wait3A_254 = arith.constant 0 : i32
      %dma_wait3A_255 = tpu.memref_slice %arg6[%dma_wait3A_252, %dma_wait3A_253, %dma_wait3A_254] : memref<2x256x128xf32, #tpu.memory_space<vmem>> -> memref<1x256x128xf32, #tpu.memory_space<vmem>>
      %dma_wait3A_256 = tpu.memref_squeeze %dma_wait3A_255 : memref<1x256x128xf32, #tpu.memory_space<vmem>> -> memref<256x128xf32, #tpu.memory_space<vmem>>
      %dma_wait3A_257 = arith.constant 128 : i32
      %dma_wait3A_258 = arith.constant 0 : i32
      %dma_wait3A_259 = tpu.memref_slice %dma_wait3A_256[%dma_wait3A_257, %dma_wait3A_258] : memref<256x128xf32, #tpu.memory_space<vmem>> -> memref<128x128xf32, #tpu.memory_space<vmem>>
      %dma_wait3A_260 = arith.constant 0 : i32
      %dma_wait3A_261 = tpu.memref_slice %arg5[%add3A_223, %dma_wait3A_260] : memref<40x128xi32, #tpu.memory_space<vmem>> -> memref<1x128xi32, #tpu.memory_space<vmem>>
      %dma_wait3A_262 = tpu.memref_squeeze %dma_wait3A_261 : memref<1x128xi32, #tpu.memory_space<vmem>> -> memref<128xi32, #tpu.memory_space<vmem>>
      %dma_wait3A_263 = arith.constant 0 : i32
      %dma_wait3A_264 = arith.constant 0 : i32
      %dma_wait3A_265 = tpu.memref_slice %arg2[%dma_wait3A_263, %dma_wait3A_264] : memref<100000x128xf32, #tpu.memory_space<hbm>> -> memref<100000x128xf32, #tpu.memory_space<hbm>>
      tpu.wait_indirect_dma semaphore(%arg7 : memref<!tpu.dma_semaphore, #tpu.memory_space<semaphore_mem>>) src(%dma_wait3A_265 : memref<100000x128xf32, #tpu.memory_space<hbm>>) dst(%dma_wait3A_259 : memref<128x128xf32, #tpu.memory_space<vmem>>)
      %mul3A_266 = arith.constant 256 : i32
      %mul3A_267 = arith.muli %add3A_188, %mul3A_266 : i32
      %add3A_268 = arith.addi %mul3A_2, %mul3A_267 : i32
      %dma_start3A_269 = arith.constant 0 : i32
      %dma_start3A_270 = arith.constant 0 : i32
      %dma_start3A_271 = arith.constant 0 : i32
      %dma_start3A_272 = tpu.memref_slice %arg6[%dma_start3A_269, %dma_start3A_270, %dma_start3A_271] : memref<2x256x128xf32, #tpu.memory_space<vmem>> -> memref<1x256x128xf32, #tpu.memory_space<vmem>>
      %dma_start3A_273 = tpu.memref_squeeze %dma_start3A_272 : memref<1x256x128xf32, #tpu.memory_space<vmem>> -> memref<256x128xf32, #tpu.memory_space<vmem>>
      %dma_start3A_274 = arith.constant 0 : i32
      %dma_start3A_275 = tpu.memref_slice %arg4[%add3A_268, %dma_start3A_274] : memref<163840x128xf32, #tpu.memory_space<hbm>> -> memref<256x128xf32, #tpu.memory_space<hbm>>
      %dma_start3A_276 = arith.constant 0 : i32
      %dma_start3A_277 = tpu.memref_slice %arg4[%add3A_268, %dma_start3A_276] : memref<163840x128xf32, #tpu.memory_space<hbm>> -> memref<256x128xf32, #tpu.memory_space<hbm>>
      %dma_start3A_278 = arith.constant 0 : i32
      %dma_start3A_279 = arith.constant 0 : i32
      %dma_start3A_280 = tpu.memref_slice %arg6[%dma_start3A_269, %dma_start3A_278, %dma_start3A_279] : memref<2x256x128xf32, #tpu.memory_space<vmem>> -> memref<1x256x128xf32, #tpu.memory_space<vmem>>
      %dma_start3A_281 = tpu.memref_squeeze %dma_start3A_280 : memref<1x256x128xf32, #tpu.memory_space<vmem>> -> memref<256x128xf32, #tpu.memory_space<vmem>>
      tpu.enqueue_dma source(%dma_start3A_281 : memref<256x128xf32, #tpu.memory_space<vmem>>) target(%dma_start3A_277 : memref<256x128xf32, #tpu.memory_space<hbm>>) target_semaphore(%arg8 : memref<!tpu.dma_semaphore, #tpu.memory_space<semaphore_mem>>)
      %mul3A_282 = arith.constant 2 : i32
      %mul3A_283 = arith.muli %scan3A_184, %mul3A_282 : i32
      %add3A_284 = arith.constant 1 : i32
      %add3A_285 = arith.addi %mul3A_283, %add3A_284 : i32
      %dma_wait3A_286 = arith.constant 1 : i32
      %dma_wait3A_287 = arith.constant 0 : i32
      %dma_wait3A_288 = arith.constant 0 : i32
      %dma_wait3A_289 = tpu.memref_slice %arg6[%dma_wait3A_286, %dma_wait3A_287, %dma_wait3A_288] : memref<2x256x128xf32, #tpu.memory_space<vmem>> -> memref<1x256x128xf32, #tpu.memory_space<vmem>>
      %dma_wait3A_290 = tpu.memref_squeeze %dma_wait3A_289 : memref<1x256x128xf32, #tpu.memory_space<vmem>> -> memref<256x128xf32, #tpu.memory_space<vmem>>
      %dma_wait3A_291 = arith.constant 0 : i32
      %dma_wait3A_292 = tpu.memref_slice %arg4[%mul3A_2, %dma_wait3A_291] : memref<163840x128xf32, #tpu.memory_space<hbm>> -> memref<256x128xf32, #tpu.memory_space<hbm>>
      %dma_wait3A_293 = arith.constant 0 : i32
      %dma_wait3A_294 = tpu.memref_slice %arg4[%mul3A_2, %dma_wait3A_293] : memref<163840x128xf32, #tpu.memory_space<hbm>> -> memref<256x128xf32, #tpu.memory_space<hbm>>
      %dma_wait3A_295 = arith.constant 0 : i32
      %dma_wait3A_296 = arith.constant 0 : i32
      %dma_wait3A_297 = tpu.memref_slice %arg6[%dma_wait3A_286, %dma_wait3A_295, %dma_wait3A_296] : memref<2x256x128xf32, #tpu.memory_space<vmem>> -> memref<1x256x128xf32, #tpu.memory_space<vmem>>
      %dma_wait3A_298 = tpu.memref_squeeze %dma_wait3A_297 : memref<1x256x128xf32, #tpu.memory_space<vmem>> -> memref<256x128xf32, #tpu.memory_space<vmem>>
      tpu.wait_dma2 semaphore(%arg9 : memref<!tpu.dma_semaphore, #tpu.memory_space<semaphore_mem>>) src(%dma_wait3A_298 : memref<256x128xf32, #tpu.memory_space<vmem>>) dst(%dma_wait3A_294 : memref<256x128xf32, #tpu.memory_space<hbm>>)
      %mul3A_299 = arith.constant 2 : i32
      %mul3A_300 = arith.muli %add3A_285, %mul3A_299 : i32
      %add3A_301 = arith.constant 0 : i32
      %add3A_302 = arith.addi %mul3A_300, %add3A_301 : i32
      %dma_start3A_303 = arith.constant 1 : i32
      %dma_start3A_304 = arith.constant 0 : i32
      %dma_start3A_305 = arith.constant 0 : i32
      %dma_start3A_306 = tpu.memref_slice %arg6[%dma_start3A_303, %dma_start3A_304, %dma_start3A_305] : memref<2x256x128xf32, #tpu.memory_space<vmem>> -> memref<1x256x128xf32, #tpu.memory_space<vmem>>
      %dma_start3A_307 = tpu.memref_squeeze %dma_start3A_306 : memref<1x256x128xf32, #tpu.memory_space<vmem>> -> memref<256x128xf32, #tpu.memory_space<vmem>>
      %dma_start3A_308 = arith.constant 0 : i32
      %dma_start3A_309 = arith.constant 0 : i32
      %dma_start3A_310 = tpu.memref_slice %dma_start3A_307[%dma_start3A_308, %dma_start3A_309] : memref<256x128xf32, #tpu.memory_space<vmem>> -> memref<128x128xf32, #tpu.memory_space<vmem>>
      %dma_start3A_311 = arith.constant 0 : i32
      %dma_start3A_312 = tpu.memref_slice %arg5[%add3A_302, %dma_start3A_311] : memref<40x128xi32, #tpu.memory_space<vmem>> -> memref<1x128xi32, #tpu.memory_space<vmem>>
      %dma_start3A_313 = tpu.memref_squeeze %dma_start3A_312 : memref<1x128xi32, #tpu.memory_space<vmem>> -> memref<128xi32, #tpu.memory_space<vmem>>
      %dma_start3A_314 = arith.constant 0 : i32
      %dma_start3A_315 = arith.constant 0 : i32
      %dma_start3A_316 = tpu.memref_slice %arg2[%dma_start3A_314, %dma_start3A_315] : memref<100000x128xf32, #tpu.memory_space<hbm>> -> memref<100000x128xf32, #tpu.memory_space<hbm>>
      tpu.enqueue_indirect_dma source(%dma_start3A_316 : memref<100000x128xf32, #tpu.memory_space<hbm>>) target(%dma_start3A_310 : memref<128x128xf32, #tpu.memory_space<vmem>>) offsets(%dma_start3A_313 : memref<128xi32, #tpu.memory_space<vmem>>) semaphore(%arg7 : memref<!tpu.dma_semaphore, #tpu.memory_space<semaphore_mem>>)
      %mul3A_317 = arith.constant 2 : i32
      %mul3A_318 = arith.muli %add3A_285, %mul3A_317 : i32
      %add3A_319 = arith.constant 1 : i32
      %add3A_320 = arith.addi %mul3A_318, %add3A_319 : i32
      %dma_start3A_321 = arith.constant 1 : i32
      %dma_start3A_322 = arith.constant 0 : i32
      %dma_start3A_323 = arith.constant 0 : i32
      %dma_start3A_324 = tpu.memref_slice %arg6[%dma_start3A_321, %dma_start3A_322, %dma_start3A_323] : memref<2x256x128xf32, #tpu.memory_space<vmem>> -> memref<1x256x128xf32, #tpu.memory_space<vmem>>
      %dma_start3A_325 = tpu.memref_squeeze %dma_start3A_324 : memref<1x256x128xf32, #tpu.memory_space<vmem>> -> memref<256x128xf32, #tpu.memory_space<vmem>>
      %dma_start3A_326 = arith.constant 128 : i32
      %dma_start3A_327 = arith.constant 0 : i32
      %dma_start3A_328 = tpu.memref_slice %dma_start3A_325[%dma_start3A_326, %dma_start3A_327] : memref<256x128xf32, #tpu.memory_space<vmem>> -> memref<128x128xf32, #tpu.memory_space<vmem>>
      %dma_start3A_329 = arith.constant 0 : i32
      %dma_start3A_330 = tpu.memref_slice %arg5[%add3A_320, %dma_start3A_329] : memref<40x128xi32, #tpu.memory_space<vmem>> -> memref<1x128xi32, #tpu.memory_space<vmem>>
      %dma_start3A_331 = tpu.memref_squeeze %dma_start3A_330 : memref<1x128xi32, #tpu.memory_space<vmem>> -> memref<128xi32, #tpu.memory_space<vmem>>
      %dma_start3A_332 = arith.constant 0 : i32
      %dma_start3A_333 = arith.constant 0 : i32
      %dma_start3A_334 = tpu.memref_slice %arg2[%dma_start3A_332, %dma_start3A_333] : memref<100000x128xf32, #tpu.memory_space<hbm>> -> memref<100000x128xf32, #tpu.memory_space<hbm>>
      tpu.enqueue_indirect_dma source(%dma_start3A_334 : memref<100000x128xf32, #tpu.memory_space<hbm>>) target(%dma_start3A_328 : memref<128x128xf32, #tpu.memory_space<vmem>>) offsets(%dma_start3A_331 : memref<128xi32, #tpu.memory_space<vmem>>) semaphore(%arg7 : memref<!tpu.dma_semaphore, #tpu.memory_space<semaphore_mem>>)
      %dma_wait3A_335 = arith.constant 1 : i32
      %dma_wait3A_336 = arith.constant 0 : i32
      %dma_wait3A_337 = arith.constant 0 : i32
      %dma_wait3A_338 = tpu.memref_slice %arg6[%dma_wait3A_335, %dma_wait3A_336, %dma_wait3A_337] : memref<2x256x128xf32, #tpu.memory_space<vmem>> -> memref<1x256x128xf32, #tpu.memory_space<vmem>>
      %dma_wait3A_339 = tpu.memref_squeeze %dma_wait3A_338 : memref<1x256x128xf32, #tpu.memory_space<vmem>> -> memref<256x128xf32, #tpu.memory_space<vmem>>
      %dma_wait3A_340 = arith.constant 0 : i32
      %dma_wait3A_341 = arith.constant 0 : i32
      %dma_wait3A_342 = tpu.memref_slice %dma_wait3A_339[%dma_wait3A_340, %dma_wait3A_341] : memref<256x128xf32, #tpu.memory_space<vmem>> -> memref<128x128xf32, #tpu.memory_space<vmem>>
      %dma_wait3A_343 = arith.constant 0 : i32
      %dma_wait3A_344 = tpu.memref_slice %arg5[%add3A_302, %dma_wait3A_343] : memref<40x128xi32, #tpu.memory_space<vmem>> -> memref<1x128xi32, #tpu.memory_space<vmem>>
      %dma_wait3A_345 = tpu.memref_squeeze %dma_wait3A_344 : memref<1x128xi32, #tpu.memory_space<vmem>> -> memref<128xi32, #tpu.memory_space<vmem>>
      %dma_wait3A_346 = arith.constant 0 : i32
      %dma_wait3A_347 = arith.constant 0 : i32
      %dma_wait3A_348 = tpu.memref_slice %arg2[%dma_wait3A_346, %dma_wait3A_347] : memref<100000x128xf32, #tpu.memory_space<hbm>> -> memref<100000x128xf32, #tpu.memory_space<hbm>>
      tpu.wait_indirect_dma semaphore(%arg7 : memref<!tpu.dma_semaphore, #tpu.memory_space<semaphore_mem>>) src(%dma_wait3A_348 : memref<100000x128xf32, #tpu.memory_space<hbm>>) dst(%dma_wait3A_342 : memref<128x128xf32, #tpu.memory_space<vmem>>)
      %dma_wait3A_349 = arith.constant 1 : i32
      %dma_wait3A_350 = arith.constant 0 : i32
      %dma_wait3A_351 = arith.constant 0 : i32
      %dma_wait3A_352 = tpu.memref_slice %arg6[%dma_wait3A_349, %dma_wait3A_350, %dma_wait3A_351] : memref<2x256x128xf32, #tpu.memory_space<vmem>> -> memref<1x256x128xf32, #tpu.memory_space<vmem>>
      %dma_wait3A_353 = tpu.memref_squeeze %dma_wait3A_352 : memref<1x256x128xf32, #tpu.memory_space<vmem>> -> memref<256x128xf32, #tpu.memory_space<vmem>>
      %dma_wait3A_354 = arith.constant 128 : i32
      %dma_wait3A_355 = arith.constant 0 : i32
      %dma_wait3A_356 = tpu.memref_slice %dma_wait3A_353[%dma_wait3A_354, %dma_wait3A_355] : memref<256x128xf32, #tpu.memory_space<vmem>> -> memref<128x128xf32, #tpu.memory_space<vmem>>
      %dma_wait3A_357 = arith.constant 0 : i32
      %dma_wait3A_358 = tpu.memref_slice %arg5[%add3A_320, %dma_wait3A_357] : memref<40x128xi32, #tpu.memory_space<vmem>> -> memref<1x128xi32, #tpu.memory_space<vmem>>
      %dma_wait3A_359 = tpu.memref_squeeze %dma_wait3A_358 : memref<1x128xi32, #tpu.memory_space<vmem>> -> memref<128xi32, #tpu.memory_space<vmem>>
      %dma_wait3A_360 = arith.constant 0 : i32
      %dma_wait3A_361 = arith.constant 0 : i32
      %dma_wait3A_362 = tpu.memref_slice %arg2[%dma_wait3A_360, %dma_wait3A_361] : memref<100000x128xf32, #tpu.memory_space<hbm>> -> memref<100000x128xf32, #tpu.memory_space<hbm>>
      tpu.wait_indirect_dma semaphore(%arg7 : memref<!tpu.dma_semaphore, #tpu.memory_space<semaphore_mem>>) src(%dma_wait3A_362 : memref<100000x128xf32, #tpu.memory_space<hbm>>) dst(%dma_wait3A_356 : memref<128x128xf32, #tpu.memory_space<vmem>>)
      %mul3A_363 = arith.constant 256 : i32
      %mul3A_364 = arith.muli %add3A_285, %mul3A_363 : i32
      %add3A_365 = arith.addi %mul3A_2, %mul3A_364 : i32
      %dma_start3A_366 = arith.constant 1 : i32
      %dma_start3A_367 = arith.constant 0 : i32
      %dma_start3A_368 = arith.constant 0 : i32
      %dma_start3A_369 = tpu.memref_slice %arg6[%dma_start3A_366, %dma_start3A_367, %dma_start3A_368] : memref<2x256x128xf32, #tpu.memory_space<vmem>> -> memref<1x256x128xf32, #tpu.memory_space<vmem>>
      %dma_start3A_370 = tpu.memref_squeeze %dma_start3A_369 : memref<1x256x128xf32, #tpu.memory_space<vmem>> -> memref<256x128xf32, #tpu.memory_space<vmem>>
      %dma_start3A_371 = arith.constant 0 : i32
      %dma_start3A_372 = tpu.memref_slice %arg4[%add3A_365, %dma_start3A_371] : memref<163840x128xf32, #tpu.memory_space<hbm>> -> memref<256x128xf32, #tpu.memory_space<hbm>>
      %dma_start3A_373 = arith.constant 0 : i32
      %dma_start3A_374 = tpu.memref_slice %arg4[%add3A_365, %dma_start3A_373] : memref<163840x128xf32, #tpu.memory_space<hbm>> -> memref<256x128xf32, #tpu.memory_space<hbm>>
      %dma_start3A_375 = arith.constant 0 : i32
      %dma_start3A_376 = arith.constant 0 : i32
      %dma_start3A_377 = tpu.memref_slice %arg6[%dma_start3A_366, %dma_start3A_375, %dma_start3A_376] : memref<2x256x128xf32, #tpu.memory_space<vmem>> -> memref<1x256x128xf32, #tpu.memory_space<vmem>>
      %dma_start3A_378 = tpu.memref_squeeze %dma_start3A_377 : memref<1x256x128xf32, #tpu.memory_space<vmem>> -> memref<256x128xf32, #tpu.memory_space<vmem>>
      tpu.enqueue_dma source(%dma_start3A_378 : memref<256x128xf32, #tpu.memory_space<vmem>>) target(%dma_start3A_374 : memref<256x128xf32, #tpu.memory_space<hbm>>) target_semaphore(%arg9 : memref<!tpu.dma_semaphore, #tpu.memory_space<semaphore_mem>>)
    }
    %scan3A_157 = arith.constant 9 : i32
    %dma_wait3A_158 = arith.constant 0 : i32
    %dma_wait3A_159 = arith.constant 0 : i32
    %dma_wait3A_160 = arith.constant 0 : i32
    %dma_wait3A_161 = tpu.memref_slice %arg6[%dma_wait3A_158, %dma_wait3A_159, %dma_wait3A_160] : memref<2x256x128xf32, #tpu.memory_space<vmem>> -> memref<1x256x128xf32, #tpu.memory_space<vmem>>
    %dma_wait3A_162 = tpu.memref_squeeze %dma_wait3A_161 : memref<1x256x128xf32, #tpu.memory_space<vmem>> -> memref<256x128xf32, #tpu.memory_space<vmem>>
    %dma_wait3A_163 = arith.constant 0 : i32
    %dma_wait3A_164 = tpu.memref_slice %arg4[%mul3A_2, %dma_wait3A_163] : memref<163840x128xf32, #tpu.memory_space<hbm>> -> memref<256x128xf32, #tpu.memory_space<hbm>>
    %dma_wait3A_165 = arith.constant 0 : i32
    %dma_wait3A_166 = tpu.memref_slice %arg4[%mul3A_2, %dma_wait3A_165] : memref<163840x128xf32, #tpu.memory_space<hbm>> -> memref<256x128xf32, #tpu.memory_space<hbm>>
    %dma_wait3A_167 = arith.constant 0 : i32
    %dma_wait3A_168 = arith.constant 0 : i32
    %dma_wait3A_169 = tpu.memref_slice %arg6[%dma_wait3A_158, %dma_wait3A_167, %dma_wait3A_168] : memref<2x256x128xf32, #tpu.memory_space<vmem>> -> memref<1x256x128xf32, #tpu.memory_space<vmem>>
    %dma_wait3A_170 = tpu.memref_squeeze %dma_wait3A_169 : memref<1x256x128xf32, #tpu.memory_space<vmem>> -> memref<256x128xf32, #tpu.memory_space<vmem>>
    tpu.wait_dma2 semaphore(%arg8 : memref<!tpu.dma_semaphore, #tpu.memory_space<semaphore_mem>>) src(%dma_wait3A_170 : memref<256x128xf32, #tpu.memory_space<vmem>>) dst(%dma_wait3A_166 : memref<256x128xf32, #tpu.memory_space<hbm>>)
    %dma_wait3A_171 = arith.constant 1 : i32
    %dma_wait3A_172 = arith.constant 0 : i32
    %dma_wait3A_173 = arith.constant 0 : i32
    %dma_wait3A_174 = tpu.memref_slice %arg6[%dma_wait3A_171, %dma_wait3A_172, %dma_wait3A_173] : memref<2x256x128xf32, #tpu.memory_space<vmem>> -> memref<1x256x128xf32, #tpu.memory_space<vmem>>
    %dma_wait3A_175 = tpu.memref_squeeze %dma_wait3A_174 : memref<1x256x128xf32, #tpu.memory_space<vmem>> -> memref<256x128xf32, #tpu.memory_space<vmem>>
    %dma_wait3A_176 = arith.constant 0 : i32
    %dma_wait3A_177 = tpu.memref_slice %arg4[%mul3A_2, %dma_wait3A_176] : memref<163840x128xf32, #tpu.memory_space<hbm>> -> memref<256x128xf32, #tpu.memory_space<hbm>>
    %dma_wait3A_178 = arith.constant 0 : i32
    %dma_wait3A_179 = tpu.memref_slice %arg4[%mul3A_2, %dma_wait3A_178] : memref<163840x128xf32, #tpu.memory_space<hbm>> -> memref<256x128xf32, #tpu.memory_space<hbm>>
    %dma_wait3A_180 = arith.constant 0 : i32
    %dma_wait3A_181 = arith.constant 0 : i32
    %dma_wait3A_182 = tpu.memref_slice %arg6[%dma_wait3A_171, %dma_wait3A_180, %dma_wait3A_181] : memref<2x256x128xf32, #tpu.memory_space<vmem>> -> memref<1x256x128xf32, #tpu.memory_space<vmem>>
    %dma_wait3A_183 = tpu.memref_squeeze %dma_wait3A_182 : memref<1x256x128xf32, #tpu.memory_space<vmem>> -> memref<256x128xf32, #tpu.memory_space<vmem>>
    tpu.wait_dma2 semaphore(%arg9 : memref<!tpu.dma_semaphore, #tpu.memory_space<semaphore_mem>>) src(%dma_wait3A_183 : memref<256x128xf32, #tpu.memory_space<vmem>>) dst(%dma_wait3A_179 : memref<256x128xf32, #tpu.memory_space<hbm>>)
    return
  }
}

module attributes {stable_mosaic.version = 14 : i64} {
  func.func @_tanh_layer_kernel(%arg0: i32, %arg1: memref<2000x128xf32, #tpu.memory_space<vmem>>, %arg2: memref<128x128xf32, #tpu.memory_space<vmem>>, %arg3: memref<1x128xf32, #tpu.memory_space<vmem>>, %arg4: memref<2000x128xf32, #tpu.memory_space<vmem>>) attributes {dimension_semantics = [#tpu.dimension_semantics<arbitrary>], iteration_bounds = array<i64: 50>, scalar_prefetch = 0 : i64, scratch_operands = 0 : i64, tpu.core_type = #tpu.core_type<tc>, window_params = [{transform_indices = @transform_0, window_bounds = array<i64: 2000, 128>}, {pipeline_mode = #tpu.pipeline_mode<synchronous>, transform_indices = @transform_1, window_bounds = array<i64: 128, 128>}, {pipeline_mode = #tpu.pipeline_mode<synchronous>, transform_indices = @transform_2, window_bounds = array<i64: 1, 128>}, {transform_indices = @transform_3, window_bounds = array<i64: 2000, 128>}]} {
    %get3A = arith.constant 0 : index
    %get3A_0 = arith.constant 0 : index
    %get3A_1 = vector.load %arg1[%get3A, %get3A_0] : memref<2000x128xf32, #tpu.memory_space<vmem>>, vector<2000x128xf32>
    %get3A_2 = arith.constant 0 : index
    %get3A_3 = arith.constant 0 : index
    %get3A_4 = vector.load %arg2[%get3A_2, %get3A_3] : memref<128x128xf32, #tpu.memory_space<vmem>>, vector<128x128xf32>
    %dot_general3A = arith.constant dense<0.000000e+00> : vector<2000x128xf32>
    %dot_general3A_5 = tpu.matmul %get3A_1, %get3A_4, %dot_general3A {dimension_numbers = #tpu.dot_dimension_numbers<[1], [0], [0], [1], [0, 0, 1, 1], [], []>, transpose_lhs_hint = false} : vector<2000x128xf32>, vector<128x128xf32>, vector<2000x128xf32> -> vector<2000x128xf32>
    %get3A_6 = arith.constant 0 : index
    %get3A_7 = arith.constant 0 : index
    %get3A_8 = vector.load %arg3[%get3A_6, %get3A_7] : memref<1x128xf32, #tpu.memory_space<vmem>>, vector<1x128xf32>
    %add3A = vector.broadcast %get3A_8 : vector<1x128xf32> to vector<2000x128xf32>
    %add3A_9 = arith.addf %dot_general3A_5, %add3A : vector<2000x128xf32>
    %tanh3A = math.tanh %add3A_9 : vector<2000x128xf32>
    %swap3A = arith.constant 0 : index
    %swap3A_10 = arith.constant 0 : index
    %swap3A_11 = vector.load %arg4[%swap3A, %swap3A_10] : memref<2000x128xf32, #tpu.memory_space<vmem>>, vector<2000x128xf32>
    tpu.vector_store %arg4[%swap3A, %swap3A_10], %tanh3A {strides = array<i32>} : memref<2000x128xf32, #tpu.memory_space<vmem>>, vector<2000x128xf32>,
    return
  }
  func.func @transform_0(%arg0: i32) -> (i32, i32) {
    %c0_i32 = arith.constant 0 : i32
    %c0_i32_0 = arith.constant 0 : i32
    return %arg0, %c0_i32 : i32, i32
  }
  func.func @transform_1(%arg0: i32) -> (i32, i32) {
    %c0_i32 = arith.constant 0 : i32
    %c0_i32_0 = arith.constant 0 : i32
    %c0_i32_1 = arith.constant 0 : i32
    return %c0_i32, %c0_i32_0 : i32, i32
  }
  func.func @transform_2(%arg0: i32) -> (i32, i32) {
    %c0_i32 = arith.constant 0 : i32
    %c0_i32_0 = arith.constant 0 : i32
    %c0_i32_1 = arith.constant 0 : i32
    return %c0_i32, %c0_i32_0 : i32, i32
  }
  func.func @transform_3(%arg0: i32) -> (i32, i32) {
    %c0_i32 = arith.constant 0 : i32
    %c0_i32_0 = arith.constant 0 : i32
    return %arg0, %c0_i32 : i32, i32
  }
}

module attributes {stable_mosaic.version = 14 : i64} {
  func.func @_head_lmajor_kernel(%arg0: i32, %arg1: i32, %arg2: memref<8x1024x128xf32, #tpu.memory_space<vmem>>, %arg3: memref<128x64xf32, #tpu.memory_space<vmem>>, %arg4: memref<64x1xf32, #tpu.memory_space<vmem>>, %arg5: memref<8x64x1024xf32, #tpu.memory_space<vmem>>) attributes {dimension_semantics = [#tpu.dimension_semantics<arbitrary>, #tpu.dimension_semantics<arbitrary>], iteration_bounds = array<i64: 5, 4>, scalar_prefetch = 0 : i64, scratch_operands = 0 : i64, tpu.core_type = #tpu.core_type<tc>, window_params = [{transform_indices = @transform_0, window_bounds = array<i64: 8, 1024, 128>}, {pipeline_mode = #tpu.pipeline_mode<synchronous>, transform_indices = @transform_1, window_bounds = array<i64: 128, 64>}, {pipeline_mode = #tpu.pipeline_mode<synchronous>, transform_indices = @transform_2, window_bounds = array<i64: 64, 1>}, {transform_indices = @transform_3, window_bounds = array<i64: 8, 64, 1024>}]} {
    %get3A = arith.constant 0 : index
    %get3A_0 = arith.constant 0 : index
    %get3A_1 = vector.load %arg3[%get3A, %get3A_0] : memref<128x64xf32, #tpu.memory_space<vmem>>, vector<128x64xf32>
    %get3A_2 = arith.constant 0 : index
    %get3A_3 = arith.constant 0 : index
    %get3A_4 = arith.constant 0 : index
    %get3A_5 = vector.load %arg2[%get3A_2, %get3A_3, %get3A_4] : memref<8x1024x128xf32, #tpu.memory_space<vmem>>, vector<1x1024x128xf32>
    %get3A_6 = vector.shape_cast %get3A_5 : vector<1x1024x128xf32> to vector<1024x128xf32>
    %dot_general3A = arith.constant dense<0.000000e+00> : vector<64x1024xf32>
    %dot_general3A_7 = tpu.matmul %get3A_1, %get3A_6, %dot_general3A {dimension_numbers = #tpu.dot_dimension_numbers<[0], [1], [1], [0], [0, 1, 1, 0], [], []>, transpose_lhs_hint = false} : vector<128x64xf32>, vector<1024x128xf32>, vector<64x1024xf32> -> vector<64x1024xf32>
    %get3A_8 = arith.constant 0 : index
    %get3A_9 = arith.constant 0 : index
    %get3A_10 = vector.load %arg4[%get3A_8, %get3A_9] : memref<64x1xf32, #tpu.memory_space<vmem>>, vector<64x1xf32>
    %add3A = vector.broadcast %get3A_10 : vector<64x1xf32> to vector<64x1024xf32>
    %add3A_11 = arith.addf %dot_general3A_7, %add3A : vector<64x1024xf32>
    %swap3A = arith.constant 0 : index
    %swap3A_12 = arith.constant 0 : index
    %swap3A_13 = arith.constant 0 : index
    %swap3A_14 = vector.load %arg5[%swap3A, %swap3A_12, %swap3A_13] : memref<8x64x1024xf32, #tpu.memory_space<vmem>>, vector<1x64x1024xf32>
    %swap3A_15 = vector.shape_cast %swap3A_14 : vector<1x64x1024xf32> to vector<64x1024xf32>
    %swap3A_16 = vector.shape_cast %add3A_11 : vector<64x1024xf32> to vector<1x64x1024xf32>
    tpu.vector_store %arg5[%swap3A, %swap3A_12, %swap3A_13], %swap3A_16 {strides = array<i32>} : memref<8x64x1024xf32, #tpu.memory_space<vmem>>, vector<1x64x1024xf32>,
    %get3A_17 = arith.constant 0 : index
    %get3A_18 = arith.constant 0 : index
    %get3A_19 = vector.load %arg3[%get3A_17, %get3A_18] : memref<128x64xf32, #tpu.memory_space<vmem>>, vector<128x64xf32>
    %get3A_20 = arith.constant 1 : index
    %get3A_21 = arith.constant 0 : index
    %get3A_22 = arith.constant 0 : index
    %get3A_23 = vector.load %arg2[%get3A_20, %get3A_21, %get3A_22] : memref<8x1024x128xf32, #tpu.memory_space<vmem>>, vector<1x1024x128xf32>
    %get3A_24 = vector.shape_cast %get3A_23 : vector<1x1024x128xf32> to vector<1024x128xf32>
    %dot_general3A_25 = arith.constant dense<0.000000e+00> : vector<64x1024xf32>
    %dot_general3A_26 = tpu.matmul %get3A_19, %get3A_24, %dot_general3A_25 {dimension_numbers = #tpu.dot_dimension_numbers<[0], [1], [1], [0], [0, 1, 1, 0], [], []>, transpose_lhs_hint = false} : vector<128x64xf32>, vector<1024x128xf32>, vector<64x1024xf32> -> vector<64x1024xf32>
    %get3A_27 = arith.constant 0 : index
    %get3A_28 = arith.constant 0 : index
    %get3A_29 = vector.load %arg4[%get3A_27, %get3A_28] : memref<64x1xf32, #tpu.memory_space<vmem>>, vector<64x1xf32>
    %add3A_30 = vector.broadcast %get3A_29 : vector<64x1xf32> to vector<64x1024xf32>
    %add3A_31 = arith.addf %dot_general3A_26, %add3A_30 : vector<64x1024xf32>
    %swap3A_32 = arith.constant 1 : index
    %swap3A_33 = arith.constant 0 : index
    %swap3A_34 = arith.constant 0 : index
    %swap3A_35 = vector.load %arg5[%swap3A_32, %swap3A_33, %swap3A_34] : memref<8x64x1024xf32, #tpu.memory_space<vmem>>, vector<1x64x1024xf32>
    %swap3A_36 = vector.shape_cast %swap3A_35 : vector<1x64x1024xf32> to vector<64x1024xf32>
    %swap3A_37 = vector.shape_cast %add3A_31 : vector<64x1024xf32> to vector<1x64x1024xf32>
    tpu.vector_store %arg5[%swap3A_32, %swap3A_33, %swap3A_34], %swap3A_37 {strides = array<i32>} : memref<8x64x1024xf32, #tpu.memory_space<vmem>>, vector<1x64x1024xf32>,
    %get3A_38 = arith.constant 0 : index
    %get3A_39 = arith.constant 0 : index
    %get3A_40 = vector.load %arg3[%get3A_38, %get3A_39] : memref<128x64xf32, #tpu.memory_space<vmem>>, vector<128x64xf32>
    %get3A_41 = arith.constant 2 : index
    %get3A_42 = arith.constant 0 : index
    %get3A_43 = arith.constant 0 : index
    %get3A_44 = vector.load %arg2[%get3A_41, %get3A_42, %get3A_43] : memref<8x1024x128xf32, #tpu.memory_space<vmem>>, vector<1x1024x128xf32>
    %get3A_45 = vector.shape_cast %get3A_44 : vector<1x1024x128xf32> to vector<1024x128xf32>
    %dot_general3A_46 = arith.constant dense<0.000000e+00> : vector<64x1024xf32>
    %dot_general3A_47 = tpu.matmul %get3A_40, %get3A_45, %dot_general3A_46 {dimension_numbers = #tpu.dot_dimension_numbers<[0], [1], [1], [0], [0, 1, 1, 0], [], []>, transpose_lhs_hint = false} : vector<128x64xf32>, vector<1024x128xf32>, vector<64x1024xf32> -> vector<64x1024xf32>
    %get3A_48 = arith.constant 0 : index
    %get3A_49 = arith.constant 0 : index
    %get3A_50 = vector.load %arg4[%get3A_48, %get3A_49] : memref<64x1xf32, #tpu.memory_space<vmem>>, vector<64x1xf32>
    %add3A_51 = vector.broadcast %get3A_50 : vector<64x1xf32> to vector<64x1024xf32>
    %add3A_52 = arith.addf %dot_general3A_47, %add3A_51 : vector<64x1024xf32>
    %swap3A_53 = arith.constant 2 : index
    %swap3A_54 = arith.constant 0 : index
    %swap3A_55 = arith.constant 0 : index
    %swap3A_56 = vector.load %arg5[%swap3A_53, %swap3A_54, %swap3A_55] : memref<8x64x1024xf32, #tpu.memory_space<vmem>>, vector<1x64x1024xf32>
    %swap3A_57 = vector.shape_cast %swap3A_56 : vector<1x64x1024xf32> to vector<64x1024xf32>
    %swap3A_58 = vector.shape_cast %add3A_52 : vector<64x1024xf32> to vector<1x64x1024xf32>
    tpu.vector_store %arg5[%swap3A_53, %swap3A_54, %swap3A_55], %swap3A_58 {strides = array<i32>} : memref<8x64x1024xf32, #tpu.memory_space<vmem>>, vector<1x64x1024xf32>,
    %get3A_59 = arith.constant 0 : index
    %get3A_60 = arith.constant 0 : index
    %get3A_61 = vector.load %arg3[%get3A_59, %get3A_60] : memref<128x64xf32, #tpu.memory_space<vmem>>, vector<128x64xf32>
    %get3A_62 = arith.constant 3 : index
    %get3A_63 = arith.constant 0 : index
    %get3A_64 = arith.constant 0 : index
    %get3A_65 = vector.load %arg2[%get3A_62, %get3A_63, %get3A_64] : memref<8x1024x128xf32, #tpu.memory_space<vmem>>, vector<1x1024x128xf32>
    %get3A_66 = vector.shape_cast %get3A_65 : vector<1x1024x128xf32> to vector<1024x128xf32>
    %dot_general3A_67 = arith.constant dense<0.000000e+00> : vector<64x1024xf32>
    %dot_general3A_68 = tpu.matmul %get3A_61, %get3A_66, %dot_general3A_67 {dimension_numbers = #tpu.dot_dimension_numbers<[0], [1], [1], [0], [0, 1, 1, 0], [], []>, transpose_lhs_hint = false} : vector<128x64xf32>, vector<1024x128xf32>, vector<64x1024xf32> -> vector<64x1024xf32>
    %get3A_69 = arith.constant 0 : index
    %get3A_70 = arith.constant 0 : index
    %get3A_71 = vector.load %arg4[%get3A_69, %get3A_70] : memref<64x1xf32, #tpu.memory_space<vmem>>, vector<64x1xf32>
    %add3A_72 = vector.broadcast %get3A_71 : vector<64x1xf32> to vector<64x1024xf32>
    %add3A_73 = arith.addf %dot_general3A_68, %add3A_72 : vector<64x1024xf32>
    %swap3A_74 = arith.constant 3 : index
    %swap3A_75 = arith.constant 0 : index
    %swap3A_76 = arith.constant 0 : index
    %swap3A_77 = vector.load %arg5[%swap3A_74, %swap3A_75, %swap3A_76] : memref<8x64x1024xf32, #tpu.memory_space<vmem>>, vector<1x64x1024xf32>
    %swap3A_78 = vector.shape_cast %swap3A_77 : vector<1x64x1024xf32> to vector<64x1024xf32>
    %swap3A_79 = vector.shape_cast %add3A_73 : vector<64x1024xf32> to vector<1x64x1024xf32>
    tpu.vector_store %arg5[%swap3A_74, %swap3A_75, %swap3A_76], %swap3A_79 {strides = array<i32>} : memref<8x64x1024xf32, #tpu.memory_space<vmem>>, vector<1x64x1024xf32>,
    %get3A_80 = arith.constant 0 : index
    %get3A_81 = arith.constant 0 : index
    %get3A_82 = vector.load %arg3[%get3A_80, %get3A_81] : memref<128x64xf32, #tpu.memory_space<vmem>>, vector<128x64xf32>
    %get3A_83 = arith.constant 4 : index
    %get3A_84 = arith.constant 0 : index
    %get3A_85 = arith.constant 0 : index
    %get3A_86 = vector.load %arg2[%get3A_83, %get3A_84, %get3A_85] : memref<8x1024x128xf32, #tpu.memory_space<vmem>>, vector<1x1024x128xf32>
    %get3A_87 = vector.shape_cast %get3A_86 : vector<1x1024x128xf32> to vector<1024x128xf32>
    %dot_general3A_88 = arith.constant dense<0.000000e+00> : vector<64x1024xf32>
    %dot_general3A_89 = tpu.matmul %get3A_82, %get3A_87, %dot_general3A_88 {dimension_numbers = #tpu.dot_dimension_numbers<[0], [1], [1], [0], [0, 1, 1, 0], [], []>, transpose_lhs_hint = false} : vector<128x64xf32>, vector<1024x128xf32>, vector<64x1024xf32> -> vector<64x1024xf32>
    %get3A_90 = arith.constant 0 : index
    %get3A_91 = arith.constant 0 : index
    %get3A_92 = vector.load %arg4[%get3A_90, %get3A_91] : memref<64x1xf32, #tpu.memory_space<vmem>>, vector<64x1xf32>
    %add3A_93 = vector.broadcast %get3A_92 : vector<64x1xf32> to vector<64x1024xf32>
    %add3A_94 = arith.addf %dot_general3A_89, %add3A_93 : vector<64x1024xf32>
    %swap3A_95 = arith.constant 4 : index
    %swap3A_96 = arith.constant 0 : index
    %swap3A_97 = arith.constant 0 : index
    %swap3A_98 = vector.load %arg5[%swap3A_95, %swap3A_96, %swap3A_97] : memref<8x64x1024xf32, #tpu.memory_space<vmem>>, vector<1x64x1024xf32>
    %swap3A_99 = vector.shape_cast %swap3A_98 : vector<1x64x1024xf32> to vector<64x1024xf32>
    %swap3A_100 = vector.shape_cast %add3A_94 : vector<64x1024xf32> to vector<1x64x1024xf32>
    tpu.vector_store %arg5[%swap3A_95, %swap3A_96, %swap3A_97], %swap3A_100 {strides = array<i32>} : memref<8x64x1024xf32, #tpu.memory_space<vmem>>, vector<1x64x1024xf32>,
    %get3A_101 = arith.constant 0 : index
    %get3A_102 = arith.constant 0 : index
    %get3A_103 = vector.load %arg3[%get3A_101, %get3A_102] : memref<128x64xf32, #tpu.memory_space<vmem>>, vector<128x64xf32>
    %get3A_104 = arith.constant 5 : index
    %get3A_105 = arith.constant 0 : index
    %get3A_106 = arith.constant 0 : index
    %get3A_107 = vector.load %arg2[%get3A_104, %get3A_105, %get3A_106] : memref<8x1024x128xf32, #tpu.memory_space<vmem>>, vector<1x1024x128xf32>
    %get3A_108 = vector.shape_cast %get3A_107 : vector<1x1024x128xf32> to vector<1024x128xf32>
    %dot_general3A_109 = arith.constant dense<0.000000e+00> : vector<64x1024xf32>
    %dot_general3A_110 = tpu.matmul %get3A_103, %get3A_108, %dot_general3A_109 {dimension_numbers = #tpu.dot_dimension_numbers<[0], [1], [1], [0], [0, 1, 1, 0], [], []>, transpose_lhs_hint = false} : vector<128x64xf32>, vector<1024x128xf32>, vector<64x1024xf32> -> vector<64x1024xf32>
    %get3A_111 = arith.constant 0 : index
    %get3A_112 = arith.constant 0 : index
    %get3A_113 = vector.load %arg4[%get3A_111, %get3A_112] : memref<64x1xf32, #tpu.memory_space<vmem>>, vector<64x1xf32>
    %add3A_114 = vector.broadcast %get3A_113 : vector<64x1xf32> to vector<64x1024xf32>
    %add3A_115 = arith.addf %dot_general3A_110, %add3A_114 : vector<64x1024xf32>
    %swap3A_116 = arith.constant 5 : index
    %swap3A_117 = arith.constant 0 : index
    %swap3A_118 = arith.constant 0 : index
    %swap3A_119 = vector.load %arg5[%swap3A_116, %swap3A_117, %swap3A_118] : memref<8x64x1024xf32, #tpu.memory_space<vmem>>, vector<1x64x1024xf32>
    %swap3A_120 = vector.shape_cast %swap3A_119 : vector<1x64x1024xf32> to vector<64x1024xf32>
    %swap3A_121 = vector.shape_cast %add3A_115 : vector<64x1024xf32> to vector<1x64x1024xf32>
    tpu.vector_store %arg5[%swap3A_116, %swap3A_117, %swap3A_118], %swap3A_121 {strides = array<i32>} : memref<8x64x1024xf32, #tpu.memory_space<vmem>>, vector<1x64x1024xf32>,
    %get3A_122 = arith.constant 0 : index
    %get3A_123 = arith.constant 0 : index
    %get3A_124 = vector.load %arg3[%get3A_122, %get3A_123] : memref<128x64xf32, #tpu.memory_space<vmem>>, vector<128x64xf32>
    %get3A_125 = arith.constant 6 : index
    %get3A_126 = arith.constant 0 : index
    %get3A_127 = arith.constant 0 : index
    %get3A_128 = vector.load %arg2[%get3A_125, %get3A_126, %get3A_127] : memref<8x1024x128xf32, #tpu.memory_space<vmem>>, vector<1x1024x128xf32>
    %get3A_129 = vector.shape_cast %get3A_128 : vector<1x1024x128xf32> to vector<1024x128xf32>
    %dot_general3A_130 = arith.constant dense<0.000000e+00> : vector<64x1024xf32>
    %dot_general3A_131 = tpu.matmul %get3A_124, %get3A_129, %dot_general3A_130 {dimension_numbers = #tpu.dot_dimension_numbers<[0], [1], [1], [0], [0, 1, 1, 0], [], []>, transpose_lhs_hint = false} : vector<128x64xf32>, vector<1024x128xf32>, vector<64x1024xf32> -> vector<64x1024xf32>
    %get3A_132 = arith.constant 0 : index
    %get3A_133 = arith.constant 0 : index
    %get3A_134 = vector.load %arg4[%get3A_132, %get3A_133] : memref<64x1xf32, #tpu.memory_space<vmem>>, vector<64x1xf32>
    %add3A_135 = vector.broadcast %get3A_134 : vector<64x1xf32> to vector<64x1024xf32>
    %add3A_136 = arith.addf %dot_general3A_131, %add3A_135 : vector<64x1024xf32>
    %swap3A_137 = arith.constant 6 : index
    %swap3A_138 = arith.constant 0 : index
    %swap3A_139 = arith.constant 0 : index
    %swap3A_140 = vector.load %arg5[%swap3A_137, %swap3A_138, %swap3A_139] : memref<8x64x1024xf32, #tpu.memory_space<vmem>>, vector<1x64x1024xf32>
    %swap3A_141 = vector.shape_cast %swap3A_140 : vector<1x64x1024xf32> to vector<64x1024xf32>
    %swap3A_142 = vector.shape_cast %add3A_136 : vector<64x1024xf32> to vector<1x64x1024xf32>
    tpu.vector_store %arg5[%swap3A_137, %swap3A_138, %swap3A_139], %swap3A_142 {strides = array<i32>} : memref<8x64x1024xf32, #tpu.memory_space<vmem>>, vector<1x64x1024xf32>,
    %get3A_143 = arith.constant 0 : index
    %get3A_144 = arith.constant 0 : index
    %get3A_145 = vector.load %arg3[%get3A_143, %get3A_144] : memref<128x64xf32, #tpu.memory_space<vmem>>, vector<128x64xf32>
    %get3A_146 = arith.constant 7 : index
    %get3A_147 = arith.constant 0 : index
    %get3A_148 = arith.constant 0 : index
    %get3A_149 = vector.load %arg2[%get3A_146, %get3A_147, %get3A_148] : memref<8x1024x128xf32, #tpu.memory_space<vmem>>, vector<1x1024x128xf32>
    %get3A_150 = vector.shape_cast %get3A_149 : vector<1x1024x128xf32> to vector<1024x128xf32>
    %dot_general3A_151 = arith.constant dense<0.000000e+00> : vector<64x1024xf32>
    %dot_general3A_152 = tpu.matmul %get3A_145, %get3A_150, %dot_general3A_151 {dimension_numbers = #tpu.dot_dimension_numbers<[0], [1], [1], [0], [0, 1, 1, 0], [], []>, transpose_lhs_hint = false} : vector<128x64xf32>, vector<1024x128xf32>, vector<64x1024xf32> -> vector<64x1024xf32>
    %get3A_153 = arith.constant 0 : index
    %get3A_154 = arith.constant 0 : index
    %get3A_155 = vector.load %arg4[%get3A_153, %get3A_154] : memref<64x1xf32, #tpu.memory_space<vmem>>, vector<64x1xf32>
    %add3A_156 = vector.broadcast %get3A_155 : vector<64x1xf32> to vector<64x1024xf32>
    %add3A_157 = arith.addf %dot_general3A_152, %add3A_156 : vector<64x1024xf32>
    %swap3A_158 = arith.constant 7 : index
    %swap3A_159 = arith.constant 0 : index
    %swap3A_160 = arith.constant 0 : index
    %swap3A_161 = vector.load %arg5[%swap3A_158, %swap3A_159, %swap3A_160] : memref<8x64x1024xf32, #tpu.memory_space<vmem>>, vector<1x64x1024xf32>
    %swap3A_162 = vector.shape_cast %swap3A_161 : vector<1x64x1024xf32> to vector<64x1024xf32>
    %swap3A_163 = vector.shape_cast %add3A_157 : vector<64x1024xf32> to vector<1x64x1024xf32>
    tpu.vector_store %arg5[%swap3A_158, %swap3A_159, %swap3A_160], %swap3A_163 {strides = array<i32>} : memref<8x64x1024xf32, #tpu.memory_space<vmem>>, vector<1x64x1024xf32>,
    return
  }
  func.func @transform_0(%arg0: i32, %arg1: i32) -> (i32, i32, i32) {
    %c0_i32 = arith.constant 0 : i32
    %c0_i32_0 = arith.constant 0 : i32
    return %arg0, %arg1, %c0_i32 : i32, i32, i32
  }
  func.func @transform_1(%arg0: i32, %arg1: i32) -> (i32, i32) {
    %c0_i32 = arith.constant 0 : i32
    %c0_i32_0 = arith.constant 0 : i32
    %c0_i32_1 = arith.constant 0 : i32
    return %c0_i32, %c0_i32_0 : i32, i32
  }
  func.func @transform_2(%arg0: i32, %arg1: i32) -> (i32, i32) {
    %c0_i32 = arith.constant 0 : i32
    %c0_i32_0 = arith.constant 0 : i32
    %c0_i32_1 = arith.constant 0 : i32
    return %c0_i32, %c0_i32_0 : i32, i32
  }
  func.func @transform_3(%arg0: i32, %arg1: i32) -> (i32, i32, i32) {
    %add3A = arith.constant 0 : i32
    %add3A_0 = arith.addi %add3A, %arg0 : i32
    %c0_i32 = arith.constant 0 : i32
    %c0_i32_1 = arith.constant 0 : i32
    return %add3A_0, %c0_i32, %arg1 : i32, i32, i32
  }
}

module attributes {stable_mosaic.version = 14 : i64} {
  func.func @_head_chunk_kernel(%arg0: i32, %arg1: i32, %arg2: memref<200x64x4096xf32, #tpu.memory_space<any>>, %arg3: memref<8x1024x128xf32, #tpu.memory_space<vmem>>, %arg4: memref<128x64xf32, #tpu.memory_space<vmem>>, %arg5: memref<64x1xf32, #tpu.memory_space<vmem>>, %arg6: memref<8x64x1024xf32, #tpu.memory_space<vmem>>) attributes {dimension_semantics = [#tpu.dimension_semantics<arbitrary>, #tpu.dimension_semantics<arbitrary>], iteration_bounds = array<i64: 5, 4>, scalar_prefetch = 0 : i64, scratch_operands = 0 : i64, tpu.core_type = #tpu.core_type<tc>, window_params = [{}, {transform_indices = @transform_1, window_bounds = array<i64: 8, 1024, 128>}, {pipeline_mode = #tpu.pipeline_mode<synchronous>, transform_indices = @transform_2, window_bounds = array<i64: 128, 64>}, {pipeline_mode = #tpu.pipeline_mode<synchronous>, transform_indices = @transform_3, window_bounds = array<i64: 64, 1>}, {transform_indices = @transform_4, window_bounds = array<i64: 8, 64, 1024>}]} {
    %get3A = arith.constant 0 : index
    %get3A_0 = arith.constant 0 : index
    %get3A_1 = vector.load %arg4[%get3A, %get3A_0] : memref<128x64xf32, #tpu.memory_space<vmem>>, vector<128x64xf32>
    %get3A_2 = arith.constant 0 : index
    %get3A_3 = arith.constant 0 : index
    %get3A_4 = arith.constant 0 : index
    %get3A_5 = vector.load %arg3[%get3A_2, %get3A_3, %get3A_4] : memref<8x1024x128xf32, #tpu.memory_space<vmem>>, vector<1x1024x128xf32>
    %get3A_6 = vector.shape_cast %get3A_5 : vector<1x1024x128xf32> to vector<1024x128xf32>
    %dot_general3A = arith.constant dense<0.000000e+00> : vector<64x1024xf32>
    %dot_general3A_7 = tpu.matmul %get3A_1, %get3A_6, %dot_general3A {dimension_numbers = #tpu.dot_dimension_numbers<[0], [1], [1], [0], [0, 1, 1, 0], [], []>, transpose_lhs_hint = false} : vector<128x64xf32>, vector<1024x128xf32>, vector<64x1024xf32> -> vector<64x1024xf32>
    %get3A_8 = arith.constant 0 : index
    %get3A_9 = arith.constant 0 : index
    %get3A_10 = vector.load %arg5[%get3A_8, %get3A_9] : memref<64x1xf32, #tpu.memory_space<vmem>>, vector<64x1xf32>
    %add3A = vector.broadcast %get3A_10 : vector<64x1xf32> to vector<64x1024xf32>
    %add3A_11 = arith.addf %dot_general3A_7, %add3A : vector<64x1024xf32>
    %swap3A = arith.constant 0 : index
    %swap3A_12 = arith.constant 0 : index
    %swap3A_13 = arith.constant 0 : index
    %swap3A_14 = vector.load %arg6[%swap3A, %swap3A_12, %swap3A_13] : memref<8x64x1024xf32, #tpu.memory_space<vmem>>, vector<1x64x1024xf32>
    %swap3A_15 = vector.shape_cast %swap3A_14 : vector<1x64x1024xf32> to vector<64x1024xf32>
    %swap3A_16 = vector.shape_cast %add3A_11 : vector<64x1024xf32> to vector<1x64x1024xf32>
    tpu.vector_store %arg6[%swap3A, %swap3A_12, %swap3A_13], %swap3A_16 {strides = array<i32>} : memref<8x64x1024xf32, #tpu.memory_space<vmem>>, vector<1x64x1024xf32>,
    %get3A_17 = arith.constant 0 : index
    %get3A_18 = arith.constant 0 : index
    %get3A_19 = vector.load %arg4[%get3A_17, %get3A_18] : memref<128x64xf32, #tpu.memory_space<vmem>>, vector<128x64xf32>
    %get3A_20 = arith.constant 1 : index
    %get3A_21 = arith.constant 0 : index
    %get3A_22 = arith.constant 0 : index
    %get3A_23 = vector.load %arg3[%get3A_20, %get3A_21, %get3A_22] : memref<8x1024x128xf32, #tpu.memory_space<vmem>>, vector<1x1024x128xf32>
    %get3A_24 = vector.shape_cast %get3A_23 : vector<1x1024x128xf32> to vector<1024x128xf32>
    %dot_general3A_25 = arith.constant dense<0.000000e+00> : vector<64x1024xf32>
    %dot_general3A_26 = tpu.matmul %get3A_19, %get3A_24, %dot_general3A_25 {dimension_numbers = #tpu.dot_dimension_numbers<[0], [1], [1], [0], [0, 1, 1, 0], [], []>, transpose_lhs_hint = false} : vector<128x64xf32>, vector<1024x128xf32>, vector<64x1024xf32> -> vector<64x1024xf32>
    %get3A_27 = arith.constant 0 : index
    %get3A_28 = arith.constant 0 : index
    %get3A_29 = vector.load %arg5[%get3A_27, %get3A_28] : memref<64x1xf32, #tpu.memory_space<vmem>>, vector<64x1xf32>
    %add3A_30 = vector.broadcast %get3A_29 : vector<64x1xf32> to vector<64x1024xf32>
    %add3A_31 = arith.addf %dot_general3A_26, %add3A_30 : vector<64x1024xf32>
    %swap3A_32 = arith.constant 1 : index
    %swap3A_33 = arith.constant 0 : index
    %swap3A_34 = arith.constant 0 : index
    %swap3A_35 = vector.load %arg6[%swap3A_32, %swap3A_33, %swap3A_34] : memref<8x64x1024xf32, #tpu.memory_space<vmem>>, vector<1x64x1024xf32>
    %swap3A_36 = vector.shape_cast %swap3A_35 : vector<1x64x1024xf32> to vector<64x1024xf32>
    %swap3A_37 = vector.shape_cast %add3A_31 : vector<64x1024xf32> to vector<1x64x1024xf32>
    tpu.vector_store %arg6[%swap3A_32, %swap3A_33, %swap3A_34], %swap3A_37 {strides = array<i32>} : memref<8x64x1024xf32, #tpu.memory_space<vmem>>, vector<1x64x1024xf32>,
    %get3A_38 = arith.constant 0 : index
    %get3A_39 = arith.constant 0 : index
    %get3A_40 = vector.load %arg4[%get3A_38, %get3A_39] : memref<128x64xf32, #tpu.memory_space<vmem>>, vector<128x64xf32>
    %get3A_41 = arith.constant 2 : index
    %get3A_42 = arith.constant 0 : index
    %get3A_43 = arith.constant 0 : index
    %get3A_44 = vector.load %arg3[%get3A_41, %get3A_42, %get3A_43] : memref<8x1024x128xf32, #tpu.memory_space<vmem>>, vector<1x1024x128xf32>
    %get3A_45 = vector.shape_cast %get3A_44 : vector<1x1024x128xf32> to vector<1024x128xf32>
    %dot_general3A_46 = arith.constant dense<0.000000e+00> : vector<64x1024xf32>
    %dot_general3A_47 = tpu.matmul %get3A_40, %get3A_45, %dot_general3A_46 {dimension_numbers = #tpu.dot_dimension_numbers<[0], [1], [1], [0], [0, 1, 1, 0], [], []>, transpose_lhs_hint = false} : vector<128x64xf32>, vector<1024x128xf32>, vector<64x1024xf32> -> vector<64x1024xf32>
    %get3A_48 = arith.constant 0 : index
    %get3A_49 = arith.constant 0 : index
    %get3A_50 = vector.load %arg5[%get3A_48, %get3A_49] : memref<64x1xf32, #tpu.memory_space<vmem>>, vector<64x1xf32>
    %add3A_51 = vector.broadcast %get3A_50 : vector<64x1xf32> to vector<64x1024xf32>
    %add3A_52 = arith.addf %dot_general3A_47, %add3A_51 : vector<64x1024xf32>
    %swap3A_53 = arith.constant 2 : index
    %swap3A_54 = arith.constant 0 : index
    %swap3A_55 = arith.constant 0 : index
    %swap3A_56 = vector.load %arg6[%swap3A_53, %swap3A_54, %swap3A_55] : memref<8x64x1024xf32, #tpu.memory_space<vmem>>, vector<1x64x1024xf32>
    %swap3A_57 = vector.shape_cast %swap3A_56 : vector<1x64x1024xf32> to vector<64x1024xf32>
    %swap3A_58 = vector.shape_cast %add3A_52 : vector<64x1024xf32> to vector<1x64x1024xf32>
    tpu.vector_store %arg6[%swap3A_53, %swap3A_54, %swap3A_55], %swap3A_58 {strides = array<i32>} : memref<8x64x1024xf32, #tpu.memory_space<vmem>>, vector<1x64x1024xf32>,
    %get3A_59 = arith.constant 0 : index
    %get3A_60 = arith.constant 0 : index
    %get3A_61 = vector.load %arg4[%get3A_59, %get3A_60] : memref<128x64xf32, #tpu.memory_space<vmem>>, vector<128x64xf32>
    %get3A_62 = arith.constant 3 : index
    %get3A_63 = arith.constant 0 : index
    %get3A_64 = arith.constant 0 : index
    %get3A_65 = vector.load %arg3[%get3A_62, %get3A_63, %get3A_64] : memref<8x1024x128xf32, #tpu.memory_space<vmem>>, vector<1x1024x128xf32>
    %get3A_66 = vector.shape_cast %get3A_65 : vector<1x1024x128xf32> to vector<1024x128xf32>
    %dot_general3A_67 = arith.constant dense<0.000000e+00> : vector<64x1024xf32>
    %dot_general3A_68 = tpu.matmul %get3A_61, %get3A_66, %dot_general3A_67 {dimension_numbers = #tpu.dot_dimension_numbers<[0], [1], [1], [0], [0, 1, 1, 0], [], []>, transpose_lhs_hint = false} : vector<128x64xf32>, vector<1024x128xf32>, vector<64x1024xf32> -> vector<64x1024xf32>
    %get3A_69 = arith.constant 0 : index
    %get3A_70 = arith.constant 0 : index
    %get3A_71 = vector.load %arg5[%get3A_69, %get3A_70] : memref<64x1xf32, #tpu.memory_space<vmem>>, vector<64x1xf32>
    %add3A_72 = vector.broadcast %get3A_71 : vector<64x1xf32> to vector<64x1024xf32>
    %add3A_73 = arith.addf %dot_general3A_68, %add3A_72 : vector<64x1024xf32>
    %swap3A_74 = arith.constant 3 : index
    %swap3A_75 = arith.constant 0 : index
    %swap3A_76 = arith.constant 0 : index
    %swap3A_77 = vector.load %arg6[%swap3A_74, %swap3A_75, %swap3A_76] : memref<8x64x1024xf32, #tpu.memory_space<vmem>>, vector<1x64x1024xf32>
    %swap3A_78 = vector.shape_cast %swap3A_77 : vector<1x64x1024xf32> to vector<64x1024xf32>
    %swap3A_79 = vector.shape_cast %add3A_73 : vector<64x1024xf32> to vector<1x64x1024xf32>
    tpu.vector_store %arg6[%swap3A_74, %swap3A_75, %swap3A_76], %swap3A_79 {strides = array<i32>} : memref<8x64x1024xf32, #tpu.memory_space<vmem>>, vector<1x64x1024xf32>,
    %get3A_80 = arith.constant 0 : index
    %get3A_81 = arith.constant 0 : index
    %get3A_82 = vector.load %arg4[%get3A_80, %get3A_81] : memref<128x64xf32, #tpu.memory_space<vmem>>, vector<128x64xf32>
    %get3A_83 = arith.constant 4 : index
    %get3A_84 = arith.constant 0 : index
    %get3A_85 = arith.constant 0 : index
    %get3A_86 = vector.load %arg3[%get3A_83, %get3A_84, %get3A_85] : memref<8x1024x128xf32, #tpu.memory_space<vmem>>, vector<1x1024x128xf32>
    %get3A_87 = vector.shape_cast %get3A_86 : vector<1x1024x128xf32> to vector<1024x128xf32>
    %dot_general3A_88 = arith.constant dense<0.000000e+00> : vector<64x1024xf32>
    %dot_general3A_89 = tpu.matmul %get3A_82, %get3A_87, %dot_general3A_88 {dimension_numbers = #tpu.dot_dimension_numbers<[0], [1], [1], [0], [0, 1, 1, 0], [], []>, transpose_lhs_hint = false} : vector<128x64xf32>, vector<1024x128xf32>, vector<64x1024xf32> -> vector<64x1024xf32>
    %get3A_90 = arith.constant 0 : index
    %get3A_91 = arith.constant 0 : index
    %get3A_92 = vector.load %arg5[%get3A_90, %get3A_91] : memref<64x1xf32, #tpu.memory_space<vmem>>, vector<64x1xf32>
    %add3A_93 = vector.broadcast %get3A_92 : vector<64x1xf32> to vector<64x1024xf32>
    %add3A_94 = arith.addf %dot_general3A_89, %add3A_93 : vector<64x1024xf32>
    %swap3A_95 = arith.constant 4 : index
    %swap3A_96 = arith.constant 0 : index
    %swap3A_97 = arith.constant 0 : index
    %swap3A_98 = vector.load %arg6[%swap3A_95, %swap3A_96, %swap3A_97] : memref<8x64x1024xf32, #tpu.memory_space<vmem>>, vector<1x64x1024xf32>
    %swap3A_99 = vector.shape_cast %swap3A_98 : vector<1x64x1024xf32> to vector<64x1024xf32>
    %swap3A_100 = vector.shape_cast %add3A_94 : vector<64x1024xf32> to vector<1x64x1024xf32>
    tpu.vector_store %arg6[%swap3A_95, %swap3A_96, %swap3A_97], %swap3A_100 {strides = array<i32>} : memref<8x64x1024xf32, #tpu.memory_space<vmem>>, vector<1x64x1024xf32>,
    %get3A_101 = arith.constant 0 : index
    %get3A_102 = arith.constant 0 : index
    %get3A_103 = vector.load %arg4[%get3A_101, %get3A_102] : memref<128x64xf32, #tpu.memory_space<vmem>>, vector<128x64xf32>
    %get3A_104 = arith.constant 5 : index
    %get3A_105 = arith.constant 0 : index
    %get3A_106 = arith.constant 0 : index
    %get3A_107 = vector.load %arg3[%get3A_104, %get3A_105, %get3A_106] : memref<8x1024x128xf32, #tpu.memory_space<vmem>>, vector<1x1024x128xf32>
    %get3A_108 = vector.shape_cast %get3A_107 : vector<1x1024x128xf32> to vector<1024x128xf32>
    %dot_general3A_109 = arith.constant dense<0.000000e+00> : vector<64x1024xf32>
    %dot_general3A_110 = tpu.matmul %get3A_103, %get3A_108, %dot_general3A_109 {dimension_numbers = #tpu.dot_dimension_numbers<[0], [1], [1], [0], [0, 1, 1, 0], [], []>, transpose_lhs_hint = false} : vector<128x64xf32>, vector<1024x128xf32>, vector<64x1024xf32> -> vector<64x1024xf32>
    %get3A_111 = arith.constant 0 : index
    %get3A_112 = arith.constant 0 : index
    %get3A_113 = vector.load %arg5[%get3A_111, %get3A_112] : memref<64x1xf32, #tpu.memory_space<vmem>>, vector<64x1xf32>
    %add3A_114 = vector.broadcast %get3A_113 : vector<64x1xf32> to vector<64x1024xf32>
    %add3A_115 = arith.addf %dot_general3A_110, %add3A_114 : vector<64x1024xf32>
    %swap3A_116 = arith.constant 5 : index
    %swap3A_117 = arith.constant 0 : index
    %swap3A_118 = arith.constant 0 : index
    %swap3A_119 = vector.load %arg6[%swap3A_116, %swap3A_117, %swap3A_118] : memref<8x64x1024xf32, #tpu.memory_space<vmem>>, vector<1x64x1024xf32>
    %swap3A_120 = vector.shape_cast %swap3A_119 : vector<1x64x1024xf32> to vector<64x1024xf32>
    %swap3A_121 = vector.shape_cast %add3A_115 : vector<64x1024xf32> to vector<1x64x1024xf32>
    tpu.vector_store %arg6[%swap3A_116, %swap3A_117, %swap3A_118], %swap3A_121 {strides = array<i32>} : memref<8x64x1024xf32, #tpu.memory_space<vmem>>, vector<1x64x1024xf32>,
    %get3A_122 = arith.constant 0 : index
    %get3A_123 = arith.constant 0 : index
    %get3A_124 = vector.load %arg4[%get3A_122, %get3A_123] : memref<128x64xf32, #tpu.memory_space<vmem>>, vector<128x64xf32>
    %get3A_125 = arith.constant 6 : index
    %get3A_126 = arith.constant 0 : index
    %get3A_127 = arith.constant 0 : index
    %get3A_128 = vector.load %arg3[%get3A_125, %get3A_126, %get3A_127] : memref<8x1024x128xf32, #tpu.memory_space<vmem>>, vector<1x1024x128xf32>
    %get3A_129 = vector.shape_cast %get3A_128 : vector<1x1024x128xf32> to vector<1024x128xf32>
    %dot_general3A_130 = arith.constant dense<0.000000e+00> : vector<64x1024xf32>
    %dot_general3A_131 = tpu.matmul %get3A_124, %get3A_129, %dot_general3A_130 {dimension_numbers = #tpu.dot_dimension_numbers<[0], [1], [1], [0], [0, 1, 1, 0], [], []>, transpose_lhs_hint = false} : vector<128x64xf32>, vector<1024x128xf32>, vector<64x1024xf32> -> vector<64x1024xf32>
    %get3A_132 = arith.constant 0 : index
    %get3A_133 = arith.constant 0 : index
    %get3A_134 = vector.load %arg5[%get3A_132, %get3A_133] : memref<64x1xf32, #tpu.memory_space<vmem>>, vector<64x1xf32>
    %add3A_135 = vector.broadcast %get3A_134 : vector<64x1xf32> to vector<64x1024xf32>
    %add3A_136 = arith.addf %dot_general3A_131, %add3A_135 : vector<64x1024xf32>
    %swap3A_137 = arith.constant 6 : index
    %swap3A_138 = arith.constant 0 : index
    %swap3A_139 = arith.constant 0 : index
    %swap3A_140 = vector.load %arg6[%swap3A_137, %swap3A_138, %swap3A_139] : memref<8x64x1024xf32, #tpu.memory_space<vmem>>, vector<1x64x1024xf32>
    %swap3A_141 = vector.shape_cast %swap3A_140 : vector<1x64x1024xf32> to vector<64x1024xf32>
    %swap3A_142 = vector.shape_cast %add3A_136 : vector<64x1024xf32> to vector<1x64x1024xf32>
    tpu.vector_store %arg6[%swap3A_137, %swap3A_138, %swap3A_139], %swap3A_142 {strides = array<i32>} : memref<8x64x1024xf32, #tpu.memory_space<vmem>>, vector<1x64x1024xf32>,
    %get3A_143 = arith.constant 0 : index
    %get3A_144 = arith.constant 0 : index
    %get3A_145 = vector.load %arg4[%get3A_143, %get3A_144] : memref<128x64xf32, #tpu.memory_space<vmem>>, vector<128x64xf32>
    %get3A_146 = arith.constant 7 : index
    %get3A_147 = arith.constant 0 : index
    %get3A_148 = arith.constant 0 : index
    %get3A_149 = vector.load %arg3[%get3A_146, %get3A_147, %get3A_148] : memref<8x1024x128xf32, #tpu.memory_space<vmem>>, vector<1x1024x128xf32>
    %get3A_150 = vector.shape_cast %get3A_149 : vector<1x1024x128xf32> to vector<1024x128xf32>
    %dot_general3A_151 = arith.constant dense<0.000000e+00> : vector<64x1024xf32>
    %dot_general3A_152 = tpu.matmul %get3A_145, %get3A_150, %dot_general3A_151 {dimension_numbers = #tpu.dot_dimension_numbers<[0], [1], [1], [0], [0, 1, 1, 0], [], []>, transpose_lhs_hint = false} : vector<128x64xf32>, vector<1024x128xf32>, vector<64x1024xf32> -> vector<64x1024xf32>
    %get3A_153 = arith.constant 0 : index
    %get3A_154 = arith.constant 0 : index
    %get3A_155 = vector.load %arg5[%get3A_153, %get3A_154] : memref<64x1xf32, #tpu.memory_space<vmem>>, vector<64x1xf32>
    %add3A_156 = vector.broadcast %get3A_155 : vector<64x1xf32> to vector<64x1024xf32>
    %add3A_157 = arith.addf %dot_general3A_152, %add3A_156 : vector<64x1024xf32>
    %swap3A_158 = arith.constant 7 : index
    %swap3A_159 = arith.constant 0 : index
    %swap3A_160 = arith.constant 0 : index
    %swap3A_161 = vector.load %arg6[%swap3A_158, %swap3A_159, %swap3A_160] : memref<8x64x1024xf32, #tpu.memory_space<vmem>>, vector<1x64x1024xf32>
    %swap3A_162 = vector.shape_cast %swap3A_161 : vector<1x64x1024xf32> to vector<64x1024xf32>
    %swap3A_163 = vector.shape_cast %add3A_157 : vector<64x1024xf32> to vector<1x64x1024xf32>
    tpu.vector_store %arg6[%swap3A_158, %swap3A_159, %swap3A_160], %swap3A_163 {strides = array<i32>} : memref<8x64x1024xf32, #tpu.memory_space<vmem>>, vector<1x64x1024xf32>,
    return
  }
  func.func @transform_1(%arg0: i32, %arg1: i32) -> (i32, i32, i32) {
    %c0_i32 = arith.constant 0 : i32
    %c0_i32_0 = arith.constant 0 : i32
    return %arg0, %arg1, %c0_i32 : i32, i32, i32
  }
  func.func @transform_2(%arg0: i32, %arg1: i32) -> (i32, i32) {
    %c0_i32 = arith.constant 0 : i32
    %c0_i32_0 = arith.constant 0 : i32
    %c0_i32_1 = arith.constant 0 : i32
    return %c0_i32, %c0_i32_0 : i32, i32
  }
  func.func @transform_3(%arg0: i32, %arg1: i32) -> (i32, i32) {
    %c0_i32 = arith.constant 0 : i32
    %c0_i32_0 = arith.constant 0 : i32
    %c0_i32_1 = arith.constant 0 : i32
    return %c0_i32, %c0_i32_0 : i32, i32
  }
  func.func @transform_4(%arg0: i32, %arg1: i32) -> (i32, i32, i32) {
    %add3A = arith.constant 5 : i32
    %add3A_0 = arith.addi %add3A, %arg0 : i32
    %c0_i32 = arith.constant 0 : i32
    %c0_i32_1 = arith.constant 0 : i32
    return %add3A_0, %c0_i32, %arg1 : i32, i32, i32
  }
}

module attributes {stable_mosaic.version = 14 : i64} {
  func.func @_head_chunk_kernel(%arg0: i32, %arg1: i32, %arg2: memref<200x64x4096xf32, #tpu.memory_space<any>>, %arg3: memref<8x1024x128xf32, #tpu.memory_space<vmem>>, %arg4: memref<128x64xf32, #tpu.memory_space<vmem>>, %arg5: memref<64x1xf32, #tpu.memory_space<vmem>>, %arg6: memref<8x64x1024xf32, #tpu.memory_space<vmem>>) attributes {dimension_semantics = [#tpu.dimension_semantics<arbitrary>, #tpu.dimension_semantics<arbitrary>], iteration_bounds = array<i64: 5, 4>, scalar_prefetch = 0 : i64, scratch_operands = 0 : i64, tpu.core_type = #tpu.core_type<tc>, window_params = [{}, {transform_indices = @transform_1, window_bounds = array<i64: 8, 1024, 128>}, {pipeline_mode = #tpu.pipeline_mode<synchronous>, transform_indices = @transform_2, window_bounds = array<i64: 128, 64>}, {pipeline_mode = #tpu.pipeline_mode<synchronous>, transform_indices = @transform_3, window_bounds = array<i64: 64, 1>}, {transform_indices = @transform_4, window_bounds = array<i64: 8, 64, 1024>}]} {
    %get3A = arith.constant 0 : index
    %get3A_0 = arith.constant 0 : index
    %get3A_1 = vector.load %arg4[%get3A, %get3A_0] : memref<128x64xf32, #tpu.memory_space<vmem>>, vector<128x64xf32>
    %get3A_2 = arith.constant 0 : index
    %get3A_3 = arith.constant 0 : index
    %get3A_4 = arith.constant 0 : index
    %get3A_5 = vector.load %arg3[%get3A_2, %get3A_3, %get3A_4] : memref<8x1024x128xf32, #tpu.memory_space<vmem>>, vector<1x1024x128xf32>
    %get3A_6 = vector.shape_cast %get3A_5 : vector<1x1024x128xf32> to vector<1024x128xf32>
    %dot_general3A = arith.constant dense<0.000000e+00> : vector<64x1024xf32>
    %dot_general3A_7 = tpu.matmul %get3A_1, %get3A_6, %dot_general3A {dimension_numbers = #tpu.dot_dimension_numbers<[0], [1], [1], [0], [0, 1, 1, 0], [], []>, transpose_lhs_hint = false} : vector<128x64xf32>, vector<1024x128xf32>, vector<64x1024xf32> -> vector<64x1024xf32>
    %get3A_8 = arith.constant 0 : index
    %get3A_9 = arith.constant 0 : index
    %get3A_10 = vector.load %arg5[%get3A_8, %get3A_9] : memref<64x1xf32, #tpu.memory_space<vmem>>, vector<64x1xf32>
    %add3A = vector.broadcast %get3A_10 : vector<64x1xf32> to vector<64x1024xf32>
    %add3A_11 = arith.addf %dot_general3A_7, %add3A : vector<64x1024xf32>
    %swap3A = arith.constant 0 : index
    %swap3A_12 = arith.constant 0 : index
    %swap3A_13 = arith.constant 0 : index
    %swap3A_14 = vector.load %arg6[%swap3A, %swap3A_12, %swap3A_13] : memref<8x64x1024xf32, #tpu.memory_space<vmem>>, vector<1x64x1024xf32>
    %swap3A_15 = vector.shape_cast %swap3A_14 : vector<1x64x1024xf32> to vector<64x1024xf32>
    %swap3A_16 = vector.shape_cast %add3A_11 : vector<64x1024xf32> to vector<1x64x1024xf32>
    tpu.vector_store %arg6[%swap3A, %swap3A_12, %swap3A_13], %swap3A_16 {strides = array<i32>} : memref<8x64x1024xf32, #tpu.memory_space<vmem>>, vector<1x64x1024xf32>,
    %get3A_17 = arith.constant 0 : index
    %get3A_18 = arith.constant 0 : index
    %get3A_19 = vector.load %arg4[%get3A_17, %get3A_18] : memref<128x64xf32, #tpu.memory_space<vmem>>, vector<128x64xf32>
    %get3A_20 = arith.constant 1 : index
    %get3A_21 = arith.constant 0 : index
    %get3A_22 = arith.constant 0 : index
    %get3A_23 = vector.load %arg3[%get3A_20, %get3A_21, %get3A_22] : memref<8x1024x128xf32, #tpu.memory_space<vmem>>, vector<1x1024x128xf32>
    %get3A_24 = vector.shape_cast %get3A_23 : vector<1x1024x128xf32> to vector<1024x128xf32>
    %dot_general3A_25 = arith.constant dense<0.000000e+00> : vector<64x1024xf32>
    %dot_general3A_26 = tpu.matmul %get3A_19, %get3A_24, %dot_general3A_25 {dimension_numbers = #tpu.dot_dimension_numbers<[0], [1], [1], [0], [0, 1, 1, 0], [], []>, transpose_lhs_hint = false} : vector<128x64xf32>, vector<1024x128xf32>, vector<64x1024xf32> -> vector<64x1024xf32>
    %get3A_27 = arith.constant 0 : index
    %get3A_28 = arith.constant 0 : index
    %get3A_29 = vector.load %arg5[%get3A_27, %get3A_28] : memref<64x1xf32, #tpu.memory_space<vmem>>, vector<64x1xf32>
    %add3A_30 = vector.broadcast %get3A_29 : vector<64x1xf32> to vector<64x1024xf32>
    %add3A_31 = arith.addf %dot_general3A_26, %add3A_30 : vector<64x1024xf32>
    %swap3A_32 = arith.constant 1 : index
    %swap3A_33 = arith.constant 0 : index
    %swap3A_34 = arith.constant 0 : index
    %swap3A_35 = vector.load %arg6[%swap3A_32, %swap3A_33, %swap3A_34] : memref<8x64x1024xf32, #tpu.memory_space<vmem>>, vector<1x64x1024xf32>
    %swap3A_36 = vector.shape_cast %swap3A_35 : vector<1x64x1024xf32> to vector<64x1024xf32>
    %swap3A_37 = vector.shape_cast %add3A_31 : vector<64x1024xf32> to vector<1x64x1024xf32>
    tpu.vector_store %arg6[%swap3A_32, %swap3A_33, %swap3A_34], %swap3A_37 {strides = array<i32>} : memref<8x64x1024xf32, #tpu.memory_space<vmem>>, vector<1x64x1024xf32>,
    %get3A_38 = arith.constant 0 : index
    %get3A_39 = arith.constant 0 : index
    %get3A_40 = vector.load %arg4[%get3A_38, %get3A_39] : memref<128x64xf32, #tpu.memory_space<vmem>>, vector<128x64xf32>
    %get3A_41 = arith.constant 2 : index
    %get3A_42 = arith.constant 0 : index
    %get3A_43 = arith.constant 0 : index
    %get3A_44 = vector.load %arg3[%get3A_41, %get3A_42, %get3A_43] : memref<8x1024x128xf32, #tpu.memory_space<vmem>>, vector<1x1024x128xf32>
    %get3A_45 = vector.shape_cast %get3A_44 : vector<1x1024x128xf32> to vector<1024x128xf32>
    %dot_general3A_46 = arith.constant dense<0.000000e+00> : vector<64x1024xf32>
    %dot_general3A_47 = tpu.matmul %get3A_40, %get3A_45, %dot_general3A_46 {dimension_numbers = #tpu.dot_dimension_numbers<[0], [1], [1], [0], [0, 1, 1, 0], [], []>, transpose_lhs_hint = false} : vector<128x64xf32>, vector<1024x128xf32>, vector<64x1024xf32> -> vector<64x1024xf32>
    %get3A_48 = arith.constant 0 : index
    %get3A_49 = arith.constant 0 : index
    %get3A_50 = vector.load %arg5[%get3A_48, %get3A_49] : memref<64x1xf32, #tpu.memory_space<vmem>>, vector<64x1xf32>
    %add3A_51 = vector.broadcast %get3A_50 : vector<64x1xf32> to vector<64x1024xf32>
    %add3A_52 = arith.addf %dot_general3A_47, %add3A_51 : vector<64x1024xf32>
    %swap3A_53 = arith.constant 2 : index
    %swap3A_54 = arith.constant 0 : index
    %swap3A_55 = arith.constant 0 : index
    %swap3A_56 = vector.load %arg6[%swap3A_53, %swap3A_54, %swap3A_55] : memref<8x64x1024xf32, #tpu.memory_space<vmem>>, vector<1x64x1024xf32>
    %swap3A_57 = vector.shape_cast %swap3A_56 : vector<1x64x1024xf32> to vector<64x1024xf32>
    %swap3A_58 = vector.shape_cast %add3A_52 : vector<64x1024xf32> to vector<1x64x1024xf32>
    tpu.vector_store %arg6[%swap3A_53, %swap3A_54, %swap3A_55], %swap3A_58 {strides = array<i32>} : memref<8x64x1024xf32, #tpu.memory_space<vmem>>, vector<1x64x1024xf32>,
    %get3A_59 = arith.constant 0 : index
    %get3A_60 = arith.constant 0 : index
    %get3A_61 = vector.load %arg4[%get3A_59, %get3A_60] : memref<128x64xf32, #tpu.memory_space<vmem>>, vector<128x64xf32>
    %get3A_62 = arith.constant 3 : index
    %get3A_63 = arith.constant 0 : index
    %get3A_64 = arith.constant 0 : index
    %get3A_65 = vector.load %arg3[%get3A_62, %get3A_63, %get3A_64] : memref<8x1024x128xf32, #tpu.memory_space<vmem>>, vector<1x1024x128xf32>
    %get3A_66 = vector.shape_cast %get3A_65 : vector<1x1024x128xf32> to vector<1024x128xf32>
    %dot_general3A_67 = arith.constant dense<0.000000e+00> : vector<64x1024xf32>
    %dot_general3A_68 = tpu.matmul %get3A_61, %get3A_66, %dot_general3A_67 {dimension_numbers = #tpu.dot_dimension_numbers<[0], [1], [1], [0], [0, 1, 1, 0], [], []>, transpose_lhs_hint = false} : vector<128x64xf32>, vector<1024x128xf32>, vector<64x1024xf32> -> vector<64x1024xf32>
    %get3A_69 = arith.constant 0 : index
    %get3A_70 = arith.constant 0 : index
    %get3A_71 = vector.load %arg5[%get3A_69, %get3A_70] : memref<64x1xf32, #tpu.memory_space<vmem>>, vector<64x1xf32>
    %add3A_72 = vector.broadcast %get3A_71 : vector<64x1xf32> to vector<64x1024xf32>
    %add3A_73 = arith.addf %dot_general3A_68, %add3A_72 : vector<64x1024xf32>
    %swap3A_74 = arith.constant 3 : index
    %swap3A_75 = arith.constant 0 : index
    %swap3A_76 = arith.constant 0 : index
    %swap3A_77 = vector.load %arg6[%swap3A_74, %swap3A_75, %swap3A_76] : memref<8x64x1024xf32, #tpu.memory_space<vmem>>, vector<1x64x1024xf32>
    %swap3A_78 = vector.shape_cast %swap3A_77 : vector<1x64x1024xf32> to vector<64x1024xf32>
    %swap3A_79 = vector.shape_cast %add3A_73 : vector<64x1024xf32> to vector<1x64x1024xf32>
    tpu.vector_store %arg6[%swap3A_74, %swap3A_75, %swap3A_76], %swap3A_79 {strides = array<i32>} : memref<8x64x1024xf32, #tpu.memory_space<vmem>>, vector<1x64x1024xf32>,
    %get3A_80 = arith.constant 0 : index
    %get3A_81 = arith.constant 0 : index
    %get3A_82 = vector.load %arg4[%get3A_80, %get3A_81] : memref<128x64xf32, #tpu.memory_space<vmem>>, vector<128x64xf32>
    %get3A_83 = arith.constant 4 : index
    %get3A_84 = arith.constant 0 : index
    %get3A_85 = arith.constant 0 : index
    %get3A_86 = vector.load %arg3[%get3A_83, %get3A_84, %get3A_85] : memref<8x1024x128xf32, #tpu.memory_space<vmem>>, vector<1x1024x128xf32>
    %get3A_87 = vector.shape_cast %get3A_86 : vector<1x1024x128xf32> to vector<1024x128xf32>
    %dot_general3A_88 = arith.constant dense<0.000000e+00> : vector<64x1024xf32>
    %dot_general3A_89 = tpu.matmul %get3A_82, %get3A_87, %dot_general3A_88 {dimension_numbers = #tpu.dot_dimension_numbers<[0], [1], [1], [0], [0, 1, 1, 0], [], []>, transpose_lhs_hint = false} : vector<128x64xf32>, vector<1024x128xf32>, vector<64x1024xf32> -> vector<64x1024xf32>
    %get3A_90 = arith.constant 0 : index
    %get3A_91 = arith.constant 0 : index
    %get3A_92 = vector.load %arg5[%get3A_90, %get3A_91] : memref<64x1xf32, #tpu.memory_space<vmem>>, vector<64x1xf32>
    %add3A_93 = vector.broadcast %get3A_92 : vector<64x1xf32> to vector<64x1024xf32>
    %add3A_94 = arith.addf %dot_general3A_89, %add3A_93 : vector<64x1024xf32>
    %swap3A_95 = arith.constant 4 : index
    %swap3A_96 = arith.constant 0 : index
    %swap3A_97 = arith.constant 0 : index
    %swap3A_98 = vector.load %arg6[%swap3A_95, %swap3A_96, %swap3A_97] : memref<8x64x1024xf32, #tpu.memory_space<vmem>>, vector<1x64x1024xf32>
    %swap3A_99 = vector.shape_cast %swap3A_98 : vector<1x64x1024xf32> to vector<64x1024xf32>
    %swap3A_100 = vector.shape_cast %add3A_94 : vector<64x1024xf32> to vector<1x64x1024xf32>
    tpu.vector_store %arg6[%swap3A_95, %swap3A_96, %swap3A_97], %swap3A_100 {strides = array<i32>} : memref<8x64x1024xf32, #tpu.memory_space<vmem>>, vector<1x64x1024xf32>,
    %get3A_101 = arith.constant 0 : index
    %get3A_102 = arith.constant 0 : index
    %get3A_103 = vector.load %arg4[%get3A_101, %get3A_102] : memref<128x64xf32, #tpu.memory_space<vmem>>, vector<128x64xf32>
    %get3A_104 = arith.constant 5 : index
    %get3A_105 = arith.constant 0 : index
    %get3A_106 = arith.constant 0 : index
    %get3A_107 = vector.load %arg3[%get3A_104, %get3A_105, %get3A_106] : memref<8x1024x128xf32, #tpu.memory_space<vmem>>, vector<1x1024x128xf32>
    %get3A_108 = vector.shape_cast %get3A_107 : vector<1x1024x128xf32> to vector<1024x128xf32>
    %dot_general3A_109 = arith.constant dense<0.000000e+00> : vector<64x1024xf32>
    %dot_general3A_110 = tpu.matmul %get3A_103, %get3A_108, %dot_general3A_109 {dimension_numbers = #tpu.dot_dimension_numbers<[0], [1], [1], [0], [0, 1, 1, 0], [], []>, transpose_lhs_hint = false} : vector<128x64xf32>, vector<1024x128xf32>, vector<64x1024xf32> -> vector<64x1024xf32>
    %get3A_111 = arith.constant 0 : index
    %get3A_112 = arith.constant 0 : index
    %get3A_113 = vector.load %arg5[%get3A_111, %get3A_112] : memref<64x1xf32, #tpu.memory_space<vmem>>, vector<64x1xf32>
    %add3A_114 = vector.broadcast %get3A_113 : vector<64x1xf32> to vector<64x1024xf32>
    %add3A_115 = arith.addf %dot_general3A_110, %add3A_114 : vector<64x1024xf32>
    %swap3A_116 = arith.constant 5 : index
    %swap3A_117 = arith.constant 0 : index
    %swap3A_118 = arith.constant 0 : index
    %swap3A_119 = vector.load %arg6[%swap3A_116, %swap3A_117, %swap3A_118] : memref<8x64x1024xf32, #tpu.memory_space<vmem>>, vector<1x64x1024xf32>
    %swap3A_120 = vector.shape_cast %swap3A_119 : vector<1x64x1024xf32> to vector<64x1024xf32>
    %swap3A_121 = vector.shape_cast %add3A_115 : vector<64x1024xf32> to vector<1x64x1024xf32>
    tpu.vector_store %arg6[%swap3A_116, %swap3A_117, %swap3A_118], %swap3A_121 {strides = array<i32>} : memref<8x64x1024xf32, #tpu.memory_space<vmem>>, vector<1x64x1024xf32>,
    %get3A_122 = arith.constant 0 : index
    %get3A_123 = arith.constant 0 : index
    %get3A_124 = vector.load %arg4[%get3A_122, %get3A_123] : memref<128x64xf32, #tpu.memory_space<vmem>>, vector<128x64xf32>
    %get3A_125 = arith.constant 6 : index
    %get3A_126 = arith.constant 0 : index
    %get3A_127 = arith.constant 0 : index
    %get3A_128 = vector.load %arg3[%get3A_125, %get3A_126, %get3A_127] : memref<8x1024x128xf32, #tpu.memory_space<vmem>>, vector<1x1024x128xf32>
    %get3A_129 = vector.shape_cast %get3A_128 : vector<1x1024x128xf32> to vector<1024x128xf32>
    %dot_general3A_130 = arith.constant dense<0.000000e+00> : vector<64x1024xf32>
    %dot_general3A_131 = tpu.matmul %get3A_124, %get3A_129, %dot_general3A_130 {dimension_numbers = #tpu.dot_dimension_numbers<[0], [1], [1], [0], [0, 1, 1, 0], [], []>, transpose_lhs_hint = false} : vector<128x64xf32>, vector<1024x128xf32>, vector<64x1024xf32> -> vector<64x1024xf32>
    %get3A_132 = arith.constant 0 : index
    %get3A_133 = arith.constant 0 : index
    %get3A_134 = vector.load %arg5[%get3A_132, %get3A_133] : memref<64x1xf32, #tpu.memory_space<vmem>>, vector<64x1xf32>
    %add3A_135 = vector.broadcast %get3A_134 : vector<64x1xf32> to vector<64x1024xf32>
    %add3A_136 = arith.addf %dot_general3A_131, %add3A_135 : vector<64x1024xf32>
    %swap3A_137 = arith.constant 6 : index
    %swap3A_138 = arith.constant 0 : index
    %swap3A_139 = arith.constant 0 : index
    %swap3A_140 = vector.load %arg6[%swap3A_137, %swap3A_138, %swap3A_139] : memref<8x64x1024xf32, #tpu.memory_space<vmem>>, vector<1x64x1024xf32>
    %swap3A_141 = vector.shape_cast %swap3A_140 : vector<1x64x1024xf32> to vector<64x1024xf32>
    %swap3A_142 = vector.shape_cast %add3A_136 : vector<64x1024xf32> to vector<1x64x1024xf32>
    tpu.vector_store %arg6[%swap3A_137, %swap3A_138, %swap3A_139], %swap3A_142 {strides = array<i32>} : memref<8x64x1024xf32, #tpu.memory_space<vmem>>, vector<1x64x1024xf32>,
    %get3A_143 = arith.constant 0 : index
    %get3A_144 = arith.constant 0 : index
    %get3A_145 = vector.load %arg4[%get3A_143, %get3A_144] : memref<128x64xf32, #tpu.memory_space<vmem>>, vector<128x64xf32>
    %get3A_146 = arith.constant 7 : index
    %get3A_147 = arith.constant 0 : index
    %get3A_148 = arith.constant 0 : index
    %get3A_149 = vector.load %arg3[%get3A_146, %get3A_147, %get3A_148] : memref<8x1024x128xf32, #tpu.memory_space<vmem>>, vector<1x1024x128xf32>
    %get3A_150 = vector.shape_cast %get3A_149 : vector<1x1024x128xf32> to vector<1024x128xf32>
    %dot_general3A_151 = arith.constant dense<0.000000e+00> : vector<64x1024xf32>
    %dot_general3A_152 = tpu.matmul %get3A_145, %get3A_150, %dot_general3A_151 {dimension_numbers = #tpu.dot_dimension_numbers<[0], [1], [1], [0], [0, 1, 1, 0], [], []>, transpose_lhs_hint = false} : vector<128x64xf32>, vector<1024x128xf32>, vector<64x1024xf32> -> vector<64x1024xf32>
    %get3A_153 = arith.constant 0 : index
    %get3A_154 = arith.constant 0 : index
    %get3A_155 = vector.load %arg5[%get3A_153, %get3A_154] : memref<64x1xf32, #tpu.memory_space<vmem>>, vector<64x1xf32>
    %add3A_156 = vector.broadcast %get3A_155 : vector<64x1xf32> to vector<64x1024xf32>
    %add3A_157 = arith.addf %dot_general3A_152, %add3A_156 : vector<64x1024xf32>
    %swap3A_158 = arith.constant 7 : index
    %swap3A_159 = arith.constant 0 : index
    %swap3A_160 = arith.constant 0 : index
    %swap3A_161 = vector.load %arg6[%swap3A_158, %swap3A_159, %swap3A_160] : memref<8x64x1024xf32, #tpu.memory_space<vmem>>, vector<1x64x1024xf32>
    %swap3A_162 = vector.shape_cast %swap3A_161 : vector<1x64x1024xf32> to vector<64x1024xf32>
    %swap3A_163 = vector.shape_cast %add3A_157 : vector<64x1024xf32> to vector<1x64x1024xf32>
    tpu.vector_store %arg6[%swap3A_158, %swap3A_159, %swap3A_160], %swap3A_163 {strides = array<i32>} : memref<8x64x1024xf32, #tpu.memory_space<vmem>>, vector<1x64x1024xf32>,
    return
  }
  func.func @transform_1(%arg0: i32, %arg1: i32) -> (i32, i32, i32) {
    %c0_i32 = arith.constant 0 : i32
    %c0_i32_0 = arith.constant 0 : i32
    return %arg0, %arg1, %c0_i32 : i32, i32, i32
  }
  func.func @transform_2(%arg0: i32, %arg1: i32) -> (i32, i32) {
    %c0_i32 = arith.constant 0 : i32
    %c0_i32_0 = arith.constant 0 : i32
    %c0_i32_1 = arith.constant 0 : i32
    return %c0_i32, %c0_i32_0 : i32, i32
  }
  func.func @transform_3(%arg0: i32, %arg1: i32) -> (i32, i32) {
    %c0_i32 = arith.constant 0 : i32
    %c0_i32_0 = arith.constant 0 : i32
    %c0_i32_1 = arith.constant 0 : i32
    return %c0_i32, %c0_i32_0 : i32, i32
  }
  func.func @transform_4(%arg0: i32, %arg1: i32) -> (i32, i32, i32) {
    %add3A = arith.constant 10 : i32
    %add3A_0 = arith.addi %add3A, %arg0 : i32
    %c0_i32 = arith.constant 0 : i32
    %c0_i32_1 = arith.constant 0 : i32
    return %add3A_0, %c0_i32, %arg1 : i32, i32, i32
  }
}

module attributes {stable_mosaic.version = 14 : i64} {
  func.func @_head_chunk_kernel(%arg0: i32, %arg1: i32, %arg2: memref<200x64x4096xf32, #tpu.memory_space<any>>, %arg3: memref<8x1024x128xf32, #tpu.memory_space<vmem>>, %arg4: memref<128x64xf32, #tpu.memory_space<vmem>>, %arg5: memref<64x1xf32, #tpu.memory_space<vmem>>, %arg6: memref<8x64x1024xf32, #tpu.memory_space<vmem>>) attributes {dimension_semantics = [#tpu.dimension_semantics<arbitrary>, #tpu.dimension_semantics<arbitrary>], iteration_bounds = array<i64: 5, 4>, scalar_prefetch = 0 : i64, scratch_operands = 0 : i64, tpu.core_type = #tpu.core_type<tc>, window_params = [{}, {transform_indices = @transform_1, window_bounds = array<i64: 8, 1024, 128>}, {pipeline_mode = #tpu.pipeline_mode<synchronous>, transform_indices = @transform_2, window_bounds = array<i64: 128, 64>}, {pipeline_mode = #tpu.pipeline_mode<synchronous>, transform_indices = @transform_3, window_bounds = array<i64: 64, 1>}, {transform_indices = @transform_4, window_bounds = array<i64: 8, 64, 1024>}]} {
    %get3A = arith.constant 0 : index
    %get3A_0 = arith.constant 0 : index
    %get3A_1 = vector.load %arg4[%get3A, %get3A_0] : memref<128x64xf32, #tpu.memory_space<vmem>>, vector<128x64xf32>
    %get3A_2 = arith.constant 0 : index
    %get3A_3 = arith.constant 0 : index
    %get3A_4 = arith.constant 0 : index
    %get3A_5 = vector.load %arg3[%get3A_2, %get3A_3, %get3A_4] : memref<8x1024x128xf32, #tpu.memory_space<vmem>>, vector<1x1024x128xf32>
    %get3A_6 = vector.shape_cast %get3A_5 : vector<1x1024x128xf32> to vector<1024x128xf32>
    %dot_general3A = arith.constant dense<0.000000e+00> : vector<64x1024xf32>
    %dot_general3A_7 = tpu.matmul %get3A_1, %get3A_6, %dot_general3A {dimension_numbers = #tpu.dot_dimension_numbers<[0], [1], [1], [0], [0, 1, 1, 0], [], []>, transpose_lhs_hint = false} : vector<128x64xf32>, vector<1024x128xf32>, vector<64x1024xf32> -> vector<64x1024xf32>
    %get3A_8 = arith.constant 0 : index
    %get3A_9 = arith.constant 0 : index
    %get3A_10 = vector.load %arg5[%get3A_8, %get3A_9] : memref<64x1xf32, #tpu.memory_space<vmem>>, vector<64x1xf32>
    %add3A = vector.broadcast %get3A_10 : vector<64x1xf32> to vector<64x1024xf32>
    %add3A_11 = arith.addf %dot_general3A_7, %add3A : vector<64x1024xf32>
    %swap3A = arith.constant 0 : index
    %swap3A_12 = arith.constant 0 : index
    %swap3A_13 = arith.constant 0 : index
    %swap3A_14 = vector.load %arg6[%swap3A, %swap3A_12, %swap3A_13] : memref<8x64x1024xf32, #tpu.memory_space<vmem>>, vector<1x64x1024xf32>
    %swap3A_15 = vector.shape_cast %swap3A_14 : vector<1x64x1024xf32> to vector<64x1024xf32>
    %swap3A_16 = vector.shape_cast %add3A_11 : vector<64x1024xf32> to vector<1x64x1024xf32>
    tpu.vector_store %arg6[%swap3A, %swap3A_12, %swap3A_13], %swap3A_16 {strides = array<i32>} : memref<8x64x1024xf32, #tpu.memory_space<vmem>>, vector<1x64x1024xf32>,
    %get3A_17 = arith.constant 0 : index
    %get3A_18 = arith.constant 0 : index
    %get3A_19 = vector.load %arg4[%get3A_17, %get3A_18] : memref<128x64xf32, #tpu.memory_space<vmem>>, vector<128x64xf32>
    %get3A_20 = arith.constant 1 : index
    %get3A_21 = arith.constant 0 : index
    %get3A_22 = arith.constant 0 : index
    %get3A_23 = vector.load %arg3[%get3A_20, %get3A_21, %get3A_22] : memref<8x1024x128xf32, #tpu.memory_space<vmem>>, vector<1x1024x128xf32>
    %get3A_24 = vector.shape_cast %get3A_23 : vector<1x1024x128xf32> to vector<1024x128xf32>
    %dot_general3A_25 = arith.constant dense<0.000000e+00> : vector<64x1024xf32>
    %dot_general3A_26 = tpu.matmul %get3A_19, %get3A_24, %dot_general3A_25 {dimension_numbers = #tpu.dot_dimension_numbers<[0], [1], [1], [0], [0, 1, 1, 0], [], []>, transpose_lhs_hint = false} : vector<128x64xf32>, vector<1024x128xf32>, vector<64x1024xf32> -> vector<64x1024xf32>
    %get3A_27 = arith.constant 0 : index
    %get3A_28 = arith.constant 0 : index
    %get3A_29 = vector.load %arg5[%get3A_27, %get3A_28] : memref<64x1xf32, #tpu.memory_space<vmem>>, vector<64x1xf32>
    %add3A_30 = vector.broadcast %get3A_29 : vector<64x1xf32> to vector<64x1024xf32>
    %add3A_31 = arith.addf %dot_general3A_26, %add3A_30 : vector<64x1024xf32>
    %swap3A_32 = arith.constant 1 : index
    %swap3A_33 = arith.constant 0 : index
    %swap3A_34 = arith.constant 0 : index
    %swap3A_35 = vector.load %arg6[%swap3A_32, %swap3A_33, %swap3A_34] : memref<8x64x1024xf32, #tpu.memory_space<vmem>>, vector<1x64x1024xf32>
    %swap3A_36 = vector.shape_cast %swap3A_35 : vector<1x64x1024xf32> to vector<64x1024xf32>
    %swap3A_37 = vector.shape_cast %add3A_31 : vector<64x1024xf32> to vector<1x64x1024xf32>
    tpu.vector_store %arg6[%swap3A_32, %swap3A_33, %swap3A_34], %swap3A_37 {strides = array<i32>} : memref<8x64x1024xf32, #tpu.memory_space<vmem>>, vector<1x64x1024xf32>,
    %get3A_38 = arith.constant 0 : index
    %get3A_39 = arith.constant 0 : index
    %get3A_40 = vector.load %arg4[%get3A_38, %get3A_39] : memref<128x64xf32, #tpu.memory_space<vmem>>, vector<128x64xf32>
    %get3A_41 = arith.constant 2 : index
    %get3A_42 = arith.constant 0 : index
    %get3A_43 = arith.constant 0 : index
    %get3A_44 = vector.load %arg3[%get3A_41, %get3A_42, %get3A_43] : memref<8x1024x128xf32, #tpu.memory_space<vmem>>, vector<1x1024x128xf32>
    %get3A_45 = vector.shape_cast %get3A_44 : vector<1x1024x128xf32> to vector<1024x128xf32>
    %dot_general3A_46 = arith.constant dense<0.000000e+00> : vector<64x1024xf32>
    %dot_general3A_47 = tpu.matmul %get3A_40, %get3A_45, %dot_general3A_46 {dimension_numbers = #tpu.dot_dimension_numbers<[0], [1], [1], [0], [0, 1, 1, 0], [], []>, transpose_lhs_hint = false} : vector<128x64xf32>, vector<1024x128xf32>, vector<64x1024xf32> -> vector<64x1024xf32>
    %get3A_48 = arith.constant 0 : index
    %get3A_49 = arith.constant 0 : index
    %get3A_50 = vector.load %arg5[%get3A_48, %get3A_49] : memref<64x1xf32, #tpu.memory_space<vmem>>, vector<64x1xf32>
    %add3A_51 = vector.broadcast %get3A_50 : vector<64x1xf32> to vector<64x1024xf32>
    %add3A_52 = arith.addf %dot_general3A_47, %add3A_51 : vector<64x1024xf32>
    %swap3A_53 = arith.constant 2 : index
    %swap3A_54 = arith.constant 0 : index
    %swap3A_55 = arith.constant 0 : index
    %swap3A_56 = vector.load %arg6[%swap3A_53, %swap3A_54, %swap3A_55] : memref<8x64x1024xf32, #tpu.memory_space<vmem>>, vector<1x64x1024xf32>
    %swap3A_57 = vector.shape_cast %swap3A_56 : vector<1x64x1024xf32> to vector<64x1024xf32>
    %swap3A_58 = vector.shape_cast %add3A_52 : vector<64x1024xf32> to vector<1x64x1024xf32>
    tpu.vector_store %arg6[%swap3A_53, %swap3A_54, %swap3A_55], %swap3A_58 {strides = array<i32>} : memref<8x64x1024xf32, #tpu.memory_space<vmem>>, vector<1x64x1024xf32>,
    %get3A_59 = arith.constant 0 : index
    %get3A_60 = arith.constant 0 : index
    %get3A_61 = vector.load %arg4[%get3A_59, %get3A_60] : memref<128x64xf32, #tpu.memory_space<vmem>>, vector<128x64xf32>
    %get3A_62 = arith.constant 3 : index
    %get3A_63 = arith.constant 0 : index
    %get3A_64 = arith.constant 0 : index
    %get3A_65 = vector.load %arg3[%get3A_62, %get3A_63, %get3A_64] : memref<8x1024x128xf32, #tpu.memory_space<vmem>>, vector<1x1024x128xf32>
    %get3A_66 = vector.shape_cast %get3A_65 : vector<1x1024x128xf32> to vector<1024x128xf32>
    %dot_general3A_67 = arith.constant dense<0.000000e+00> : vector<64x1024xf32>
    %dot_general3A_68 = tpu.matmul %get3A_61, %get3A_66, %dot_general3A_67 {dimension_numbers = #tpu.dot_dimension_numbers<[0], [1], [1], [0], [0, 1, 1, 0], [], []>, transpose_lhs_hint = false} : vector<128x64xf32>, vector<1024x128xf32>, vector<64x1024xf32> -> vector<64x1024xf32>
    %get3A_69 = arith.constant 0 : index
    %get3A_70 = arith.constant 0 : index
    %get3A_71 = vector.load %arg5[%get3A_69, %get3A_70] : memref<64x1xf32, #tpu.memory_space<vmem>>, vector<64x1xf32>
    %add3A_72 = vector.broadcast %get3A_71 : vector<64x1xf32> to vector<64x1024xf32>
    %add3A_73 = arith.addf %dot_general3A_68, %add3A_72 : vector<64x1024xf32>
    %swap3A_74 = arith.constant 3 : index
    %swap3A_75 = arith.constant 0 : index
    %swap3A_76 = arith.constant 0 : index
    %swap3A_77 = vector.load %arg6[%swap3A_74, %swap3A_75, %swap3A_76] : memref<8x64x1024xf32, #tpu.memory_space<vmem>>, vector<1x64x1024xf32>
    %swap3A_78 = vector.shape_cast %swap3A_77 : vector<1x64x1024xf32> to vector<64x1024xf32>
    %swap3A_79 = vector.shape_cast %add3A_73 : vector<64x1024xf32> to vector<1x64x1024xf32>
    tpu.vector_store %arg6[%swap3A_74, %swap3A_75, %swap3A_76], %swap3A_79 {strides = array<i32>} : memref<8x64x1024xf32, #tpu.memory_space<vmem>>, vector<1x64x1024xf32>,
    %get3A_80 = arith.constant 0 : index
    %get3A_81 = arith.constant 0 : index
    %get3A_82 = vector.load %arg4[%get3A_80, %get3A_81] : memref<128x64xf32, #tpu.memory_space<vmem>>, vector<128x64xf32>
    %get3A_83 = arith.constant 4 : index
    %get3A_84 = arith.constant 0 : index
    %get3A_85 = arith.constant 0 : index
    %get3A_86 = vector.load %arg3[%get3A_83, %get3A_84, %get3A_85] : memref<8x1024x128xf32, #tpu.memory_space<vmem>>, vector<1x1024x128xf32>
    %get3A_87 = vector.shape_cast %get3A_86 : vector<1x1024x128xf32> to vector<1024x128xf32>
    %dot_general3A_88 = arith.constant dense<0.000000e+00> : vector<64x1024xf32>
    %dot_general3A_89 = tpu.matmul %get3A_82, %get3A_87, %dot_general3A_88 {dimension_numbers = #tpu.dot_dimension_numbers<[0], [1], [1], [0], [0, 1, 1, 0], [], []>, transpose_lhs_hint = false} : vector<128x64xf32>, vector<1024x128xf32>, vector<64x1024xf32> -> vector<64x1024xf32>
    %get3A_90 = arith.constant 0 : index
    %get3A_91 = arith.constant 0 : index
    %get3A_92 = vector.load %arg5[%get3A_90, %get3A_91] : memref<64x1xf32, #tpu.memory_space<vmem>>, vector<64x1xf32>
    %add3A_93 = vector.broadcast %get3A_92 : vector<64x1xf32> to vector<64x1024xf32>
    %add3A_94 = arith.addf %dot_general3A_89, %add3A_93 : vector<64x1024xf32>
    %swap3A_95 = arith.constant 4 : index
    %swap3A_96 = arith.constant 0 : index
    %swap3A_97 = arith.constant 0 : index
    %swap3A_98 = vector.load %arg6[%swap3A_95, %swap3A_96, %swap3A_97] : memref<8x64x1024xf32, #tpu.memory_space<vmem>>, vector<1x64x1024xf32>
    %swap3A_99 = vector.shape_cast %swap3A_98 : vector<1x64x1024xf32> to vector<64x1024xf32>
    %swap3A_100 = vector.shape_cast %add3A_94 : vector<64x1024xf32> to vector<1x64x1024xf32>
    tpu.vector_store %arg6[%swap3A_95, %swap3A_96, %swap3A_97], %swap3A_100 {strides = array<i32>} : memref<8x64x1024xf32, #tpu.memory_space<vmem>>, vector<1x64x1024xf32>,
    %get3A_101 = arith.constant 0 : index
    %get3A_102 = arith.constant 0 : index
    %get3A_103 = vector.load %arg4[%get3A_101, %get3A_102] : memref<128x64xf32, #tpu.memory_space<vmem>>, vector<128x64xf32>
    %get3A_104 = arith.constant 5 : index
    %get3A_105 = arith.constant 0 : index
    %get3A_106 = arith.constant 0 : index
    %get3A_107 = vector.load %arg3[%get3A_104, %get3A_105, %get3A_106] : memref<8x1024x128xf32, #tpu.memory_space<vmem>>, vector<1x1024x128xf32>
    %get3A_108 = vector.shape_cast %get3A_107 : vector<1x1024x128xf32> to vector<1024x128xf32>
    %dot_general3A_109 = arith.constant dense<0.000000e+00> : vector<64x1024xf32>
    %dot_general3A_110 = tpu.matmul %get3A_103, %get3A_108, %dot_general3A_109 {dimension_numbers = #tpu.dot_dimension_numbers<[0], [1], [1], [0], [0, 1, 1, 0], [], []>, transpose_lhs_hint = false} : vector<128x64xf32>, vector<1024x128xf32>, vector<64x1024xf32> -> vector<64x1024xf32>
    %get3A_111 = arith.constant 0 : index
    %get3A_112 = arith.constant 0 : index
    %get3A_113 = vector.load %arg5[%get3A_111, %get3A_112] : memref<64x1xf32, #tpu.memory_space<vmem>>, vector<64x1xf32>
    %add3A_114 = vector.broadcast %get3A_113 : vector<64x1xf32> to vector<64x1024xf32>
    %add3A_115 = arith.addf %dot_general3A_110, %add3A_114 : vector<64x1024xf32>
    %swap3A_116 = arith.constant 5 : index
    %swap3A_117 = arith.constant 0 : index
    %swap3A_118 = arith.constant 0 : index
    %swap3A_119 = vector.load %arg6[%swap3A_116, %swap3A_117, %swap3A_118] : memref<8x64x1024xf32, #tpu.memory_space<vmem>>, vector<1x64x1024xf32>
    %swap3A_120 = vector.shape_cast %swap3A_119 : vector<1x64x1024xf32> to vector<64x1024xf32>
    %swap3A_121 = vector.shape_cast %add3A_115 : vector<64x1024xf32> to vector<1x64x1024xf32>
    tpu.vector_store %arg6[%swap3A_116, %swap3A_117, %swap3A_118], %swap3A_121 {strides = array<i32>} : memref<8x64x1024xf32, #tpu.memory_space<vmem>>, vector<1x64x1024xf32>,
    %get3A_122 = arith.constant 0 : index
    %get3A_123 = arith.constant 0 : index
    %get3A_124 = vector.load %arg4[%get3A_122, %get3A_123] : memref<128x64xf32, #tpu.memory_space<vmem>>, vector<128x64xf32>
    %get3A_125 = arith.constant 6 : index
    %get3A_126 = arith.constant 0 : index
    %get3A_127 = arith.constant 0 : index
    %get3A_128 = vector.load %arg3[%get3A_125, %get3A_126, %get3A_127] : memref<8x1024x128xf32, #tpu.memory_space<vmem>>, vector<1x1024x128xf32>
    %get3A_129 = vector.shape_cast %get3A_128 : vector<1x1024x128xf32> to vector<1024x128xf32>
    %dot_general3A_130 = arith.constant dense<0.000000e+00> : vector<64x1024xf32>
    %dot_general3A_131 = tpu.matmul %get3A_124, %get3A_129, %dot_general3A_130 {dimension_numbers = #tpu.dot_dimension_numbers<[0], [1], [1], [0], [0, 1, 1, 0], [], []>, transpose_lhs_hint = false} : vector<128x64xf32>, vector<1024x128xf32>, vector<64x1024xf32> -> vector<64x1024xf32>
    %get3A_132 = arith.constant 0 : index
    %get3A_133 = arith.constant 0 : index
    %get3A_134 = vector.load %arg5[%get3A_132, %get3A_133] : memref<64x1xf32, #tpu.memory_space<vmem>>, vector<64x1xf32>
    %add3A_135 = vector.broadcast %get3A_134 : vector<64x1xf32> to vector<64x1024xf32>
    %add3A_136 = arith.addf %dot_general3A_131, %add3A_135 : vector<64x1024xf32>
    %swap3A_137 = arith.constant 6 : index
    %swap3A_138 = arith.constant 0 : index
    %swap3A_139 = arith.constant 0 : index
    %swap3A_140 = vector.load %arg6[%swap3A_137, %swap3A_138, %swap3A_139] : memref<8x64x1024xf32, #tpu.memory_space<vmem>>, vector<1x64x1024xf32>
    %swap3A_141 = vector.shape_cast %swap3A_140 : vector<1x64x1024xf32> to vector<64x1024xf32>
    %swap3A_142 = vector.shape_cast %add3A_136 : vector<64x1024xf32> to vector<1x64x1024xf32>
    tpu.vector_store %arg6[%swap3A_137, %swap3A_138, %swap3A_139], %swap3A_142 {strides = array<i32>} : memref<8x64x1024xf32, #tpu.memory_space<vmem>>, vector<1x64x1024xf32>,
    %get3A_143 = arith.constant 0 : index
    %get3A_144 = arith.constant 0 : index
    %get3A_145 = vector.load %arg4[%get3A_143, %get3A_144] : memref<128x64xf32, #tpu.memory_space<vmem>>, vector<128x64xf32>
    %get3A_146 = arith.constant 7 : index
    %get3A_147 = arith.constant 0 : index
    %get3A_148 = arith.constant 0 : index
    %get3A_149 = vector.load %arg3[%get3A_146, %get3A_147, %get3A_148] : memref<8x1024x128xf32, #tpu.memory_space<vmem>>, vector<1x1024x128xf32>
    %get3A_150 = vector.shape_cast %get3A_149 : vector<1x1024x128xf32> to vector<1024x128xf32>
    %dot_general3A_151 = arith.constant dense<0.000000e+00> : vector<64x1024xf32>
    %dot_general3A_152 = tpu.matmul %get3A_145, %get3A_150, %dot_general3A_151 {dimension_numbers = #tpu.dot_dimension_numbers<[0], [1], [1], [0], [0, 1, 1, 0], [], []>, transpose_lhs_hint = false} : vector<128x64xf32>, vector<1024x128xf32>, vector<64x1024xf32> -> vector<64x1024xf32>
    %get3A_153 = arith.constant 0 : index
    %get3A_154 = arith.constant 0 : index
    %get3A_155 = vector.load %arg5[%get3A_153, %get3A_154] : memref<64x1xf32, #tpu.memory_space<vmem>>, vector<64x1xf32>
    %add3A_156 = vector.broadcast %get3A_155 : vector<64x1xf32> to vector<64x1024xf32>
    %add3A_157 = arith.addf %dot_general3A_152, %add3A_156 : vector<64x1024xf32>
    %swap3A_158 = arith.constant 7 : index
    %swap3A_159 = arith.constant 0 : index
    %swap3A_160 = arith.constant 0 : index
    %swap3A_161 = vector.load %arg6[%swap3A_158, %swap3A_159, %swap3A_160] : memref<8x64x1024xf32, #tpu.memory_space<vmem>>, vector<1x64x1024xf32>
    %swap3A_162 = vector.shape_cast %swap3A_161 : vector<1x64x1024xf32> to vector<64x1024xf32>
    %swap3A_163 = vector.shape_cast %add3A_157 : vector<64x1024xf32> to vector<1x64x1024xf32>
    tpu.vector_store %arg6[%swap3A_158, %swap3A_159, %swap3A_160], %swap3A_163 {strides = array<i32>} : memref<8x64x1024xf32, #tpu.memory_space<vmem>>, vector<1x64x1024xf32>,
    return
  }
  func.func @transform_1(%arg0: i32, %arg1: i32) -> (i32, i32, i32) {
    %c0_i32 = arith.constant 0 : i32
    %c0_i32_0 = arith.constant 0 : i32
    return %arg0, %arg1, %c0_i32 : i32, i32, i32
  }
  func.func @transform_2(%arg0: i32, %arg1: i32) -> (i32, i32) {
    %c0_i32 = arith.constant 0 : i32
    %c0_i32_0 = arith.constant 0 : i32
    %c0_i32_1 = arith.constant 0 : i32
    return %c0_i32, %c0_i32_0 : i32, i32
  }
  func.func @transform_3(%arg0: i32, %arg1: i32) -> (i32, i32) {
    %c0_i32 = arith.constant 0 : i32
    %c0_i32_0 = arith.constant 0 : i32
    %c0_i32_1 = arith.constant 0 : i32
    return %c0_i32, %c0_i32_0 : i32, i32
  }
  func.func @transform_4(%arg0: i32, %arg1: i32) -> (i32, i32, i32) {
    %add3A = arith.constant 15 : i32
    %add3A_0 = arith.addi %add3A, %arg0 : i32
    %c0_i32 = arith.constant 0 : i32
    %c0_i32_1 = arith.constant 0 : i32
    return %add3A_0, %c0_i32, %arg1 : i32, i32, i32
  }
}

module attributes {stable_mosaic.version = 14 : i64} {
  func.func @_head_chunk_kernel(%arg0: i32, %arg1: i32, %arg2: memref<200x64x4096xf32, #tpu.memory_space<any>>, %arg3: memref<8x1024x128xf32, #tpu.memory_space<vmem>>, %arg4: memref<128x64xf32, #tpu.memory_space<vmem>>, %arg5: memref<64x1xf32, #tpu.memory_space<vmem>>, %arg6: memref<8x64x1024xf32, #tpu.memory_space<vmem>>) attributes {dimension_semantics = [#tpu.dimension_semantics<arbitrary>, #tpu.dimension_semantics<arbitrary>], iteration_bounds = array<i64: 5, 4>, scalar_prefetch = 0 : i64, scratch_operands = 0 : i64, tpu.core_type = #tpu.core_type<tc>, window_params = [{}, {transform_indices = @transform_1, window_bounds = array<i64: 8, 1024, 128>}, {pipeline_mode = #tpu.pipeline_mode<synchronous>, transform_indices = @transform_2, window_bounds = array<i64: 128, 64>}, {pipeline_mode = #tpu.pipeline_mode<synchronous>, transform_indices = @transform_3, window_bounds = array<i64: 64, 1>}, {transform_indices = @transform_4, window_bounds = array<i64: 8, 64, 1024>}]} {
    %get3A = arith.constant 0 : index
    %get3A_0 = arith.constant 0 : index
    %get3A_1 = vector.load %arg4[%get3A, %get3A_0] : memref<128x64xf32, #tpu.memory_space<vmem>>, vector<128x64xf32>
    %get3A_2 = arith.constant 0 : index
    %get3A_3 = arith.constant 0 : index
    %get3A_4 = arith.constant 0 : index
    %get3A_5 = vector.load %arg3[%get3A_2, %get3A_3, %get3A_4] : memref<8x1024x128xf32, #tpu.memory_space<vmem>>, vector<1x1024x128xf32>
    %get3A_6 = vector.shape_cast %get3A_5 : vector<1x1024x128xf32> to vector<1024x128xf32>
    %dot_general3A = arith.constant dense<0.000000e+00> : vector<64x1024xf32>
    %dot_general3A_7 = tpu.matmul %get3A_1, %get3A_6, %dot_general3A {dimension_numbers = #tpu.dot_dimension_numbers<[0], [1], [1], [0], [0, 1, 1, 0], [], []>, transpose_lhs_hint = false} : vector<128x64xf32>, vector<1024x128xf32>, vector<64x1024xf32> -> vector<64x1024xf32>
    %get3A_8 = arith.constant 0 : index
    %get3A_9 = arith.constant 0 : index
    %get3A_10 = vector.load %arg5[%get3A_8, %get3A_9] : memref<64x1xf32, #tpu.memory_space<vmem>>, vector<64x1xf32>
    %add3A = vector.broadcast %get3A_10 : vector<64x1xf32> to vector<64x1024xf32>
    %add3A_11 = arith.addf %dot_general3A_7, %add3A : vector<64x1024xf32>
    %swap3A = arith.constant 0 : index
    %swap3A_12 = arith.constant 0 : index
    %swap3A_13 = arith.constant 0 : index
    %swap3A_14 = vector.load %arg6[%swap3A, %swap3A_12, %swap3A_13] : memref<8x64x1024xf32, #tpu.memory_space<vmem>>, vector<1x64x1024xf32>
    %swap3A_15 = vector.shape_cast %swap3A_14 : vector<1x64x1024xf32> to vector<64x1024xf32>
    %swap3A_16 = vector.shape_cast %add3A_11 : vector<64x1024xf32> to vector<1x64x1024xf32>
    tpu.vector_store %arg6[%swap3A, %swap3A_12, %swap3A_13], %swap3A_16 {strides = array<i32>} : memref<8x64x1024xf32, #tpu.memory_space<vmem>>, vector<1x64x1024xf32>,
    %get3A_17 = arith.constant 0 : index
    %get3A_18 = arith.constant 0 : index
    %get3A_19 = vector.load %arg4[%get3A_17, %get3A_18] : memref<128x64xf32, #tpu.memory_space<vmem>>, vector<128x64xf32>
    %get3A_20 = arith.constant 1 : index
    %get3A_21 = arith.constant 0 : index
    %get3A_22 = arith.constant 0 : index
    %get3A_23 = vector.load %arg3[%get3A_20, %get3A_21, %get3A_22] : memref<8x1024x128xf32, #tpu.memory_space<vmem>>, vector<1x1024x128xf32>
    %get3A_24 = vector.shape_cast %get3A_23 : vector<1x1024x128xf32> to vector<1024x128xf32>
    %dot_general3A_25 = arith.constant dense<0.000000e+00> : vector<64x1024xf32>
    %dot_general3A_26 = tpu.matmul %get3A_19, %get3A_24, %dot_general3A_25 {dimension_numbers = #tpu.dot_dimension_numbers<[0], [1], [1], [0], [0, 1, 1, 0], [], []>, transpose_lhs_hint = false} : vector<128x64xf32>, vector<1024x128xf32>, vector<64x1024xf32> -> vector<64x1024xf32>
    %get3A_27 = arith.constant 0 : index
    %get3A_28 = arith.constant 0 : index
    %get3A_29 = vector.load %arg5[%get3A_27, %get3A_28] : memref<64x1xf32, #tpu.memory_space<vmem>>, vector<64x1xf32>
    %add3A_30 = vector.broadcast %get3A_29 : vector<64x1xf32> to vector<64x1024xf32>
    %add3A_31 = arith.addf %dot_general3A_26, %add3A_30 : vector<64x1024xf32>
    %swap3A_32 = arith.constant 1 : index
    %swap3A_33 = arith.constant 0 : index
    %swap3A_34 = arith.constant 0 : index
    %swap3A_35 = vector.load %arg6[%swap3A_32, %swap3A_33, %swap3A_34] : memref<8x64x1024xf32, #tpu.memory_space<vmem>>, vector<1x64x1024xf32>
    %swap3A_36 = vector.shape_cast %swap3A_35 : vector<1x64x1024xf32> to vector<64x1024xf32>
    %swap3A_37 = vector.shape_cast %add3A_31 : vector<64x1024xf32> to vector<1x64x1024xf32>
    tpu.vector_store %arg6[%swap3A_32, %swap3A_33, %swap3A_34], %swap3A_37 {strides = array<i32>} : memref<8x64x1024xf32, #tpu.memory_space<vmem>>, vector<1x64x1024xf32>,
    %get3A_38 = arith.constant 0 : index
    %get3A_39 = arith.constant 0 : index
    %get3A_40 = vector.load %arg4[%get3A_38, %get3A_39] : memref<128x64xf32, #tpu.memory_space<vmem>>, vector<128x64xf32>
    %get3A_41 = arith.constant 2 : index
    %get3A_42 = arith.constant 0 : index
    %get3A_43 = arith.constant 0 : index
    %get3A_44 = vector.load %arg3[%get3A_41, %get3A_42, %get3A_43] : memref<8x1024x128xf32, #tpu.memory_space<vmem>>, vector<1x1024x128xf32>
    %get3A_45 = vector.shape_cast %get3A_44 : vector<1x1024x128xf32> to vector<1024x128xf32>
    %dot_general3A_46 = arith.constant dense<0.000000e+00> : vector<64x1024xf32>
    %dot_general3A_47 = tpu.matmul %get3A_40, %get3A_45, %dot_general3A_46 {dimension_numbers = #tpu.dot_dimension_numbers<[0], [1], [1], [0], [0, 1, 1, 0], [], []>, transpose_lhs_hint = false} : vector<128x64xf32>, vector<1024x128xf32>, vector<64x1024xf32> -> vector<64x1024xf32>
    %get3A_48 = arith.constant 0 : index
    %get3A_49 = arith.constant 0 : index
    %get3A_50 = vector.load %arg5[%get3A_48, %get3A_49] : memref<64x1xf32, #tpu.memory_space<vmem>>, vector<64x1xf32>
    %add3A_51 = vector.broadcast %get3A_50 : vector<64x1xf32> to vector<64x1024xf32>
    %add3A_52 = arith.addf %dot_general3A_47, %add3A_51 : vector<64x1024xf32>
    %swap3A_53 = arith.constant 2 : index
    %swap3A_54 = arith.constant 0 : index
    %swap3A_55 = arith.constant 0 : index
    %swap3A_56 = vector.load %arg6[%swap3A_53, %swap3A_54, %swap3A_55] : memref<8x64x1024xf32, #tpu.memory_space<vmem>>, vector<1x64x1024xf32>
    %swap3A_57 = vector.shape_cast %swap3A_56 : vector<1x64x1024xf32> to vector<64x1024xf32>
    %swap3A_58 = vector.shape_cast %add3A_52 : vector<64x1024xf32> to vector<1x64x1024xf32>
    tpu.vector_store %arg6[%swap3A_53, %swap3A_54, %swap3A_55], %swap3A_58 {strides = array<i32>} : memref<8x64x1024xf32, #tpu.memory_space<vmem>>, vector<1x64x1024xf32>,
    %get3A_59 = arith.constant 0 : index
    %get3A_60 = arith.constant 0 : index
    %get3A_61 = vector.load %arg4[%get3A_59, %get3A_60] : memref<128x64xf32, #tpu.memory_space<vmem>>, vector<128x64xf32>
    %get3A_62 = arith.constant 3 : index
    %get3A_63 = arith.constant 0 : index
    %get3A_64 = arith.constant 0 : index
    %get3A_65 = vector.load %arg3[%get3A_62, %get3A_63, %get3A_64] : memref<8x1024x128xf32, #tpu.memory_space<vmem>>, vector<1x1024x128xf32>
    %get3A_66 = vector.shape_cast %get3A_65 : vector<1x1024x128xf32> to vector<1024x128xf32>
    %dot_general3A_67 = arith.constant dense<0.000000e+00> : vector<64x1024xf32>
    %dot_general3A_68 = tpu.matmul %get3A_61, %get3A_66, %dot_general3A_67 {dimension_numbers = #tpu.dot_dimension_numbers<[0], [1], [1], [0], [0, 1, 1, 0], [], []>, transpose_lhs_hint = false} : vector<128x64xf32>, vector<1024x128xf32>, vector<64x1024xf32> -> vector<64x1024xf32>
    %get3A_69 = arith.constant 0 : index
    %get3A_70 = arith.constant 0 : index
    %get3A_71 = vector.load %arg5[%get3A_69, %get3A_70] : memref<64x1xf32, #tpu.memory_space<vmem>>, vector<64x1xf32>
    %add3A_72 = vector.broadcast %get3A_71 : vector<64x1xf32> to vector<64x1024xf32>
    %add3A_73 = arith.addf %dot_general3A_68, %add3A_72 : vector<64x1024xf32>
    %swap3A_74 = arith.constant 3 : index
    %swap3A_75 = arith.constant 0 : index
    %swap3A_76 = arith.constant 0 : index
    %swap3A_77 = vector.load %arg6[%swap3A_74, %swap3A_75, %swap3A_76] : memref<8x64x1024xf32, #tpu.memory_space<vmem>>, vector<1x64x1024xf32>
    %swap3A_78 = vector.shape_cast %swap3A_77 : vector<1x64x1024xf32> to vector<64x1024xf32>
    %swap3A_79 = vector.shape_cast %add3A_73 : vector<64x1024xf32> to vector<1x64x1024xf32>
    tpu.vector_store %arg6[%swap3A_74, %swap3A_75, %swap3A_76], %swap3A_79 {strides = array<i32>} : memref<8x64x1024xf32, #tpu.memory_space<vmem>>, vector<1x64x1024xf32>,
    %get3A_80 = arith.constant 0 : index
    %get3A_81 = arith.constant 0 : index
    %get3A_82 = vector.load %arg4[%get3A_80, %get3A_81] : memref<128x64xf32, #tpu.memory_space<vmem>>, vector<128x64xf32>
    %get3A_83 = arith.constant 4 : index
    %get3A_84 = arith.constant 0 : index
    %get3A_85 = arith.constant 0 : index
    %get3A_86 = vector.load %arg3[%get3A_83, %get3A_84, %get3A_85] : memref<8x1024x128xf32, #tpu.memory_space<vmem>>, vector<1x1024x128xf32>
    %get3A_87 = vector.shape_cast %get3A_86 : vector<1x1024x128xf32> to vector<1024x128xf32>
    %dot_general3A_88 = arith.constant dense<0.000000e+00> : vector<64x1024xf32>
    %dot_general3A_89 = tpu.matmul %get3A_82, %get3A_87, %dot_general3A_88 {dimension_numbers = #tpu.dot_dimension_numbers<[0], [1], [1], [0], [0, 1, 1, 0], [], []>, transpose_lhs_hint = false} : vector<128x64xf32>, vector<1024x128xf32>, vector<64x1024xf32> -> vector<64x1024xf32>
    %get3A_90 = arith.constant 0 : index
    %get3A_91 = arith.constant 0 : index
    %get3A_92 = vector.load %arg5[%get3A_90, %get3A_91] : memref<64x1xf32, #tpu.memory_space<vmem>>, vector<64x1xf32>
    %add3A_93 = vector.broadcast %get3A_92 : vector<64x1xf32> to vector<64x1024xf32>
    %add3A_94 = arith.addf %dot_general3A_89, %add3A_93 : vector<64x1024xf32>
    %swap3A_95 = arith.constant 4 : index
    %swap3A_96 = arith.constant 0 : index
    %swap3A_97 = arith.constant 0 : index
    %swap3A_98 = vector.load %arg6[%swap3A_95, %swap3A_96, %swap3A_97] : memref<8x64x1024xf32, #tpu.memory_space<vmem>>, vector<1x64x1024xf32>
    %swap3A_99 = vector.shape_cast %swap3A_98 : vector<1x64x1024xf32> to vector<64x1024xf32>
    %swap3A_100 = vector.shape_cast %add3A_94 : vector<64x1024xf32> to vector<1x64x1024xf32>
    tpu.vector_store %arg6[%swap3A_95, %swap3A_96, %swap3A_97], %swap3A_100 {strides = array<i32>} : memref<8x64x1024xf32, #tpu.memory_space<vmem>>, vector<1x64x1024xf32>,
    %get3A_101 = arith.constant 0 : index
    %get3A_102 = arith.constant 0 : index
    %get3A_103 = vector.load %arg4[%get3A_101, %get3A_102] : memref<128x64xf32, #tpu.memory_space<vmem>>, vector<128x64xf32>
    %get3A_104 = arith.constant 5 : index
    %get3A_105 = arith.constant 0 : index
    %get3A_106 = arith.constant 0 : index
    %get3A_107 = vector.load %arg3[%get3A_104, %get3A_105, %get3A_106] : memref<8x1024x128xf32, #tpu.memory_space<vmem>>, vector<1x1024x128xf32>
    %get3A_108 = vector.shape_cast %get3A_107 : vector<1x1024x128xf32> to vector<1024x128xf32>
    %dot_general3A_109 = arith.constant dense<0.000000e+00> : vector<64x1024xf32>
    %dot_general3A_110 = tpu.matmul %get3A_103, %get3A_108, %dot_general3A_109 {dimension_numbers = #tpu.dot_dimension_numbers<[0], [1], [1], [0], [0, 1, 1, 0], [], []>, transpose_lhs_hint = false} : vector<128x64xf32>, vector<1024x128xf32>, vector<64x1024xf32> -> vector<64x1024xf32>
    %get3A_111 = arith.constant 0 : index
    %get3A_112 = arith.constant 0 : index
    %get3A_113 = vector.load %arg5[%get3A_111, %get3A_112] : memref<64x1xf32, #tpu.memory_space<vmem>>, vector<64x1xf32>
    %add3A_114 = vector.broadcast %get3A_113 : vector<64x1xf32> to vector<64x1024xf32>
    %add3A_115 = arith.addf %dot_general3A_110, %add3A_114 : vector<64x1024xf32>
    %swap3A_116 = arith.constant 5 : index
    %swap3A_117 = arith.constant 0 : index
    %swap3A_118 = arith.constant 0 : index
    %swap3A_119 = vector.load %arg6[%swap3A_116, %swap3A_117, %swap3A_118] : memref<8x64x1024xf32, #tpu.memory_space<vmem>>, vector<1x64x1024xf32>
    %swap3A_120 = vector.shape_cast %swap3A_119 : vector<1x64x1024xf32> to vector<64x1024xf32>
    %swap3A_121 = vector.shape_cast %add3A_115 : vector<64x1024xf32> to vector<1x64x1024xf32>
    tpu.vector_store %arg6[%swap3A_116, %swap3A_117, %swap3A_118], %swap3A_121 {strides = array<i32>} : memref<8x64x1024xf32, #tpu.memory_space<vmem>>, vector<1x64x1024xf32>,
    %get3A_122 = arith.constant 0 : index
    %get3A_123 = arith.constant 0 : index
    %get3A_124 = vector.load %arg4[%get3A_122, %get3A_123] : memref<128x64xf32, #tpu.memory_space<vmem>>, vector<128x64xf32>
    %get3A_125 = arith.constant 6 : index
    %get3A_126 = arith.constant 0 : index
    %get3A_127 = arith.constant 0 : index
    %get3A_128 = vector.load %arg3[%get3A_125, %get3A_126, %get3A_127] : memref<8x1024x128xf32, #tpu.memory_space<vmem>>, vector<1x1024x128xf32>
    %get3A_129 = vector.shape_cast %get3A_128 : vector<1x1024x128xf32> to vector<1024x128xf32>
    %dot_general3A_130 = arith.constant dense<0.000000e+00> : vector<64x1024xf32>
    %dot_general3A_131 = tpu.matmul %get3A_124, %get3A_129, %dot_general3A_130 {dimension_numbers = #tpu.dot_dimension_numbers<[0], [1], [1], [0], [0, 1, 1, 0], [], []>, transpose_lhs_hint = false} : vector<128x64xf32>, vector<1024x128xf32>, vector<64x1024xf32> -> vector<64x1024xf32>
    %get3A_132 = arith.constant 0 : index
    %get3A_133 = arith.constant 0 : index
    %get3A_134 = vector.load %arg5[%get3A_132, %get3A_133] : memref<64x1xf32, #tpu.memory_space<vmem>>, vector<64x1xf32>
    %add3A_135 = vector.broadcast %get3A_134 : vector<64x1xf32> to vector<64x1024xf32>
    %add3A_136 = arith.addf %dot_general3A_131, %add3A_135 : vector<64x1024xf32>
    %swap3A_137 = arith.constant 6 : index
    %swap3A_138 = arith.constant 0 : index
    %swap3A_139 = arith.constant 0 : index
    %swap3A_140 = vector.load %arg6[%swap3A_137, %swap3A_138, %swap3A_139] : memref<8x64x1024xf32, #tpu.memory_space<vmem>>, vector<1x64x1024xf32>
    %swap3A_141 = vector.shape_cast %swap3A_140 : vector<1x64x1024xf32> to vector<64x1024xf32>
    %swap3A_142 = vector.shape_cast %add3A_136 : vector<64x1024xf32> to vector<1x64x1024xf32>
    tpu.vector_store %arg6[%swap3A_137, %swap3A_138, %swap3A_139], %swap3A_142 {strides = array<i32>} : memref<8x64x1024xf32, #tpu.memory_space<vmem>>, vector<1x64x1024xf32>,
    %get3A_143 = arith.constant 0 : index
    %get3A_144 = arith.constant 0 : index
    %get3A_145 = vector.load %arg4[%get3A_143, %get3A_144] : memref<128x64xf32, #tpu.memory_space<vmem>>, vector<128x64xf32>
    %get3A_146 = arith.constant 7 : index
    %get3A_147 = arith.constant 0 : index
    %get3A_148 = arith.constant 0 : index
    %get3A_149 = vector.load %arg3[%get3A_146, %get3A_147, %get3A_148] : memref<8x1024x128xf32, #tpu.memory_space<vmem>>, vector<1x1024x128xf32>
    %get3A_150 = vector.shape_cast %get3A_149 : vector<1x1024x128xf32> to vector<1024x128xf32>
    %dot_general3A_151 = arith.constant dense<0.000000e+00> : vector<64x1024xf32>
    %dot_general3A_152 = tpu.matmul %get3A_145, %get3A_150, %dot_general3A_151 {dimension_numbers = #tpu.dot_dimension_numbers<[0], [1], [1], [0], [0, 1, 1, 0], [], []>, transpose_lhs_hint = false} : vector<128x64xf32>, vector<1024x128xf32>, vector<64x1024xf32> -> vector<64x1024xf32>
    %get3A_153 = arith.constant 0 : index
    %get3A_154 = arith.constant 0 : index
    %get3A_155 = vector.load %arg5[%get3A_153, %get3A_154] : memref<64x1xf32, #tpu.memory_space<vmem>>, vector<64x1xf32>
    %add3A_156 = vector.broadcast %get3A_155 : vector<64x1xf32> to vector<64x1024xf32>
    %add3A_157 = arith.addf %dot_general3A_152, %add3A_156 : vector<64x1024xf32>
    %swap3A_158 = arith.constant 7 : index
    %swap3A_159 = arith.constant 0 : index
    %swap3A_160 = arith.constant 0 : index
    %swap3A_161 = vector.load %arg6[%swap3A_158, %swap3A_159, %swap3A_160] : memref<8x64x1024xf32, #tpu.memory_space<vmem>>, vector<1x64x1024xf32>
    %swap3A_162 = vector.shape_cast %swap3A_161 : vector<1x64x1024xf32> to vector<64x1024xf32>
    %swap3A_163 = vector.shape_cast %add3A_157 : vector<64x1024xf32> to vector<1x64x1024xf32>
    tpu.vector_store %arg6[%swap3A_158, %swap3A_159, %swap3A_160], %swap3A_163 {strides = array<i32>} : memref<8x64x1024xf32, #tpu.memory_space<vmem>>, vector<1x64x1024xf32>,
    return
  }
  func.func @transform_1(%arg0: i32, %arg1: i32) -> (i32, i32, i32) {
    %c0_i32 = arith.constant 0 : i32
    %c0_i32_0 = arith.constant 0 : i32
    return %arg0, %arg1, %c0_i32 : i32, i32, i32
  }
  func.func @transform_2(%arg0: i32, %arg1: i32) -> (i32, i32) {
    %c0_i32 = arith.constant 0 : i32
    %c0_i32_0 = arith.constant 0 : i32
    %c0_i32_1 = arith.constant 0 : i32
    return %c0_i32, %c0_i32_0 : i32, i32
  }
  func.func @transform_3(%arg0: i32, %arg1: i32) -> (i32, i32) {
    %c0_i32 = arith.constant 0 : i32
    %c0_i32_0 = arith.constant 0 : i32
    %c0_i32_1 = arith.constant 0 : i32
    return %c0_i32, %c0_i32_0 : i32, i32
  }
  func.func @transform_4(%arg0: i32, %arg1: i32) -> (i32, i32, i32) {
    %add3A = arith.constant 20 : i32
    %add3A_0 = arith.addi %add3A, %arg0 : i32
    %c0_i32 = arith.constant 0 : i32
    %c0_i32_1 = arith.constant 0 : i32
    return %add3A_0, %c0_i32, %arg1 : i32, i32, i32
  }
}

</mosaic_0001>

<sc_bundles>
// kernel: kernel.13.cloned.1.call-start
scs
__scs_entry_jumppad:
0x0: {  	(pc) =	sbr.rel $0x88, $3  }
0x1: {  	(tag) =	ssettag $0x0;
	lr =	simm.s32 $0x1  }
0x2: {  	[smem:$0x3F9B] =	sst lr;
	_ =	strace $0xD0000000  }
0x3: {  	_ = 	snop  }
0x4: {  	_ = 	snop  }
0x5: {  	_ = 	snop  }
0x6: {  	_ = 	snop  }
0x7: {  	_ = 	snop  }
__scs_overlays_trampoline_lowered:
0x8: {  	[smem:$0x3FAA] =	sst s0  }
0x9: {  	[smem:$0x3FAB] =	sst s1  }
0xa: {  	[smem:$0x3FAC] =	sst s2  }
0xb: {  	[smem:$0x3FAD] =	sst s3  }
0xc: {  	[smem:$0x3FAE] =	sst s4  }
0xd: {  	[smem:$0x3FAF] =	sst s5  }
0xe: {  	[smem:$0x3FB0] =	sst s6  }
0xf: {  	[smem:$0x3FB1] =	sst s7  }
0x10: {  	[smem:$0x3FB2] =	sst s8  }
0x11: {  	[smem:$0x3FB3] =	sst s9;
	s0 =	simm.s32 @!p0 $0x0  }
0x12: {  	s1 =	sld [smem:$0x3F99];
	s0 =	simm.s32 @p0 $0x1  }
0x13: {  	[smem:$0x3FB4] =	sst s0;
	s0 =	simm.s32 @!p1 $0x0  }
0x14: {  	s2 =	sld [smem:$0x3F98];
	s0 =	simm.s32 @p1 $0x1  }
0x15: {  	[smem:$0x3FB5] =	sst s0;
	s0 =	simm.s32 @!p2 $0x0  }
0x16: {  	s3 =	sld [smem:$0x3FDB];
	s0 =	simm.s32 @p2 $0x1  }
0x17: {  	s4 =	simm.s32 $0x1BF5;
	[smem:$0x3FB7] =	sst s0  }
0x18: {  	s0 =	sld [smem:$0x3F9A];
	_ =	swait.ge [sflag:s4], $0x0  }
0x19: {  	s7 =	sld [smem:$0x3F9B]  }
0x1a: {  	s8 =	sadd.s32 $0xFFFFE003, lr  }
0x1b: {  	s9 =	sadd.s32 $0xFFFFFEF7, lr;
	s5 =	simm.s32 $0xFFFFFFFF;
	p2 =	slt.u32 s8, $0xFFFFF086  }
0x1c: {  	p1 =	slt.u32 s9, $0xF7A;
	s5 =	simm.s32 @!p2 $0x0  }
0x1d: {  	s5 =	simm.s32 @p1 $0x1;
	p0 =	seq.s32 s7, s2  }
0x1e: {  	s7 =	smul.u32 @!p0 $0xF7A, s2;
	p2 =	seq.s32 @!p0 s5, $0x0  }
0x1f: {  	s9 =	smul.u32 $0xF7A, s1;
	s8 =	simm.s32 @!p0 $0x1BF5;
	p2 =	por !p2, p0  }
0x20: {  	[sflag:s8] =	ssyncset.s32 @!p0 $0xFFFFF086;
	s6 =	sadd.s32 @!p0 s3, s7;
	s7 =	simm.s32 @!p0 $0x108  }
0x21: {  	s3 =	sadd.s32 s3, s9;
	s6 =	sadd.s32 @!p0 $0x88, s6;
	s7 =	simm.s32 @p2 $0x1082  }
0x22: {  	[simem:s7], [sflag:s8] =	dma.local @!p0 [hbm:s6], $0xF7A  }
0x23: {  	s9 =	sor.u32 $0xD0000000, s2;
	s6 =	simm.s32 $0x108;
	_ =	swait.ge @!p0 [sflag:s8], $0x0  }
0x24: {  	s3 =	sadd.s32 $0x88, s3;
	s6 =	simm.s32 @!p1 $0x1082;
	[sflag:s4] =	ssyncset.s32 $0xFFFFF086  }
0x25: {  	[simem:s6], [sflag:s4] =	dma.local [hbm:s3], $0xF7A  }
0x26: {  	[smem:$0x3F9B] =	sst s1;
	(tag) =	ssettag s2;
	_ =	strace s9  }
0x27: {  	s1 =	sld [smem:$0x3FAB]  }
0x28: {  	s2 =	sld [smem:$0x3FAC]  }
0x29: {  	s4 =	sld [smem:$0x3FAE]  }
0x2a: {  	p0 =	seq.s32 s5, $0x0;
	s5 =	sld [smem:$0x3FAF]  }
0x2b: {  	s6 =	sld [smem:$0x3FB0]  }
0x2c: {  	s7 =	sld [smem:$0x3FB1]  }
0x2d: {  	s3 =	simm.s32 $0x108;
	s8 =	sld [smem:$0x3FB2]  }
0x2e: {  	s3 =	simm.s32 @!p0 $0x1082;
	s9 =	sld [smem:$0x3FB3]  }
0x2f: {  	lr =	sadd.s32 s0, s3;
	s0 =	sld [smem:$0x3FAA]  }
0x30: {  	s3 =	sld [smem:$0x3FAD]  }
0x31: {  	[smem:$0x3FB6] =	sst s10  }
0x32: {  	s10 =	sld [smem:$0x3FB4];
	_ =	sdelay $0x3  }
0x33: {  	p0 =	seq.s32 s10, $0x1;
	s10 =	sld [smem:$0x3FB6];
	_ =	sdelay $0x3  }
0x34: {  	[smem:$0x3FB6] =	sst s10  }
0x35: {  	s10 =	sld [smem:$0x3FB5];
	_ =	sdelay $0x3  }
0x36: {  	p1 =	seq.s32 s10, $0x1;
	s10 =	sld [smem:$0x3FB6];
	_ =	sdelay $0x3  }
0x37: {  	[smem:$0x3FB6] =	sst s10  }
0x38: {  	s10 =	sld [smem:$0x3FB7]  }
0x39: {  	_ = 	snop;
	(pc) =	sbr.ind lr, $3  }
0x3a: {  	_ = 	snop  }
0x3b: {  	_ = 	snop  }
0x3c: {  	p2 =	seq.s32 s10, $0x1;
	s10 =	sld [smem:$0x3FB6]  }
0x3d: {  	_ =	shalt  }
0x3e: {  	_ =	shalt  }
0x3f: {  	_ =	shalt  }
0x40: {  	_ =	shalt  }
0x41: {  	_ =	shalt  }
0x42: {  	_ =	shalt  }
0x43: {  	_ =	shalt  }
0x44: {  	_ =	shalt  }
0x45: {  	_ =	shalt  }
0x46: {  	_ =	shalt  }
0x47: {  	_ =	shalt  }
0x48: {  	_ =	shalt  }
0x49: {  	_ =	shalt  }
0x4a: {  	_ =	shalt  }
0x4b: {  	_ =	shalt  }
0x4c: {  	_ =	shalt  }
0x4d: {  	_ =	shalt  }
0x4e: {  	_ =	shalt  }
0x4f: {  	_ =	shalt  }
0x50: {  	_ =	shalt  }
0x51: {  	_ =	shalt  }
0x52: {  	_ =	shalt  }
0x53: {  	_ =	shalt  }
0x54: {  	_ =	shalt  }
0x55: {  	_ =	shalt  }
0x56: {  	_ =	shalt  }
0x57: {  	_ =	shalt  }
0x58: {  	_ =	shalt  }
0x59: {  	_ =	shalt  }
0x5a: {  	_ =	shalt  }
0x5b: {  	_ =	shalt  }
0x5c: {  	_ =	shalt  }
0x5d: {  	_ =	shalt  }
0x5e: {  	_ =	shalt  }
0x5f: {  	_ =	shalt  }
0x60: {  	_ =	shalt  }
0x61: {  	_ =	shalt  }
0x62: {  	_ =	shalt  }
0x63: {  	_ =	shalt  }
0x64: {  	_ =	shalt  }
0x65: {  	_ =	shalt  }
0x66: {  	_ =	shalt  }
0x67: {  	_ =	shalt  }
0x68: {  	_ =	shalt  }
0x69: {  	_ =	shalt  }
0x6a: {  	_ =	shalt  }
0x6b: {  	_ =	shalt  }
0x6c: {  	_ =	shalt  }
0x6d: {  	_ =	shalt  }
0x6e: {  	_ =	shalt  }
0x6f: {  	_ =	shalt  }
0x70: {  	_ =	shalt  }
0x71: {  	_ =	shalt  }
0x72: {  	_ =	shalt  }
0x73: {  	_ =	shalt  }
0x74: {  	_ =	shalt  }
0x75: {  	_ =	shalt  }
0x76: {  	_ =	shalt  }
0x77: {  	_ =	shalt  }
0x78: {  	_ =	shalt  }
0x79: {  	_ =	shalt  }
0x7a: {  	_ =	shalt  }
0x7b: {  	_ =	shalt  }
0x7c: {  	_ =	shalt  }
0x7d: {  	_ =	shalt  }
0x7e: {  	_ =	shalt  }
0x7f: {  	_ =	shalt  }
0x80: {  	_ =	shalt  }
0x81: {  	_ =	shalt  }
0x82: {  	_ =	shalt  }
0x83: {  	_ =	shalt  }
0x84: {  	_ =	shalt  }
0x85: {  	_ =	shalt  }
0x86: {  	_ =	shalt  }
0x87: {  	_ =	shalt  }
.Lfunc_end0:
.L_simem_size_0:
called_computation_lowered:
.L_overlay_start_0:
0x88: {  	s2 =	sld [smem:$0x3FD9]  }
0x89: {  	s3 =	sld [smem:$0x3FFE];
	_ =	sdelay $0x1  }
0x8a: {  	s1 =	srdreg.scid  }
0x8b: {  	s0 =	sand.u32 $0x1, s1  }
0x8c: {  	s16 =	sshll.u32 s0, $0xA;
	s2 =	sadd.s32 s3, s2  }
0x8d: {  	s2 =	sadd.s32 s2, s16  }
0x8e: {  	[smem:$0x3FC2] =	sst s2  }
0x8f: {  	_ = 	snop  }
0x90: {  	(tm) =	ssettm $0x1  }
0x91: {  	s17 =	sld [smem:$0x3FFB];
	_ =	sdelay $0x3  }
0x92: {  	_ =	strace s17  }
0x93: {  	s2 =	sld [smem:$0x3FFC];
	_ =	sdelay $0x3  }
0x94: {  	_ =	strace s2  }
0x95: {  	s2 =	sld [smem:$0x3FFD];
	_ =	sdelay $0x3  }
0x96: {  	_ =	strace s2  }
0x97: {  	_ =	strace $0x8FFFFFFF  }
0x98: {  	s18 =	sld [smem:$0x3FDB];
	_ =	sdelay $0x1  }
0x99: {  	s19 =	simm.s32 $_scs_section_size  }
0x9a: {  	s4 =	simm.s32 $_size__tile_overlayer_lowered;
	s5 =	simm.s32 $_tile_overlayer_lowered  }
0x9b: {  	s22 =	simm.s32 $0x1BFF;
	s21 =	sshll.u32 s5, $0x1;
	s2 =	sadd.s32 s19, s18  }
0x9c: {  	s6 =	simm.s32 $0x0;
	s20 =	sshll.u32 s4, $0x1;
	s4 =	sadd.s32 s21, s2  }
0x9d: {  	[timem:s6], [sflag:s22] =	dma.local [hbm:s4], s20  }
0x9e: {  	_ =	swait.ge [sflag:s22], s20  }
0x9f: {  	s3 =	ssub.s32 $0x0, s20;
	[sflag:s22] =	ssyncset.done $0x0  }
0xa0: {  	[sflag:s22] =	ssyncadd.s32 s3;
	_ =	sdelay $0x1  }
0xa1: {  	s23 =	simm.s32 $0x1B8B  }
0xa2: {  	_ =	swait.ge [sflag:s23], $0x1  }
0xa3: {  	[sflag:s23] =	ssyncset.done $0x0  }
0xa4: {  	s25 =	simm.s32 $0x1B8E;
	s24 =	sld [smem:$0x3FFE];
	[sflag:s23] =	ssyncadd.s32 $0xFFFFFFFF  }
0xa5: {  	s26 =	simm.s32 $execute0_lowered;
	[smem:$0x3FD2] =	sst s25  }
0xa6: {  	s4 =	sshll.u32 s26, $0x1;
	_ =	strace $0x80000046;
	[dreg:$0x1] =	wrdreg $0xFFFFFFFF  }
0xa7: {  	s28 =	simm.s32 $_size_execute0_lowered;
	s2 =	sadd.s32 s2, s4;
	[dreg:$0x0] =	wrdreg $0x0  }
0xa8: {  	s4 =	sshll.u32 s28, $0x1;
	[dreg:$0x2] =	wrdreg s2  }
0xa9: {  	[dreg:$0x3] =	wrdreg s4  }
0xaa: {  	[dreg:$0x4] =	wrdreg $0xC0  }
0xab: {  	_ =	task [dreg:s6], $0x5FFFF  }
0xac: {  	[dreg:$0x1] =	wrdreg $0xFFFFFFFF  }
0xad: {  	[dreg:$0x0] =	wrdreg $0x60  }
0xae: {  	[dreg:$0x2] =	wrdreg s24  }
0xaf: {  	[dreg:$0x3] =	wrdreg $0x9  }
0xb0: {  	_ =	task.clear_ibuf [dreg:s6], $0x4FFFF;
	_ =	strace $0x90000046  }
0xb1: {  	s29 =	simm.s32 $0x9;
	_ =	strace $0x80000048  }
0xb2: {  	_ =	swait.ge [sflag:s29], $0x1  }
0xb3: {  	[sflag:s29] =	ssyncadd.s32 $0xFFFFFFFF  }
0xb4: {  	_ =	strace $0x90000048  }
0xb5: {  	_ =	sfence  }
0xb6: {  	s30 =	sld [smem:$0x0];
	_ =	sdelay $0x2  }
0xb7: {  	s31 =	sshll.u32 s1, $0xD;
	s1 =	sshrl.u32 s1, $0x2  }
0xb8: {  	s3 =	sand.u32 $0x4000, s31;
	s1 =	sadd.s32 s1, s30  }
0xb9: {  	s0 =	sor.u32 s3, s0;
	s1 =	sshll.u32 s1, $0x11  }
0xba: {  	s0 =	sor.u32 s1, s0  }
0xbb: {  	s0 =	sadd.s32 $0x8F2B, s0  }
0xbc: {  	[sflag:s0] =	ssyncadd.remote.s32 $0x1  }
0xbd: {  	_ =	sfence.sel $0xFFFF  }
0xbe: {  	[dreg:$0x0] =	wrdreg $0xFFFFFFFF;
	(pc) =	sbr.abs _section_cstart, $3  }
0xbf: {  	[dreg:$0x1] =	wrdreg $0xFFFFFFFF  }
0xc0: {  	_ =	task.clear_ibuf [dreg:s6], $0x2FFFF;
	_ =	strace $0x9FFFFFFF  }
0xc1: {  	(tm) =	ssettm $0x7FFFFFFF  }
tec
execute0_lowered:
.L_overlay_start_1:
0x0: {  	(tag) =	ssettag $0x1  }
0x1: {  	s1 =	srdreg.scid  }
0x2: {  	s0 =	stileid.u32;
	s4 =	rddreg [dreg:$0x0];
	s2 =	simm.s32 $0x0  }
0x3: {  	s12 =	simm.s32 $0x1400;
	s13 =	simm.s32 $0x5400;
	s14 =	simm.s32 $0x1  }
0x4: {  	s15 =	simm.s32 $0x100;
	s16 =	simm.s32 $0x9400;
	s17 =	simm.s32 $0x180  }
0x5: {  	s18 =	simm.s32 $0xD400;
	s19 =	simm.s32 $0x2;
	s20 =	simm.s32 $0x3  }
0x6: {  	s21 =	simm.s32 $0x0;
	s5 =	sand.u32 $0x1, s1;
	s1 =	rddreg [dreg:$0x1]  }
0x7: {  	s3 =	sshll.u32 s0, $0x1;
	[smem:$0x7FF] =	sst s2;
	s8 =	smul.u32 $0x140000, s0  }
0x8: {  	s6 =	sor.u32 s5, s3;
	s9 =	ssub.s32 $0x2, s5;
	s5 =	smul.u32 $0xA0000, s5  }
0x9: {  	s10 =	sadd.s32 $0x19D000, s4;
	_ =	strace $0x80000047;
	s7 =	smul.u32 $0x280, s6  }
0xa: {  	s3 =	sadd.s32 $0x16600, s4;
	s30 =	sshrl.u32 s9, $0x1;
	s6 =	smul.u32 $0x14000, s6  }
0xb: {  	s9 =	ssub.s32 s9, s30;
	s31 =	sadd.s32 s5, s8;
	s7 =	sadd.s32 s7, s4  }
0xc: {  	s5 =	sadd.s32 s10, s6;
	s8 =	sor.u32 $0x10000, s31;
	s4 =	sadd.s32 $0x11600, s7  }
0xd: {  	s7 =	sor.u32 $0x18000, s31;
	s6 =	sadd.s32 $0x1000, s5;
	s8 =	sshrl.u32 s8, $0x3  }
0xe: {  	s11 =	sshrl.u32 s7, $0x3;
	s7 =	smax.u32 s9, $0x1;
	s8 =	sadd.s32 s8, s10  }
0xf: {  	s9 =	sadd.s32 s11, s10;
	s10 =	simm.s32 $0x4;
	s11 =	simm.s32 $0x80  }
.LBB2_1:
0x10: {  	[tilespmem:s2], [sflag:$0x4] =	stream.linear.gather [hbm4b:s4+s2], $0x1400, $0x38;
	[tilespmem:$0x11400] =	vst v63  }
0x11: {  	_ =	swait.ge [sflag:s10], $0x1400  }
0x12: {  	[sflag:s10] =	ssyncset.done $0x0  }
0x13: {  	[sflag:s10] =	ssyncadd.s32 $0xFFFFEC00  }
0x14: {  	[tilespmem:s12], [sflag:$0x1] =	stream.indirect.gather [hbm4b:s3+s11], $0x80, s2, s11, $0xb8;
	[tilespmem:$0x11400] =	vst v63  }
0x15: {  	_ = 	snop  }
0x16: {  	[tilespmem:s13], [sflag:$0x1] =	stream.indirect.gather [hbm4b:s3+s11], $0x80, s11, s11, $0xb8;
	[tilespmem:$0x11400] =	vst v63  }
0x17: {  	_ =	swait.ge [sflag:s14], $0x4000  }
0x18: {  	[sflag:s14] =	ssyncset.done $0x0  }
0x19: {  	[sflag:s14] =	ssyncadd.s32 $0xFFFFC000  }
0x1a: {  	_ =	swait.ge [sflag:s14], $0x4000  }
0x1b: {  	[sflag:s14] =	ssyncset.done $0x0  }
0x1c: {  	[sflag:s14] =	ssyncadd.s32 $0xFFFFC000  }
0x1d: {  	[hbm4b:s5+s2] =	stream.linear.scatter [tilespmem:s12], [sflag:$0x2], $0x8000, $0x38;
	[tilespmem:$0x11400] =	vst v63  }
0x1e: {  	_ = 	snop  }
0x1f: {  	[tilespmem:s16], [sflag:$0x1] =	stream.indirect.gather [hbm4b:s3+s11], $0x80, s15, s11, $0xb8;
	[tilespmem:$0x11400] =	vst v63  }
0x20: {  	_ = 	snop  }
0x21: {  	[tilespmem:s18], [sflag:$0x1] =	stream.indirect.gather [hbm4b:s3+s11], $0x80, s17, s11, $0xb8;
	[tilespmem:$0x11400] =	vst v63  }
0x22: {  	_ =	swait.ge [sflag:s14], $0x4000  }
0x23: {  	[sflag:s14] =	ssyncset.done $0x0  }
0x24: {  	[sflag:s14] =	ssyncadd.s32 $0xFFFFC000  }
0x25: {  	_ =	swait.ge [sflag:s14], $0x4000  }
0x26: {  	[sflag:s14] =	ssyncset.done $0x0  }
0x27: {  	[sflag:s14] =	ssyncadd.s32 $0xFFFFC000  }
0x28: {  	[hbm4b:s6+s2] =	stream.linear.scatter [tilespmem:s16], [sflag:$0x3], $0x8000, $0x38;
	[tilespmem:$0x11400] =	vst v63  }
0x29: {  	_ =	swait.ge [sflag:s19], $0x8000  }
0x2a: {  	[sflag:s19] =	ssyncset.done $0x0  }
0x2b: {  	s22 =	simm.s32 $0x200;
	[sflag:s19] =	ssyncadd.s32 $0xFFFF8000  }
0x2c: {  	[tilespmem:s12], [sflag:$0x1] =	stream.indirect.gather [hbm4b:s3+s11], $0x80, s22, s11, $0xb8;
	[tilespmem:$0x11400] =	vst v63  }
0x2d: {  	s29 =	simm.s32 $0x280  }
0x2e: {  	[tilespmem:s13], [sflag:$0x1] =	stream.indirect.gather [hbm4b:s3+s11], $0x80, s29, s11, $0xb8;
	[tilespmem:$0x11400] =	vst v63  }
0x2f: {  	_ =	swait.ge [sflag:s14], $0x4000  }
0x30: {  	[sflag:s14] =	ssyncset.done $0x0  }
0x31: {  	[sflag:s14] =	ssyncadd.s32 $0xFFFFC000  }
0x32: {  	_ =	swait.ge [sflag:s14], $0x4000  }
0x33: {  	[sflag:s14] =	ssyncset.done $0x0  }
0x34: {  	[sflag:s14] =	ssyncadd.s32 $0xFFFFC000  }
0x35: {  	[hbm4b:s8+s2] =	stream.linear.scatter [tilespmem:s12], [sflag:$0x2], $0x8000, $0x38;
	[tilespmem:$0x11400] =	vst v63  }
0x36: {  	_ =	swait.ge [sflag:s20], $0x8000  }
0x37: {  	[sflag:s20] =	ssyncset.done $0x0  }
0x38: {  	s30 =	simm.s32 $0x300;
	[sflag:s20] =	ssyncadd.s32 $0xFFFF8000  }
0x39: {  	[tilespmem:s16], [sflag:$0x1] =	stream.indirect.gather [hbm4b:s3+s11], $0x80, s30, s11, $0xb8;
	[tilespmem:$0x11400] =	vst v63  }
0x3a: {  	s31 =	simm.s32 $0x380  }
0x3b: {  	[tilespmem:s18], [sflag:$0x1] =	stream.indirect.gather [hbm4b:s3+s11], $0x80, s31, s11, $0xb8;
	[tilespmem:$0x11400] =	vst v63  }
0x3c: {  	_ =	swait.ge [sflag:s14], $0x4000  }
0x3d: {  	[sflag:s14] =	ssyncset.done $0x0  }
0x3e: {  	[sflag:s14] =	ssyncadd.s32 $0xFFFFC000  }
0x3f: {  	_ =	swait.ge [sflag:s14], $0x4000  }
0x40: {  	s23 =	sadd.s32 $0x2000, s8;
	s24 =	sadd.s32 $0x2000, s9;
	[sflag:s14] =	ssyncset.done $0x0  }
0x41: {  	s25 =	smov.u32 s9;
	s22 =	simm.s32 $0x800;
	[sflag:s14] =	ssyncadd.s32 $0xFFFFC000  }
.LBB2_2:
0x42: {  	[hbm4b:s25+s2] =	stream.linear.scatter [tilespmem:s16], [sflag:$0x3], $0x8000, $0x38;
	[tilespmem:$0x11400] =	vst v63  }
0x43: {  	s26 =	smov.u32 s22;
	s25 =	smov.u32 s24  }
0x44: {  	p0 =	sne.s32 s22, $0x4000;
	s22 =	sadd.s32 $0x800, s22;
	_ =	swait.ge [sflag:s19], $0x8000  }
0x45: {  	s26 =	sshra.s32 s26, $0x2;
	[sflag:s19] =	ssyncset.done $0x0  }
0x46: {  	s28 =	sadd.s32 $0x200, s26;
	[sflag:s19] =	ssyncadd.s32 $0xFFFF8000  }
0x47: {  	[tilespmem:s12], [sflag:$0x1] =	stream.indirect.gather [hbm4b:s3+s11], $0x80, s28, s11, $0xb8;
	[tilespmem:$0x11400] =	vst v63  }
0x48: {  	s28 =	sadd.s32 $0x280, s26  }
0x49: {  	[tilespmem:s13], [sflag:$0x1] =	stream.indirect.gather [hbm4b:s3+s11], $0x80, s28, s11, $0xb8;
	[tilespmem:$0x11400] =	vst v63  }
0x4a: {  	_ =	swait.ge [sflag:s14], $0x4000  }
0x4b: {  	[sflag:s14] =	ssyncset.done $0x0  }
0x4c: {  	[sflag:s14] =	ssyncadd.s32 $0xFFFFC000  }
0x4d: {  	_ =	swait.ge [sflag:s14], $0x4000  }
0x4e: {  	[sflag:s14] =	ssyncset.done $0x0  }
0x4f: {  	[sflag:s14] =	ssyncadd.s32 $0xFFFFC000  }
0x50: {  	[hbm4b:s23+s2] =	stream.linear.scatter [tilespmem:s12], [sflag:$0x2], $0x8000, $0x38;
	[tilespmem:$0x11400] =	vst v63  }
0x51: {  	_ =	swait.ge [sflag:s20], $0x8000  }
0x52: {  	[sflag:s20] =	ssyncset.done $0x0  }
0x53: {  	s28 =	sadd.s32 $0x300, s26;
	[sflag:s20] =	ssyncadd.s32 $0xFFFF8000  }
0x54: {  	[tilespmem:s16], [sflag:$0x1] =	stream.indirect.gather [hbm4b:s3+s11], $0x80, s28, s11, $0xb8;
	[tilespmem:$0x11400] =	vst v63  }
0x55: {  	s26 =	sadd.s32 $0x380, s26  }
0x56: {  	[tilespmem:s18], [sflag:$0x1] =	stream.indirect.gather [hbm4b:s3+s11], $0x80, s26, s11, $0xb8;
	[tilespmem:$0x11400] =	vst v63  }
0x57: {  	_ =	swait.ge [sflag:s14], $0x4000  }
.Ltmp0:
0x58: {  	[sflag:s14] =	ssyncset.done $0x0;
	(pc) =	sbr.rel @p0 .LBB2_2-.Ltmp0, $4  }
0x59: {  	[sflag:s14] =	ssyncadd.s32 $0xFFFFC000  }
0x5a: {  	_ =	swait.ge [sflag:s14], $0x4000  }
0x5b: {  	[sflag:s14] =	ssyncset.done $0x0  }
0x5c: {  	s24 =	sadd.s32 $0x2000, s24;
	s23 =	sadd.s32 $0x2000, s23;
	[sflag:s14] =	ssyncadd.s32 $0xFFFFC000  }
0x5d: {  	[hbm4b:s25+s2] =	stream.linear.scatter [tilespmem:s16], [sflag:$0x3], $0x8000, $0x38;
	[tilespmem:$0x11400] =	vst v63  }
0x5e: {  	s21 =	sadd.s32 $0x1, s21  }
0x5f: {  	_ =	swait.ge [sflag:s19], $0x8000;
	p0 =	sne.s32 s21, s7  }
.Ltmp1:
0x60: {  	[sflag:s19] =	ssyncset.done $0x0;
	(pc) =	sbr.rel @p0 .LBB2_1-.Ltmp1, $4  }
0x61: {  	[sflag:s19] =	ssyncadd.s32 $0xFFFF8000  }
0x62: {  	_ =	swait.ge [sflag:s20], $0x8000  }
0x63: {  	[sflag:s20] =	ssyncset.done $0x0  }
0x64: {  	[sflag:s20] =	ssyncadd.s32 $0xFFFF8000  }
0x65: {  	_ =	sfence.sel $0x180000  }
0x66: {  	[bflag:$0x0] =	sbarrier.arrive $0xFFFF  }
0x67: {  	p0 =	sne.s32 s0, $0x0;
	_ =	strace $0x90000047  }
0x68: {  	s0 =	sadd.s32 @!p0 $0x100000, s1;
	[bflag:$0x2] =	sbarrier.arrive $0xFFFF  }
0x69: {  	[sflag:s0] =	ssyncadd.tile.s32 @!p0 $0x1;
	_ =	shalt  }
.Lfunc_end2:
_tile_overlayer_lowered:
.L_overlay_start_2:
0x6a: {  	(tag) =	ssettag $0x2  }
0x6b: {  	s0 =	rddreg [dreg:$0x0];
	s2 =	stileid.u32  }
0x6c: {  	s1 =	rddreg [dreg:$0x1];
	p0 =	sne.s32 s2, $0x0  }
0x6d: {  	s3 =	rddreg [dreg:$0x2];
	[bflag:$0x3] =	sbarrier.arrive $0xFFFF;
	s2 =	simm.s32 @!p0 $0x1C04  }
0x6e: {  	[timem:s3], [sflag:s2] =	dma.local @!p0 [hbm:s0], s1  }
0x6f: {  	s0 =	simm.s32 @!p0 $0x4  }
0x70: {  	_ =	swait.ge @!p0 [sflag:s0], s1  }
0x71: {  	s1 =	ssub.s32 @!p0 $0x0, s1;
	[sflag:s0] =	ssyncset.done @!p0 $0x0  }
0x72: {  	[sflag:s0] =	ssyncadd.s32 @!p0 s1  }
0x73: {  	[bflag:$0x3] =	sbarrier.arrive $0xFFFF  }
0x74: {  	_ =	shalt  }

// kernel: kernel.16.cloned.1.call-start
scs
__scs_entry_jumppad:
0x0: {  	(pc) =	sbr.rel $0x88, $3  }
0x1: {  	(tag) =	ssettag $0x0;
	lr =	simm.s32 $0x1  }
0x2: {  	[smem:$0x3F9B] =	sst lr;
	_ =	strace $0xD0000000  }
0x3: {  	_ = 	snop  }
0x4: {  	_ = 	snop  }
0x5: {  	_ = 	snop  }
0x6: {  	_ = 	snop  }
0x7: {  	_ = 	snop  }
__scs_overlays_trampoline_lowered:
0x8: {  	[smem:$0x3FAA] =	sst s0  }
0x9: {  	[smem:$0x3FAB] =	sst s1  }
0xa: {  	[smem:$0x3FAC] =	sst s2  }
0xb: {  	[smem:$0x3FAD] =	sst s3  }
0xc: {  	[smem:$0x3FAE] =	sst s4  }
0xd: {  	[smem:$0x3FAF] =	sst s5  }
0xe: {  	[smem:$0x3FB0] =	sst s6  }
0xf: {  	[smem:$0x3FB1] =	sst s7  }
0x10: {  	[smem:$0x3FB2] =	sst s8  }
0x11: {  	[smem:$0x3FB3] =	sst s9;
	s0 =	simm.s32 @!p0 $0x0  }
0x12: {  	s1 =	sld [smem:$0x3F99];
	s0 =	simm.s32 @p0 $0x1  }
0x13: {  	[smem:$0x3FB4] =	sst s0;
	s0 =	simm.s32 @!p1 $0x0  }
0x14: {  	s2 =	sld [smem:$0x3F98];
	s0 =	simm.s32 @p1 $0x1  }
0x15: {  	[smem:$0x3FB5] =	sst s0;
	s0 =	simm.s32 @!p2 $0x0  }
0x16: {  	s3 =	sld [smem:$0x3FDB];
	s0 =	simm.s32 @p2 $0x1  }
0x17: {  	s4 =	simm.s32 $0x1BF5;
	[smem:$0x3FB7] =	sst s0  }
0x18: {  	s0 =	sld [smem:$0x3F9A];
	_ =	swait.ge [sflag:s4], $0x0  }
0x19: {  	s7 =	sld [smem:$0x3F9B]  }
0x1a: {  	s8 =	sadd.s32 $0xFFFFE003, lr  }
0x1b: {  	s9 =	sadd.s32 $0xFFFFFEF7, lr;
	s5 =	simm.s32 $0xFFFFFFFF;
	p2 =	slt.u32 s8, $0xFFFFF086  }
0x1c: {  	p1 =	slt.u32 s9, $0xF7A;
	s5 =	simm.s32 @!p2 $0x0  }
0x1d: {  	s5 =	simm.s32 @p1 $0x1;
	p0 =	seq.s32 s7, s2  }
0x1e: {  	s7 =	smul.u32 @!p0 $0xF7A, s2;
	p2 =	seq.s32 @!p0 s5, $0x0  }
0x1f: {  	s9 =	smul.u32 $0xF7A, s1;
	s8 =	simm.s32 @!p0 $0x1BF5;
	p2 =	por !p2, p0  }
0x20: {  	[sflag:s8] =	ssyncset.s32 @!p0 $0xFFFFF086;
	s6 =	sadd.s32 @!p0 s3, s7;
	s7 =	simm.s32 @!p0 $0x108  }
0x21: {  	s3 =	sadd.s32 s3, s9;
	s6 =	sadd.s32 @!p0 $0x88, s6;
	s7 =	simm.s32 @p2 $0x1082  }
0x22: {  	[simem:s7], [sflag:s8] =	dma.local @!p0 [hbm:s6], $0xF7A  }
0x23: {  	s9 =	sor.u32 $0xD0000000, s2;
	s6 =	simm.s32 $0x108;
	_ =	swait.ge @!p0 [sflag:s8], $0x0  }
0x24: {  	s3 =	sadd.s32 $0x88, s3;
	s6 =	simm.s32 @!p1 $0x1082;
	[sflag:s4] =	ssyncset.s32 $0xFFFFF086  }
0x25: {  	[simem:s6], [sflag:s4] =	dma.local [hbm:s3], $0xF7A  }
0x26: {  	[smem:$0x3F9B] =	sst s1;
	(tag) =	ssettag s2;
	_ =	strace s9  }
0x27: {  	s1 =	sld [smem:$0x3FAB]  }
0x28: {  	s2 =	sld [smem:$0x3FAC]  }
0x29: {  	s4 =	sld [smem:$0x3FAE]  }
0x2a: {  	p0 =	seq.s32 s5, $0x0;
	s5 =	sld [smem:$0x3FAF]  }
0x2b: {  	s6 =	sld [smem:$0x3FB0]  }
0x2c: {  	s7 =	sld [smem:$0x3FB1]  }
0x2d: {  	s3 =	simm.s32 $0x108;
	s8 =	sld [smem:$0x3FB2]  }
0x2e: {  	s3 =	simm.s32 @!p0 $0x1082;
	s9 =	sld [smem:$0x3FB3]  }
0x2f: {  	lr =	sadd.s32 s0, s3;
	s0 =	sld [smem:$0x3FAA]  }
0x30: {  	s3 =	sld [smem:$0x3FAD]  }
0x31: {  	[smem:$0x3FB6] =	sst s10  }
0x32: {  	s10 =	sld [smem:$0x3FB4];
	_ =	sdelay $0x3  }
0x33: {  	p0 =	seq.s32 s10, $0x1;
	s10 =	sld [smem:$0x3FB6];
	_ =	sdelay $0x3  }
0x34: {  	[smem:$0x3FB6] =	sst s10  }
0x35: {  	s10 =	sld [smem:$0x3FB5];
	_ =	sdelay $0x3  }
0x36: {  	p1 =	seq.s32 s10, $0x1;
	s10 =	sld [smem:$0x3FB6];
	_ =	sdelay $0x3  }
0x37: {  	[smem:$0x3FB6] =	sst s10  }
0x38: {  	s10 =	sld [smem:$0x3FB7]  }
0x39: {  	_ = 	snop;
	(pc) =	sbr.ind lr, $3  }
0x3a: {  	_ = 	snop  }
0x3b: {  	_ = 	snop  }
0x3c: {  	p2 =	seq.s32 s10, $0x1;
	s10 =	sld [smem:$0x3FB6]  }
0x3d: {  	_ =	shalt  }
0x3e: {  	_ =	shalt  }
0x3f: {  	_ =	shalt  }
0x40: {  	_ =	shalt  }
0x41: {  	_ =	shalt  }
0x42: {  	_ =	shalt  }
0x43: {  	_ =	shalt  }
0x44: {  	_ =	shalt  }
0x45: {  	_ =	shalt  }
0x46: {  	_ =	shalt  }
0x47: {  	_ =	shalt  }
0x48: {  	_ =	shalt  }
0x49: {  	_ =	shalt  }
0x4a: {  	_ =	shalt  }
0x4b: {  	_ =	shalt  }
0x4c: {  	_ =	shalt  }
0x4d: {  	_ =	shalt  }
0x4e: {  	_ =	shalt  }
0x4f: {  	_ =	shalt  }
0x50: {  	_ =	shalt  }
0x51: {  	_ =	shalt  }
0x52: {  	_ =	shalt  }
0x53: {  	_ =	shalt  }
0x54: {  	_ =	shalt  }
0x55: {  	_ =	shalt  }
0x56: {  	_ =	shalt  }
0x57: {  	_ =	shalt  }
0x58: {  	_ =	shalt  }
0x59: {  	_ =	shalt  }
0x5a: {  	_ =	shalt  }
0x5b: {  	_ =	shalt  }
0x5c: {  	_ =	shalt  }
0x5d: {  	_ =	shalt  }
0x5e: {  	_ =	shalt  }
0x5f: {  	_ =	shalt  }
0x60: {  	_ =	shalt  }
0x61: {  	_ =	shalt  }
0x62: {  	_ =	shalt  }
0x63: {  	_ =	shalt  }
0x64: {  	_ =	shalt  }
0x65: {  	_ =	shalt  }
0x66: {  	_ =	shalt  }
0x67: {  	_ =	shalt  }
0x68: {  	_ =	shalt  }
0x69: {  	_ =	shalt  }
0x6a: {  	_ =	shalt  }
0x6b: {  	_ =	shalt  }
0x6c: {  	_ =	shalt  }
0x6d: {  	_ =	shalt  }
0x6e: {  	_ =	shalt  }
0x6f: {  	_ =	shalt  }
0x70: {  	_ =	shalt  }
0x71: {  	_ =	shalt  }
0x72: {  	_ =	shalt  }
0x73: {  	_ =	shalt  }
0x74: {  	_ =	shalt  }
0x75: {  	_ =	shalt  }
0x76: {  	_ =	shalt  }
0x77: {  	_ =	shalt  }
0x78: {  	_ =	shalt  }
0x79: {  	_ =	shalt  }
0x7a: {  	_ =	shalt  }
0x7b: {  	_ =	shalt  }
0x7c: {  	_ =	shalt  }
0x7d: {  	_ =	shalt  }
0x7e: {  	_ =	shalt  }
0x7f: {  	_ =	shalt  }
0x80: {  	_ =	shalt  }
0x81: {  	_ =	shalt  }
0x82: {  	_ =	shalt  }
0x83: {  	_ =	shalt  }
0x84: {  	_ =	shalt  }
0x85: {  	_ =	shalt  }
0x86: {  	_ =	shalt  }
0x87: {  	_ =	shalt  }
.Lfunc_end0:
.L_simem_size_0:
called_computation.1_lowered:
.L_overlay_start_0:
0x88: {  	s2 =	sld [smem:$0x3FD9]  }
0x89: {  	s3 =	sld [smem:$0x3FFE];
	_ =	sdelay $0x1  }
0x8a: {  	s1 =	srdreg.scid  }
0x8b: {  	s0 =	sand.u32 $0x1, s1  }
0x8c: {  	s17 =	sshll.u32 s0, $0xA;
	s2 =	sadd.s32 s3, s2  }
0x8d: {  	s2 =	sadd.s32 s2, s17  }
0x8e: {  	[smem:$0x3FC2] =	sst s2  }
0x8f: {  	_ = 	snop  }
0x90: {  	(tm) =	ssettm $0x1  }
0x91: {  	s18 =	sld [smem:$0x3FFB];
	_ =	sdelay $0x3  }
0x92: {  	_ =	strace s18  }
0x93: {  	s2 =	sld [smem:$0x3FFC];
	_ =	sdelay $0x3  }
0x94: {  	_ =	strace s2  }
0x95: {  	s2 =	sld [smem:$0x3FFD];
	_ =	sdelay $0x3  }
0x96: {  	_ =	strace s2  }
0x97: {  	_ =	strace $0x8FFFFFFF  }
0x98: {  	s19 =	sld [smem:$0x3FDB];
	_ =	sdelay $0x1  }
0x99: {  	s20 =	simm.s32 $_scs_section_size  }
0x9a: {  	s4 =	simm.s32 $_size__tile_overlayer_lowered;
	s5 =	simm.s32 $_tile_overlayer_lowered  }
0x9b: {  	s6 =	simm.s32 $0x1BFF;
	s21 =	sshll.u32 s5, $0x1;
	s3 =	sadd.s32 s20, s19  }
0x9c: {  	s22 =	simm.s32 $0x0;
	s4 =	sshll.u32 s4, $0x1;
	s5 =	sadd.s32 s21, s3  }
0x9d: {  	[timem:s22], [sflag:s6] =	dma.local [hbm:s5], s4  }
0x9e: {  	_ =	swait.ge [sflag:s6], s4  }
0x9f: {  	s4 =	ssub.s32 $0x0, s4;
	[sflag:s6] =	ssyncset.done $0x0  }
0xa0: {  	[sflag:s6] =	ssyncadd.s32 s4;
	_ =	sdelay $0x1  }
0xa1: {  	s23 =	simm.s32 $0x1B8B  }
0xa2: {  	_ =	swait.ge [sflag:s23], $0x1  }
0xa3: {  	[sflag:s23] =	ssyncset.done $0x0  }
0xa4: {  	[sflag:s23] =	ssyncadd.s32 $0xFFFFFFFF  }
0xa5: {  	s4 =	sld [smem:$0x0]  }
0xa6: {  	s5 =	sand.u32 $0xFFFFFFFE, s1  }
0xa7: {  	p0 =	sne.s32 s1, s5  }
0xa8: {  	s5 =	sshll.u32 @p0 s5, $0xE  }
0xa9: {  	s5 =	sadd.s32 @p0 $0x11B8D, s5;
	s6 =	sshll.u32 @p0 s4, $0x11  }
0xaa: {  	s5 =	sor.u32 @p0 s6, s5  }
0xab: {  	[sflag:s5] =	ssyncadd.remote.s32 @p0 $0x1;
	_ =	sdelay $0x1  }
0xac: {  	s5 =	simm.s32 @p0 $0x1B8D  }
0xad: {  	_ =	swait.eq @p0 [sflag:s5], $0x1  }
0xae: {  	[sflag:s5] =	ssyncadd.s32 @p0 $0xFFFFFFFF  }
0xaf: {  	s6 =	sshll.u32 @!p0 s1, $0xE  }
0xb0: {  	s6 =	sor.u32 @!p0 $0x4000, s6;
	s5 =	simm.s32 @!p0 $0x1B8D  }
0xb1: {  	s4 =	sshll.u32 @!p0 s4, $0x11;
	s6 =	sadd.s32 @!p0 $0x11B8D, s6;
	_ =	swait.eq @!p0 [sflag:s5], $0x1  }
0xb2: {  	s4 =	sor.u32 @!p0 s4, s6;
	[sflag:s5] =	ssyncadd.s32 @!p0 $0xFFFFFFFF  }
0xb3: {  	s25 =	simm.s32 $0x1B8E;
	s24 =	sld [smem:$0x3FFE];
	[sflag:s4] =	ssyncadd.remote.s32 @!p0 $0x1  }
0xb4: {  	s26 =	simm.s32 $execute0_lowered;
	[smem:$0x3FD2] =	sst s25  }
0xb5: {  	s5 =	sshll.u32 s26, $0x1;
	_ =	strace $0x80000049;
	[dreg:$0x1] =	wrdreg $0xFFFFFFFF  }
0xb6: {  	s28 =	simm.s32 $_size_execute0_lowered;
	s3 =	sadd.s32 s3, s5;
	[dreg:$0x0] =	wrdreg $0x0  }
0xb7: {  	s5 =	sshll.u32 s28, $0x1;
	[dreg:$0x2] =	wrdreg s3  }
0xb8: {  	[dreg:$0x3] =	wrdreg s5  }
0xb9: {  	[dreg:$0x4] =	wrdreg $0xC0  }
0xba: {  	_ =	task [dreg:s22], $0x5FFFF  }
0xbb: {  	[dreg:$0x1] =	wrdreg $0xFFFFFFFF  }
0xbc: {  	[dreg:$0x0] =	wrdreg $0x60  }
0xbd: {  	[dreg:$0x2] =	wrdreg s24  }
0xbe: {  	[dreg:$0x3] =	wrdreg $0xA  }
0xbf: {  	_ =	task.clear_ibuf [dreg:s22], $0x4FFFF;
	_ =	strace $0x90000049  }
0xc0: {  	s29 =	simm.s32 $0xA;
	_ =	strace $0x8000004B  }
0xc1: {  	_ =	swait.ge [sflag:s29], $0x1  }
0xc2: {  	[sflag:s29] =	ssyncadd.s32 $0xFFFFFFFF  }
0xc3: {  	_ =	strace $0x9000004B  }
0xc4: {  	_ =	sfence  }
0xc5: {  	s30 =	sld [smem:$0x0];
	_ =	sdelay $0x2  }
0xc6: {  	s31 =	sshll.u32 s1, $0xD;
	s1 =	sshrl.u32 s1, $0x2  }
0xc7: {  	s4 =	sand.u32 $0x4000, s31;
	s1 =	sadd.s32 s1, s30  }
0xc8: {  	s0 =	sor.u32 s4, s0;
	s1 =	sshll.u32 s1, $0x11  }
0xc9: {  	s0 =	sor.u32 s1, s0  }
0xca: {  	s0 =	sadd.s32 $0x8F2B, s0  }
0xcb: {  	[sflag:s0] =	ssyncadd.remote.s32 $0x1  }
0xcc: {  	_ =	sfence.sel $0xFFFF  }
0xcd: {  	[dreg:$0x0] =	wrdreg $0xFFFFFFFF;
	(pc) =	sbr.abs _section_cstart, $3  }
0xce: {  	[dreg:$0x1] =	wrdreg $0xFFFFFFFF  }
0xcf: {  	_ =	task.clear_ibuf [dreg:s22], $0x2FFFF;
	_ =	strace $0x9FFFFFFF  }
0xd0: {  	(tm) =	ssettm $0x7FFFFFFF  }
0xd1: {  	_ =	shalt  }
tec
execute0_lowered:
.L_overlay_start_1:
0x0: {  	(tag) =	ssettag $0x1  }
0x1: {  	s1 =	srdreg.scid  }
0x2: {  	s0 =	stileid.u32;
	s4 =	rddreg [dreg:$0x0];
	s2 =	simm.s32 $0x0  }
0x3: {  	s12 =	simm.s32 $0x1400;
	s13 =	simm.s32 $0x5400;
	s14 =	simm.s32 $0x1  }
0x4: {  	s15 =	simm.s32 $0x100;
	s16 =	simm.s32 $0x9400;
	s17 =	simm.s32 $0x180  }
0x5: {  	s18 =	simm.s32 $0xD400;
	s19 =	simm.s32 $0x2;
	s20 =	simm.s32 $0x3  }
0x6: {  	s21 =	simm.s32 $0x0;
	s5 =	sand.u32 $0x1, s1;
	s1 =	rddreg [dreg:$0x1]  }
0x7: {  	s3 =	sshll.u32 s0, $0x1;
	[smem:$0x7FF] =	sst s2;
	s8 =	smul.u32 $0x140000, s0  }
0x8: {  	s6 =	sor.u32 s5, s3;
	s9 =	ssub.s32 $0x2, s5;
	s5 =	smul.u32 $0xA0000, s5  }
0x9: {  	s10 =	sadd.s32 $0x41D000, s4;
	_ =	strace $0x8000004A;
	s7 =	smul.u32 $0x280, s6  }
0xa: {  	s3 =	sadd.s32 $0x16600, s4;
	s30 =	sshrl.u32 s9, $0x1;
	s6 =	smul.u32 $0x14000, s6  }
0xb: {  	s9 =	ssub.s32 s9, s30;
	s31 =	sadd.s32 s5, s8;
	s7 =	sadd.s32 s7, s4  }
0xc: {  	s5 =	sadd.s32 s10, s6;
	s8 =	sor.u32 $0x10000, s31;
	s4 =	sadd.s32 $0x2600, s7  }
0xd: {  	s7 =	sor.u32 $0x18000, s31;
	s6 =	sadd.s32 $0x1000, s5;
	s8 =	sshrl.u32 s8, $0x3  }
0xe: {  	s11 =	sshrl.u32 s7, $0x3;
	s7 =	smax.u32 s9, $0x1;
	s8 =	sadd.s32 s8, s10  }
0xf: {  	s9 =	sadd.s32 s11, s10;
	s10 =	simm.s32 $0x4;
	s11 =	simm.s32 $0x80  }
.LBB2_1:
0x10: {  	[tilespmem:s2], [sflag:$0x4] =	stream.linear.gather [hbm4b:s4+s2], $0x1400, $0x38;
	[tilespmem:$0x11400] =	vst v63  }
0x11: {  	_ =	swait.ge [sflag:s10], $0x1400  }
0x12: {  	[sflag:s10] =	ssyncset.done $0x0  }
0x13: {  	[sflag:s10] =	ssyncadd.s32 $0xFFFFEC00  }
0x14: {  	[tilespmem:s12], [sflag:$0x1] =	stream.indirect.gather [hbm4b:s3+s11], $0x80, s2, s11, $0xb8;
	[tilespmem:$0x11400] =	vst v63  }
0x15: {  	_ = 	snop  }
0x16: {  	[tilespmem:s13], [sflag:$0x1] =	stream.indirect.gather [hbm4b:s3+s11], $0x80, s11, s11, $0xb8;
	[tilespmem:$0x11400] =	vst v63  }
0x17: {  	_ =	swait.ge [sflag:s14], $0x4000  }
0x18: {  	[sflag:s14] =	ssyncset.done $0x0  }
0x19: {  	[sflag:s14] =	ssyncadd.s32 $0xFFFFC000  }
0x1a: {  	_ =	swait.ge [sflag:s14], $0x4000  }
0x1b: {  	[sflag:s14] =	ssyncset.done $0x0  }
0x1c: {  	[sflag:s14] =	ssyncadd.s32 $0xFFFFC000  }
0x1d: {  	[hbm4b:s5+s2] =	stream.linear.scatter [tilespmem:s12], [sflag:$0x2], $0x8000, $0x38;
	[tilespmem:$0x11400] =	vst v63  }
0x1e: {  	_ = 	snop  }
0x1f: {  	[tilespmem:s16], [sflag:$0x1] =	stream.indirect.gather [hbm4b:s3+s11], $0x80, s15, s11, $0xb8;
	[tilespmem:$0x11400] =	vst v63  }
0x20: {  	_ = 	snop  }
0x21: {  	[tilespmem:s18], [sflag:$0x1] =	stream.indirect.gather [hbm4b:s3+s11], $0x80, s17, s11, $0xb8;
	[tilespmem:$0x11400] =	vst v63  }
0x22: {  	_ =	swait.ge [sflag:s14], $0x4000  }
0x23: {  	[sflag:s14] =	ssyncset.done $0x0  }
0x24: {  	[sflag:s14] =	ssyncadd.s32 $0xFFFFC000  }
0x25: {  	_ =	swait.ge [sflag:s14], $0x4000  }
0x26: {  	[sflag:s14] =	ssyncset.done $0x0  }
0x27: {  	[sflag:s14] =	ssyncadd.s32 $0xFFFFC000  }
0x28: {  	[hbm4b:s6+s2] =	stream.linear.scatter [tilespmem:s16], [sflag:$0x3], $0x8000, $0x38;
	[tilespmem:$0x11400] =	vst v63  }
0x29: {  	_ =	swait.ge [sflag:s19], $0x8000  }
0x2a: {  	[sflag:s19] =	ssyncset.done $0x0  }
0x2b: {  	s22 =	simm.s32 $0x200;
	[sflag:s19] =	ssyncadd.s32 $0xFFFF8000  }
0x2c: {  	[tilespmem:s12], [sflag:$0x1] =	stream.indirect.gather [hbm4b:s3+s11], $0x80, s22, s11, $0xb8;
	[tilespmem:$0x11400] =	vst v63  }
0x2d: {  	s29 =	simm.s32 $0x280  }
0x2e: {  	[tilespmem:s13], [sflag:$0x1] =	stream.indirect.gather [hbm4b:s3+s11], $0x80, s29, s11, $0xb8;
	[tilespmem:$0x11400] =	vst v63  }
0x2f: {  	_ =	swait.ge [sflag:s14], $0x4000  }
0x30: {  	[sflag:s14] =	ssyncset.done $0x0  }
0x31: {  	[sflag:s14] =	ssyncadd.s32 $0xFFFFC000  }
0x32: {  	_ =	swait.ge [sflag:s14], $0x4000  }
0x33: {  	[sflag:s14] =	ssyncset.done $0x0  }
0x34: {  	[sflag:s14] =	ssyncadd.s32 $0xFFFFC000  }
0x35: {  	[hbm4b:s8+s2] =	stream.linear.scatter [tilespmem:s12], [sflag:$0x2], $0x8000, $0x38;
	[tilespmem:$0x11400] =	vst v63  }
0x36: {  	_ =	swait.ge [sflag:s20], $0x8000  }
0x37: {  	[sflag:s20] =	ssyncset.done $0x0  }
0x38: {  	s30 =	simm.s32 $0x300;
	[sflag:s20] =	ssyncadd.s32 $0xFFFF8000  }
0x39: {  	[tilespmem:s16], [sflag:$0x1] =	stream.indirect.gather [hbm4b:s3+s11], $0x80, s30, s11, $0xb8;
	[tilespmem:$0x11400] =	vst v63  }
0x3a: {  	s31 =	simm.s32 $0x380  }
0x3b: {  	[tilespmem:s18], [sflag:$0x1] =	stream.indirect.gather [hbm4b:s3+s11], $0x80, s31, s11, $0xb8;
	[tilespmem:$0x11400] =	vst v63  }
0x3c: {  	_ =	swait.ge [sflag:s14], $0x4000  }
0x3d: {  	[sflag:s14] =	ssyncset.done $0x0  }
0x3e: {  	[sflag:s14] =	ssyncadd.s32 $0xFFFFC000  }
0x3f: {  	_ =	swait.ge [sflag:s14], $0x4000  }
0x40: {  	s23 =	sadd.s32 $0x2000, s8;
	s24 =	sadd.s32 $0x2000, s9;
	[sflag:s14] =	ssyncset.done $0x0  }
0x41: {  	s25 =	smov.u32 s9;
	s22 =	simm.s32 $0x800;
	[sflag:s14] =	ssyncadd.s32 $0xFFFFC000  }
.LBB2_2:
0x42: {  	[hbm4b:s25+s2] =	stream.linear.scatter [tilespmem:s16], [sflag:$0x3], $0x8000, $0x38;
	[tilespmem:$0x11400] =	vst v63  }
0x43: {  	s26 =	smov.u32 s22;
	s25 =	smov.u32 s24  }
0x44: {  	p0 =	sne.s32 s22, $0x4000;
	s22 =	sadd.s32 $0x800, s22;
	_ =	swait.ge [sflag:s19], $0x8000  }
0x45: {  	s26 =	sshra.s32 s26, $0x2;
	[sflag:s19] =	ssyncset.done $0x0  }
0x46: {  	s28 =	sadd.s32 $0x200, s26;
	[sflag:s19] =	ssyncadd.s32 $0xFFFF8000  }
0x47: {  	[tilespmem:s12], [sflag:$0x1] =	stream.indirect.gather [hbm4b:s3+s11], $0x80, s28, s11, $0xb8;
	[tilespmem:$0x11400] =	vst v63  }
0x48: {  	s28 =	sadd.s32 $0x280, s26  }
0x49: {  	[tilespmem:s13], [sflag:$0x1] =	stream.indirect.gather [hbm4b:s3+s11], $0x80, s28, s11, $0xb8;
	[tilespmem:$0x11400] =	vst v63  }
0x4a: {  	_ =	swait.ge [sflag:s14], $0x4000  }
0x4b: {  	[sflag:s14] =	ssyncset.done $0x0  }
0x4c: {  	[sflag:s14] =	ssyncadd.s32 $0xFFFFC000  }
0x4d: {  	_ =	swait.ge [sflag:s14], $0x4000  }
0x4e: {  	[sflag:s14] =	ssyncset.done $0x0  }
0x4f: {  	[sflag:s14] =	ssyncadd.s32 $0xFFFFC000  }
0x50: {  	[hbm4b:s23+s2] =	stream.linear.scatter [tilespmem:s12], [sflag:$0x2], $0x8000, $0x38;
	[tilespmem:$0x11400] =	vst v63  }
0x51: {  	_ =	swait.ge [sflag:s20], $0x8000  }
0x52: {  	[sflag:s20] =	ssyncset.done $0x0  }
0x53: {  	s28 =	sadd.s32 $0x300, s26;
	[sflag:s20] =	ssyncadd.s32 $0xFFFF8000  }
0x54: {  	[tilespmem:s16], [sflag:$0x1] =	stream.indirect.gather [hbm4b:s3+s11], $0x80, s28, s11, $0xb8;
	[tilespmem:$0x11400] =	vst v63  }
0x55: {  	s26 =	sadd.s32 $0x380, s26  }
0x56: {  	[tilespmem:s18], [sflag:$0x1] =	stream.indirect.gather [hbm4b:s3+s11], $0x80, s26, s11, $0xb8;
	[tilespmem:$0x11400] =	vst v63  }
0x57: {  	_ =	swait.ge [sflag:s14], $0x4000  }
.Ltmp0:
0x58: {  	[sflag:s14] =	ssyncset.done $0x0;
	(pc) =	sbr.rel @p0 .LBB2_2-.Ltmp0, $4  }
0x59: {  	[sflag:s14] =	ssyncadd.s32 $0xFFFFC000  }
0x5a: {  	_ =	swait.ge [sflag:s14], $0x4000  }
0x5b: {  	[sflag:s14] =	ssyncset.done $0x0  }
0x5c: {  	s24 =	sadd.s32 $0x2000, s24;
	s23 =	sadd.s32 $0x2000, s23;
	[sflag:s14] =	ssyncadd.s32 $0xFFFFC000  }
0x5d: {  	[hbm4b:s25+s2] =	stream.linear.scatter [tilespmem:s16], [sflag:$0x3], $0x8000, $0x38;
	[tilespmem:$0x11400] =	vst v63  }
0x5e: {  	s21 =	sadd.s32 $0x1, s21  }
0x5f: {  	_ =	swait.ge [sflag:s19], $0x8000;
	p0 =	sne.s32 s21, s7  }
.Ltmp1:
0x60: {  	[sflag:s19] =	ssyncset.done $0x0;
	(pc) =	sbr.rel @p0 .LBB2_1-.Ltmp1, $4  }
0x61: {  	[sflag:s19] =	ssyncadd.s32 $0xFFFF8000  }
0x62: {  	_ =	swait.ge [sflag:s20], $0x8000  }
0x63: {  	[sflag:s20] =	ssyncset.done $0x0  }
0x64: {  	[sflag:s20] =	ssyncadd.s32 $0xFFFF8000  }
0x65: {  	_ =	sfence.sel $0x180000  }
0x66: {  	[bflag:$0x0] =	sbarrier.arrive $0xFFFF  }
0x67: {  	p0 =	sne.s32 s0, $0x0;
	_ =	strace $0x9000004A  }
0x68: {  	s0 =	sadd.s32 @!p0 $0x100000, s1;
	[bflag:$0x2] =	sbarrier.arrive $0xFFFF  }
0x69: {  	[sflag:s0] =	ssyncadd.tile.s32 @!p0 $0x1;
	_ =	shalt  }
.Lfunc_end2:
_tile_overlayer_lowered:
.L_overlay_start_2:
0x6a: {  	(tag) =	ssettag $0x2  }
0x6b: {  	s0 =	rddreg [dreg:$0x0];
	s2 =	stileid.u32  }
0x6c: {  	s1 =	rddreg [dreg:$0x1];
	p0 =	sne.s32 s2, $0x0  }
0x6d: {  	s3 =	rddreg [dreg:$0x2];
	[bflag:$0x3] =	sbarrier.arrive $0xFFFF;
	s2 =	simm.s32 @!p0 $0x1C04  }
0x6e: {  	[timem:s3], [sflag:s2] =	dma.local @!p0 [hbm:s0], s1  }
0x6f: {  	s0 =	simm.s32 @!p0 $0x4  }
0x70: {  	_ =	swait.ge @!p0 [sflag:s0], s1  }
0x71: {  	s1 =	ssub.s32 @!p0 $0x0, s1;
	[sflag:s0] =	ssyncset.done @!p0 $0x0  }
0x72: {  	[sflag:s0] =	ssyncadd.s32 @!p0 s1  }
0x73: {  	[bflag:$0x3] =	sbarrier.arrive $0xFFFF  }
0x74: {  	_ =	shalt  }

// kernel: kernel.19.cloned.1.call-start
scs
__scs_entry_jumppad:
0x0: {  	(pc) =	sbr.rel $0x88, $3  }
0x1: {  	(tag) =	ssettag $0x0;
	lr =	simm.s32 $0x1  }
0x2: {  	[smem:$0x3F9B] =	sst lr;
	_ =	strace $0xD0000000  }
0x3: {  	_ = 	snop  }
0x4: {  	_ = 	snop  }
0x5: {  	_ = 	snop  }
0x6: {  	_ = 	snop  }
0x7: {  	_ = 	snop  }
__scs_overlays_trampoline_lowered:
0x8: {  	[smem:$0x3FAA] =	sst s0  }
0x9: {  	[smem:$0x3FAB] =	sst s1  }
0xa: {  	[smem:$0x3FAC] =	sst s2  }
0xb: {  	[smem:$0x3FAD] =	sst s3  }
0xc: {  	[smem:$0x3FAE] =	sst s4  }
0xd: {  	[smem:$0x3FAF] =	sst s5  }
0xe: {  	[smem:$0x3FB0] =	sst s6  }
0xf: {  	[smem:$0x3FB1] =	sst s7  }
0x10: {  	[smem:$0x3FB2] =	sst s8  }
0x11: {  	[smem:$0x3FB3] =	sst s9;
	s0 =	simm.s32 @!p0 $0x0  }
0x12: {  	s1 =	sld [smem:$0x3F99];
	s0 =	simm.s32 @p0 $0x1  }
0x13: {  	[smem:$0x3FB4] =	sst s0;
	s0 =	simm.s32 @!p1 $0x0  }
0x14: {  	s2 =	sld [smem:$0x3F98];
	s0 =	simm.s32 @p1 $0x1  }
0x15: {  	[smem:$0x3FB5] =	sst s0;
	s0 =	simm.s32 @!p2 $0x0  }
0x16: {  	s3 =	sld [smem:$0x3FDB];
	s0 =	simm.s32 @p2 $0x1  }
0x17: {  	s4 =	simm.s32 $0x1BF5;
	[smem:$0x3FB7] =	sst s0  }
0x18: {  	s0 =	sld [smem:$0x3F9A];
	_ =	swait.ge [sflag:s4], $0x0  }
0x19: {  	s7 =	sld [smem:$0x3F9B]  }
0x1a: {  	s8 =	sadd.s32 $0xFFFFE003, lr  }
0x1b: {  	s9 =	sadd.s32 $0xFFFFFEF7, lr;
	s5 =	simm.s32 $0xFFFFFFFF;
	p2 =	slt.u32 s8, $0xFFFFF086  }
0x1c: {  	p1 =	slt.u32 s9, $0xF7A;
	s5 =	simm.s32 @!p2 $0x0  }
0x1d: {  	s5 =	simm.s32 @p1 $0x1;
	p0 =	seq.s32 s7, s2  }
0x1e: {  	s7 =	smul.u32 @!p0 $0xF7A, s2;
	p2 =	seq.s32 @!p0 s5, $0x0  }
0x1f: {  	s9 =	smul.u32 $0xF7A, s1;
	s8 =	simm.s32 @!p0 $0x1BF5;
	p2 =	por !p2, p0  }
0x20: {  	[sflag:s8] =	ssyncset.s32 @!p0 $0xFFFFF086;
	s6 =	sadd.s32 @!p0 s3, s7;
	s7 =	simm.s32 @!p0 $0x108  }
0x21: {  	s3 =	sadd.s32 s3, s9;
	s6 =	sadd.s32 @!p0 $0x88, s6;
	s7 =	simm.s32 @p2 $0x1082  }
0x22: {  	[simem:s7], [sflag:s8] =	dma.local @!p0 [hbm:s6], $0xF7A  }
0x23: {  	s9 =	sor.u32 $0xD0000000, s2;
	s6 =	simm.s32 $0x108;
	_ =	swait.ge @!p0 [sflag:s8], $0x0  }
0x24: {  	s3 =	sadd.s32 $0x88, s3;
	s6 =	simm.s32 @!p1 $0x1082;
	[sflag:s4] =	ssyncset.s32 $0xFFFFF086  }
0x25: {  	[simem:s6], [sflag:s4] =	dma.local [hbm:s3], $0xF7A  }
0x26: {  	[smem:$0x3F9B] =	sst s1;
	(tag) =	ssettag s2;
	_ =	strace s9  }
0x27: {  	s1 =	sld [smem:$0x3FAB]  }
0x28: {  	s2 =	sld [smem:$0x3FAC]  }
0x29: {  	s4 =	sld [smem:$0x3FAE]  }
0x2a: {  	p0 =	seq.s32 s5, $0x0;
	s5 =	sld [smem:$0x3FAF]  }
0x2b: {  	s6 =	sld [smem:$0x3FB0]  }
0x2c: {  	s7 =	sld [smem:$0x3FB1]  }
0x2d: {  	s3 =	simm.s32 $0x108;
	s8 =	sld [smem:$0x3FB2]  }
0x2e: {  	s3 =	simm.s32 @!p0 $0x1082;
	s9 =	sld [smem:$0x3FB3]  }
0x2f: {  	lr =	sadd.s32 s0, s3;
	s0 =	sld [smem:$0x3FAA]  }
0x30: {  	s3 =	sld [smem:$0x3FAD]  }
0x31: {  	[smem:$0x3FB6] =	sst s10  }
0x32: {  	s10 =	sld [smem:$0x3FB4];
	_ =	sdelay $0x3  }
0x33: {  	p0 =	seq.s32 s10, $0x1;
	s10 =	sld [smem:$0x3FB6];
	_ =	sdelay $0x3  }
0x34: {  	[smem:$0x3FB6] =	sst s10  }
0x35: {  	s10 =	sld [smem:$0x3FB5];
	_ =	sdelay $0x3  }
0x36: {  	p1 =	seq.s32 s10, $0x1;
	s10 =	sld [smem:$0x3FB6];
	_ =	sdelay $0x3  }
0x37: {  	[smem:$0x3FB6] =	sst s10  }
0x38: {  	s10 =	sld [smem:$0x3FB7]  }
0x39: {  	_ = 	snop;
	(pc) =	sbr.ind lr, $3  }
0x3a: {  	_ = 	snop  }
0x3b: {  	_ = 	snop  }
0x3c: {  	p2 =	seq.s32 s10, $0x1;
	s10 =	sld [smem:$0x3FB6]  }
0x3d: {  	_ =	shalt  }
0x3e: {  	_ =	shalt  }
0x3f: {  	_ =	shalt  }
0x40: {  	_ =	shalt  }
0x41: {  	_ =	shalt  }
0x42: {  	_ =	shalt  }
0x43: {  	_ =	shalt  }
0x44: {  	_ =	shalt  }
0x45: {  	_ =	shalt  }
0x46: {  	_ =	shalt  }
0x47: {  	_ =	shalt  }
0x48: {  	_ =	shalt  }
0x49: {  	_ =	shalt  }
0x4a: {  	_ =	shalt  }
0x4b: {  	_ =	shalt  }
0x4c: {  	_ =	shalt  }
0x4d: {  	_ =	shalt  }
0x4e: {  	_ =	shalt  }
0x4f: {  	_ =	shalt  }
0x50: {  	_ =	shalt  }
0x51: {  	_ =	shalt  }
0x52: {  	_ =	shalt  }
0x53: {  	_ =	shalt  }
0x54: {  	_ =	shalt  }
0x55: {  	_ =	shalt  }
0x56: {  	_ =	shalt  }
0x57: {  	_ =	shalt  }
0x58: {  	_ =	shalt  }
0x59: {  	_ =	shalt  }
0x5a: {  	_ =	shalt  }
0x5b: {  	_ =	shalt  }
0x5c: {  	_ =	shalt  }
0x5d: {  	_ =	shalt  }
0x5e: {  	_ =	shalt  }
0x5f: {  	_ =	shalt  }
0x60: {  	_ =	shalt  }
0x61: {  	_ =	shalt  }
0x62: {  	_ =	shalt  }
0x63: {  	_ =	shalt  }
0x64: {  	_ =	shalt  }
0x65: {  	_ =	shalt  }
0x66: {  	_ =	shalt  }
0x67: {  	_ =	shalt  }
0x68: {  	_ =	shalt  }
0x69: {  	_ =	shalt  }
0x6a: {  	_ =	shalt  }
0x6b: {  	_ =	shalt  }
0x6c: {  	_ =	shalt  }
0x6d: {  	_ =	shalt  }
0x6e: {  	_ =	shalt  }
0x6f: {  	_ =	shalt  }
0x70: {  	_ =	shalt  }
0x71: {  	_ =	shalt  }
0x72: {  	_ =	shalt  }
0x73: {  	_ =	shalt  }
0x74: {  	_ =	shalt  }
0x75: {  	_ =	shalt  }
0x76: {  	_ =	shalt  }
0x77: {  	_ =	shalt  }
0x78: {  	_ =	shalt  }
0x79: {  	_ =	shalt  }
0x7a: {  	_ =	shalt  }
0x7b: {  	_ =	shalt  }
0x7c: {  	_ =	shalt  }
0x7d: {  	_ =	shalt  }
0x7e: {  	_ =	shalt  }
0x7f: {  	_ =	shalt  }
0x80: {  	_ =	shalt  }
0x81: {  	_ =	shalt  }
0x82: {  	_ =	shalt  }
0x83: {  	_ =	shalt  }
0x84: {  	_ =	shalt  }
0x85: {  	_ =	shalt  }
0x86: {  	_ =	shalt  }
0x87: {  	_ =	shalt  }
.Lfunc_end0:
.L_simem_size_0:
called_computation.2_lowered:
.L_overlay_start_0:
0x88: {  	s2 =	sld [smem:$0x3FD9]  }
0x89: {  	s3 =	sld [smem:$0x3FFE];
	_ =	sdelay $0x1  }
0x8a: {  	s1 =	srdreg.scid  }
0x8b: {  	s0 =	sand.u32 $0x1, s1  }
0x8c: {  	s17 =	sshll.u32 s0, $0xA;
	s2 =	sadd.s32 s3, s2  }
0x8d: {  	s2 =	sadd.s32 s2, s17  }
0x8e: {  	[smem:$0x3FC2] =	sst s2  }
0x8f: {  	_ = 	snop  }
0x90: {  	(tm) =	ssettm $0x1  }
0x91: {  	s18 =	sld [smem:$0x3FFB];
	_ =	sdelay $0x3  }
0x92: {  	_ =	strace s18  }
0x93: {  	s2 =	sld [smem:$0x3FFC];
	_ =	sdelay $0x3  }
0x94: {  	_ =	strace s2  }
0x95: {  	s2 =	sld [smem:$0x3FFD];
	_ =	sdelay $0x3  }
0x96: {  	_ =	strace s2  }
0x97: {  	_ =	strace $0x8FFFFFFF  }
0x98: {  	s19 =	sld [smem:$0x3FDB];
	_ =	sdelay $0x1  }
0x99: {  	s20 =	simm.s32 $_scs_section_size  }
0x9a: {  	s4 =	simm.s32 $_size__tile_overlayer_lowered;
	s5 =	simm.s32 $_tile_overlayer_lowered  }
0x9b: {  	s6 =	simm.s32 $0x1BFF;
	s21 =	sshll.u32 s5, $0x1;
	s3 =	sadd.s32 s20, s19  }
0x9c: {  	s22 =	simm.s32 $0x0;
	s4 =	sshll.u32 s4, $0x1;
	s5 =	sadd.s32 s21, s3  }
0x9d: {  	[timem:s22], [sflag:s6] =	dma.local [hbm:s5], s4  }
0x9e: {  	_ =	swait.ge [sflag:s6], s4  }
0x9f: {  	s4 =	ssub.s32 $0x0, s4;
	[sflag:s6] =	ssyncset.done $0x0  }
0xa0: {  	[sflag:s6] =	ssyncadd.s32 s4;
	_ =	sdelay $0x1  }
0xa1: {  	s23 =	simm.s32 $0x1B8B  }
0xa2: {  	_ =	swait.ge [sflag:s23], $0x1  }
0xa3: {  	[sflag:s23] =	ssyncset.done $0x0  }
0xa4: {  	[sflag:s23] =	ssyncadd.s32 $0xFFFFFFFF  }
0xa5: {  	s4 =	sld [smem:$0x0]  }
0xa6: {  	s5 =	sand.u32 $0xFFFFFFFE, s1  }
0xa7: {  	p0 =	sne.s32 s1, s5  }
0xa8: {  	s5 =	sshll.u32 @p0 s5, $0xE  }
0xa9: {  	s5 =	sadd.s32 @p0 $0x11B8D, s5;
	s6 =	sshll.u32 @p0 s4, $0x11  }
0xaa: {  	s5 =	sor.u32 @p0 s6, s5  }
0xab: {  	[sflag:s5] =	ssyncadd.remote.s32 @p0 $0x1;
	_ =	sdelay $0x1  }
0xac: {  	s5 =	simm.s32 @p0 $0x1B8D  }
0xad: {  	_ =	swait.eq @p0 [sflag:s5], $0x1  }
0xae: {  	[sflag:s5] =	ssyncadd.s32 @p0 $0xFFFFFFFF  }
0xaf: {  	s6 =	sshll.u32 @!p0 s1, $0xE  }
0xb0: {  	s6 =	sor.u32 @!p0 $0x4000, s6;
	s5 =	simm.s32 @!p0 $0x1B8D  }
0xb1: {  	s4 =	sshll.u32 @!p0 s4, $0x11;
	s6 =	sadd.s32 @!p0 $0x11B8D, s6;
	_ =	swait.eq @!p0 [sflag:s5], $0x1  }
0xb2: {  	s4 =	sor.u32 @!p0 s4, s6;
	[sflag:s5] =	ssyncadd.s32 @!p0 $0xFFFFFFFF  }
0xb3: {  	s25 =	simm.s32 $0x1B8E;
	s24 =	sld [smem:$0x3FFE];
	[sflag:s4] =	ssyncadd.remote.s32 @!p0 $0x1  }
0xb4: {  	s26 =	simm.s32 $execute0_lowered;
	[smem:$0x3FD2] =	sst s25  }
0xb5: {  	s5 =	sshll.u32 s26, $0x1;
	_ =	strace $0x8000004C;
	[dreg:$0x1] =	wrdreg $0xFFFFFFFF  }
0xb6: {  	s28 =	simm.s32 $_size_execute0_lowered;
	s3 =	sadd.s32 s3, s5;
	[dreg:$0x0] =	wrdreg $0x0  }
0xb7: {  	s5 =	sshll.u32 s28, $0x1;
	[dreg:$0x2] =	wrdreg s3  }
0xb8: {  	[dreg:$0x3] =	wrdreg s5  }
0xb9: {  	[dreg:$0x4] =	wrdreg $0xC0  }
0xba: {  	_ =	task [dreg:s22], $0x5FFFF  }
0xbb: {  	[dreg:$0x1] =	wrdreg $0xFFFFFFFF  }
0xbc: {  	[dreg:$0x0] =	wrdreg $0x60  }
0xbd: {  	[dreg:$0x2] =	wrdreg s24  }
0xbe: {  	[dreg:$0x3] =	wrdreg $0xB  }
0xbf: {  	_ =	task.clear_ibuf [dreg:s22], $0x4FFFF;
	_ =	strace $0x9000004C  }
0xc0: {  	s29 =	simm.s32 $0xB;
	_ =	strace $0x8000004E  }
0xc1: {  	_ =	swait.ge [sflag:s29], $0x1  }
0xc2: {  	[sflag:s29] =	ssyncadd.s32 $0xFFFFFFFF  }
0xc3: {  	_ =	strace $0x9000004E  }
0xc4: {  	_ =	sfence  }
0xc5: {  	s30 =	sld [smem:$0x0];
	_ =	sdelay $0x2  }
0xc6: {  	s31 =	sshll.u32 s1, $0xD;
	s1 =	sshrl.u32 s1, $0x2  }
0xc7: {  	s4 =	sand.u32 $0x4000, s31;
	s1 =	sadd.s32 s1, s30  }
0xc8: {  	s0 =	sor.u32 s4, s0;
	s1 =	sshll.u32 s1, $0x11  }
0xc9: {  	s0 =	sor.u32 s1, s0  }
0xca: {  	s0 =	sadd.s32 $0x8F2B, s0  }
0xcb: {  	[sflag:s0] =	ssyncadd.remote.s32 $0x1  }
0xcc: {  	_ =	sfence.sel $0xFFFF  }
0xcd: {  	[dreg:$0x0] =	wrdreg $0xFFFFFFFF;
	(pc) =	sbr.abs _section_cstart, $3  }
0xce: {  	[dreg:$0x1] =	wrdreg $0xFFFFFFFF  }
0xcf: {  	_ =	task.clear_ibuf [dreg:s22], $0x2FFFF;
	_ =	strace $0x9FFFFFFF  }
0xd0: {  	(tm) =	ssettm $0x7FFFFFFF  }
0xd1: {  	_ =	shalt  }
tec
execute0_lowered:
.L_overlay_start_1:
0x0: {  	(tag) =	ssettag $0x1  }
0x1: {  	s1 =	srdreg.scid  }
0x2: {  	s0 =	stileid.u32;
	s4 =	rddreg [dreg:$0x0];
	s2 =	simm.s32 $0x0  }
0x3: {  	s12 =	simm.s32 $0x1400;
	s13 =	simm.s32 $0x5400;
	s14 =	simm.s32 $0x1  }
0x4: {  	s15 =	simm.s32 $0x100;
	s16 =	simm.s32 $0x9400;
	s17 =	simm.s32 $0x180  }
0x5: {  	s18 =	simm.s32 $0xD400;
	s19 =	simm.s32 $0x2;
	s20 =	simm.s32 $0x3  }
0x6: {  	s21 =	simm.s32 $0x0;
	s5 =	sand.u32 $0x1, s1;
	s1 =	rddreg [dreg:$0x1]  }
0x7: {  	s3 =	sshll.u32 s0, $0x1;
	[smem:$0x7FF] =	sst s2;
	s8 =	smul.u32 $0x140000, s0  }
0x8: {  	s6 =	sor.u32 s5, s3;
	s9 =	ssub.s32 $0x2, s5;
	s5 =	smul.u32 $0xA0000, s5  }
0x9: {  	s10 =	sadd.s32 $0x69D000, s4;
	_ =	strace $0x8000004D;
	s7 =	smul.u32 $0x280, s6  }
0xa: {  	s3 =	sadd.s32 $0x16600, s4;
	s30 =	sshrl.u32 s9, $0x1;
	s6 =	smul.u32 $0x14000, s6  }
0xb: {  	s9 =	ssub.s32 s9, s30;
	s31 =	sadd.s32 s5, s8;
	s7 =	sadd.s32 s7, s4  }
0xc: {  	s5 =	sadd.s32 s10, s6;
	s8 =	sor.u32 $0x10000, s31;
	s4 =	sadd.s32 $0x7600, s7  }
0xd: {  	s7 =	sor.u32 $0x18000, s31;
	s6 =	sadd.s32 $0x1000, s5;
	s8 =	sshrl.u32 s8, $0x3  }
0xe: {  	s11 =	sshrl.u32 s7, $0x3;
	s7 =	smax.u32 s9, $0x1;
	s8 =	sadd.s32 s8, s10  }
0xf: {  	s9 =	sadd.s32 s11, s10;
	s10 =	simm.s32 $0x4;
	s11 =	simm.s32 $0x80  }
.LBB2_1:
0x10: {  	[tilespmem:s2], [sflag:$0x4] =	stream.linear.gather [hbm4b:s4+s2], $0x1400, $0x38;
	[tilespmem:$0x11400] =	vst v63  }
0x11: {  	_ =	swait.ge [sflag:s10], $0x1400  }
0x12: {  	[sflag:s10] =	ssyncset.done $0x0  }
0x13: {  	[sflag:s10] =	ssyncadd.s32 $0xFFFFEC00  }
0x14: {  	[tilespmem:s12], [sflag:$0x1] =	stream.indirect.gather [hbm4b:s3+s11], $0x80, s2, s11, $0xb8;
	[tilespmem:$0x11400] =	vst v63  }
0x15: {  	_ = 	snop  }
0x16: {  	[tilespmem:s13], [sflag:$0x1] =	stream.indirect.gather [hbm4b:s3+s11], $0x80, s11, s11, $0xb8;
	[tilespmem:$0x11400] =	vst v63  }
0x17: {  	_ =	swait.ge [sflag:s14], $0x4000  }
0x18: {  	[sflag:s14] =	ssyncset.done $0x0  }
0x19: {  	[sflag:s14] =	ssyncadd.s32 $0xFFFFC000  }
0x1a: {  	_ =	swait.ge [sflag:s14], $0x4000  }
0x1b: {  	[sflag:s14] =	ssyncset.done $0x0  }
0x1c: {  	[sflag:s14] =	ssyncadd.s32 $0xFFFFC000  }
0x1d: {  	[hbm4b:s5+s2] =	stream.linear.scatter [tilespmem:s12], [sflag:$0x2], $0x8000, $0x38;
	[tilespmem:$0x11400] =	vst v63  }
0x1e: {  	_ = 	snop  }
0x1f: {  	[tilespmem:s16], [sflag:$0x1] =	stream.indirect.gather [hbm4b:s3+s11], $0x80, s15, s11, $0xb8;
	[tilespmem:$0x11400] =	vst v63  }
0x20: {  	_ = 	snop  }
0x21: {  	[tilespmem:s18], [sflag:$0x1] =	stream.indirect.gather [hbm4b:s3+s11], $0x80, s17, s11, $0xb8;
	[tilespmem:$0x11400] =	vst v63  }
0x22: {  	_ =	swait.ge [sflag:s14], $0x4000  }
0x23: {  	[sflag:s14] =	ssyncset.done $0x0  }
0x24: {  	[sflag:s14] =	ssyncadd.s32 $0xFFFFC000  }
0x25: {  	_ =	swait.ge [sflag:s14], $0x4000  }
0x26: {  	[sflag:s14] =	ssyncset.done $0x0  }
0x27: {  	[sflag:s14] =	ssyncadd.s32 $0xFFFFC000  }
0x28: {  	[hbm4b:s6+s2] =	stream.linear.scatter [tilespmem:s16], [sflag:$0x3], $0x8000, $0x38;
	[tilespmem:$0x11400] =	vst v63  }
0x29: {  	_ =	swait.ge [sflag:s19], $0x8000  }
0x2a: {  	[sflag:s19] =	ssyncset.done $0x0  }
0x2b: {  	s22 =	simm.s32 $0x200;
	[sflag:s19] =	ssyncadd.s32 $0xFFFF8000  }
0x2c: {  	[tilespmem:s12], [sflag:$0x1] =	stream.indirect.gather [hbm4b:s3+s11], $0x80, s22, s11, $0xb8;
	[tilespmem:$0x11400] =	vst v63  }
0x2d: {  	s29 =	simm.s32 $0x280  }
0x2e: {  	[tilespmem:s13], [sflag:$0x1] =	stream.indirect.gather [hbm4b:s3+s11], $0x80, s29, s11, $0xb8;
	[tilespmem:$0x11400] =	vst v63  }
0x2f: {  	_ =	swait.ge [sflag:s14], $0x4000  }
0x30: {  	[sflag:s14] =	ssyncset.done $0x0  }
0x31: {  	[sflag:s14] =	ssyncadd.s32 $0xFFFFC000  }
0x32: {  	_ =	swait.ge [sflag:s14], $0x4000  }
0x33: {  	[sflag:s14] =	ssyncset.done $0x0  }
0x34: {  	[sflag:s14] =	ssyncadd.s32 $0xFFFFC000  }
0x35: {  	[hbm4b:s8+s2] =	stream.linear.scatter [tilespmem:s12], [sflag:$0x2], $0x8000, $0x38;
	[tilespmem:$0x11400] =	vst v63  }
0x36: {  	_ =	swait.ge [sflag:s20], $0x8000  }
0x37: {  	[sflag:s20] =	ssyncset.done $0x0  }
0x38: {  	s30 =	simm.s32 $0x300;
	[sflag:s20] =	ssyncadd.s32 $0xFFFF8000  }
0x39: {  	[tilespmem:s16], [sflag:$0x1] =	stream.indirect.gather [hbm4b:s3+s11], $0x80, s30, s11, $0xb8;
	[tilespmem:$0x11400] =	vst v63  }
0x3a: {  	s31 =	simm.s32 $0x380  }
0x3b: {  	[tilespmem:s18], [sflag:$0x1] =	stream.indirect.gather [hbm4b:s3+s11], $0x80, s31, s11, $0xb8;
	[tilespmem:$0x11400] =	vst v63  }
0x3c: {  	_ =	swait.ge [sflag:s14], $0x4000  }
0x3d: {  	[sflag:s14] =	ssyncset.done $0x0  }
0x3e: {  	[sflag:s14] =	ssyncadd.s32 $0xFFFFC000  }
0x3f: {  	_ =	swait.ge [sflag:s14], $0x4000  }
0x40: {  	s23 =	sadd.s32 $0x2000, s8;
	s24 =	sadd.s32 $0x2000, s9;
	[sflag:s14] =	ssyncset.done $0x0  }
0x41: {  	s25 =	smov.u32 s9;
	s22 =	simm.s32 $0x800;
	[sflag:s14] =	ssyncadd.s32 $0xFFFFC000  }
.LBB2_2:
0x42: {  	[hbm4b:s25+s2] =	stream.linear.scatter [tilespmem:s16], [sflag:$0x3], $0x8000, $0x38;
	[tilespmem:$0x11400] =	vst v63  }
0x43: {  	s26 =	smov.u32 s22;
	s25 =	smov.u32 s24  }
0x44: {  	p0 =	sne.s32 s22, $0x4000;
	s22 =	sadd.s32 $0x800, s22;
	_ =	swait.ge [sflag:s19], $0x8000  }
0x45: {  	s26 =	sshra.s32 s26, $0x2;
	[sflag:s19] =	ssyncset.done $0x0  }
0x46: {  	s28 =	sadd.s32 $0x200, s26;
	[sflag:s19] =	ssyncadd.s32 $0xFFFF8000  }
0x47: {  	[tilespmem:s12], [sflag:$0x1] =	stream.indirect.gather [hbm4b:s3+s11], $0x80, s28, s11, $0xb8;
	[tilespmem:$0x11400] =	vst v63  }
0x48: {  	s28 =	sadd.s32 $0x280, s26  }
0x49: {  	[tilespmem:s13], [sflag:$0x1] =	stream.indirect.gather [hbm4b:s3+s11], $0x80, s28, s11, $0xb8;
	[tilespmem:$0x11400] =	vst v63  }
0x4a: {  	_ =	swait.ge [sflag:s14], $0x4000  }
0x4b: {  	[sflag:s14] =	ssyncset.done $0x0  }
0x4c: {  	[sflag:s14] =	ssyncadd.s32 $0xFFFFC000  }
0x4d: {  	_ =	swait.ge [sflag:s14], $0x4000  }
0x4e: {  	[sflag:s14] =	ssyncset.done $0x0  }
0x4f: {  	[sflag:s14] =	ssyncadd.s32 $0xFFFFC000  }
0x50: {  	[hbm4b:s23+s2] =	stream.linear.scatter [tilespmem:s12], [sflag:$0x2], $0x8000, $0x38;
	[tilespmem:$0x11400] =	vst v63  }
0x51: {  	_ =	swait.ge [sflag:s20], $0x8000  }
0x52: {  	[sflag:s20] =	ssyncset.done $0x0  }
0x53: {  	s28 =	sadd.s32 $0x300, s26;
	[sflag:s20] =	ssyncadd.s32 $0xFFFF8000  }
0x54: {  	[tilespmem:s16], [sflag:$0x1] =	stream.indirect.gather [hbm4b:s3+s11], $0x80, s28, s11, $0xb8;
	[tilespmem:$0x11400] =	vst v63  }
0x55: {  	s26 =	sadd.s32 $0x380, s26  }
0x56: {  	[tilespmem:s18], [sflag:$0x1] =	stream.indirect.gather [hbm4b:s3+s11], $0x80, s26, s11, $0xb8;
	[tilespmem:$0x11400] =	vst v63  }
0x57: {  	_ =	swait.ge [sflag:s14], $0x4000  }
.Ltmp0:
0x58: {  	[sflag:s14] =	ssyncset.done $0x0;
	(pc) =	sbr.rel @p0 .LBB2_2-.Ltmp0, $4  }
0x59: {  	[sflag:s14] =	ssyncadd.s32 $0xFFFFC000  }
0x5a: {  	_ =	swait.ge [sflag:s14], $0x4000  }
0x5b: {  	[sflag:s14] =	ssyncset.done $0x0  }
0x5c: {  	s24 =	sadd.s32 $0x2000, s24;
	s23 =	sadd.s32 $0x2000, s23;
	[sflag:s14] =	ssyncadd.s32 $0xFFFFC000  }
0x5d: {  	[hbm4b:s25+s2] =	stream.linear.scatter [tilespmem:s16], [sflag:$0x3], $0x8000, $0x38;
	[tilespmem:$0x11400] =	vst v63  }
0x5e: {  	s21 =	sadd.s32 $0x1, s21  }
0x5f: {  	_ =	swait.ge [sflag:s19], $0x8000;
	p0 =	sne.s32 s21, s7  }
.Ltmp1:
0x60: {  	[sflag:s19] =	ssyncset.done $0x0;
	(pc) =	sbr.rel @p0 .LBB2_1-.Ltmp1, $4  }
0x61: {  	[sflag:s19] =	ssyncadd.s32 $0xFFFF8000  }
0x62: {  	_ =	swait.ge [sflag:s20], $0x8000  }
0x63: {  	[sflag:s20] =	ssyncset.done $0x0  }
0x64: {  	[sflag:s20] =	ssyncadd.s32 $0xFFFF8000  }
0x65: {  	_ =	sfence.sel $0x180000  }
0x66: {  	[bflag:$0x0] =	sbarrier.arrive $0xFFFF  }
0x67: {  	p0 =	sne.s32 s0, $0x0;
	_ =	strace $0x9000004D  }
0x68: {  	s0 =	sadd.s32 @!p0 $0x100000, s1;
	[bflag:$0x2] =	sbarrier.arrive $0xFFFF  }
0x69: {  	[sflag:s0] =	ssyncadd.tile.s32 @!p0 $0x1;
	_ =	shalt  }
.Lfunc_end2:
_tile_overlayer_lowered:
.L_overlay_start_2:
0x6a: {  	(tag) =	ssettag $0x2  }
0x6b: {  	s0 =	rddreg [dreg:$0x0];
	s2 =	stileid.u32  }
0x6c: {  	s1 =	rddreg [dreg:$0x1];
	p0 =	sne.s32 s2, $0x0  }
0x6d: {  	s3 =	rddreg [dreg:$0x2];
	[bflag:$0x3] =	sbarrier.arrive $0xFFFF;
	s2 =	simm.s32 @!p0 $0x1C04  }
0x6e: {  	[timem:s3], [sflag:s2] =	dma.local @!p0 [hbm:s0], s1  }
0x6f: {  	s0 =	simm.s32 @!p0 $0x4  }
0x70: {  	_ =	swait.ge @!p0 [sflag:s0], s1  }
0x71: {  	s1 =	ssub.s32 @!p0 $0x0, s1;
	[sflag:s0] =	ssyncset.done @!p0 $0x0  }
0x72: {  	[sflag:s0] =	ssyncadd.s32 @!p0 s1  }
0x73: {  	[bflag:$0x3] =	sbarrier.arrive $0xFFFF  }
0x74: {  	_ =	shalt  }

// kernel: kernel.22.cloned.1.call-start
scs
__scs_entry_jumppad:
0x0: {  	(pc) =	sbr.rel $0x88, $3  }
0x1: {  	(tag) =	ssettag $0x0;
	lr =	simm.s32 $0x1  }
0x2: {  	[smem:$0x3F9B] =	sst lr;
	_ =	strace $0xD0000000  }
0x3: {  	_ = 	snop  }
0x4: {  	_ = 	snop  }
0x5: {  	_ = 	snop  }
0x6: {  	_ = 	snop  }
0x7: {  	_ = 	snop  }
__scs_overlays_trampoline_lowered:
0x8: {  	[smem:$0x3FAA] =	sst s0  }
0x9: {  	[smem:$0x3FAB] =	sst s1  }
0xa: {  	[smem:$0x3FAC] =	sst s2  }
0xb: {  	[smem:$0x3FAD] =	sst s3  }
0xc: {  	[smem:$0x3FAE] =	sst s4  }
0xd: {  	[smem:$0x3FAF] =	sst s5  }
0xe: {  	[smem:$0x3FB0] =	sst s6  }
0xf: {  	[smem:$0x3FB1] =	sst s7  }
0x10: {  	[smem:$0x3FB2] =	sst s8  }
0x11: {  	[smem:$0x3FB3] =	sst s9;
	s0 =	simm.s32 @!p0 $0x0  }
0x12: {  	s1 =	sld [smem:$0x3F99];
	s0 =	simm.s32 @p0 $0x1  }
0x13: {  	[smem:$0x3FB4] =	sst s0;
	s0 =	simm.s32 @!p1 $0x0  }
0x14: {  	s2 =	sld [smem:$0x3F98];
	s0 =	simm.s32 @p1 $0x1  }
0x15: {  	[smem:$0x3FB5] =	sst s0;
	s0 =	simm.s32 @!p2 $0x0  }
0x16: {  	s3 =	sld [smem:$0x3FDB];
	s0 =	simm.s32 @p2 $0x1  }
0x17: {  	s4 =	simm.s32 $0x1BF5;
	[smem:$0x3FB7] =	sst s0  }
0x18: {  	s0 =	sld [smem:$0x3F9A];
	_ =	swait.ge [sflag:s4], $0x0  }
0x19: {  	s7 =	sld [smem:$0x3F9B]  }
0x1a: {  	s8 =	sadd.s32 $0xFFFFE003, lr  }
0x1b: {  	s9 =	sadd.s32 $0xFFFFFEF7, lr;
	s5 =	simm.s32 $0xFFFFFFFF;
	p2 =	slt.u32 s8, $0xFFFFF086  }
0x1c: {  	p1 =	slt.u32 s9, $0xF7A;
	s5 =	simm.s32 @!p2 $0x0  }
0x1d: {  	s5 =	simm.s32 @p1 $0x1;
	p0 =	seq.s32 s7, s2  }
0x1e: {  	s7 =	smul.u32 @!p0 $0xF7A, s2;
	p2 =	seq.s32 @!p0 s5, $0x0  }
0x1f: {  	s9 =	smul.u32 $0xF7A, s1;
	s8 =	simm.s32 @!p0 $0x1BF5;
	p2 =	por !p2, p0  }
0x20: {  	[sflag:s8] =	ssyncset.s32 @!p0 $0xFFFFF086;
	s6 =	sadd.s32 @!p0 s3, s7;
	s7 =	simm.s32 @!p0 $0x108  }
0x21: {  	s3 =	sadd.s32 s3, s9;
	s6 =	sadd.s32 @!p0 $0x88, s6;
	s7 =	simm.s32 @p2 $0x1082  }
0x22: {  	[simem:s7], [sflag:s8] =	dma.local @!p0 [hbm:s6], $0xF7A  }
0x23: {  	s9 =	sor.u32 $0xD0000000, s2;
	s6 =	simm.s32 $0x108;
	_ =	swait.ge @!p0 [sflag:s8], $0x0  }
0x24: {  	s3 =	sadd.s32 $0x88, s3;
	s6 =	simm.s32 @!p1 $0x1082;
	[sflag:s4] =	ssyncset.s32 $0xFFFFF086  }
0x25: {  	[simem:s6], [sflag:s4] =	dma.local [hbm:s3], $0xF7A  }
0x26: {  	[smem:$0x3F9B] =	sst s1;
	(tag) =	ssettag s2;
	_ =	strace s9  }
0x27: {  	s1 =	sld [smem:$0x3FAB]  }
0x28: {  	s2 =	sld [smem:$0x3FAC]  }
0x29: {  	s4 =	sld [smem:$0x3FAE]  }
0x2a: {  	p0 =	seq.s32 s5, $0x0;
	s5 =	sld [smem:$0x3FAF]  }
0x2b: {  	s6 =	sld [smem:$0x3FB0]  }
0x2c: {  	s7 =	sld [smem:$0x3FB1]  }
0x2d: {  	s3 =	simm.s32 $0x108;
	s8 =	sld [smem:$0x3FB2]  }
0x2e: {  	s3 =	simm.s32 @!p0 $0x1082;
	s9 =	sld [smem:$0x3FB3]  }
0x2f: {  	lr =	sadd.s32 s0, s3;
	s0 =	sld [smem:$0x3FAA]  }
0x30: {  	s3 =	sld [smem:$0x3FAD]  }
0x31: {  	[smem:$0x3FB6] =	sst s10  }
0x32: {  	s10 =	sld [smem:$0x3FB4];
	_ =	sdelay $0x3  }
0x33: {  	p0 =	seq.s32 s10, $0x1;
	s10 =	sld [smem:$0x3FB6];
	_ =	sdelay $0x3  }
0x34: {  	[smem:$0x3FB6] =	sst s10  }
0x35: {  	s10 =	sld [smem:$0x3FB5];
	_ =	sdelay $0x3  }
0x36: {  	p1 =	seq.s32 s10, $0x1;
	s10 =	sld [smem:$0x3FB6];
	_ =	sdelay $0x3  }
0x37: {  	[smem:$0x3FB6] =	sst s10  }
0x38: {  	s10 =	sld [smem:$0x3FB7]  }
0x39: {  	_ = 	snop;
	(pc) =	sbr.ind lr, $3  }
0x3a: {  	_ = 	snop  }
0x3b: {  	_ = 	snop  }
0x3c: {  	p2 =	seq.s32 s10, $0x1;
	s10 =	sld [smem:$0x3FB6]  }
0x3d: {  	_ =	shalt  }
0x3e: {  	_ =	shalt  }
0x3f: {  	_ =	shalt  }
0x40: {  	_ =	shalt  }
0x41: {  	_ =	shalt  }
0x42: {  	_ =	shalt  }
0x43: {  	_ =	shalt  }
0x44: {  	_ =	shalt  }
0x45: {  	_ =	shalt  }
0x46: {  	_ =	shalt  }
0x47: {  	_ =	shalt  }
0x48: {  	_ =	shalt  }
0x49: {  	_ =	shalt  }
0x4a: {  	_ =	shalt  }
0x4b: {  	_ =	shalt  }
0x4c: {  	_ =	shalt  }
0x4d: {  	_ =	shalt  }
0x4e: {  	_ =	shalt  }
0x4f: {  	_ =	shalt  }
0x50: {  	_ =	shalt  }
0x51: {  	_ =	shalt  }
0x52: {  	_ =	shalt  }
0x53: {  	_ =	shalt  }
0x54: {  	_ =	shalt  }
0x55: {  	_ =	shalt  }
0x56: {  	_ =	shalt  }
0x57: {  	_ =	shalt  }
0x58: {  	_ =	shalt  }
0x59: {  	_ =	shalt  }
0x5a: {  	_ =	shalt  }
0x5b: {  	_ =	shalt  }
0x5c: {  	_ =	shalt  }
0x5d: {  	_ =	shalt  }
0x5e: {  	_ =	shalt  }
0x5f: {  	_ =	shalt  }
0x60: {  	_ =	shalt  }
0x61: {  	_ =	shalt  }
0x62: {  	_ =	shalt  }
0x63: {  	_ =	shalt  }
0x64: {  	_ =	shalt  }
0x65: {  	_ =	shalt  }
0x66: {  	_ =	shalt  }
0x67: {  	_ =	shalt  }
0x68: {  	_ =	shalt  }
0x69: {  	_ =	shalt  }
0x6a: {  	_ =	shalt  }
0x6b: {  	_ =	shalt  }
0x6c: {  	_ =	shalt  }
0x6d: {  	_ =	shalt  }
0x6e: {  	_ =	shalt  }
0x6f: {  	_ =	shalt  }
0x70: {  	_ =	shalt  }
0x71: {  	_ =	shalt  }
0x72: {  	_ =	shalt  }
0x73: {  	_ =	shalt  }
0x74: {  	_ =	shalt  }
0x75: {  	_ =	shalt  }
0x76: {  	_ =	shalt  }
0x77: {  	_ =	shalt  }
0x78: {  	_ =	shalt  }
0x79: {  	_ =	shalt  }
0x7a: {  	_ =	shalt  }
0x7b: {  	_ =	shalt  }
0x7c: {  	_ =	shalt  }
0x7d: {  	_ =	shalt  }
0x7e: {  	_ =	shalt  }
0x7f: {  	_ =	shalt  }
0x80: {  	_ =	shalt  }
0x81: {  	_ =	shalt  }
0x82: {  	_ =	shalt  }
0x83: {  	_ =	shalt  }
0x84: {  	_ =	shalt  }
0x85: {  	_ =	shalt  }
0x86: {  	_ =	shalt  }
0x87: {  	_ =	shalt  }
.Lfunc_end0:
.L_simem_size_0:
called_computation.3_lowered:
.L_overlay_start_0:
0x88: {  	s2 =	sld [smem:$0x3FD9]  }
0x89: {  	s3 =	sld [smem:$0x3FFE];
	_ =	sdelay $0x1  }
0x8a: {  	s1 =	srdreg.scid  }
0x8b: {  	s0 =	sand.u32 $0x1, s1  }
0x8c: {  	s17 =	sshll.u32 s0, $0xA;
	s2 =	sadd.s32 s3, s2  }
0x8d: {  	s2 =	sadd.s32 s2, s17  }
0x8e: {  	[smem:$0x3FC2] =	sst s2  }
0x8f: {  	_ = 	snop  }
0x90: {  	(tm) =	ssettm $0x1  }
0x91: {  	s18 =	sld [smem:$0x3FFB];
	_ =	sdelay $0x3  }
0x92: {  	_ =	strace s18  }
0x93: {  	s2 =	sld [smem:$0x3FFC];
	_ =	sdelay $0x3  }
0x94: {  	_ =	strace s2  }
0x95: {  	s2 =	sld [smem:$0x3FFD];
	_ =	sdelay $0x3  }
0x96: {  	_ =	strace s2  }
0x97: {  	_ =	strace $0x8FFFFFFF  }
0x98: {  	s19 =	sld [smem:$0x3FDB];
	_ =	sdelay $0x1  }
0x99: {  	s20 =	simm.s32 $_scs_section_size  }
0x9a: {  	s4 =	simm.s32 $_size__tile_overlayer_lowered;
	s5 =	simm.s32 $_tile_overlayer_lowered  }
0x9b: {  	s6 =	simm.s32 $0x1BFF;
	s21 =	sshll.u32 s5, $0x1;
	s3 =	sadd.s32 s20, s19  }
0x9c: {  	s22 =	simm.s32 $0x0;
	s4 =	sshll.u32 s4, $0x1;
	s5 =	sadd.s32 s21, s3  }
0x9d: {  	[timem:s22], [sflag:s6] =	dma.local [hbm:s5], s4  }
0x9e: {  	_ =	swait.ge [sflag:s6], s4  }
0x9f: {  	s4 =	ssub.s32 $0x0, s4;
	[sflag:s6] =	ssyncset.done $0x0  }
0xa0: {  	[sflag:s6] =	ssyncadd.s32 s4;
	_ =	sdelay $0x1  }
0xa1: {  	s23 =	simm.s32 $0x1B8B  }
0xa2: {  	_ =	swait.ge [sflag:s23], $0x1  }
0xa3: {  	[sflag:s23] =	ssyncset.done $0x0  }
0xa4: {  	[sflag:s23] =	ssyncadd.s32 $0xFFFFFFFF  }
0xa5: {  	s4 =	sld [smem:$0x0]  }
0xa6: {  	s5 =	sand.u32 $0xFFFFFFFE, s1  }
0xa7: {  	p0 =	sne.s32 s1, s5  }
0xa8: {  	s5 =	sshll.u32 @p0 s5, $0xE  }
0xa9: {  	s5 =	sadd.s32 @p0 $0x11B8D, s5;
	s6 =	sshll.u32 @p0 s4, $0x11  }
0xaa: {  	s5 =	sor.u32 @p0 s6, s5  }
0xab: {  	[sflag:s5] =	ssyncadd.remote.s32 @p0 $0x1;
	_ =	sdelay $0x1  }
0xac: {  	s5 =	simm.s32 @p0 $0x1B8D  }
0xad: {  	_ =	swait.eq @p0 [sflag:s5], $0x1  }
0xae: {  	[sflag:s5] =	ssyncadd.s32 @p0 $0xFFFFFFFF  }
0xaf: {  	s6 =	sshll.u32 @!p0 s1, $0xE  }
0xb0: {  	s6 =	sor.u32 @!p0 $0x4000, s6;
	s5 =	simm.s32 @!p0 $0x1B8D  }
0xb1: {  	s4 =	sshll.u32 @!p0 s4, $0x11;
	s6 =	sadd.s32 @!p0 $0x11B8D, s6;
	_ =	swait.eq @!p0 [sflag:s5], $0x1  }
0xb2: {  	s4 =	sor.u32 @!p0 s4, s6;
	[sflag:s5] =	ssyncadd.s32 @!p0 $0xFFFFFFFF  }
0xb3: {  	s25 =	simm.s32 $0x1B8E;
	s24 =	sld [smem:$0x3FFE];
	[sflag:s4] =	ssyncadd.remote.s32 @!p0 $0x1  }
0xb4: {  	s26 =	simm.s32 $execute0_lowered;
	[smem:$0x3FD2] =	sst s25  }
0xb5: {  	s5 =	sshll.u32 s26, $0x1;
	_ =	strace $0x8000004F;
	[dreg:$0x1] =	wrdreg $0xFFFFFFFF  }
0xb6: {  	s28 =	simm.s32 $_size_execute0_lowered;
	s3 =	sadd.s32 s3, s5;
	[dreg:$0x0] =	wrdreg $0x0  }
0xb7: {  	s5 =	sshll.u32 s28, $0x1;
	[dreg:$0x2] =	wrdreg s3  }
0xb8: {  	[dreg:$0x3] =	wrdreg s5  }
0xb9: {  	[dreg:$0x4] =	wrdreg $0xC0  }
0xba: {  	_ =	task [dreg:s22], $0x5FFFF  }
0xbb: {  	[dreg:$0x1] =	wrdreg $0xFFFFFFFF  }
0xbc: {  	[dreg:$0x0] =	wrdreg $0x60  }
0xbd: {  	[dreg:$0x2] =	wrdreg s24  }
0xbe: {  	[dreg:$0x3] =	wrdreg $0xC  }
0xbf: {  	_ =	task.clear_ibuf [dreg:s22], $0x4FFFF;
	_ =	strace $0x9000004F  }
0xc0: {  	s29 =	simm.s32 $0xC;
	_ =	strace $0x80000051  }
0xc1: {  	_ =	swait.ge [sflag:s29], $0x1  }
0xc2: {  	[sflag:s29] =	ssyncadd.s32 $0xFFFFFFFF  }
0xc3: {  	_ =	strace $0x90000051  }
0xc4: {  	_ =	sfence  }
0xc5: {  	s30 =	sld [smem:$0x0];
	_ =	sdelay $0x2  }
0xc6: {  	s31 =	sshll.u32 s1, $0xD;
	s1 =	sshrl.u32 s1, $0x2  }
0xc7: {  	s4 =	sand.u32 $0x4000, s31;
	s1 =	sadd.s32 s1, s30  }
0xc8: {  	s0 =	sor.u32 s4, s0;
	s1 =	sshll.u32 s1, $0x11  }
0xc9: {  	s0 =	sor.u32 s1, s0  }
0xca: {  	s0 =	sadd.s32 $0x8F2B, s0  }
0xcb: {  	[sflag:s0] =	ssyncadd.remote.s32 $0x1  }
0xcc: {  	_ =	sfence.sel $0xFFFF  }
0xcd: {  	[dreg:$0x0] =	wrdreg $0xFFFFFFFF;
	(pc) =	sbr.abs _section_cstart, $3  }
0xce: {  	[dreg:$0x1] =	wrdreg $0xFFFFFFFF  }
0xcf: {  	_ =	task.clear_ibuf [dreg:s22], $0x2FFFF;
	_ =	strace $0x9FFFFFFF  }
0xd0: {  	(tm) =	ssettm $0x7FFFFFFF  }
0xd1: {  	_ =	shalt  }
tec
execute0_lowered:
.L_overlay_start_1:
0x0: {  	(tag) =	ssettag $0x1  }
0x1: {  	s1 =	srdreg.scid  }
0x2: {  	s0 =	stileid.u32;
	s4 =	rddreg [dreg:$0x0];
	s2 =	simm.s32 $0x0  }
0x3: {  	s12 =	simm.s32 $0x1400;
	s13 =	simm.s32 $0x5400;
	s14 =	simm.s32 $0x1  }
0x4: {  	s15 =	simm.s32 $0x100;
	s16 =	simm.s32 $0x9400;
	s17 =	simm.s32 $0x180  }
0x5: {  	s18 =	simm.s32 $0xD400;
	s19 =	simm.s32 $0x2;
	s20 =	simm.s32 $0x3  }
0x6: {  	s21 =	simm.s32 $0x0;
	s5 =	sand.u32 $0x1, s1;
	s1 =	rddreg [dreg:$0x1]  }
0x7: {  	s3 =	sshll.u32 s0, $0x1;
	[smem:$0x7FF] =	sst s2;
	s8 =	smul.u32 $0x140000, s0  }
0x8: {  	s6 =	sor.u32 s5, s3;
	s9 =	ssub.s32 $0x2, s5;
	s5 =	smul.u32 $0xA0000, s5  }
0x9: {  	s10 =	sadd.s32 $0x91D000, s4;
	_ =	strace $0x80000050;
	s7 =	smul.u32 $0x280, s6  }
0xa: {  	s3 =	sadd.s32 $0x16600, s4;
	s30 =	sshrl.u32 s9, $0x1;
	s6 =	smul.u32 $0x14000, s6  }
0xb: {  	s9 =	ssub.s32 s9, s30;
	s31 =	sadd.s32 s5, s8;
	s7 =	sadd.s32 s7, s4  }
0xc: {  	s5 =	sadd.s32 s10, s6;
	s8 =	sor.u32 $0x10000, s31;
	s4 =	sadd.s32 $0xC600, s7  }
0xd: {  	s7 =	sor.u32 $0x18000, s31;
	s6 =	sadd.s32 $0x1000, s5;
	s8 =	sshrl.u32 s8, $0x3  }
0xe: {  	s11 =	sshrl.u32 s7, $0x3;
	s7 =	smax.u32 s9, $0x1;
	s8 =	sadd.s32 s8, s10  }
0xf: {  	s9 =	sadd.s32 s11, s10;
	s10 =	simm.s32 $0x4;
	s11 =	simm.s32 $0x80  }
.LBB2_1:
0x10: {  	[tilespmem:s2], [sflag:$0x4] =	stream.linear.gather [hbm4b:s4+s2], $0x1400, $0x38;
	[tilespmem:$0x11400] =	vst v63  }
0x11: {  	_ =	swait.ge [sflag:s10], $0x1400  }
0x12: {  	[sflag:s10] =	ssyncset.done $0x0  }
0x13: {  	[sflag:s10] =	ssyncadd.s32 $0xFFFFEC00  }
0x14: {  	[tilespmem:s12], [sflag:$0x1] =	stream.indirect.gather [hbm4b:s3+s11], $0x80, s2, s11, $0xb8;
	[tilespmem:$0x11400] =	vst v63  }
0x15: {  	_ = 	snop  }
0x16: {  	[tilespmem:s13], [sflag:$0x1] =	stream.indirect.gather [hbm4b:s3+s11], $0x80, s11, s11, $0xb8;
	[tilespmem:$0x11400] =	vst v63  }
0x17: {  	_ =	swait.ge [sflag:s14], $0x4000  }
0x18: {  	[sflag:s14] =	ssyncset.done $0x0  }
0x19: {  	[sflag:s14] =	ssyncadd.s32 $0xFFFFC000  }
0x1a: {  	_ =	swait.ge [sflag:s14], $0x4000  }
0x1b: {  	[sflag:s14] =	ssyncset.done $0x0  }
0x1c: {  	[sflag:s14] =	ssyncadd.s32 $0xFFFFC000  }
0x1d: {  	[hbm4b:s5+s2] =	stream.linear.scatter [tilespmem:s12], [sflag:$0x2], $0x8000, $0x38;
	[tilespmem:$0x11400] =	vst v63  }
0x1e: {  	_ = 	snop  }
0x1f: {  	[tilespmem:s16], [sflag:$0x1] =	stream.indirect.gather [hbm4b:s3+s11], $0x80, s15, s11, $0xb8;
	[tilespmem:$0x11400] =	vst v63  }
0x20: {  	_ = 	snop  }
0x21: {  	[tilespmem:s18], [sflag:$0x1] =	stream.indirect.gather [hbm4b:s3+s11], $0x80, s17, s11, $0xb8;
	[tilespmem:$0x11400] =	vst v63  }
0x22: {  	_ =	swait.ge [sflag:s14], $0x4000  }
0x23: {  	[sflag:s14] =	ssyncset.done $0x0  }
0x24: {  	[sflag:s14] =	ssyncadd.s32 $0xFFFFC000  }
0x25: {  	_ =	swait.ge [sflag:s14], $0x4000  }
0x26: {  	[sflag:s14] =	ssyncset.done $0x0  }
0x27: {  	[sflag:s14] =	ssyncadd.s32 $0xFFFFC000  }
0x28: {  	[hbm4b:s6+s2] =	stream.linear.scatter [tilespmem:s16], [sflag:$0x3], $0x8000, $0x38;
	[tilespmem:$0x11400] =	vst v63  }
0x29: {  	_ =	swait.ge [sflag:s19], $0x8000  }
0x2a: {  	[sflag:s19] =	ssyncset.done $0x0  }
0x2b: {  	s22 =	simm.s32 $0x200;
	[sflag:s19] =	ssyncadd.s32 $0xFFFF8000  }
0x2c: {  	[tilespmem:s12], [sflag:$0x1] =	stream.indirect.gather [hbm4b:s3+s11], $0x80, s22, s11, $0xb8;
	[tilespmem:$0x11400] =	vst v63  }
0x2d: {  	s29 =	simm.s32 $0x280  }
0x2e: {  	[tilespmem:s13], [sflag:$0x1] =	stream.indirect.gather [hbm4b:s3+s11], $0x80, s29, s11, $0xb8;
	[tilespmem:$0x11400] =	vst v63  }
0x2f: {  	_ =	swait.ge [sflag:s14], $0x4000  }
0x30: {  	[sflag:s14] =	ssyncset.done $0x0  }
0x31: {  	[sflag:s14] =	ssyncadd.s32 $0xFFFFC000  }
0x32: {  	_ =	swait.ge [sflag:s14], $0x4000  }
0x33: {  	[sflag:s14] =	ssyncset.done $0x0  }
0x34: {  	[sflag:s14] =	ssyncadd.s32 $0xFFFFC000  }
0x35: {  	[hbm4b:s8+s2] =	stream.linear.scatter [tilespmem:s12], [sflag:$0x2], $0x8000, $0x38;
	[tilespmem:$0x11400] =	vst v63  }
0x36: {  	_ =	swait.ge [sflag:s20], $0x8000  }
0x37: {  	[sflag:s20] =	ssyncset.done $0x0  }
0x38: {  	s30 =	simm.s32 $0x300;
	[sflag:s20] =	ssyncadd.s32 $0xFFFF8000  }
0x39: {  	[tilespmem:s16], [sflag:$0x1] =	stream.indirect.gather [hbm4b:s3+s11], $0x80, s30, s11, $0xb8;
	[tilespmem:$0x11400] =	vst v63  }
0x3a: {  	s31 =	simm.s32 $0x380  }
0x3b: {  	[tilespmem:s18], [sflag:$0x1] =	stream.indirect.gather [hbm4b:s3+s11], $0x80, s31, s11, $0xb8;
	[tilespmem:$0x11400] =	vst v63  }
0x3c: {  	_ =	swait.ge [sflag:s14], $0x4000  }
0x3d: {  	[sflag:s14] =	ssyncset.done $0x0  }
0x3e: {  	[sflag:s14] =	ssyncadd.s32 $0xFFFFC000  }
0x3f: {  	_ =	swait.ge [sflag:s14], $0x4000  }
0x40: {  	s23 =	sadd.s32 $0x2000, s8;
	s24 =	sadd.s32 $0x2000, s9;
	[sflag:s14] =	ssyncset.done $0x0  }
0x41: {  	s25 =	smov.u32 s9;
	s22 =	simm.s32 $0x800;
	[sflag:s14] =	ssyncadd.s32 $0xFFFFC000  }
.LBB2_2:
0x42: {  	[hbm4b:s25+s2] =	stream.linear.scatter [tilespmem:s16], [sflag:$0x3], $0x8000, $0x38;
	[tilespmem:$0x11400] =	vst v63  }
0x43: {  	s26 =	smov.u32 s22;
	s25 =	smov.u32 s24  }
0x44: {  	p0 =	sne.s32 s22, $0x4000;
	s22 =	sadd.s32 $0x800, s22;
	_ =	swait.ge [sflag:s19], $0x8000  }
0x45: {  	s26 =	sshra.s32 s26, $0x2;
	[sflag:s19] =	ssyncset.done $0x0  }
0x46: {  	s28 =	sadd.s32 $0x200, s26;
	[sflag:s19] =	ssyncadd.s32 $0xFFFF8000  }
0x47: {  	[tilespmem:s12], [sflag:$0x1] =	stream.indirect.gather [hbm4b:s3+s11], $0x80, s28, s11, $0xb8;
	[tilespmem:$0x11400] =	vst v63  }
0x48: {  	s28 =	sadd.s32 $0x280, s26  }
0x49: {  	[tilespmem:s13], [sflag:$0x1] =	stream.indirect.gather [hbm4b:s3+s11], $0x80, s28, s11, $0xb8;
	[tilespmem:$0x11400] =	vst v63  }
0x4a: {  	_ =	swait.ge [sflag:s14], $0x4000  }
0x4b: {  	[sflag:s14] =	ssyncset.done $0x0  }
0x4c: {  	[sflag:s14] =	ssyncadd.s32 $0xFFFFC000  }
0x4d: {  	_ =	swait.ge [sflag:s14], $0x4000  }
0x4e: {  	[sflag:s14] =	ssyncset.done $0x0  }
0x4f: {  	[sflag:s14] =	ssyncadd.s32 $0xFFFFC000  }
0x50: {  	[hbm4b:s23+s2] =	stream.linear.scatter [tilespmem:s12], [sflag:$0x2], $0x8000, $0x38;
	[tilespmem:$0x11400] =	vst v63  }
0x51: {  	_ =	swait.ge [sflag:s20], $0x8000  }
0x52: {  	[sflag:s20] =	ssyncset.done $0x0  }
0x53: {  	s28 =	sadd.s32 $0x300, s26;
	[sflag:s20] =	ssyncadd.s32 $0xFFFF8000  }
0x54: {  	[tilespmem:s16], [sflag:$0x1] =	stream.indirect.gather [hbm4b:s3+s11], $0x80, s28, s11, $0xb8;
	[tilespmem:$0x11400] =	vst v63  }
0x55: {  	s26 =	sadd.s32 $0x380, s26  }
0x56: {  	[tilespmem:s18], [sflag:$0x1] =	stream.indirect.gather [hbm4b:s3+s11], $0x80, s26, s11, $0xb8;
	[tilespmem:$0x11400] =	vst v63  }
0x57: {  	_ =	swait.ge [sflag:s14], $0x4000  }
.Ltmp0:
0x58: {  	[sflag:s14] =	ssyncset.done $0x0;
	(pc) =	sbr.rel @p0 .LBB2_2-.Ltmp0, $4  }
0x59: {  	[sflag:s14] =	ssyncadd.s32 $0xFFFFC000  }
0x5a: {  	_ =	swait.ge [sflag:s14], $0x4000  }
0x5b: {  	[sflag:s14] =	ssyncset.done $0x0  }
0x5c: {  	s24 =	sadd.s32 $0x2000, s24;
	s23 =	sadd.s32 $0x2000, s23;
	[sflag:s14] =	ssyncadd.s32 $0xFFFFC000  }
0x5d: {  	[hbm4b:s25+s2] =	stream.linear.scatter [tilespmem:s16], [sflag:$0x3], $0x8000, $0x38;
	[tilespmem:$0x11400] =	vst v63  }
0x5e: {  	s21 =	sadd.s32 $0x1, s21  }
0x5f: {  	_ =	swait.ge [sflag:s19], $0x8000;
	p0 =	sne.s32 s21, s7  }
.Ltmp1:
0x60: {  	[sflag:s19] =	ssyncset.done $0x0;
	(pc) =	sbr.rel @p0 .LBB2_1-.Ltmp1, $4  }
0x61: {  	[sflag:s19] =	ssyncadd.s32 $0xFFFF8000  }
0x62: {  	_ =	swait.ge [sflag:s20], $0x8000  }
0x63: {  	[sflag:s20] =	ssyncset.done $0x0  }
0x64: {  	[sflag:s20] =	ssyncadd.s32 $0xFFFF8000  }
0x65: {  	_ =	sfence.sel $0x180000  }
0x66: {  	[bflag:$0x0] =	sbarrier.arrive $0xFFFF  }
0x67: {  	p0 =	sne.s32 s0, $0x0;
	_ =	strace $0x90000050  }
0x68: {  	s0 =	sadd.s32 @!p0 $0x100000, s1;
	[bflag:$0x2] =	sbarrier.arrive $0xFFFF  }
0x69: {  	[sflag:s0] =	ssyncadd.tile.s32 @!p0 $0x1;
	_ =	shalt  }
.Lfunc_end2:
_tile_overlayer_lowered:
.L_overlay_start_2:
0x6a: {  	(tag) =	ssettag $0x2  }
0x6b: {  	s0 =	rddreg [dreg:$0x0];
	s2 =	stileid.u32  }
0x6c: {  	s1 =	rddreg [dreg:$0x1];
	p0 =	sne.s32 s2, $0x0  }
0x6d: {  	s3 =	rddreg [dreg:$0x2];
	[bflag:$0x3] =	sbarrier.arrive $0xFFFF;
	s2 =	simm.s32 @!p0 $0x1C04  }
0x6e: {  	[timem:s3], [sflag:s2] =	dma.local @!p0 [hbm:s0], s1  }
0x6f: {  	s0 =	simm.s32 @!p0 $0x4  }
0x70: {  	_ =	swait.ge @!p0 [sflag:s0], s1  }
0x71: {  	s1 =	ssub.s32 @!p0 $0x0, s1;
	[sflag:s0] =	ssyncset.done @!p0 $0x0  }
0x72: {  	[sflag:s0] =	ssyncadd.s32 @!p0 s1  }
0x73: {  	[bflag:$0x3] =	sbarrier.arrive $0xFFFF  }
0x74: {  	_ =	shalt  }

// kernel: kernel.25.cloned.1.call-start
scs
__scs_entry_jumppad:
0x0: {  	(pc) =	sbr.rel $0x88, $3  }
0x1: {  	(tag) =	ssettag $0x0;
	lr =	simm.s32 $0x1  }
0x2: {  	[smem:$0x3F9B] =	sst lr;
	_ =	strace $0xD0000000  }
0x3: {  	_ = 	snop  }
0x4: {  	_ = 	snop  }
0x5: {  	_ = 	snop  }
0x6: {  	_ = 	snop  }
0x7: {  	_ = 	snop  }
__scs_overlays_trampoline_lowered:
0x8: {  	[smem:$0x3FAA] =	sst s0  }
0x9: {  	[smem:$0x3FAB] =	sst s1  }
0xa: {  	[smem:$0x3FAC] =	sst s2  }
0xb: {  	[smem:$0x3FAD] =	sst s3  }
0xc: {  	[smem:$0x3FAE] =	sst s4  }
0xd: {  	[smem:$0x3FAF] =	sst s5  }
0xe: {  	[smem:$0x3FB0] =	sst s6  }
0xf: {  	[smem:$0x3FB1] =	sst s7  }
0x10: {  	[smem:$0x3FB2] =	sst s8  }
0x11: {  	[smem:$0x3FB3] =	sst s9;
	s0 =	simm.s32 @!p0 $0x0  }
0x12: {  	s1 =	sld [smem:$0x3F99];
	s0 =	simm.s32 @p0 $0x1  }
0x13: {  	[smem:$0x3FB4] =	sst s0;
	s0 =	simm.s32 @!p1 $0x0  }
0x14: {  	s2 =	sld [smem:$0x3F98];
	s0 =	simm.s32 @p1 $0x1  }
0x15: {  	[smem:$0x3FB5] =	sst s0;
	s0 =	simm.s32 @!p2 $0x0  }
0x16: {  	s3 =	sld [smem:$0x3FDB];
	s0 =	simm.s32 @p2 $0x1  }
0x17: {  	s4 =	simm.s32 $0x1BF5;
	[smem:$0x3FB7] =	sst s0  }
0x18: {  	s0 =	sld [smem:$0x3F9A];
	_ =	swait.ge [sflag:s4], $0x0  }
0x19: {  	s7 =	sld [smem:$0x3F9B]  }
0x1a: {  	s8 =	sadd.s32 $0xFFFFE003, lr  }
0x1b: {  	s9 =	sadd.s32 $0xFFFFFEF7, lr;
	s5 =	simm.s32 $0xFFFFFFFF;
	p2 =	slt.u32 s8, $0xFFFFF086  }
0x1c: {  	p1 =	slt.u32 s9, $0xF7A;
	s5 =	simm.s32 @!p2 $0x0  }
0x1d: {  	s5 =	simm.s32 @p1 $0x1;
	p0 =	seq.s32 s7, s2  }
0x1e: {  	s7 =	smul.u32 @!p0 $0xF7A, s2;
	p2 =	seq.s32 @!p0 s5, $0x0  }
0x1f: {  	s9 =	smul.u32 $0xF7A, s1;
	s8 =	simm.s32 @!p0 $0x1BF5;
	p2 =	por !p2, p0  }
0x20: {  	[sflag:s8] =	ssyncset.s32 @!p0 $0xFFFFF086;
	s6 =	sadd.s32 @!p0 s3, s7;
	s7 =	simm.s32 @!p0 $0x108  }
0x21: {  	s3 =	sadd.s32 s3, s9;
	s6 =	sadd.s32 @!p0 $0x88, s6;
	s7 =	simm.s32 @p2 $0x1082  }
0x22: {  	[simem:s7], [sflag:s8] =	dma.local @!p0 [hbm:s6], $0xF7A  }
0x23: {  	s9 =	sor.u32 $0xD0000000, s2;
	s6 =	simm.s32 $0x108;
	_ =	swait.ge @!p0 [sflag:s8], $0x0  }
0x24: {  	s3 =	sadd.s32 $0x88, s3;
	s6 =	simm.s32 @!p1 $0x1082;
	[sflag:s4] =	ssyncset.s32 $0xFFFFF086  }
0x25: {  	[simem:s6], [sflag:s4] =	dma.local [hbm:s3], $0xF7A  }
0x26: {  	[smem:$0x3F9B] =	sst s1;
	(tag) =	ssettag s2;
	_ =	strace s9  }
0x27: {  	s1 =	sld [smem:$0x3FAB]  }
0x28: {  	s2 =	sld [smem:$0x3FAC]  }
0x29: {  	s4 =	sld [smem:$0x3FAE]  }
0x2a: {  	p0 =	seq.s32 s5, $0x0;
	s5 =	sld [smem:$0x3FAF]  }
0x2b: {  	s6 =	sld [smem:$0x3FB0]  }
0x2c: {  	s7 =	sld [smem:$0x3FB1]  }
0x2d: {  	s3 =	simm.s32 $0x108;
	s8 =	sld [smem:$0x3FB2]  }
0x2e: {  	s3 =	simm.s32 @!p0 $0x1082;
	s9 =	sld [smem:$0x3FB3]  }
0x2f: {  	lr =	sadd.s32 s0, s3;
	s0 =	sld [smem:$0x3FAA]  }
0x30: {  	s3 =	sld [smem:$0x3FAD]  }
0x31: {  	[smem:$0x3FB6] =	sst s10  }
0x32: {  	s10 =	sld [smem:$0x3FB4];
	_ =	sdelay $0x3  }
0x33: {  	p0 =	seq.s32 s10, $0x1;
	s10 =	sld [smem:$0x3FB6];
	_ =	sdelay $0x3  }
0x34: {  	[smem:$0x3FB6] =	sst s10  }
0x35: {  	s10 =	sld [smem:$0x3FB5];
	_ =	sdelay $0x3  }
0x36: {  	p1 =	seq.s32 s10, $0x1;
	s10 =	sld [smem:$0x3FB6];
	_ =	sdelay $0x3  }
0x37: {  	[smem:$0x3FB6] =	sst s10  }
0x38: {  	s10 =	sld [smem:$0x3FB7]  }
0x39: {  	_ = 	snop;
	(pc) =	sbr.ind lr, $3  }
0x3a: {  	_ = 	snop  }
0x3b: {  	_ = 	snop  }
0x3c: {  	p2 =	seq.s32 s10, $0x1;
	s10 =	sld [smem:$0x3FB6]  }
0x3d: {  	_ =	shalt  }
0x3e: {  	_ =	shalt  }
0x3f: {  	_ =	shalt  }
0x40: {  	_ =	shalt  }
0x41: {  	_ =	shalt  }
0x42: {  	_ =	shalt  }
0x43: {  	_ =	shalt  }
0x44: {  	_ =	shalt  }
0x45: {  	_ =	shalt  }
0x46: {  	_ =	shalt  }
0x47: {  	_ =	shalt  }
0x48: {  	_ =	shalt  }
0x49: {  	_ =	shalt  }
0x4a: {  	_ =	shalt  }
0x4b: {  	_ =	shalt  }
0x4c: {  	_ =	shalt  }
0x4d: {  	_ =	shalt  }
0x4e: {  	_ =	shalt  }
0x4f: {  	_ =	shalt  }
0x50: {  	_ =	shalt  }
0x51: {  	_ =	shalt  }
0x52: {  	_ =	shalt  }
0x53: {  	_ =	shalt  }
0x54: {  	_ =	shalt  }
0x55: {  	_ =	shalt  }
0x56: {  	_ =	shalt  }
0x57: {  	_ =	shalt  }
0x58: {  	_ =	shalt  }
0x59: {  	_ =	shalt  }
0x5a: {  	_ =	shalt  }
0x5b: {  	_ =	shalt  }
0x5c: {  	_ =	shalt  }
0x5d: {  	_ =	shalt  }
0x5e: {  	_ =	shalt  }
0x5f: {  	_ =	shalt  }
0x60: {  	_ =	shalt  }
0x61: {  	_ =	shalt  }
0x62: {  	_ =	shalt  }
0x63: {  	_ =	shalt  }
0x64: {  	_ =	shalt  }
0x65: {  	_ =	shalt  }
0x66: {  	_ =	shalt  }
0x67: {  	_ =	shalt  }
0x68: {  	_ =	shalt  }
0x69: {  	_ =	shalt  }
0x6a: {  	_ =	shalt  }
0x6b: {  	_ =	shalt  }
0x6c: {  	_ =	shalt  }
0x6d: {  	_ =	shalt  }
0x6e: {  	_ =	shalt  }
0x6f: {  	_ =	shalt  }
0x70: {  	_ =	shalt  }
0x71: {  	_ =	shalt  }
0x72: {  	_ =	shalt  }
0x73: {  	_ =	shalt  }
0x74: {  	_ =	shalt  }
0x75: {  	_ =	shalt  }
0x76: {  	_ =	shalt  }
0x77: {  	_ =	shalt  }
0x78: {  	_ =	shalt  }
0x79: {  	_ =	shalt  }
0x7a: {  	_ =	shalt  }
0x7b: {  	_ =	shalt  }
0x7c: {  	_ =	shalt  }
0x7d: {  	_ =	shalt  }
0x7e: {  	_ =	shalt  }
0x7f: {  	_ =	shalt  }
0x80: {  	_ =	shalt  }
0x81: {  	_ =	shalt  }
0x82: {  	_ =	shalt  }
0x83: {  	_ =	shalt  }
0x84: {  	_ =	shalt  }
0x85: {  	_ =	shalt  }
0x86: {  	_ =	shalt  }
0x87: {  	_ =	shalt  }
.Lfunc_end0:
.L_simem_size_0:
called_computation.4_lowered:
.L_overlay_start_0:
0x88: {  	s2 =	sld [smem:$0x3FD9]  }
0x89: {  	s3 =	sld [smem:$0x3FFE];
	_ =	sdelay $0x1  }
0x8a: {  	s1 =	srdreg.scid  }
0x8b: {  	s0 =	sand.u32 $0x1, s1  }
0x8c: {  	s17 =	sshll.u32 s0, $0xA;
	s2 =	sadd.s32 s3, s2  }
0x8d: {  	s2 =	sadd.s32 s2, s17  }
0x8e: {  	[smem:$0x3FC2] =	sst s2  }
0x8f: {  	_ = 	snop  }
0x90: {  	(tm) =	ssettm $0x1  }
0x91: {  	s18 =	sld [smem:$0x3FFB];
	_ =	sdelay $0x3  }
0x92: {  	_ =	strace s18  }
0x93: {  	s2 =	sld [smem:$0x3FFC];
	_ =	sdelay $0x3  }
0x94: {  	_ =	strace s2  }
0x95: {  	s2 =	sld [smem:$0x3FFD];
	_ =	sdelay $0x3  }
0x96: {  	_ =	strace s2  }
0x97: {  	_ =	strace $0x8FFFFFFF  }
0x98: {  	s19 =	sld [smem:$0x3FDB];
	_ =	sdelay $0x1  }
0x99: {  	s20 =	simm.s32 $_scs_section_size  }
0x9a: {  	s4 =	simm.s32 $_size__tile_overlayer_lowered;
	s5 =	simm.s32 $_tile_overlayer_lowered  }
0x9b: {  	s6 =	simm.s32 $0x1BFF;
	s21 =	sshll.u32 s5, $0x1;
	s3 =	sadd.s32 s20, s19  }
0x9c: {  	s22 =	simm.s32 $0x0;
	s4 =	sshll.u32 s4, $0x1;
	s5 =	sadd.s32 s21, s3  }
0x9d: {  	[timem:s22], [sflag:s6] =	dma.local [hbm:s5], s4  }
0x9e: {  	_ =	swait.ge [sflag:s6], s4  }
0x9f: {  	s4 =	ssub.s32 $0x0, s4;
	[sflag:s6] =	ssyncset.done $0x0  }
0xa0: {  	[sflag:s6] =	ssyncadd.s32 s4;
	_ =	sdelay $0x1  }
0xa1: {  	s23 =	simm.s32 $0x1B8B  }
0xa2: {  	_ =	swait.ge [sflag:s23], $0x1  }
0xa3: {  	[sflag:s23] =	ssyncset.done $0x0  }
0xa4: {  	[sflag:s23] =	ssyncadd.s32 $0xFFFFFFFF  }
0xa5: {  	s4 =	sld [smem:$0x0]  }
0xa6: {  	s5 =	sand.u32 $0xFFFFFFFE, s1  }
0xa7: {  	p0 =	sne.s32 s1, s5  }
0xa8: {  	s5 =	sshll.u32 @p0 s5, $0xE  }
0xa9: {  	s5 =	sadd.s32 @p0 $0x11B8D, s5;
	s6 =	sshll.u32 @p0 s4, $0x11  }
0xaa: {  	s5 =	sor.u32 @p0 s6, s5  }
0xab: {  	[sflag:s5] =	ssyncadd.remote.s32 @p0 $0x1;
	_ =	sdelay $0x1  }
0xac: {  	s5 =	simm.s32 @p0 $0x1B8D  }
0xad: {  	_ =	swait.eq @p0 [sflag:s5], $0x1  }
0xae: {  	[sflag:s5] =	ssyncadd.s32 @p0 $0xFFFFFFFF  }
0xaf: {  	s6 =	sshll.u32 @!p0 s1, $0xE  }
0xb0: {  	s6 =	sor.u32 @!p0 $0x4000, s6;
	s5 =	simm.s32 @!p0 $0x1B8D  }
0xb1: {  	s4 =	sshll.u32 @!p0 s4, $0x11;
	s6 =	sadd.s32 @!p0 $0x11B8D, s6;
	_ =	swait.eq @!p0 [sflag:s5], $0x1  }
0xb2: {  	s4 =	sor.u32 @!p0 s4, s6;
	[sflag:s5] =	ssyncadd.s32 @!p0 $0xFFFFFFFF  }
0xb3: {  	s25 =	simm.s32 $0x1B8E;
	s24 =	sld [smem:$0x3FFE];
	[sflag:s4] =	ssyncadd.remote.s32 @!p0 $0x1  }
0xb4: {  	s26 =	simm.s32 $execute0_lowered;
	[smem:$0x3FD2] =	sst s25  }
0xb5: {  	s5 =	sshll.u32 s26, $0x1;
	_ =	strace $0x80000052;
	[dreg:$0x1] =	wrdreg $0xFFFFFFFF  }
0xb6: {  	s28 =	simm.s32 $_size_execute0_lowered;
	s3 =	sadd.s32 s3, s5;
	[dreg:$0x0] =	wrdreg $0x0  }
0xb7: {  	s5 =	sshll.u32 s28, $0x1;
	[dreg:$0x2] =	wrdreg s3  }
0xb8: {  	[dreg:$0x3] =	wrdreg s5  }
0xb9: {  	[dreg:$0x4] =	wrdreg $0xC0  }
0xba: {  	_ =	task [dreg:s22], $0x5FFFF  }
0xbb: {  	[dreg:$0x1] =	wrdreg $0xFFFFFFFF  }
0xbc: {  	[dreg:$0x0] =	wrdreg $0x60  }
0xbd: {  	[dreg:$0x2] =	wrdreg s24  }
0xbe: {  	[dreg:$0x3] =	wrdreg $0xD  }
0xbf: {  	_ =	task.clear_ibuf [dreg:s22], $0x4FFFF;
	_ =	strace $0x90000052  }
0xc0: {  	s29 =	simm.s32 $0xD;
	_ =	strace $0x80000054  }
0xc1: {  	_ =	swait.ge [sflag:s29], $0x1  }
0xc2: {  	[sflag:s29] =	ssyncadd.s32 $0xFFFFFFFF  }
0xc3: {  	_ =	strace $0x90000054  }
0xc4: {  	_ =	sfence  }
0xc5: {  	s30 =	sld [smem:$0x0];
	_ =	sdelay $0x2  }
0xc6: {  	s31 =	sshll.u32 s1, $0xD;
	s1 =	sshrl.u32 s1, $0x2  }
0xc7: {  	s4 =	sand.u32 $0x4000, s31;
	s1 =	sadd.s32 s1, s30  }
0xc8: {  	s0 =	sor.u32 s4, s0;
	s1 =	sshll.u32 s1, $0x11  }
0xc9: {  	s0 =	sor.u32 s1, s0  }
0xca: {  	s0 =	sadd.s32 $0x8F2B, s0  }
0xcb: {  	[sflag:s0] =	ssyncadd.remote.s32 $0x1  }
0xcc: {  	_ =	sfence.sel $0xFFFF  }
0xcd: {  	[dreg:$0x0] =	wrdreg $0xFFFFFFFF;
	(pc) =	sbr.abs _section_cstart, $3  }
0xce: {  	[dreg:$0x1] =	wrdreg $0xFFFFFFFF  }
0xcf: {  	_ =	task.clear_ibuf [dreg:s22], $0x2FFFF;
	_ =	strace $0x9FFFFFFF  }
0xd0: {  	(tm) =	ssettm $0x7FFFFFFF  }
0xd1: {  	_ =	shalt  }
tec
execute0_lowered:
.L_overlay_start_1:
0x0: {  	(tag) =	ssettag $0x1  }
0x1: {  	s1 =	srdreg.scid  }
0x2: {  	s0 =	stileid.u32;
	s4 =	rddreg [dreg:$0x0];
	s2 =	simm.s32 $0x0  }
0x3: {  	s12 =	simm.s32 $0x1400;
	s13 =	simm.s32 $0x5400;
	s14 =	simm.s32 $0x1  }
0x4: {  	s15 =	simm.s32 $0x100;
	s16 =	simm.s32 $0x9400;
	s17 =	simm.s32 $0x180  }
0x5: {  	s18 =	simm.s32 $0xD400;
	s19 =	simm.s32 $0x2;
	s20 =	simm.s32 $0x3  }
0x6: {  	s21 =	simm.s32 $0x0;
	s5 =	sand.u32 $0x1, s1;
	s1 =	rddreg [dreg:$0x1]  }
0x7: {  	s3 =	sshll.u32 s0, $0x1;
	[smem:$0x7FF] =	sst s2;
	s8 =	smul.u32 $0x140000, s0  }
0x8: {  	s6 =	sor.u32 s5, s3;
	s9 =	ssub.s32 $0x2, s5;
	s5 =	smul.u32 $0xA0000, s5  }
0x9: {  	s10 =	sadd.s32 $0xBA2000, s4;
	_ =	strace $0x80000053;
	s7 =	smul.u32 $0x280, s6  }
0xa: {  	s3 =	sadd.s32 $0x16600, s4;
	s30 =	sshrl.u32 s9, $0x1;
	s6 =	smul.u32 $0x14000, s6  }
0xb: {  	s9 =	ssub.s32 s9, s30;
	s31 =	sadd.s32 s5, s8;
	s7 =	sadd.s32 s7, s4  }
0xc: {  	s5 =	sadd.s32 s10, s6;
	s8 =	sor.u32 $0x10000, s31;
	s4 =	sadd.s32 $0xB9D000, s7  }
0xd: {  	s7 =	sor.u32 $0x18000, s31;
	s6 =	sadd.s32 $0x1000, s5;
	s8 =	sshrl.u32 s8, $0x3  }
0xe: {  	s11 =	sshrl.u32 s7, $0x3;
	s7 =	smax.u32 s9, $0x1;
	s8 =	sadd.s32 s8, s10  }
0xf: {  	s9 =	sadd.s32 s11, s10;
	s10 =	simm.s32 $0x4;
	s11 =	simm.s32 $0x80  }
.LBB2_1:
0x10: {  	[tilespmem:s2], [sflag:$0x4] =	stream.linear.gather [hbm4b:s4+s2], $0x1400, $0x38;
	[tilespmem:$0x11400] =	vst v63  }
0x11: {  	_ =	swait.ge [sflag:s10], $0x1400  }
0x12: {  	[sflag:s10] =	ssyncset.done $0x0  }
0x13: {  	[sflag:s10] =	ssyncadd.s32 $0xFFFFEC00  }
0x14: {  	[tilespmem:s12], [sflag:$0x1] =	stream.indirect.gather [hbm4b:s3+s11], $0x80, s2, s11, $0xb8;
	[tilespmem:$0x11400] =	vst v63  }
0x15: {  	_ = 	snop  }
0x16: {  	[tilespmem:s13], [sflag:$0x1] =	stream.indirect.gather [hbm4b:s3+s11], $0x80, s11, s11, $0xb8;
	[tilespmem:$0x11400] =	vst v63  }
0x17: {  	_ =	swait.ge [sflag:s14], $0x4000  }
0x18: {  	[sflag:s14] =	ssyncset.done $0x0  }
0x19: {  	[sflag:s14] =	ssyncadd.s32 $0xFFFFC000  }
0x1a: {  	_ =	swait.ge [sflag:s14], $0x4000  }
0x1b: {  	[sflag:s14] =	ssyncset.done $0x0  }
0x1c: {  	[sflag:s14] =	ssyncadd.s32 $0xFFFFC000  }
0x1d: {  	[hbm4b:s5+s2] =	stream.linear.scatter [tilespmem:s12], [sflag:$0x2], $0x8000, $0x38;
	[tilespmem:$0x11400] =	vst v63  }
0x1e: {  	_ = 	snop  }
0x1f: {  	[tilespmem:s16], [sflag:$0x1] =	stream.indirect.gather [hbm4b:s3+s11], $0x80, s15, s11, $0xb8;
	[tilespmem:$0x11400] =	vst v63  }
0x20: {  	_ = 	snop  }
0x21: {  	[tilespmem:s18], [sflag:$0x1] =	stream.indirect.gather [hbm4b:s3+s11], $0x80, s17, s11, $0xb8;
	[tilespmem:$0x11400] =	vst v63  }
0x22: {  	_ =	swait.ge [sflag:s14], $0x4000  }
0x23: {  	[sflag:s14] =	ssyncset.done $0x0  }
0x24: {  	[sflag:s14] =	ssyncadd.s32 $0xFFFFC000  }
0x25: {  	_ =	swait.ge [sflag:s14], $0x4000  }
0x26: {  	[sflag:s14] =	ssyncset.done $0x0  }
0x27: {  	[sflag:s14] =	ssyncadd.s32 $0xFFFFC000  }
0x28: {  	[hbm4b:s6+s2] =	stream.linear.scatter [tilespmem:s16], [sflag:$0x3], $0x8000, $0x38;
	[tilespmem:$0x11400] =	vst v63  }
0x29: {  	_ =	swait.ge [sflag:s19], $0x8000  }
0x2a: {  	[sflag:s19] =	ssyncset.done $0x0  }
0x2b: {  	s22 =	simm.s32 $0x200;
	[sflag:s19] =	ssyncadd.s32 $0xFFFF8000  }
0x2c: {  	[tilespmem:s12], [sflag:$0x1] =	stream.indirect.gather [hbm4b:s3+s11], $0x80, s22, s11, $0xb8;
	[tilespmem:$0x11400] =	vst v63  }
0x2d: {  	s29 =	simm.s32 $0x280  }
0x2e: {  	[tilespmem:s13], [sflag:$0x1] =	stream.indirect.gather [hbm4b:s3+s11], $0x80, s29, s11, $0xb8;
	[tilespmem:$0x11400] =	vst v63  }
0x2f: {  	_ =	swait.ge [sflag:s14], $0x4000  }
0x30: {  	[sflag:s14] =	ssyncset.done $0x0  }
0x31: {  	[sflag:s14] =	ssyncadd.s32 $0xFFFFC000  }
0x32: {  	_ =	swait.ge [sflag:s14], $0x4000  }
0x33: {  	[sflag:s14] =	ssyncset.done $0x0  }
0x34: {  	[sflag:s14] =	ssyncadd.s32 $0xFFFFC000  }
0x35: {  	[hbm4b:s8+s2] =	stream.linear.scatter [tilespmem:s12], [sflag:$0x2], $0x8000, $0x38;
	[tilespmem:$0x11400] =	vst v63  }
0x36: {  	_ =	swait.ge [sflag:s20], $0x8000  }
0x37: {  	[sflag:s20] =	ssyncset.done $0x0  }
0x38: {  	s30 =	simm.s32 $0x300;
	[sflag:s20] =	ssyncadd.s32 $0xFFFF8000  }
0x39: {  	[tilespmem:s16], [sflag:$0x1] =	stream.indirect.gather [hbm4b:s3+s11], $0x80, s30, s11, $0xb8;
	[tilespmem:$0x11400] =	vst v63  }
0x3a: {  	s31 =	simm.s32 $0x380  }
0x3b: {  	[tilespmem:s18], [sflag:$0x1] =	stream.indirect.gather [hbm4b:s3+s11], $0x80, s31, s11, $0xb8;
	[tilespmem:$0x11400] =	vst v63  }
0x3c: {  	_ =	swait.ge [sflag:s14], $0x4000  }
0x3d: {  	[sflag:s14] =	ssyncset.done $0x0  }
0x3e: {  	[sflag:s14] =	ssyncadd.s32 $0xFFFFC000  }
0x3f: {  	_ =	swait.ge [sflag:s14], $0x4000  }
0x40: {  	s23 =	sadd.s32 $0x2000, s8;
	s24 =	sadd.s32 $0x2000, s9;
	[sflag:s14] =	ssyncset.done $0x0  }
0x41: {  	s25 =	smov.u32 s9;
	s22 =	simm.s32 $0x800;
	[sflag:s14] =	ssyncadd.s32 $0xFFFFC000  }
.LBB2_2:
0x42: {  	[hbm4b:s25+s2] =	stream.linear.scatter [tilespmem:s16], [sflag:$0x3], $0x8000, $0x38;
	[tilespmem:$0x11400] =	vst v63  }
0x43: {  	s26 =	smov.u32 s22;
	s25 =	smov.u32 s24  }
0x44: {  	p0 =	sne.s32 s22, $0x4000;
	s22 =	sadd.s32 $0x800, s22;
	_ =	swait.ge [sflag:s19], $0x8000  }
0x45: {  	s26 =	sshra.s32 s26, $0x2;
	[sflag:s19] =	ssyncset.done $0x0  }
0x46: {  	s28 =	sadd.s32 $0x200, s26;
	[sflag:s19] =	ssyncadd.s32 $0xFFFF8000  }
0x47: {  	[tilespmem:s12], [sflag:$0x1] =	stream.indirect.gather [hbm4b:s3+s11], $0x80, s28, s11, $0xb8;
	[tilespmem:$0x11400] =	vst v63  }
0x48: {  	s28 =	sadd.s32 $0x280, s26  }
0x49: {  	[tilespmem:s13], [sflag:$0x1] =	stream.indirect.gather [hbm4b:s3+s11], $0x80, s28, s11, $0xb8;
	[tilespmem:$0x11400] =	vst v63  }
0x4a: {  	_ =	swait.ge [sflag:s14], $0x4000  }
0x4b: {  	[sflag:s14] =	ssyncset.done $0x0  }
0x4c: {  	[sflag:s14] =	ssyncadd.s32 $0xFFFFC000  }
0x4d: {  	_ =	swait.ge [sflag:s14], $0x4000  }
0x4e: {  	[sflag:s14] =	ssyncset.done $0x0  }
0x4f: {  	[sflag:s14] =	ssyncadd.s32 $0xFFFFC000  }
0x50: {  	[hbm4b:s23+s2] =	stream.linear.scatter [tilespmem:s12], [sflag:$0x2], $0x8000, $0x38;
	[tilespmem:$0x11400] =	vst v63  }
0x51: {  	_ =	swait.ge [sflag:s20], $0x8000  }
0x52: {  	[sflag:s20] =	ssyncset.done $0x0  }
0x53: {  	s28 =	sadd.s32 $0x300, s26;
	[sflag:s20] =	ssyncadd.s32 $0xFFFF8000  }
0x54: {  	[tilespmem:s16], [sflag:$0x1] =	stream.indirect.gather [hbm4b:s3+s11], $0x80, s28, s11, $0xb8;
	[tilespmem:$0x11400] =	vst v63  }
0x55: {  	s26 =	sadd.s32 $0x380, s26  }
0x56: {  	[tilespmem:s18], [sflag:$0x1] =	stream.indirect.gather [hbm4b:s3+s11], $0x80, s26, s11, $0xb8;
	[tilespmem:$0x11400] =	vst v63  }
0x57: {  	_ =	swait.ge [sflag:s14], $0x4000  }
.Ltmp0:
0x58: {  	[sflag:s14] =	ssyncset.done $0x0;
	(pc) =	sbr.rel @p0 .LBB2_2-.Ltmp0, $4  }
0x59: {  	[sflag:s14] =	ssyncadd.s32 $0xFFFFC000  }
0x5a: {  	_ =	swait.ge [sflag:s14], $0x4000  }
0x5b: {  	[sflag:s14] =	ssyncset.done $0x0  }
0x5c: {  	s24 =	sadd.s32 $0x2000, s24;
	s23 =	sadd.s32 $0x2000, s23;
	[sflag:s14] =	ssyncadd.s32 $0xFFFFC000  }
0x5d: {  	[hbm4b:s25+s2] =	stream.linear.scatter [tilespmem:s16], [sflag:$0x3], $0x8000, $0x38;
	[tilespmem:$0x11400] =	vst v63  }
0x5e: {  	s21 =	sadd.s32 $0x1, s21  }
0x5f: {  	_ =	swait.ge [sflag:s19], $0x8000;
	p0 =	sne.s32 s21, s7  }
.Ltmp1:
0x60: {  	[sflag:s19] =	ssyncset.done $0x0;
	(pc) =	sbr.rel @p0 .LBB2_1-.Ltmp1, $4  }
0x61: {  	[sflag:s19] =	ssyncadd.s32 $0xFFFF8000  }
0x62: {  	_ =	swait.ge [sflag:s20], $0x8000  }
0x63: {  	[sflag:s20] =	ssyncset.done $0x0  }
0x64: {  	[sflag:s20] =	ssyncadd.s32 $0xFFFF8000  }
0x65: {  	_ =	sfence.sel $0x180000  }
0x66: {  	[bflag:$0x0] =	sbarrier.arrive $0xFFFF  }
0x67: {  	p0 =	sne.s32 s0, $0x0;
	_ =	strace $0x90000053  }
0x68: {  	s0 =	sadd.s32 @!p0 $0x100000, s1;
	[bflag:$0x2] =	sbarrier.arrive $0xFFFF  }
0x69: {  	[sflag:s0] =	ssyncadd.tile.s32 @!p0 $0x1;
	_ =	shalt  }
.Lfunc_end2:
_tile_overlayer_lowered:
.L_overlay_start_2:
0x6a: {  	(tag) =	ssettag $0x2  }
0x6b: {  	s0 =	rddreg [dreg:$0x0];
	s2 =	stileid.u32  }
0x6c: {  	s1 =	rddreg [dreg:$0x1];
	p0 =	sne.s32 s2, $0x0  }
0x6d: {  	s3 =	rddreg [dreg:$0x2];
	[bflag:$0x3] =	sbarrier.arrive $0xFFFF;
	s2 =	simm.s32 @!p0 $0x1C04  }
0x6e: {  	[timem:s3], [sflag:s2] =	dma.local @!p0 [hbm:s0], s1  }
0x6f: {  	s0 =	simm.s32 @!p0 $0x4  }
0x70: {  	_ =	swait.ge @!p0 [sflag:s0], s1  }
0x71: {  	s1 =	ssub.s32 @!p0 $0x0, s1;
	[sflag:s0] =	ssyncset.done @!p0 $0x0  }
0x72: {  	[sflag:s0] =	ssyncadd.s32 @!p0 s1  }
0x73: {  	[bflag:$0x3] =	sbarrier.arrive $0xFFFF  }
0x74: {  	_ =	shalt  }

</sc_bundles>
